<compile_context>
chip_gen: v7x
topology: tpu7x:2x2x1
jax: 0.10.2.dev20260603
libtpu: 0.0.44.dev20260713+nightly
codegen_flags: <defaults>
</compile_context>

<pallas_src>
import functools

import jax
import jax.numpy as jnp
from jax import lax
from jax.experimental import pallas as pl
from jax.experimental.pallas import tpu as pltpu
from jax.experimental.pallas import tpu_sc as plsc

N = 10000
E = 320000
D = 128
NC = 2
NS = 16
NPAD = 10240

_MESH = dict(core_axis_name="c", subcore_axis_name="s",
             num_cores=NC, num_subcores=NS)



_RPW = NPAD // NS
_W = 16
_ZR = 32
_DRPW = 105
_DBLK = 15


def _deg_body(col_hbm, out_hbm, cblk, ones, zbuf, shared):
    c = lax.axis_index("c")
    s = lax.axis_index("s")
    wid = c * NS + s
    zeros16 = jnp.zeros((_W,), jnp.float32)
    ones16 = jnp.ones((_W,), jnp.float32)

    def fill_ones(i, _):
        ones[i, pl.ds(0, _W)] = ones16
        return 0

    lax.fori_loop(0, _CH, fill_ones, 0)

    def zero_body(i, _):
        zbuf[i, pl.ds(0, _W)] = zeros16
        return 0

    lax.fori_loop(0, _ZR, zero_body, 0)

    def zcopy(k, _):
        pltpu.sync_copy(zbuf, shared.at[pl.ds(s * _RPW + k * _ZR, _ZR)])
        return 0

    lax.fori_loop(0, _RPW // _ZR, zcopy, 0)
    plsc.subcore_barrier()

    def blk_body(b, _):
        pltpu.sync_copy(col_hbm.at[pl.ds(wid * _DRPW + b * _DBLK, _DBLK)], cblk)

        def ch_body(j, _):
            pltpu.sync_copy(ones, shared.at[cblk.at[j]], add=True)
            return 0

        lax.fori_loop(0, _DBLK, ch_body, 0)
        return 0

    lax.fori_loop(0, _DRPW // _DBLK, blk_body, 0)
    plsc.subcore_barrier()

    pltpu.sync_copy(shared.at[pl.ds(s * _RPW, _RPW)],
                    out_hbm.at[pl.ds(c * NPAD + s * _RPW, _RPW)])


@functools.cache
def _build_deg():
    return pl.kernel(
        _deg_body,
        mesh=plsc.VectorSubcoreMesh(**_MESH),
        compiler_params=pltpu.CompilerParams(needs_layout_passes=False, use_tc_tiling_on_sc=False),
        out_type=jax.ShapeDtypeStruct((NC * NPAD, _W), jnp.float32),
        scratch_types=[
            pltpu.VMEM((_DBLK, _CH), jnp.int32),
            pltpu.VMEM((_CH, _W), jnp.float32),
            pltpu.VMEM((_ZR, _W), jnp.float32),
            pltpu.VMEM_SHARED((NPAD, _W), jnp.float32),
        ],
    )


def _deg_kernel(col2d):
    return _build_deg()(col2d)



_CH = 96
_CPB = 30
_NBLK = 7
_CPT = _CPB * _NBLK
_EPT = _CPT * _CH
_EPAD = NS * _EPT
_ROWS_PW = NPAD // NS
_HW = D // 2


def _agg_body(row_hbm, col_hbm, g00, g01, g10, g11, out0_hbm, out1_hbm,
              ridxb, cidxb, rows0, rows1, accum, sem0, sem1):
    c = lax.axis_index("c")
    s = lax.axis_index("s")
    zeros16 = jnp.zeros((16,), jnp.float32)

    def gather(g, j, rows, sem):
        pltpu.async_copy(g.at[ridxb.at[j]], rows, sem)

    def gwait(g, rows, sem):
        pltpu.make_async_copy(g.at[pl.ds(0, _CH)], rows, sem).wait()

    for half in range(2):
        ga = g00 if half == 0 else g01
        gb = g10 if half == 0 else g11
        out = out0_hbm if half == 0 else out1_hbm

        def zr(i, _):
            for j in range(_HW // 16):
                rows0[i, pl.ds(j * 16, 16)] = zeros16
            return 0

        lax.fori_loop(0, _CH, zr, 0)

        def zacc(k, _):
            pltpu.sync_copy(rows0, accum.at[pl.ds(s * _ROWS_PW + k * _CH, _CH)])
            return 0

        lax.fori_loop(0, _ROWS_PW // _CH, zacc, 0)
        pltpu.sync_copy(rows0.at[pl.ds(0, _ROWS_PW - (_ROWS_PW // _CH) * _CH)],
                        accum.at[pl.ds(s * _ROWS_PW + (_ROWS_PW // _CH) * _CH,
                                       _ROWS_PW - (_ROWS_PW // _CH) * _CH)])
        plsc.subcore_barrier()

        def blk_body(b, _):
            base = s * _CPT + b * _CPB
            pltpu.sync_copy(row_hbm.at[pl.ds(base, _CPB)], ridxb)
            pltpu.sync_copy(col_hbm.at[pl.ds(base, _CPB)], cidxb)

            def run(g):
                gather(g, 0, rows0, sem0)
                gather(g, 1, rows1, sem1)

                def pair(p, _):
                    j = 2 * p
                    gwait(g, rows0, sem0)
                    pltpu.sync_copy(rows0, accum.at[cidxb.at[j]], add=True)
                    gather(g, j + 2, rows0, sem0)
                    gwait(g, rows1, sem1)
                    pltpu.sync_copy(rows1, accum.at[cidxb.at[j + 1]], add=True)
                    gather(g, j + 3, rows1, sem1)
                    return 0

                lax.fori_loop(0, _CPB // 2 - 1, pair, 0)
                gwait(g, rows0, sem0)
                pltpu.sync_copy(rows0, accum.at[cidxb.at[_CPB - 2]], add=True)
                gwait(g, rows1, sem1)
                pltpu.sync_copy(rows1, accum.at[cidxb.at[_CPB - 1]], add=True)

            @pl.when(c == 0)
            def _():
                run(ga)

            @pl.when(c == 1)
            def _():
                run(gb)

            return 0

        lax.fori_loop(0, _NBLK, blk_body, 0)

        plsc.subcore_barrier()
        pltpu.sync_copy(accum.at[pl.ds(s * _ROWS_PW, _ROWS_PW)],
                        out.at[pl.ds(c * NPAD + s * _ROWS_PW, _ROWS_PW)])
        plsc.subcore_barrier()


@functools.cache
def _build_agg():
    return pl.kernel(
        _agg_body,
        mesh=plsc.VectorSubcoreMesh(**_MESH),
        compiler_params=pltpu.CompilerParams(needs_layout_passes=False, use_tc_tiling_on_sc=False),
        out_type=(jax.ShapeDtypeStruct((NC * NPAD, _HW), jnp.float32),
                  jax.ShapeDtypeStruct((NC * NPAD, _HW), jnp.float32)),
        scratch_types=[
            pltpu.VMEM((_CPB, _CH), jnp.int32),
            pltpu.VMEM((_CPB, _CH), jnp.int32),
            pltpu.VMEM((_CH, _HW), jnp.float32),
            pltpu.VMEM((_CH, _HW), jnp.float32),
            pltpu.VMEM_SHARED((NPAD, _HW), jnp.float32),
            pltpu.SemaphoreType.DMA,
            pltpu.SemaphoreType.DMA,
        ],
    )


def _agg_kernel(row2d, col2d, g00, g01, g10, g11):
    return _build_agg()(row2d, col2d, g00, g01, g10, g11)



_BR = 2048
_GRID = NPAD // _BR
_OFF = NPAD // _BR


def _rowspec(w=D, off=0):
    return pl.BlockSpec((_BR, w), lambda i: (i + off, 0))


def _fullspec(shape):
    return pl.BlockSpec(shape, lambda i: tuple(0 for _ in shape))


def _tc1_body(d0_ref, d1_ref, x_ref, wc_ref,
              g00_ref, g01_ref, g10_ref, g11_ref, dinv_ref):
    deg16 = d0_ref[...] + d1_ref[...]
    deg = jnp.concatenate([deg16] * (D // _W), axis=1)
    dinv = jnp.where(deg > 0, lax.rsqrt(jnp.maximum(deg, 1e-12)), 0.0)
    dinv_ref[...] = dinv
    h = jnp.dot(x_ref[...], wc_ref[...], preferred_element_type=jnp.float32,
                precision=lax.Precision.HIGHEST)
    ge = h[:, :D] * dinv
    gd = h[:, D:] * dinv
    g00_ref[...] = ge[:, :_HW]
    g01_ref[...] = ge[:, _HW:]
    g10_ref[...] = gd[:, :_HW]
    g11_ref[...] = gd[:, _HW:]


def _tc1(degp, x, wc):
    return pl.pallas_call(
        _tc1_body,
        grid=(_GRID,),
        in_specs=[_rowspec(_W), _rowspec(_W, _OFF), _rowspec(),
                  _fullspec((D, 2 * D))],
        out_specs=(_rowspec(_HW), _rowspec(_HW), _rowspec(_HW), _rowspec(_HW),
                   _rowspec()),
        out_shape=(jax.ShapeDtypeStruct((NPAD, _HW), jnp.float32),
                   jax.ShapeDtypeStruct((NPAD, _HW), jnp.float32),
                   jax.ShapeDtypeStruct((NPAD, _HW), jnp.float32),
                   jax.ShapeDtypeStruct((NPAD, _HW), jnp.float32),
                   jax.ShapeDtypeStruct((NPAD, D), jnp.float32)),
        compiler_params=pltpu.CompilerParams(
            dimension_semantics=("arbitrary",)),
    )(degp, degp, x, wc)


def _tc2_body(s0l_ref, s0h_ref, s1l_ref, s1h_ref, dinv_ref,
              b1e_ref, b1d_ref, w2e_ref, w2d_ref,
              g00_ref, g01_ref, g10_ref, g11_ref, x1e_ref, x1d_ref):
    dinv = dinv_ref[...]
    s0 = jnp.concatenate([s0l_ref[...], s0h_ref[...]], axis=1)
    s1 = jnp.concatenate([s1l_ref[...], s1h_ref[...]], axis=1)
    x1e = jnp.tanh(s0 * dinv + b1e_ref[...])
    x1d = jnp.tanh(s1 * dinv + b1d_ref[...])
    x1e_ref[...] = x1e
    x1d_ref[...] = x1d
    ge = dinv * jnp.dot(x1e, w2e_ref[...], preferred_element_type=jnp.float32,
                        precision=lax.Precision.HIGHEST)
    gd = dinv * jnp.dot(x1d, w2d_ref[...], preferred_element_type=jnp.float32,
                        precision=lax.Precision.HIGHEST)
    g00_ref[...] = ge[:, :_HW]
    g01_ref[...] = ge[:, _HW:]
    g10_ref[...] = gd[:, :_HW]
    g11_ref[...] = gd[:, _HW:]


def _tc2(sl, sh, dinv, b1e, b1d, w2e, w2d):
    return pl.pallas_call(
        _tc2_body,
        grid=(_GRID,),
        in_specs=[_rowspec(_HW), _rowspec(_HW),
                  _rowspec(_HW, _OFF), _rowspec(_HW, _OFF),
                  _rowspec(),
                  _fullspec((1, D)), _fullspec((1, D)),
                  _fullspec((D, D)), _fullspec((D, D))],
        out_specs=(_rowspec(_HW), _rowspec(_HW), _rowspec(_HW), _rowspec(_HW),
                   _rowspec(), _rowspec()),
        out_shape=(jax.ShapeDtypeStruct((NPAD, _HW), jnp.float32),
                   jax.ShapeDtypeStruct((NPAD, _HW), jnp.float32),
                   jax.ShapeDtypeStruct((NPAD, _HW), jnp.float32),
                   jax.ShapeDtypeStruct((NPAD, _HW), jnp.float32),
                   jax.ShapeDtypeStruct((NPAD, D), jnp.float32),
                   jax.ShapeDtypeStruct((NPAD, D), jnp.float32)),
        compiler_params=pltpu.CompilerParams(
            dimension_semantics=("arbitrary",)),
    )(sl, sh, sl, sh, dinv, b1e, b1d, w2e, w2d)


def _layernorm(y, w, b, eps=1e-5):
    mu = jnp.mean(y, axis=-1, keepdims=True)
    var = jnp.mean((y - mu) ** 2, axis=-1, keepdims=True)
    return (y - mu) / jnp.sqrt(var + eps) * w + b


def _tc3_body(s0l_ref, s0h_ref, s1l_ref, s1h_ref, dinv_ref, x1e_ref, x1d_ref,
              b2e_ref, b2d_ref, lwe_ref, lbe_ref, lwd_ref, lbd_ref,
              lnwe_ref, lnbe_ref, lnwd_ref, lnbd_ref,
              bnw_ref, bnb_ref, fw_ref, out_ref):
    dinv = dinv_ref[...]
    s0 = jnp.concatenate([s0l_ref[...], s0h_ref[...]], axis=1)
    s1 = jnp.concatenate([s1l_ref[...], s1h_ref[...]], axis=1)
    x2e = jnp.tanh(s0 * dinv + b2e_ref[...])
    x2d = jnp.tanh(s1 * dinv + b2d_ref[...])
    xme = jnp.maximum(x1e_ref[...], x2e)
    xmd = jnp.maximum(x1d_ref[...], x2d)
    ye = jnp.dot(xme, lwe_ref[...], preferred_element_type=jnp.float32,
                 precision=lax.Precision.HIGHEST) + lbe_ref[...]
    yd = jnp.dot(xmd, lwd_ref[...], preferred_element_type=jnp.float32,
                 precision=lax.Precision.HIGHEST) + lbd_ref[...]
    lne = _layernorm(ye, lnwe_ref[...], lnbe_ref[...])
    lnd = _layernorm(yd, lnwd_ref[...], lnbd_ref[...])
    node = (lne + lnd) * 0.5
    node = node / jnp.sqrt(1.0 + 1e-5) * bnw_ref[...] + bnb_ref[...]
    out_ref[...] = jnp.sum(node * fw_ref[...], axis=1).reshape(1, 8, _BR // 8)


def _tc3(sl, sh, dinv, x1e, x1d, b2e, b2d, lwe, lbe, lwd, lbd,
         lnwe, lnbe, lnwd, lnbd, bnw, bnb, fw):
    return pl.pallas_call(
        _tc3_body,
        grid=(_GRID,),
        in_specs=[_rowspec(_HW), _rowspec(_HW),
                  _rowspec(_HW, _OFF), _rowspec(_HW, _OFF),
                  _rowspec(), _rowspec(), _rowspec(),
                  _fullspec((1, D)), _fullspec((1, D)),
                  _fullspec((D, D)), _fullspec((1, D)),
                  _fullspec((D, D)), _fullspec((1, D)),
                  _fullspec((1, D)), _fullspec((1, D)),
                  _fullspec((1, D)), _fullspec((1, D)),
                  _fullspec((1, D)), _fullspec((1, D)),
                  _fullspec((1, D))],
        out_specs=pl.BlockSpec((1, 8, _BR // 8), lambda i: (i, 0, 0)),
        out_shape=jax.ShapeDtypeStruct((_GRID, 8, _BR // 8), jnp.float32),
        compiler_params=pltpu.CompilerParams(
            dimension_semantics=("arbitrary",)),
    )(sl, sh, sl, sh, dinv, x1e, x1d, b2e, b2d, lwe, lbe, lwd, lbd,
      lnwe, lnbe, lnwd, lnbd, bnw, bnb, fw).reshape(NPAD)[:N]



def kernel(x, edge_index, enc_W1, enc_b1, enc_W2, enc_b2, enc_linW, enc_linb,
           dec_W1, dec_b1, dec_W2, dec_b2, dec_linW, dec_linb,
           enc_ln_w, enc_ln_b, dec_ln_w, dec_ln_b, bn_w, bn_b, final_W):
    row = edge_index[0]
    col = edge_index[1]
    npad_e = _EPAD - E
    row_p = jnp.concatenate(
        [row, jnp.zeros((npad_e,), jnp.int32)]).reshape(NS * _CPT, _CH)
    col_p = jnp.concatenate(
        [col, jnp.full((npad_e,), N, jnp.int32)]).reshape(NS * _CPT, _CH)
    x_p = jnp.concatenate([x, jnp.zeros((NPAD - N, D), x.dtype)], axis=0)

    degp = _deg_kernel(col_p)
    wc = jnp.concatenate([enc_W1, dec_W1], axis=1)
    g00, g01, g10, g11, dinv = _tc1(degp, x_p, wc)

    r1 = lambda v: v.reshape(1, D)
    s1l, s1h = _agg_kernel(row_p, col_p, g00, g01, g10, g11)
    h00, h01, h10, h11, x1e, x1d = _tc2(
        s1l, s1h, dinv, r1(enc_b1), r1(dec_b1), enc_W2, dec_W2)

    s2l, s2h = _agg_kernel(row_p, col_p, h00, h01, h10, h11)
    return _tc3(s2l, s2h, dinv, x1e, x1d,
                r1(enc_b2), r1(dec_b2), enc_linW, r1(enc_linb),
                dec_linW, r1(dec_linb),
                r1(enc_ln_w), r1(enc_ln_b), r1(dec_ln_w), r1(dec_ln_b),
                r1(bn_w), r1(bn_b), final_W.reshape(1, D))

# --- scband reference (transcript-rebuilt; emitter-appended) ---
"""Pipeline reference for scband-parameter-property-predictor-22866405884140 (READ-ONLY COPY).

The authoritative reference and input builder live on the scoring server;
editing this copy changes nothing except your own understanding.
"""

import jax, jax.numpy as jnp
import numpy as np

N = 10000
E = 320000
D = 128
H = 128
O = 128


def setup_inputs(seed: int = 0) -> dict:
    key = jax.random.key(seed)
    ks = jax.random.split(key, 12)

    def rn(i, shape, scale=0.05):
        return jax.random.normal(ks[i], shape, dtype=jnp.float32) * scale

    inp = {
        "x": jax.random.normal(ks[0], (N, D), dtype=jnp.float32),
        "edge_index": jax.random.randint(ks[1], (2, E), 0, N, dtype=jnp.int32),
        "enc_W1": rn(2, (D, H)), "enc_b1": jnp.zeros((H,), jnp.float32),
        "enc_W2": rn(3, (H, H)), "enc_b2": jnp.zeros((H,), jnp.float32),
        "enc_linW": rn(4, (H, O)), "enc_linb": jnp.zeros((O,), jnp.float32),
        "dec_W1": rn(5, (D, H)), "dec_b1": jnp.zeros((H,), jnp.float32),
        "dec_W2": rn(6, (H, H)), "dec_b2": jnp.zeros((H,), jnp.float32),
        "dec_linW": rn(7, (H, O)), "dec_linb": jnp.zeros((O,), jnp.float32),
        "enc_ln_w": jnp.ones((O,), jnp.float32), "enc_ln_b": jnp.zeros((O,), jnp.float32),
        "dec_ln_w": jnp.ones((O,), jnp.float32), "dec_ln_b": jnp.zeros((O,), jnp.float32),
        "bn_w": jnp.ones((O,), jnp.float32), "bn_b": jnp.zeros((O,), jnp.float32),
        "final_W": rn(8, (O, 1)),
    }
    return inp


def _gcn_conv(h_in, row, col, norm, W, b):
    # GCNConv (add_self_loops=False): h = x @ W; out[dst] += norm * h[src]; out += bias
    h = h_in @ W
    msg = h[row] * norm[:, None]
    out = jnp.zeros((h_in.shape[0], W.shape[1]), h.dtype).at[col].add(msg)
    return out + b


def _gnn(x, row, col, norm, W1, b1, W2, b2, linW, linb):
    # BasicGNN(GCN) with num_layers=2, act='tanh', jk='max', dropout=0
    x1 = jnp.tanh(_gcn_conv(x, row, col, norm, W1, b1))
    x2 = jnp.tanh(_gcn_conv(x1, row, col, norm, W2, b2))
    xm = jnp.maximum(x1, x2)
    return xm @ linW + linb


def _layernorm(x, w, b, eps=1e-5):
    mu = jnp.mean(x, axis=-1, keepdims=True)
    var = jnp.var(x, axis=-1, keepdims=True)
    return (x - mu) / jnp.sqrt(var + eps) * w + b


def reference(x, edge_index, enc_W1, enc_b1, enc_W2, enc_b2, enc_linW, enc_linb,
               dec_W1, dec_b1, dec_W2, dec_b2, dec_linW, dec_linb,
               enc_ln_w, enc_ln_b, dec_ln_w, dec_ln_b, bn_w, bn_b, final_W):
    row, col = edge_index[0], edge_index[1]
    n = x.shape[0]
    # gcn_norm (flow source_to_target): deg over dst (col), edge_weight = ones
    deg = jnp.zeros((n,), x.dtype).at[col].add(jnp.ones((row.shape[0],), x.dtype))
    dinv = jnp.where(deg > 0, jax.lax.rsqrt(jnp.maximum(deg, 1e-12)), 0.0)
    norm = dinv[row] * dinv[col]
    fwd_emb = _layernorm(_gnn(x, row, col, norm, enc_W1, enc_b1, enc_W2, enc_b2, enc_linW, enc_linb), enc_ln_w, enc_ln_b)
    bwd_emb = _layernorm(_gnn(x, row, col, norm, dec_W1, dec_b1, dec_W2, dec_b2, dec_linW, dec_linb), dec_ln_w, dec_ln_b)
    node_emb = (fwd_emb + bwd_emb) / 2.0
    # BatchNorm1d in eval mode: running_mean=0, running_var=1
    node_emb = node_emb / jnp.sqrt(1.0 + 1e-5) * bn_w + bn_b
    out = node_emb @ final_W
    return out[:, 0]

if __name__ == "__main__":
    import jax
    _d = setup_inputs()
    print(jax.jit(kernel)(*tuple(_d.values())))

</pallas_src>

<mosaic_0001>
#map = affine_map<(d0, d1) -> (0, 0)>
module attributes {stable_mosaic.version = 14 : i64} {
  func.func @_deg_body(%arg0: i32, %arg1: i32, %arg2: memref<3360x96xi32, #tpu.memory_space<hbm>>, %arg3: memref<20480x16xf32, #tpu.memory_space<hbm>>, %arg4: memref<15x96xi32, #tpu.memory_space<vmem>>, %arg5: memref<96x16xf32, #tpu.memory_space<vmem>>, %arg6: memref<32x16xf32, #tpu.memory_space<vmem>>, %arg7: memref<10240x16xf32, #tpu.memory_space<vmem_shared>>) attributes {dimension_semantics = [#tpu.dimension_semantics<core_parallel>, #tpu.dimension_semantics<subcore_parallel>], iteration_bounds = array<i64: 2, 16>, scalar_prefetch = 0 : i64, scratch_operands = 4 : i64, tpu.core_type = #tpu.core_type<sc_vector_subcore>, window_params = [{transform_indices = #map}, {transform_indices = #map}]} {
    %mul3A = arith.constant 16 : i32
    %mul3A_0 = arith.muli %arg0, %mul3A : i32
    %add3A = arith.addi %mul3A_0, %arg1 : i32
    %broadcast_in_dim3A = arith.constant 0.000000e+00 : f32
    %broadcast_in_dim3A_1 = vector.broadcast %broadcast_in_dim3A : f32 to vector<16xf32>
    %broadcast_in_dim3A_2 = arith.constant 1.000000e+00 : f32
    %broadcast_in_dim3A_3 = vector.broadcast %broadcast_in_dim3A_2 : f32 to vector<16xf32>
    %scan3A = arith.constant 0 : i32
    %scan3A_4 = arith.constant 0 : i32
    %scan3A_5 = arith.constant 96 : i32
    %scan3A_6 = arith.addi %scan3A_4, %scan3A_5 : i32
    %scan3A_7 = arith.constant 1 : i32
    %scan3A_8 = scf.for %scan3A_39 = %scan3A_4 to %scan3A_6 step %scan3A_7 iter_args(%scan3A_40 = %scan3A) -> (i32)  : i32 {
      %swap3A = arith.index_cast %scan3A_39 : i32 to index
      %swap3A_41 = arith.constant 0 : index
      %swap3A_42 = tpu.vector_load %arg5[%swap3A, %swap3A_41] {strides = array<i32>} : memref<96x16xf32, #tpu.memory_space<vmem>>, vector<16xf32>,
      tpu.vector_store %arg5[%swap3A, %swap3A_41], %broadcast_in_dim3A_3 {strides = array<i32>} : memref<96x16xf32, #tpu.memory_space<vmem>>, vector<16xf32>,
      %scan3A_43 = arith.constant 0 : i32
      scf.yield %scan3A_43 : i32
    }
    %scan3A_9 = arith.constant 96 : i32
    %scan3A_10 = arith.constant 0 : i32
    %scan3A_11 = arith.constant 0 : i32
    %scan3A_12 = arith.constant 32 : i32
    %scan3A_13 = arith.addi %scan3A_11, %scan3A_12 : i32
    %scan3A_14 = arith.constant 1 : i32
    %scan3A_15 = scf.for %scan3A_39 = %scan3A_11 to %scan3A_13 step %scan3A_14 iter_args(%scan3A_40 = %scan3A_10) -> (i32)  : i32 {
      %swap3A = arith.index_cast %scan3A_39 : i32 to index
      %swap3A_41 = arith.constant 0 : index
      %swap3A_42 = tpu.vector_load %arg6[%swap3A, %swap3A_41] {strides = array<i32>} : memref<32x16xf32, #tpu.memory_space<vmem>>, vector<16xf32>,
      tpu.vector_store %arg6[%swap3A, %swap3A_41], %broadcast_in_dim3A_1 {strides = array<i32>} : memref<32x16xf32, #tpu.memory_space<vmem>>, vector<16xf32>,
      %scan3A_43 = arith.constant 0 : i32
      scf.yield %scan3A_43 : i32
    }
    %scan3A_16 = arith.constant 32 : i32
    %scan3A_17 = arith.constant 0 : i32
    %scan3A_18 = arith.constant 0 : i32
    %scan3A_19 = arith.constant 20 : i32
    %scan3A_20 = arith.addi %scan3A_18, %scan3A_19 : i32
    %scan3A_21 = arith.constant 1 : i32
    %scan3A_22 = scf.for %scan3A_39 = %scan3A_18 to %scan3A_20 step %scan3A_21 iter_args(%scan3A_40 = %scan3A_17) -> (i32)  : i32 {
      %mul3A_41 = arith.constant 640 : i32
      %mul3A_42 = arith.muli %arg1, %mul3A_41 : i32
      %mul3A_43 = arith.constant 32 : i32
      %mul3A_44 = arith.muli %scan3A_39, %mul3A_43 : i32
      %add3A_45 = arith.addi %mul3A_42, %mul3A_44 : i32
      "tpu.region"() ({
        %run_scoped3A = tpu.sem_alloc : memref<!tpu.dma_semaphore, #tpu.memory_space<semaphore_mem>>
        %dma_start3A = arith.constant 0 : i32
        %dma_start3A_47 = tpu.memref_slice %arg7[%add3A_45, %dma_start3A] : memref<10240x16xf32, #tpu.memory_space<vmem_shared>> -> memref<32x16xf32, #tpu.memory_space<vmem_shared>>
        %dma_start3A_48 = arith.constant 0 : i32
        %dma_start3A_49 = tpu.memref_slice %arg7[%add3A_45, %dma_start3A_48] : memref<10240x16xf32, #tpu.memory_space<vmem_shared>> -> memref<32x16xf32, #tpu.memory_space<vmem_shared>>
        tpu.enqueue_dma source(%arg6 : memref<32x16xf32, #tpu.memory_space<vmem>>) target(%dma_start3A_49 : memref<32x16xf32, #tpu.memory_space<vmem_shared>>) target_semaphore(%run_scoped3A : memref<!tpu.dma_semaphore, #tpu.memory_space<semaphore_mem>>)
        %dma_wait3A = arith.constant 0 : i32
        %dma_wait3A_50 = tpu.memref_slice %arg7[%add3A_45, %dma_wait3A] : memref<10240x16xf32, #tpu.memory_space<vmem_shared>> -> memref<32x16xf32, #tpu.memory_space<vmem_shared>>
        %dma_wait3A_51 = arith.constant 0 : i32
        %dma_wait3A_52 = tpu.memref_slice %arg7[%add3A_45, %dma_wait3A_51] : memref<10240x16xf32, #tpu.memory_space<vmem_shared>> -> memref<32x16xf32, #tpu.memory_space<vmem_shared>>
        tpu.wait_dma2 semaphore(%run_scoped3A : memref<!tpu.dma_semaphore, #tpu.memory_space<semaphore_mem>>) src(%arg6 : memref<32x16xf32, #tpu.memory_space<vmem>>) dst(%dma_wait3A_52 : memref<32x16xf32, #tpu.memory_space<vmem_shared>>)
        tpu.yield
      }) : () -> ()
      %scan3A_46 = arith.constant 0 : i32
      scf.yield %scan3A_46 : i32
    }
    %scan3A_23 = arith.constant 20 : i32
    %barrier3A = arith.constant 0 : index
    tpu.barrier barrier_id(%barrier3A)
    %scan3A_24 = arith.constant 0 : i32
    %scan3A_25 = arith.constant 0 : i32
    %scan3A_26 = arith.constant 7 : i32
    %scan3A_27 = arith.addi %scan3A_25, %scan3A_26 : i32
    %scan3A_28 = arith.constant 1 : i32
    %scan3A_29 = scf.for %scan3A_39 = %scan3A_25 to %scan3A_27 step %scan3A_28 iter_args(%scan3A_40 = %scan3A_24) -> (i32)  : i32 {
      %mul3A_41 = arith.constant 105 : i32
      %mul3A_42 = arith.muli %add3A, %mul3A_41 : i32
      %mul3A_43 = arith.constant 15 : i32
      %mul3A_44 = arith.muli %scan3A_39, %mul3A_43 : i32
      %add3A_45 = arith.addi %mul3A_42, %mul3A_44 : i32
      "tpu.region"() ({
        %run_scoped3A = tpu.sem_alloc : memref<!tpu.dma_semaphore, #tpu.memory_space<semaphore_mem>>
        %dma_start3A = arith.constant 0 : i32
        %dma_start3A_54 = tpu.memref_slice %arg2[%add3A_45, %dma_start3A] : memref<3360x96xi32, #tpu.memory_space<hbm>> -> memref<15x96xi32, #tpu.memory_space<hbm>>
        %dma_start3A_55 = arith.constant 0 : i32
        %dma_start3A_56 = tpu.memref_slice %arg2[%add3A_45, %dma_start3A_55] : memref<3360x96xi32, #tpu.memory_space<hbm>> -> memref<15x96xi32, #tpu.memory_space<hbm>>
        tpu.enqueue_dma source(%dma_start3A_56 : memref<15x96xi32, #tpu.memory_space<hbm>>) target(%arg4 : memref<15x96xi32, #tpu.memory_space<vmem>>) target_semaphore(%run_scoped3A : memref<!tpu.dma_semaphore, #tpu.memory_space<semaphore_mem>>)
        %dma_wait3A = arith.constant 0 : i32
        %dma_wait3A_57 = tpu.memref_slice %arg2[%add3A_45, %dma_wait3A] : memref<3360x96xi32, #tpu.memory_space<hbm>> -> memref<15x96xi32, #tpu.memory_space<hbm>>
        %dma_wait3A_58 = arith.constant 0 : i32
        %dma_wait3A_59 = tpu.memref_slice %arg2[%add3A_45, %dma_wait3A_58] : memref<3360x96xi32, #tpu.memory_space<hbm>> -> memref<15x96xi32, #tpu.memory_space<hbm>>
        tpu.wait_dma2 semaphore(%run_scoped3A : memref<!tpu.dma_semaphore, #tpu.memory_space<semaphore_mem>>) src(%dma_wait3A_59 : memref<15x96xi32, #tpu.memory_space<hbm>>) dst(%arg4 : memref<15x96xi32, #tpu.memory_space<vmem>>)
        tpu.yield
      }) : () -> ()
      %scan3A_46 = arith.constant 0 : i32
      %scan3A_47 = arith.constant 0 : i32
      %scan3A_48 = arith.constant 15 : i32
      %scan3A_49 = arith.addi %scan3A_47, %scan3A_48 : i32
      %scan3A_50 = arith.constant 1 : i32
      %scan3A_51 = scf.for %scan3A_54 = %scan3A_47 to %scan3A_49 step %scan3A_50 iter_args(%scan3A_55 = %scan3A_46) -> (i32)  : i32 {
        "tpu.region"() ({
          %run_scoped3A = tpu.sem_alloc : memref<!tpu.dma_semaphore, #tpu.memory_space<semaphore_mem>>
          %dma_start3A = arith.constant 0 : i32
          %dma_start3A_57 = tpu.memref_slice %arg4[%scan3A_54, %dma_start3A] : memref<15x96xi32, #tpu.memory_space<vmem>> -> memref<1x96xi32, #tpu.memory_space<vmem>>
          %dma_start3A_58 = tpu.memref_squeeze %dma_start3A_57 : memref<1x96xi32, #tpu.memory_space<vmem>> -> memref<96xi32, #tpu.memory_space<vmem>>
          %dma_start3A_59 = arith.constant 0 : i32
          %dma_start3A_60 = arith.constant 0 : i32
          %dma_start3A_61 = tpu.memref_slice %arg7[%dma_start3A_59, %dma_start3A_60] : memref<10240x16xf32, #tpu.memory_space<vmem_shared>> -> memref<10240x16xf32, #tpu.memory_space<vmem_shared>>
          tpu.enqueue_indirect_dma source(%arg5 : memref<96x16xf32, #tpu.memory_space<vmem>>) target(%dma_start3A_61 : memref<10240x16xf32, #tpu.memory_space<vmem_shared>>) offsets(%dma_start3A_58 : memref<96xi32, #tpu.memory_space<vmem>>) semaphore(%run_scoped3A : memref<!tpu.dma_semaphore, #tpu.memory_space<semaphore_mem>>) {add = true}
          %dma_wait3A = arith.constant 0 : i32
          %dma_wait3A_62 = tpu.memref_slice %arg4[%scan3A_54, %dma_wait3A] : memref<15x96xi32, #tpu.memory_space<vmem>> -> memref<1x96xi32, #tpu.memory_space<vmem>>
          %dma_wait3A_63 = tpu.memref_squeeze %dma_wait3A_62 : memref<1x96xi32, #tpu.memory_space<vmem>> -> memref<96xi32, #tpu.memory_space<vmem>>
          %dma_wait3A_64 = arith.constant 0 : i32
          %dma_wait3A_65 = arith.constant 0 : i32
          %dma_wait3A_66 = tpu.memref_slice %arg7[%dma_wait3A_64, %dma_wait3A_65] : memref<10240x16xf32, #tpu.memory_space<vmem_shared>> -> memref<10240x16xf32, #tpu.memory_space<vmem_shared>>
          tpu.wait_indirect_dma semaphore(%run_scoped3A : memref<!tpu.dma_semaphore, #tpu.memory_space<semaphore_mem>>) src(%arg5 : memref<96x16xf32, #tpu.memory_space<vmem>>) dst(%dma_wait3A_66 : memref<10240x16xf32, #tpu.memory_space<vmem_shared>>)
          tpu.yield
        }) : () -> ()
        %scan3A_56 = arith.constant 0 : i32
        scf.yield %scan3A_56 : i32
      }
      %scan3A_52 = arith.constant 15 : i32
      %scan3A_53 = arith.constant 0 : i32
      scf.yield %scan3A_53 : i32
    }
    %scan3A_30 = arith.constant 7 : i32
    %barrier3A_31 = arith.constant 0 : index
    tpu.barrier barrier_id(%barrier3A_31)
    %mul3A_32 = arith.constant 640 : i32
    %mul3A_33 = arith.muli %arg1, %mul3A_32 : i32
    %mul3A_34 = arith.constant 10240 : i32
    %mul3A_35 = arith.muli %arg0, %mul3A_34 : i32
    %mul3A_36 = arith.constant 640 : i32
    %mul3A_37 = arith.muli %arg1, %mul3A_36 : i32
    %add3A_38 = arith.addi %mul3A_35, %mul3A_37 : i32
    "tpu.region"() ({
      %run_scoped3A = tpu.sem_alloc : memref<!tpu.dma_semaphore, #tpu.memory_space<semaphore_mem>>
      %dma_start3A = arith.constant 0 : i32
      %dma_start3A_39 = tpu.memref_slice %arg3[%add3A_38, %dma_start3A] : memref<20480x16xf32, #tpu.memory_space<hbm>> -> memref<640x16xf32, #tpu.memory_space<hbm>>
      %dma_start3A_40 = arith.constant 0 : i32
      %dma_start3A_41 = tpu.memref_slice %arg7[%mul3A_33, %dma_start3A_40] : memref<10240x16xf32, #tpu.memory_space<vmem_shared>> -> memref<640x16xf32, #tpu.memory_space<vmem_shared>>
      tpu.enqueue_dma source(%dma_start3A_41 : memref<640x16xf32, #tpu.memory_space<vmem_shared>>) target(%dma_start3A_39 : memref<640x16xf32, #tpu.memory_space<hbm>>) target_semaphore(%run_scoped3A : memref<!tpu.dma_semaphore, #tpu.memory_space<semaphore_mem>>)
      %dma_wait3A = arith.constant 0 : i32
      %dma_wait3A_42 = tpu.memref_slice %arg3[%add3A_38, %dma_wait3A] : memref<20480x16xf32, #tpu.memory_space<hbm>> -> memref<640x16xf32, #tpu.memory_space<hbm>>
      %dma_wait3A_43 = arith.constant 0 : i32
      %dma_wait3A_44 = tpu.memref_slice %arg7[%mul3A_33, %dma_wait3A_43] : memref<10240x16xf32, #tpu.memory_space<vmem_shared>> -> memref<640x16xf32, #tpu.memory_space<vmem_shared>>
      tpu.wait_dma2 semaphore(%run_scoped3A : memref<!tpu.dma_semaphore, #tpu.memory_space<semaphore_mem>>) src(%dma_wait3A_44 : memref<640x16xf32, #tpu.memory_space<vmem_shared>>) dst(%dma_wait3A_42 : memref<640x16xf32, #tpu.memory_space<hbm>>)
      tpu.yield
    }) : () -> ()
    return
  }
}

#map = affine_map<(d0, d1) -> (0, 0)>
module attributes {stable_mosaic.version = 14 : i64} {
  func.func @_agg_body(%arg0: i32, %arg1: i32, %arg2: memref<3360x96xi32, #tpu.memory_space<hbm>>, %arg3: memref<3360x96xi32, #tpu.memory_space<hbm>>, %arg4: memref<10240x64xf32, #tpu.memory_space<hbm>>, %arg5: memref<10240x64xf32, #tpu.memory_space<hbm>>, %arg6: memref<10240x64xf32, #tpu.memory_space<hbm>>, %arg7: memref<10240x64xf32, #tpu.memory_space<hbm>>, %arg8: memref<20480x64xf32, #tpu.memory_space<hbm>>, %arg9: memref<20480x64xf32, #tpu.memory_space<hbm>>, %arg10: memref<30x96xi32, #tpu.memory_space<vmem>>, %arg11: memref<30x96xi32, #tpu.memory_space<vmem>>, %arg12: memref<96x64xf32, #tpu.memory_space<vmem>>, %arg13: memref<96x64xf32, #tpu.memory_space<vmem>>, %arg14: memref<10240x64xf32, #tpu.memory_space<vmem_shared>>, %arg15: memref<!tpu.dma_semaphore, #tpu.memory_space<semaphore_mem>>, %arg16: memref<!tpu.dma_semaphore, #tpu.memory_space<semaphore_mem>>) attributes {dimension_semantics = [#tpu.dimension_semantics<core_parallel>, #tpu.dimension_semantics<subcore_parallel>], iteration_bounds = array<i64: 2, 16>, scalar_prefetch = 0 : i64, scratch_operands = 7 : i64, tpu.core_type = #tpu.core_type<sc_vector_subcore>, window_params = [{transform_indices = #map}, {transform_indices = #map}, {transform_indices = #map}, {transform_indices = #map}, {transform_indices = #map}, {transform_indices = #map}, {transform_indices = #map}, {transform_indices = #map}]} {
    %broadcast_in_dim3A = arith.constant 0.000000e+00 : f32
    %broadcast_in_dim3A_0 = vector.broadcast %broadcast_in_dim3A : f32 to vector<16xf32>
    %scan3A = arith.constant 0 : i32
    %scan3A_1 = arith.constant 0 : i32
    %scan3A_2 = arith.constant 96 : i32
    %scan3A_3 = arith.addi %scan3A_1, %scan3A_2 : i32
    %scan3A_4 = arith.constant 1 : i32
    %scan3A_5 = scf.for %scan3A_67 = %scan3A_1 to %scan3A_3 step %scan3A_4 iter_args(%scan3A_68 = %scan3A) -> (i32)  : i32 {
      %swap3A = arith.index_cast %scan3A_67 : i32 to index
      %swap3A_69 = arith.constant 0 : index
      %swap3A_70 = tpu.vector_load %arg12[%swap3A, %swap3A_69] {strides = array<i32>} : memref<96x64xf32, #tpu.memory_space<vmem>>, vector<16xf32>,
      tpu.vector_store %arg12[%swap3A, %swap3A_69], %broadcast_in_dim3A_0 {strides = array<i32>} : memref<96x64xf32, #tpu.memory_space<vmem>>, vector<16xf32>,
      %swap3A_71 = arith.index_cast %scan3A_67 : i32 to index
      %swap3A_72 = arith.constant 16 : index
      %swap3A_73 = tpu.vector_load %arg12[%swap3A_71, %swap3A_72] {strides = array<i32>} : memref<96x64xf32, #tpu.memory_space<vmem>>, vector<16xf32>,
      tpu.vector_store %arg12[%swap3A_71, %swap3A_72], %broadcast_in_dim3A_0 {strides = array<i32>} : memref<96x64xf32, #tpu.memory_space<vmem>>, vector<16xf32>,
      %swap3A_74 = arith.index_cast %scan3A_67 : i32 to index
      %swap3A_75 = arith.constant 32 : index
      %swap3A_76 = tpu.vector_load %arg12[%swap3A_74, %swap3A_75] {strides = array<i32>} : memref<96x64xf32, #tpu.memory_space<vmem>>, vector<16xf32>,
      tpu.vector_store %arg12[%swap3A_74, %swap3A_75], %broadcast_in_dim3A_0 {strides = array<i32>} : memref<96x64xf32, #tpu.memory_space<vmem>>, vector<16xf32>,
      %swap3A_77 = arith.index_cast %scan3A_67 : i32 to index
      %swap3A_78 = arith.constant 48 : index
      %swap3A_79 = tpu.vector_load %arg12[%swap3A_77, %swap3A_78] {strides = array<i32>} : memref<96x64xf32, #tpu.memory_space<vmem>>, vector<16xf32>,
      tpu.vector_store %arg12[%swap3A_77, %swap3A_78], %broadcast_in_dim3A_0 {strides = array<i32>} : memref<96x64xf32, #tpu.memory_space<vmem>>, vector<16xf32>,
      %scan3A_80 = arith.constant 0 : i32
      scf.yield %scan3A_80 : i32
    }
    %scan3A_6 = arith.constant 96 : i32
    %scan3A_7 = arith.constant 0 : i32
    %scan3A_8 = arith.constant 0 : i32
    %scan3A_9 = arith.constant 6 : i32
    %scan3A_10 = arith.addi %scan3A_8, %scan3A_9 : i32
    %scan3A_11 = arith.constant 1 : i32
    %scan3A_12 = scf.for %scan3A_67 = %scan3A_8 to %scan3A_10 step %scan3A_11 iter_args(%scan3A_68 = %scan3A_7) -> (i32)  : i32 {
      %mul3A_69 = arith.constant 640 : i32
      %mul3A_70 = arith.muli %arg1, %mul3A_69 : i32
      %mul3A_71 = arith.constant 96 : i32
      %mul3A_72 = arith.muli %scan3A_67, %mul3A_71 : i32
      %add3A_73 = arith.addi %mul3A_70, %mul3A_72 : i32
      "tpu.region"() ({
        %run_scoped3A = tpu.sem_alloc : memref<!tpu.dma_semaphore, #tpu.memory_space<semaphore_mem>>
        %dma_start3A = arith.constant 0 : i32
        %dma_start3A_75 = tpu.memref_slice %arg14[%add3A_73, %dma_start3A] : memref<10240x64xf32, #tpu.memory_space<vmem_shared>> -> memref<96x64xf32, #tpu.memory_space<vmem_shared>>
        %dma_start3A_76 = arith.constant 0 : i32
        %dma_start3A_77 = tpu.memref_slice %arg14[%add3A_73, %dma_start3A_76] : memref<10240x64xf32, #tpu.memory_space<vmem_shared>> -> memref<96x64xf32, #tpu.memory_space<vmem_shared>>
        tpu.enqueue_dma source(%arg12 : memref<96x64xf32, #tpu.memory_space<vmem>>) target(%dma_start3A_77 : memref<96x64xf32, #tpu.memory_space<vmem_shared>>) target_semaphore(%run_scoped3A : memref<!tpu.dma_semaphore, #tpu.memory_space<semaphore_mem>>)
        %dma_wait3A = arith.constant 0 : i32
        %dma_wait3A_78 = tpu.memref_slice %arg14[%add3A_73, %dma_wait3A] : memref<10240x64xf32, #tpu.memory_space<vmem_shared>> -> memref<96x64xf32, #tpu.memory_space<vmem_shared>>
        %dma_wait3A_79 = arith.constant 0 : i32
        %dma_wait3A_80 = tpu.memref_slice %arg14[%add3A_73, %dma_wait3A_79] : memref<10240x64xf32, #tpu.memory_space<vmem_shared>> -> memref<96x64xf32, #tpu.memory_space<vmem_shared>>
        tpu.wait_dma2 semaphore(%run_scoped3A : memref<!tpu.dma_semaphore, #tpu.memory_space<semaphore_mem>>) src(%arg12 : memref<96x64xf32, #tpu.memory_space<vmem>>) dst(%dma_wait3A_80 : memref<96x64xf32, #tpu.memory_space<vmem_shared>>)
        tpu.yield
      }) : () -> ()
      %scan3A_74 = arith.constant 0 : i32
      scf.yield %scan3A_74 : i32
    }
    %scan3A_13 = arith.constant 6 : i32
    %mul3A = arith.constant 640 : i32
    %mul3A_14 = arith.muli %arg1, %mul3A : i32
    %add3A = arith.constant 576 : i32
    %add3A_15 = arith.addi %mul3A_14, %add3A : i32
    "tpu.region"() ({
      %run_scoped3A = tpu.sem_alloc : memref<!tpu.dma_semaphore, #tpu.memory_space<semaphore_mem>>
      %dma_start3A = arith.constant 0 : i32
      %dma_start3A_67 = arith.constant 0 : i32
      %dma_start3A_68 = tpu.memref_slice %arg12[%dma_start3A, %dma_start3A_67] : memref<96x64xf32, #tpu.memory_space<vmem>> -> memref<64x64xf32, #tpu.memory_space<vmem>>
      %dma_start3A_69 = arith.constant 0 : i32
      %dma_start3A_70 = tpu.memref_slice %arg14[%add3A_15, %dma_start3A_69] : memref<10240x64xf32, #tpu.memory_space<vmem_shared>> -> memref<64x64xf32, #tpu.memory_space<vmem_shared>>
      %dma_start3A_71 = arith.constant 0 : i32
      %dma_start3A_72 = tpu.memref_slice %arg14[%add3A_15, %dma_start3A_71] : memref<10240x64xf32, #tpu.memory_space<vmem_shared>> -> memref<64x64xf32, #tpu.memory_space<vmem_shared>>
      %dma_start3A_73 = arith.constant 0 : i32
      %dma_start3A_74 = arith.constant 0 : i32
      %dma_start3A_75 = tpu.memref_slice %arg12[%dma_start3A_73, %dma_start3A_74] : memref<96x64xf32, #tpu.memory_space<vmem>> -> memref<64x64xf32, #tpu.memory_space<vmem>>
      tpu.enqueue_dma source(%dma_start3A_75 : memref<64x64xf32, #tpu.memory_space<vmem>>) target(%dma_start3A_72 : memref<64x64xf32, #tpu.memory_space<vmem_shared>>) target_semaphore(%run_scoped3A : memref<!tpu.dma_semaphore, #tpu.memory_space<semaphore_mem>>)
      %dma_wait3A = arith.constant 0 : i32
      %dma_wait3A_76 = arith.constant 0 : i32
      %dma_wait3A_77 = tpu.memref_slice %arg12[%dma_wait3A, %dma_wait3A_76] : memref<96x64xf32, #tpu.memory_space<vmem>> -> memref<64x64xf32, #tpu.memory_space<vmem>>
      %dma_wait3A_78 = arith.constant 0 : i32
      %dma_wait3A_79 = tpu.memref_slice %arg14[%add3A_15, %dma_wait3A_78] : memref<10240x64xf32, #tpu.memory_space<vmem_shared>> -> memref<64x64xf32, #tpu.memory_space<vmem_shared>>
      %dma_wait3A_80 = arith.constant 0 : i32
      %dma_wait3A_81 = tpu.memref_slice %arg14[%add3A_15, %dma_wait3A_80] : memref<10240x64xf32, #tpu.memory_space<vmem_shared>> -> memref<64x64xf32, #tpu.memory_space<vmem_shared>>
      %dma_wait3A_82 = arith.constant 0 : i32
      %dma_wait3A_83 = arith.constant 0 : i32
      %dma_wait3A_84 = tpu.memref_slice %arg12[%dma_wait3A_82, %dma_wait3A_83] : memref<96x64xf32, #tpu.memory_space<vmem>> -> memref<64x64xf32, #tpu.memory_space<vmem>>
      tpu.wait_dma2 semaphore(%run_scoped3A : memref<!tpu.dma_semaphore, #tpu.memory_space<semaphore_mem>>) src(%dma_wait3A_84 : memref<64x64xf32, #tpu.memory_space<vmem>>) dst(%dma_wait3A_81 : memref<64x64xf32, #tpu.memory_space<vmem_shared>>)
      tpu.yield
    }) : () -> ()
    %barrier3A = arith.constant 0 : index
    tpu.barrier barrier_id(%barrier3A)
    %scan3A_16 = arith.constant 0 : i32
    %scan3A_17 = arith.constant 0 : i32
    %scan3A_18 = arith.constant 7 : i32
    %scan3A_19 = arith.addi %scan3A_17, %scan3A_18 : i32
    %scan3A_20 = arith.constant 1 : i32
    %scan3A_21 = scf.for %scan3A_67 = %scan3A_17 to %scan3A_19 step %scan3A_20 iter_args(%scan3A_68 = %scan3A_16) -> (i32)  : i32 {
      %mul3A_69 = arith.constant 210 : i32
      %mul3A_70 = arith.muli %arg1, %mul3A_69 : i32
      %mul3A_71 = arith.constant 30 : i32
      %mul3A_72 = arith.muli %scan3A_67, %mul3A_71 : i32
      %add3A_73 = arith.addi %mul3A_70, %mul3A_72 : i32
      "tpu.region"() ({
        %run_scoped3A = tpu.sem_alloc : memref<!tpu.dma_semaphore, #tpu.memory_space<semaphore_mem>>
        %dma_start3A = arith.constant 0 : i32
        %dma_start3A_82 = tpu.memref_slice %arg2[%add3A_73, %dma_start3A] : memref<3360x96xi32, #tpu.memory_space<hbm>> -> memref<30x96xi32, #tpu.memory_space<hbm>>
        %dma_start3A_83 = arith.constant 0 : i32
        %dma_start3A_84 = tpu.memref_slice %arg2[%add3A_73, %dma_start3A_83] : memref<3360x96xi32, #tpu.memory_space<hbm>> -> memref<30x96xi32, #tpu.memory_space<hbm>>
        tpu.enqueue_dma source(%dma_start3A_84 : memref<30x96xi32, #tpu.memory_space<hbm>>) target(%arg10 : memref<30x96xi32, #tpu.memory_space<vmem>>) target_semaphore(%run_scoped3A : memref<!tpu.dma_semaphore, #tpu.memory_space<semaphore_mem>>)
        %dma_wait3A = arith.constant 0 : i32
        %dma_wait3A_85 = tpu.memref_slice %arg2[%add3A_73, %dma_wait3A] : memref<3360x96xi32, #tpu.memory_space<hbm>> -> memref<30x96xi32, #tpu.memory_space<hbm>>
        %dma_wait3A_86 = arith.constant 0 : i32
        %dma_wait3A_87 = tpu.memref_slice %arg2[%add3A_73, %dma_wait3A_86] : memref<3360x96xi32, #tpu.memory_space<hbm>> -> memref<30x96xi32, #tpu.memory_space<hbm>>
        tpu.wait_dma2 semaphore(%run_scoped3A : memref<!tpu.dma_semaphore, #tpu.memory_space<semaphore_mem>>) src(%dma_wait3A_87 : memref<30x96xi32, #tpu.memory_space<hbm>>) dst(%arg10 : memref<30x96xi32, #tpu.memory_space<vmem>>)
        tpu.yield
      }) : () -> ()
      "tpu.region"() ({
        %run_scoped3A = tpu.sem_alloc : memref<!tpu.dma_semaphore, #tpu.memory_space<semaphore_mem>>
        %dma_start3A = arith.constant 0 : i32
        %dma_start3A_82 = tpu.memref_slice %arg3[%add3A_73, %dma_start3A] : memref<3360x96xi32, #tpu.memory_space<hbm>> -> memref<30x96xi32, #tpu.memory_space<hbm>>
        %dma_start3A_83 = arith.constant 0 : i32
        %dma_start3A_84 = tpu.memref_slice %arg3[%add3A_73, %dma_start3A_83] : memref<3360x96xi32, #tpu.memory_space<hbm>> -> memref<30x96xi32, #tpu.memory_space<hbm>>
        tpu.enqueue_dma source(%dma_start3A_84 : memref<30x96xi32, #tpu.memory_space<hbm>>) target(%arg11 : memref<30x96xi32, #tpu.memory_space<vmem>>) target_semaphore(%run_scoped3A : memref<!tpu.dma_semaphore, #tpu.memory_space<semaphore_mem>>)
        %dma_wait3A = arith.constant 0 : i32
        %dma_wait3A_85 = tpu.memref_slice %arg3[%add3A_73, %dma_wait3A] : memref<3360x96xi32, #tpu.memory_space<hbm>> -> memref<30x96xi32, #tpu.memory_space<hbm>>
        %dma_wait3A_86 = arith.constant 0 : i32
        %dma_wait3A_87 = tpu.memref_slice %arg3[%add3A_73, %dma_wait3A_86] : memref<3360x96xi32, #tpu.memory_space<hbm>> -> memref<30x96xi32, #tpu.memory_space<hbm>>
        tpu.wait_dma2 semaphore(%run_scoped3A : memref<!tpu.dma_semaphore, #tpu.memory_space<semaphore_mem>>) src(%dma_wait3A_87 : memref<30x96xi32, #tpu.memory_space<hbm>>) dst(%arg11 : memref<30x96xi32, #tpu.memory_space<vmem>>)
        tpu.yield
      }) : () -> ()
      %eq3A = arith.constant 0 : i32
      %eq3A_74 = arith.cmpi eq, %arg0, %eq3A : i32
      %convert_element_type3A = arith.extui %eq3A_74 : i1 to i32
      %cond3A = arith.constant 0 : i32
      %cond3A_75 = arith.cmpi ne, %convert_element_type3A, %cond3A : i32
      scf.if %cond3A_75 {
        %dma_start3A = arith.constant 0 : i32
        %dma_start3A_82 = arith.constant 0 : i32
        %dma_start3A_83 = tpu.memref_slice %arg10[%dma_start3A, %dma_start3A_82] : memref<30x96xi32, #tpu.memory_space<vmem>> -> memref<1x96xi32, #tpu.memory_space<vmem>>
        %dma_start3A_84 = tpu.memref_squeeze %dma_start3A_83 : memref<1x96xi32, #tpu.memory_space<vmem>> -> memref<96xi32, #tpu.memory_space<vmem>>
        %dma_start3A_85 = arith.constant 0 : i32
        %dma_start3A_86 = arith.constant 0 : i32
        %dma_start3A_87 = tpu.memref_slice %arg4[%dma_start3A_85, %dma_start3A_86] : memref<10240x64xf32, #tpu.memory_space<hbm>> -> memref<10240x64xf32, #tpu.memory_space<hbm>>
        tpu.enqueue_indirect_dma source(%dma_start3A_87 : memref<10240x64xf32, #tpu.memory_space<hbm>>) target(%arg12 : memref<96x64xf32, #tpu.memory_space<vmem>>) offsets(%dma_start3A_84 : memref<96xi32, #tpu.memory_space<vmem>>) semaphore(%arg15 : memref<!tpu.dma_semaphore, #tpu.memory_space<semaphore_mem>>)
        %dma_start3A_88 = arith.constant 1 : i32
        %dma_start3A_89 = arith.constant 0 : i32
        %dma_start3A_90 = tpu.memref_slice %arg10[%dma_start3A_88, %dma_start3A_89] : memref<30x96xi32, #tpu.memory_space<vmem>> -> memref<1x96xi32, #tpu.memory_space<vmem>>
        %dma_start3A_91 = tpu.memref_squeeze %dma_start3A_90 : memref<1x96xi32, #tpu.memory_space<vmem>> -> memref<96xi32, #tpu.memory_space<vmem>>
        %dma_start3A_92 = arith.constant 0 : i32
        %dma_start3A_93 = arith.constant 0 : i32
        %dma_start3A_94 = tpu.memref_slice %arg4[%dma_start3A_92, %dma_start3A_93] : memref<10240x64xf32, #tpu.memory_space<hbm>> -> memref<10240x64xf32, #tpu.memory_space<hbm>>
        tpu.enqueue_indirect_dma source(%dma_start3A_94 : memref<10240x64xf32, #tpu.memory_space<hbm>>) target(%arg13 : memref<96x64xf32, #tpu.memory_space<vmem>>) offsets(%dma_start3A_91 : memref<96xi32, #tpu.memory_space<vmem>>) semaphore(%arg16 : memref<!tpu.dma_semaphore, #tpu.memory_space<semaphore_mem>>)
        %scan3A_95 = arith.constant 0 : i32
        %scan3A_96 = arith.constant 0 : i32
        %scan3A_97 = arith.constant 14 : i32
        %scan3A_98 = arith.addi %scan3A_96, %scan3A_97 : i32
        %scan3A_99 = arith.constant 1 : i32
        %scan3A_100 = scf.for %scan3A_114 = %scan3A_96 to %scan3A_98 step %scan3A_99 iter_args(%scan3A_115 = %scan3A_95) -> (i32)  : i32 {
          %mul3A_116 = arith.constant 2 : i32
          %mul3A_117 = arith.muli %mul3A_116, %scan3A_114 : i32
          %dma_wait3A_118 = arith.constant 0 : i32
          %dma_wait3A_119 = arith.constant 0 : i32
          %dma_wait3A_120 = tpu.memref_slice %arg4[%dma_wait3A_118, %dma_wait3A_119] : memref<10240x64xf32, #tpu.memory_space<hbm>> -> memref<96x64xf32, #tpu.memory_space<hbm>>
          %dma_wait3A_121 = arith.constant 0 : i32
          %dma_wait3A_122 = arith.constant 0 : i32
          %dma_wait3A_123 = tpu.memref_slice %arg4[%dma_wait3A_121, %dma_wait3A_122] : memref<10240x64xf32, #tpu.memory_space<hbm>> -> memref<96x64xf32, #tpu.memory_space<hbm>>
          tpu.wait_dma2 semaphore(%arg15 : memref<!tpu.dma_semaphore, #tpu.memory_space<semaphore_mem>>) src(%dma_wait3A_123 : memref<96x64xf32, #tpu.memory_space<hbm>>) dst(%arg12 : memref<96x64xf32, #tpu.memory_space<vmem>>)
          "tpu.region"() ({
            %run_scoped3A_149 = tpu.sem_alloc : memref<!tpu.dma_semaphore, #tpu.memory_space<semaphore_mem>>
            %dma_start3A_150 = arith.constant 0 : i32
            %dma_start3A_151 = tpu.memref_slice %arg11[%mul3A_117, %dma_start3A_150] : memref<30x96xi32, #tpu.memory_space<vmem>> -> memref<1x96xi32, #tpu.memory_space<vmem>>
            %dma_start3A_152 = tpu.memref_squeeze %dma_start3A_151 : memref<1x96xi32, #tpu.memory_space<vmem>> -> memref<96xi32, #tpu.memory_space<vmem>>
            %dma_start3A_153 = arith.constant 0 : i32
            %dma_start3A_154 = arith.constant 0 : i32
            %dma_start3A_155 = tpu.memref_slice %arg14[%dma_start3A_153, %dma_start3A_154] : memref<10240x64xf32, #tpu.memory_space<vmem_shared>> -> memref<10240x64xf32, #tpu.memory_space<vmem_shared>>
            tpu.enqueue_indirect_dma source(%arg12 : memref<96x64xf32, #tpu.memory_space<vmem>>) target(%dma_start3A_155 : memref<10240x64xf32, #tpu.memory_space<vmem_shared>>) offsets(%dma_start3A_152 : memref<96xi32, #tpu.memory_space<vmem>>) semaphore(%run_scoped3A_149 : memref<!tpu.dma_semaphore, #tpu.memory_space<semaphore_mem>>) {add = true}
            %dma_wait3A_156 = arith.constant 0 : i32
            %dma_wait3A_157 = tpu.memref_slice %arg11[%mul3A_117, %dma_wait3A_156] : memref<30x96xi32, #tpu.memory_space<vmem>> -> memref<1x96xi32, #tpu.memory_space<vmem>>
            %dma_wait3A_158 = tpu.memref_squeeze %dma_wait3A_157 : memref<1x96xi32, #tpu.memory_space<vmem>> -> memref<96xi32, #tpu.memory_space<vmem>>
            %dma_wait3A_159 = arith.constant 0 : i32
            %dma_wait3A_160 = arith.constant 0 : i32
            %dma_wait3A_161 = tpu.memref_slice %arg14[%dma_wait3A_159, %dma_wait3A_160] : memref<10240x64xf32, #tpu.memory_space<vmem_shared>> -> memref<10240x64xf32, #tpu.memory_space<vmem_shared>>
            tpu.wait_indirect_dma semaphore(%run_scoped3A_149 : memref<!tpu.dma_semaphore, #tpu.memory_space<semaphore_mem>>) src(%arg12 : memref<96x64xf32, #tpu.memory_space<vmem>>) dst(%dma_wait3A_161 : memref<10240x64xf32, #tpu.memory_space<vmem_shared>>)
            tpu.yield
          }) : () -> ()
          %add3A_124 = arith.constant 2 : i32
          %add3A_125 = arith.addi %mul3A_117, %add3A_124 : i32
          %dma_start3A_126 = arith.constant 0 : i32
          %dma_start3A_127 = tpu.memref_slice %arg10[%add3A_125, %dma_start3A_126] : memref<30x96xi32, #tpu.memory_space<vmem>> -> memref<1x96xi32, #tpu.memory_space<vmem>>
          %dma_start3A_128 = tpu.memref_squeeze %dma_start3A_127 : memref<1x96xi32, #tpu.memory_space<vmem>> -> memref<96xi32, #tpu.memory_space<vmem>>
          %dma_start3A_129 = arith.constant 0 : i32
          %dma_start3A_130 = arith.constant 0 : i32
          %dma_start3A_131 = tpu.memref_slice %arg4[%dma_start3A_129, %dma_start3A_130] : memref<10240x64xf32, #tpu.memory_space<hbm>> -> memref<10240x64xf32, #tpu.memory_space<hbm>>
          tpu.enqueue_indirect_dma source(%dma_start3A_131 : memref<10240x64xf32, #tpu.memory_space<hbm>>) target(%arg12 : memref<96x64xf32, #tpu.memory_space<vmem>>) offsets(%dma_start3A_128 : memref<96xi32, #tpu.memory_space<vmem>>) semaphore(%arg15 : memref<!tpu.dma_semaphore, #tpu.memory_space<semaphore_mem>>)
          %dma_wait3A_132 = arith.constant 0 : i32
          %dma_wait3A_133 = arith.constant 0 : i32
          %dma_wait3A_134 = tpu.memref_slice %arg4[%dma_wait3A_132, %dma_wait3A_133] : memref<10240x64xf32, #tpu.memory_space<hbm>> -> memref<96x64xf32, #tpu.memory_space<hbm>>
          %dma_wait3A_135 = arith.constant 0 : i32
          %dma_wait3A_136 = arith.constant 0 : i32
          %dma_wait3A_137 = tpu.memref_slice %arg4[%dma_wait3A_135, %dma_wait3A_136] : memref<10240x64xf32, #tpu.memory_space<hbm>> -> memref<96x64xf32, #tpu.memory_space<hbm>>
          tpu.wait_dma2 semaphore(%arg16 : memref<!tpu.dma_semaphore, #tpu.memory_space<semaphore_mem>>) src(%dma_wait3A_137 : memref<96x64xf32, #tpu.memory_space<hbm>>) dst(%arg13 : memref<96x64xf32, #tpu.memory_space<vmem>>)
          %add3A_138 = arith.constant 1 : i32
          %add3A_139 = arith.addi %mul3A_117, %add3A_138 : i32
          "tpu.region"() ({
            %run_scoped3A_149 = tpu.sem_alloc : memref<!tpu.dma_semaphore, #tpu.memory_space<semaphore_mem>>
            %dma_start3A_150 = arith.constant 0 : i32
            %dma_start3A_151 = tpu.memref_slice %arg11[%add3A_139, %dma_start3A_150] : memref<30x96xi32, #tpu.memory_space<vmem>> -> memref<1x96xi32, #tpu.memory_space<vmem>>
            %dma_start3A_152 = tpu.memref_squeeze %dma_start3A_151 : memref<1x96xi32, #tpu.memory_space<vmem>> -> memref<96xi32, #tpu.memory_space<vmem>>
            %dma_start3A_153 = arith.constant 0 : i32
            %dma_start3A_154 = arith.constant 0 : i32
            %dma_start3A_155 = tpu.memref_slice %arg14[%dma_start3A_153, %dma_start3A_154] : memref<10240x64xf32, #tpu.memory_space<vmem_shared>> -> memref<10240x64xf32, #tpu.memory_space<vmem_shared>>
            tpu.enqueue_indirect_dma source(%arg13 : memref<96x64xf32, #tpu.memory_space<vmem>>) target(%dma_start3A_155 : memref<10240x64xf32, #tpu.memory_space<vmem_shared>>) offsets(%dma_start3A_152 : memref<96xi32, #tpu.memory_space<vmem>>) semaphore(%run_scoped3A_149 : memref<!tpu.dma_semaphore, #tpu.memory_space<semaphore_mem>>) {add = true}
            %dma_wait3A_156 = arith.constant 0 : i32
            %dma_wait3A_157 = tpu.memref_slice %arg11[%add3A_139, %dma_wait3A_156] : memref<30x96xi32, #tpu.memory_space<vmem>> -> memref<1x96xi32, #tpu.memory_space<vmem>>
            %dma_wait3A_158 = tpu.memref_squeeze %dma_wait3A_157 : memref<1x96xi32, #tpu.memory_space<vmem>> -> memref<96xi32, #tpu.memory_space<vmem>>
            %dma_wait3A_159 = arith.constant 0 : i32
            %dma_wait3A_160 = arith.constant 0 : i32
            %dma_wait3A_161 = tpu.memref_slice %arg14[%dma_wait3A_159, %dma_wait3A_160] : memref<10240x64xf32, #tpu.memory_space<vmem_shared>> -> memref<10240x64xf32, #tpu.memory_space<vmem_shared>>
            tpu.wait_indirect_dma semaphore(%run_scoped3A_149 : memref<!tpu.dma_semaphore, #tpu.memory_space<semaphore_mem>>) src(%arg13 : memref<96x64xf32, #tpu.memory_space<vmem>>) dst(%dma_wait3A_161 : memref<10240x64xf32, #tpu.memory_space<vmem_shared>>)
            tpu.yield
          }) : () -> ()
          %add3A_140 = arith.constant 3 : i32
          %add3A_141 = arith.addi %mul3A_117, %add3A_140 : i32
          %dma_start3A_142 = arith.constant 0 : i32
          %dma_start3A_143 = tpu.memref_slice %arg10[%add3A_141, %dma_start3A_142] : memref<30x96xi32, #tpu.memory_space<vmem>> -> memref<1x96xi32, #tpu.memory_space<vmem>>
          %dma_start3A_144 = tpu.memref_squeeze %dma_start3A_143 : memref<1x96xi32, #tpu.memory_space<vmem>> -> memref<96xi32, #tpu.memory_space<vmem>>
          %dma_start3A_145 = arith.constant 0 : i32
          %dma_start3A_146 = arith.constant 0 : i32
          %dma_start3A_147 = tpu.memref_slice %arg4[%dma_start3A_145, %dma_start3A_146] : memref<10240x64xf32, #tpu.memory_space<hbm>> -> memref<10240x64xf32, #tpu.memory_space<hbm>>
          tpu.enqueue_indirect_dma source(%dma_start3A_147 : memref<10240x64xf32, #tpu.memory_space<hbm>>) target(%arg13 : memref<96x64xf32, #tpu.memory_space<vmem>>) offsets(%dma_start3A_144 : memref<96xi32, #tpu.memory_space<vmem>>) semaphore(%arg16 : memref<!tpu.dma_semaphore, #tpu.memory_space<semaphore_mem>>)
          %scan3A_148 = arith.constant 0 : i32
          scf.yield %scan3A_148 : i32
        }
        %scan3A_101 = arith.constant 14 : i32
        %dma_wait3A = arith.constant 0 : i32
        %dma_wait3A_102 = arith.constant 0 : i32
        %dma_wait3A_103 = tpu.memref_slice %arg4[%dma_wait3A, %dma_wait3A_102] : memref<10240x64xf32, #tpu.memory_space<hbm>> -> memref<96x64xf32, #tpu.memory_space<hbm>>
        %dma_wait3A_104 = arith.constant 0 : i32
        %dma_wait3A_105 = arith.constant 0 : i32
        %dma_wait3A_106 = tpu.memref_slice %arg4[%dma_wait3A_104, %dma_wait3A_105] : memref<10240x64xf32, #tpu.memory_space<hbm>> -> memref<96x64xf32, #tpu.memory_space<hbm>>
        tpu.wait_dma2 semaphore(%arg15 : memref<!tpu.dma_semaphore, #tpu.memory_space<semaphore_mem>>) src(%dma_wait3A_106 : memref<96x64xf32, #tpu.memory_space<hbm>>) dst(%arg12 : memref<96x64xf32, #tpu.memory_space<vmem>>)
        %run_scoped3A = arith.constant 28 : i32
        "tpu.region"() ({
          %run_scoped3A_114 = tpu.sem_alloc : memref<!tpu.dma_semaphore, #tpu.memory_space<semaphore_mem>>
          %dma_start3A_115 = arith.constant 0 : i32
          %dma_start3A_116 = tpu.memref_slice %arg11[%run_scoped3A, %dma_start3A_115] : memref<30x96xi32, #tpu.memory_space<vmem>> -> memref<1x96xi32, #tpu.memory_space<vmem>>
          %dma_start3A_117 = tpu.memref_squeeze %dma_start3A_116 : memref<1x96xi32, #tpu.memory_space<vmem>> -> memref<96xi32, #tpu.memory_space<vmem>>
          %dma_start3A_118 = arith.constant 0 : i32
          %dma_start3A_119 = arith.constant 0 : i32
          %dma_start3A_120 = tpu.memref_slice %arg14[%dma_start3A_118, %dma_start3A_119] : memref<10240x64xf32, #tpu.memory_space<vmem_shared>> -> memref<10240x64xf32, #tpu.memory_space<vmem_shared>>
          tpu.enqueue_indirect_dma source(%arg12 : memref<96x64xf32, #tpu.memory_space<vmem>>) target(%dma_start3A_120 : memref<10240x64xf32, #tpu.memory_space<vmem_shared>>) offsets(%dma_start3A_117 : memref<96xi32, #tpu.memory_space<vmem>>) semaphore(%run_scoped3A_114 : memref<!tpu.dma_semaphore, #tpu.memory_space<semaphore_mem>>) {add = true}
          %dma_wait3A_121 = arith.constant 0 : i32
          %dma_wait3A_122 = tpu.memref_slice %arg11[%run_scoped3A, %dma_wait3A_121] : memref<30x96xi32, #tpu.memory_space<vmem>> -> memref<1x96xi32, #tpu.memory_space<vmem>>
          %dma_wait3A_123 = tpu.memref_squeeze %dma_wait3A_122 : memref<1x96xi32, #tpu.memory_space<vmem>> -> memref<96xi32, #tpu.memory_space<vmem>>
          %dma_wait3A_124 = arith.constant 0 : i32
          %dma_wait3A_125 = arith.constant 0 : i32
          %dma_wait3A_126 = tpu.memref_slice %arg14[%dma_wait3A_124, %dma_wait3A_125] : memref<10240x64xf32, #tpu.memory_space<vmem_shared>> -> memref<10240x64xf32, #tpu.memory_space<vmem_shared>>
          tpu.wait_indirect_dma semaphore(%run_scoped3A_114 : memref<!tpu.dma_semaphore, #tpu.memory_space<semaphore_mem>>) src(%arg12 : memref<96x64xf32, #tpu.memory_space<vmem>>) dst(%dma_wait3A_126 : memref<10240x64xf32, #tpu.memory_space<vmem_shared>>)
          tpu.yield
        }) : () -> ()
        %dma_wait3A_107 = arith.constant 0 : i32
        %dma_wait3A_108 = arith.constant 0 : i32
        %dma_wait3A_109 = tpu.memref_slice %arg4[%dma_wait3A_107, %dma_wait3A_108] : memref<10240x64xf32, #tpu.memory_space<hbm>> -> memref<96x64xf32, #tpu.memory_space<hbm>>
        %dma_wait3A_110 = arith.constant 0 : i32
        %dma_wait3A_111 = arith.constant 0 : i32
        %dma_wait3A_112 = tpu.memref_slice %arg4[%dma_wait3A_110, %dma_wait3A_111] : memref<10240x64xf32, #tpu.memory_space<hbm>> -> memref<96x64xf32, #tpu.memory_space<hbm>>
        tpu.wait_dma2 semaphore(%arg16 : memref<!tpu.dma_semaphore, #tpu.memory_space<semaphore_mem>>) src(%dma_wait3A_112 : memref<96x64xf32, #tpu.memory_space<hbm>>) dst(%arg13 : memref<96x64xf32, #tpu.memory_space<vmem>>)
        %run_scoped3A_113 = arith.constant 29 : i32
        "tpu.region"() ({
          %run_scoped3A_114 = tpu.sem_alloc : memref<!tpu.dma_semaphore, #tpu.memory_space<semaphore_mem>>
          %dma_start3A_115 = arith.constant 0 : i32
          %dma_start3A_116 = tpu.memref_slice %arg11[%run_scoped3A_113, %dma_start3A_115] : memref<30x96xi32, #tpu.memory_space<vmem>> -> memref<1x96xi32, #tpu.memory_space<vmem>>
          %dma_start3A_117 = tpu.memref_squeeze %dma_start3A_116 : memref<1x96xi32, #tpu.memory_space<vmem>> -> memref<96xi32, #tpu.memory_space<vmem>>
          %dma_start3A_118 = arith.constant 0 : i32
          %dma_start3A_119 = arith.constant 0 : i32
          %dma_start3A_120 = tpu.memref_slice %arg14[%dma_start3A_118, %dma_start3A_119] : memref<10240x64xf32, #tpu.memory_space<vmem_shared>> -> memref<10240x64xf32, #tpu.memory_space<vmem_shared>>
          tpu.enqueue_indirect_dma source(%arg13 : memref<96x64xf32, #tpu.memory_space<vmem>>) target(%dma_start3A_120 : memref<10240x64xf32, #tpu.memory_space<vmem_shared>>) offsets(%dma_start3A_117 : memref<96xi32, #tpu.memory_space<vmem>>) semaphore(%run_scoped3A_114 : memref<!tpu.dma_semaphore, #tpu.memory_space<semaphore_mem>>) {add = true}
          %dma_wait3A_121 = arith.constant 0 : i32
          %dma_wait3A_122 = tpu.memref_slice %arg11[%run_scoped3A_113, %dma_wait3A_121] : memref<30x96xi32, #tpu.memory_space<vmem>> -> memref<1x96xi32, #tpu.memory_space<vmem>>
          %dma_wait3A_123 = tpu.memref_squeeze %dma_wait3A_122 : memref<1x96xi32, #tpu.memory_space<vmem>> -> memref<96xi32, #tpu.memory_space<vmem>>
          %dma_wait3A_124 = arith.constant 0 : i32
          %dma_wait3A_125 = arith.constant 0 : i32
          %dma_wait3A_126 = tpu.memref_slice %arg14[%dma_wait3A_124, %dma_wait3A_125] : memref<10240x64xf32, #tpu.memory_space<vmem_shared>> -> memref<10240x64xf32, #tpu.memory_space<vmem_shared>>
          tpu.wait_indirect_dma semaphore(%run_scoped3A_114 : memref<!tpu.dma_semaphore, #tpu.memory_space<semaphore_mem>>) src(%arg13 : memref<96x64xf32, #tpu.memory_space<vmem>>) dst(%dma_wait3A_126 : memref<10240x64xf32, #tpu.memory_space<vmem_shared>>)
          tpu.yield
        }) : () -> ()
      } else {
      }
      %eq3A_76 = arith.constant 1 : i32
      %eq3A_77 = arith.cmpi eq, %arg0, %eq3A_76 : i32
      %convert_element_type3A_78 = arith.extui %eq3A_77 : i1 to i32
      %cond3A_79 = arith.constant 0 : i32
      %cond3A_80 = arith.cmpi ne, %convert_element_type3A_78, %cond3A_79 : i32
      scf.if %cond3A_80 {
        %dma_start3A = arith.constant 0 : i32
        %dma_start3A_82 = arith.constant 0 : i32
        %dma_start3A_83 = tpu.memref_slice %arg10[%dma_start3A, %dma_start3A_82] : memref<30x96xi32, #tpu.memory_space<vmem>> -> memref<1x96xi32, #tpu.memory_space<vmem>>
        %dma_start3A_84 = tpu.memref_squeeze %dma_start3A_83 : memref<1x96xi32, #tpu.memory_space<vmem>> -> memref<96xi32, #tpu.memory_space<vmem>>
        %dma_start3A_85 = arith.constant 0 : i32
        %dma_start3A_86 = arith.constant 0 : i32
        %dma_start3A_87 = tpu.memref_slice %arg6[%dma_start3A_85, %dma_start3A_86] : memref<10240x64xf32, #tpu.memory_space<hbm>> -> memref<10240x64xf32, #tpu.memory_space<hbm>>
        tpu.enqueue_indirect_dma source(%dma_start3A_87 : memref<10240x64xf32, #tpu.memory_space<hbm>>) target(%arg12 : memref<96x64xf32, #tpu.memory_space<vmem>>) offsets(%dma_start3A_84 : memref<96xi32, #tpu.memory_space<vmem>>) semaphore(%arg15 : memref<!tpu.dma_semaphore, #tpu.memory_space<semaphore_mem>>)
        %dma_start3A_88 = arith.constant 1 : i32
        %dma_start3A_89 = arith.constant 0 : i32
        %dma_start3A_90 = tpu.memref_slice %arg10[%dma_start3A_88, %dma_start3A_89] : memref<30x96xi32, #tpu.memory_space<vmem>> -> memref<1x96xi32, #tpu.memory_space<vmem>>
        %dma_start3A_91 = tpu.memref_squeeze %dma_start3A_90 : memref<1x96xi32, #tpu.memory_space<vmem>> -> memref<96xi32, #tpu.memory_space<vmem>>
        %dma_start3A_92 = arith.constant 0 : i32
        %dma_start3A_93 = arith.constant 0 : i32
        %dma_start3A_94 = tpu.memref_slice %arg6[%dma_start3A_92, %dma_start3A_93] : memref<10240x64xf32, #tpu.memory_space<hbm>> -> memref<10240x64xf32, #tpu.memory_space<hbm>>
        tpu.enqueue_indirect_dma source(%dma_start3A_94 : memref<10240x64xf32, #tpu.memory_space<hbm>>) target(%arg13 : memref<96x64xf32, #tpu.memory_space<vmem>>) offsets(%dma_start3A_91 : memref<96xi32, #tpu.memory_space<vmem>>) semaphore(%arg16 : memref<!tpu.dma_semaphore, #tpu.memory_space<semaphore_mem>>)
        %scan3A_95 = arith.constant 0 : i32
        %scan3A_96 = arith.constant 0 : i32
        %scan3A_97 = arith.constant 14 : i32
        %scan3A_98 = arith.addi %scan3A_96, %scan3A_97 : i32
        %scan3A_99 = arith.constant 1 : i32
        %scan3A_100 = scf.for %scan3A_114 = %scan3A_96 to %scan3A_98 step %scan3A_99 iter_args(%scan3A_115 = %scan3A_95) -> (i32)  : i32 {
          %mul3A_116 = arith.constant 2 : i32
          %mul3A_117 = arith.muli %mul3A_116, %scan3A_114 : i32
          %dma_wait3A_118 = arith.constant 0 : i32
          %dma_wait3A_119 = arith.constant 0 : i32
          %dma_wait3A_120 = tpu.memref_slice %arg6[%dma_wait3A_118, %dma_wait3A_119] : memref<10240x64xf32, #tpu.memory_space<hbm>> -> memref<96x64xf32, #tpu.memory_space<hbm>>
          %dma_wait3A_121 = arith.constant 0 : i32
          %dma_wait3A_122 = arith.constant 0 : i32
          %dma_wait3A_123 = tpu.memref_slice %arg6[%dma_wait3A_121, %dma_wait3A_122] : memref<10240x64xf32, #tpu.memory_space<hbm>> -> memref<96x64xf32, #tpu.memory_space<hbm>>
          tpu.wait_dma2 semaphore(%arg15 : memref<!tpu.dma_semaphore, #tpu.memory_space<semaphore_mem>>) src(%dma_wait3A_123 : memref<96x64xf32, #tpu.memory_space<hbm>>) dst(%arg12 : memref<96x64xf32, #tpu.memory_space<vmem>>)
          "tpu.region"() ({
            %run_scoped3A_149 = tpu.sem_alloc : memref<!tpu.dma_semaphore, #tpu.memory_space<semaphore_mem>>
            %dma_start3A_150 = arith.constant 0 : i32
            %dma_start3A_151 = tpu.memref_slice %arg11[%mul3A_117, %dma_start3A_150] : memref<30x96xi32, #tpu.memory_space<vmem>> -> memref<1x96xi32, #tpu.memory_space<vmem>>
            %dma_start3A_152 = tpu.memref_squeeze %dma_start3A_151 : memref<1x96xi32, #tpu.memory_space<vmem>> -> memref<96xi32, #tpu.memory_space<vmem>>
            %dma_start3A_153 = arith.constant 0 : i32
            %dma_start3A_154 = arith.constant 0 : i32
            %dma_start3A_155 = tpu.memref_slice %arg14[%dma_start3A_153, %dma_start3A_154] : memref<10240x64xf32, #tpu.memory_space<vmem_shared>> -> memref<10240x64xf32, #tpu.memory_space<vmem_shared>>
            tpu.enqueue_indirect_dma source(%arg12 : memref<96x64xf32, #tpu.memory_space<vmem>>) target(%dma_start3A_155 : memref<10240x64xf32, #tpu.memory_space<vmem_shared>>) offsets(%dma_start3A_152 : memref<96xi32, #tpu.memory_space<vmem>>) semaphore(%run_scoped3A_149 : memref<!tpu.dma_semaphore, #tpu.memory_space<semaphore_mem>>) {add = true}
            %dma_wait3A_156 = arith.constant 0 : i32
            %dma_wait3A_157 = tpu.memref_slice %arg11[%mul3A_117, %dma_wait3A_156] : memref<30x96xi32, #tpu.memory_space<vmem>> -> memref<1x96xi32, #tpu.memory_space<vmem>>
            %dma_wait3A_158 = tpu.memref_squeeze %dma_wait3A_157 : memref<1x96xi32, #tpu.memory_space<vmem>> -> memref<96xi32, #tpu.memory_space<vmem>>
            %dma_wait3A_159 = arith.constant 0 : i32
            %dma_wait3A_160 = arith.constant 0 : i32
            %dma_wait3A_161 = tpu.memref_slice %arg14[%dma_wait3A_159, %dma_wait3A_160] : memref<10240x64xf32, #tpu.memory_space<vmem_shared>> -> memref<10240x64xf32, #tpu.memory_space<vmem_shared>>
            tpu.wait_indirect_dma semaphore(%run_scoped3A_149 : memref<!tpu.dma_semaphore, #tpu.memory_space<semaphore_mem>>) src(%arg12 : memref<96x64xf32, #tpu.memory_space<vmem>>) dst(%dma_wait3A_161 : memref<10240x64xf32, #tpu.memory_space<vmem_shared>>)
            tpu.yield
          }) : () -> ()
          %add3A_124 = arith.constant 2 : i32
          %add3A_125 = arith.addi %mul3A_117, %add3A_124 : i32
          %dma_start3A_126 = arith.constant 0 : i32
          %dma_start3A_127 = tpu.memref_slice %arg10[%add3A_125, %dma_start3A_126] : memref<30x96xi32, #tpu.memory_space<vmem>> -> memref<1x96xi32, #tpu.memory_space<vmem>>
          %dma_start3A_128 = tpu.memref_squeeze %dma_start3A_127 : memref<1x96xi32, #tpu.memory_space<vmem>> -> memref<96xi32, #tpu.memory_space<vmem>>
          %dma_start3A_129 = arith.constant 0 : i32
          %dma_start3A_130 = arith.constant 0 : i32
          %dma_start3A_131 = tpu.memref_slice %arg6[%dma_start3A_129, %dma_start3A_130] : memref<10240x64xf32, #tpu.memory_space<hbm>> -> memref<10240x64xf32, #tpu.memory_space<hbm>>
          tpu.enqueue_indirect_dma source(%dma_start3A_131 : memref<10240x64xf32, #tpu.memory_space<hbm>>) target(%arg12 : memref<96x64xf32, #tpu.memory_space<vmem>>) offsets(%dma_start3A_128 : memref<96xi32, #tpu.memory_space<vmem>>) semaphore(%arg15 : memref<!tpu.dma_semaphore, #tpu.memory_space<semaphore_mem>>)
          %dma_wait3A_132 = arith.constant 0 : i32
          %dma_wait3A_133 = arith.constant 0 : i32
          %dma_wait3A_134 = tpu.memref_slice %arg6[%dma_wait3A_132, %dma_wait3A_133] : memref<10240x64xf32, #tpu.memory_space<hbm>> -> memref<96x64xf32, #tpu.memory_space<hbm>>
          %dma_wait3A_135 = arith.constant 0 : i32
          %dma_wait3A_136 = arith.constant 0 : i32
          %dma_wait3A_137 = tpu.memref_slice %arg6[%dma_wait3A_135, %dma_wait3A_136] : memref<10240x64xf32, #tpu.memory_space<hbm>> -> memref<96x64xf32, #tpu.memory_space<hbm>>
          tpu.wait_dma2 semaphore(%arg16 : memref<!tpu.dma_semaphore, #tpu.memory_space<semaphore_mem>>) src(%dma_wait3A_137 : memref<96x64xf32, #tpu.memory_space<hbm>>) dst(%arg13 : memref<96x64xf32, #tpu.memory_space<vmem>>)
          %add3A_138 = arith.constant 1 : i32
          %add3A_139 = arith.addi %mul3A_117, %add3A_138 : i32
          "tpu.region"() ({
            %run_scoped3A_149 = tpu.sem_alloc : memref<!tpu.dma_semaphore, #tpu.memory_space<semaphore_mem>>
            %dma_start3A_150 = arith.constant 0 : i32
            %dma_start3A_151 = tpu.memref_slice %arg11[%add3A_139, %dma_start3A_150] : memref<30x96xi32, #tpu.memory_space<vmem>> -> memref<1x96xi32, #tpu.memory_space<vmem>>
            %dma_start3A_152 = tpu.memref_squeeze %dma_start3A_151 : memref<1x96xi32, #tpu.memory_space<vmem>> -> memref<96xi32, #tpu.memory_space<vmem>>
            %dma_start3A_153 = arith.constant 0 : i32
            %dma_start3A_154 = arith.constant 0 : i32
            %dma_start3A_155 = tpu.memref_slice %arg14[%dma_start3A_153, %dma_start3A_154] : memref<10240x64xf32, #tpu.memory_space<vmem_shared>> -> memref<10240x64xf32, #tpu.memory_space<vmem_shared>>
            tpu.enqueue_indirect_dma source(%arg13 : memref<96x64xf32, #tpu.memory_space<vmem>>) target(%dma_start3A_155 : memref<10240x64xf32, #tpu.memory_space<vmem_shared>>) offsets(%dma_start3A_152 : memref<96xi32, #tpu.memory_space<vmem>>) semaphore(%run_scoped3A_149 : memref<!tpu.dma_semaphore, #tpu.memory_space<semaphore_mem>>) {add = true}
            %dma_wait3A_156 = arith.constant 0 : i32
            %dma_wait3A_157 = tpu.memref_slice %arg11[%add3A_139, %dma_wait3A_156] : memref<30x96xi32, #tpu.memory_space<vmem>> -> memref<1x96xi32, #tpu.memory_space<vmem>>
            %dma_wait3A_158 = tpu.memref_squeeze %dma_wait3A_157 : memref<1x96xi32, #tpu.memory_space<vmem>> -> memref<96xi32, #tpu.memory_space<vmem>>
            %dma_wait3A_159 = arith.constant 0 : i32
            %dma_wait3A_160 = arith.constant 0 : i32
            %dma_wait3A_161 = tpu.memref_slice %arg14[%dma_wait3A_159, %dma_wait3A_160] : memref<10240x64xf32, #tpu.memory_space<vmem_shared>> -> memref<10240x64xf32, #tpu.memory_space<vmem_shared>>
            tpu.wait_indirect_dma semaphore(%run_scoped3A_149 : memref<!tpu.dma_semaphore, #tpu.memory_space<semaphore_mem>>) src(%arg13 : memref<96x64xf32, #tpu.memory_space<vmem>>) dst(%dma_wait3A_161 : memref<10240x64xf32, #tpu.memory_space<vmem_shared>>)
            tpu.yield
          }) : () -> ()
          %add3A_140 = arith.constant 3 : i32
          %add3A_141 = arith.addi %mul3A_117, %add3A_140 : i32
          %dma_start3A_142 = arith.constant 0 : i32
          %dma_start3A_143 = tpu.memref_slice %arg10[%add3A_141, %dma_start3A_142] : memref<30x96xi32, #tpu.memory_space<vmem>> -> memref<1x96xi32, #tpu.memory_space<vmem>>
          %dma_start3A_144 = tpu.memref_squeeze %dma_start3A_143 : memref<1x96xi32, #tpu.memory_space<vmem>> -> memref<96xi32, #tpu.memory_space<vmem>>
          %dma_start3A_145 = arith.constant 0 : i32
          %dma_start3A_146 = arith.constant 0 : i32
          %dma_start3A_147 = tpu.memref_slice %arg6[%dma_start3A_145, %dma_start3A_146] : memref<10240x64xf32, #tpu.memory_space<hbm>> -> memref<10240x64xf32, #tpu.memory_space<hbm>>
          tpu.enqueue_indirect_dma source(%dma_start3A_147 : memref<10240x64xf32, #tpu.memory_space<hbm>>) target(%arg13 : memref<96x64xf32, #tpu.memory_space<vmem>>) offsets(%dma_start3A_144 : memref<96xi32, #tpu.memory_space<vmem>>) semaphore(%arg16 : memref<!tpu.dma_semaphore, #tpu.memory_space<semaphore_mem>>)
          %scan3A_148 = arith.constant 0 : i32
          scf.yield %scan3A_148 : i32
        }
        %scan3A_101 = arith.constant 14 : i32
        %dma_wait3A = arith.constant 0 : i32
        %dma_wait3A_102 = arith.constant 0 : i32
        %dma_wait3A_103 = tpu.memref_slice %arg6[%dma_wait3A, %dma_wait3A_102] : memref<10240x64xf32, #tpu.memory_space<hbm>> -> memref<96x64xf32, #tpu.memory_space<hbm>>
        %dma_wait3A_104 = arith.constant 0 : i32
        %dma_wait3A_105 = arith.constant 0 : i32
        %dma_wait3A_106 = tpu.memref_slice %arg6[%dma_wait3A_104, %dma_wait3A_105] : memref<10240x64xf32, #tpu.memory_space<hbm>> -> memref<96x64xf32, #tpu.memory_space<hbm>>
        tpu.wait_dma2 semaphore(%arg15 : memref<!tpu.dma_semaphore, #tpu.memory_space<semaphore_mem>>) src(%dma_wait3A_106 : memref<96x64xf32, #tpu.memory_space<hbm>>) dst(%arg12 : memref<96x64xf32, #tpu.memory_space<vmem>>)
        %run_scoped3A = arith.constant 28 : i32
        "tpu.region"() ({
          %run_scoped3A_114 = tpu.sem_alloc : memref<!tpu.dma_semaphore, #tpu.memory_space<semaphore_mem>>
          %dma_start3A_115 = arith.constant 0 : i32
          %dma_start3A_116 = tpu.memref_slice %arg11[%run_scoped3A, %dma_start3A_115] : memref<30x96xi32, #tpu.memory_space<vmem>> -> memref<1x96xi32, #tpu.memory_space<vmem>>
          %dma_start3A_117 = tpu.memref_squeeze %dma_start3A_116 : memref<1x96xi32, #tpu.memory_space<vmem>> -> memref<96xi32, #tpu.memory_space<vmem>>
          %dma_start3A_118 = arith.constant 0 : i32
          %dma_start3A_119 = arith.constant 0 : i32
          %dma_start3A_120 = tpu.memref_slice %arg14[%dma_start3A_118, %dma_start3A_119] : memref<10240x64xf32, #tpu.memory_space<vmem_shared>> -> memref<10240x64xf32, #tpu.memory_space<vmem_shared>>
          tpu.enqueue_indirect_dma source(%arg12 : memref<96x64xf32, #tpu.memory_space<vmem>>) target(%dma_start3A_120 : memref<10240x64xf32, #tpu.memory_space<vmem_shared>>) offsets(%dma_start3A_117 : memref<96xi32, #tpu.memory_space<vmem>>) semaphore(%run_scoped3A_114 : memref<!tpu.dma_semaphore, #tpu.memory_space<semaphore_mem>>) {add = true}
          %dma_wait3A_121 = arith.constant 0 : i32
          %dma_wait3A_122 = tpu.memref_slice %arg11[%run_scoped3A, %dma_wait3A_121] : memref<30x96xi32, #tpu.memory_space<vmem>> -> memref<1x96xi32, #tpu.memory_space<vmem>>
          %dma_wait3A_123 = tpu.memref_squeeze %dma_wait3A_122 : memref<1x96xi32, #tpu.memory_space<vmem>> -> memref<96xi32, #tpu.memory_space<vmem>>
          %dma_wait3A_124 = arith.constant 0 : i32
          %dma_wait3A_125 = arith.constant 0 : i32
          %dma_wait3A_126 = tpu.memref_slice %arg14[%dma_wait3A_124, %dma_wait3A_125] : memref<10240x64xf32, #tpu.memory_space<vmem_shared>> -> memref<10240x64xf32, #tpu.memory_space<vmem_shared>>
          tpu.wait_indirect_dma semaphore(%run_scoped3A_114 : memref<!tpu.dma_semaphore, #tpu.memory_space<semaphore_mem>>) src(%arg12 : memref<96x64xf32, #tpu.memory_space<vmem>>) dst(%dma_wait3A_126 : memref<10240x64xf32, #tpu.memory_space<vmem_shared>>)
          tpu.yield
        }) : () -> ()
        %dma_wait3A_107 = arith.constant 0 : i32
        %dma_wait3A_108 = arith.constant 0 : i32
        %dma_wait3A_109 = tpu.memref_slice %arg6[%dma_wait3A_107, %dma_wait3A_108] : memref<10240x64xf32, #tpu.memory_space<hbm>> -> memref<96x64xf32, #tpu.memory_space<hbm>>
        %dma_wait3A_110 = arith.constant 0 : i32
        %dma_wait3A_111 = arith.constant 0 : i32
        %dma_wait3A_112 = tpu.memref_slice %arg6[%dma_wait3A_110, %dma_wait3A_111] : memref<10240x64xf32, #tpu.memory_space<hbm>> -> memref<96x64xf32, #tpu.memory_space<hbm>>
        tpu.wait_dma2 semaphore(%arg16 : memref<!tpu.dma_semaphore, #tpu.memory_space<semaphore_mem>>) src(%dma_wait3A_112 : memref<96x64xf32, #tpu.memory_space<hbm>>) dst(%arg13 : memref<96x64xf32, #tpu.memory_space<vmem>>)
        %run_scoped3A_113 = arith.constant 29 : i32
        "tpu.region"() ({
          %run_scoped3A_114 = tpu.sem_alloc : memref<!tpu.dma_semaphore, #tpu.memory_space<semaphore_mem>>
          %dma_start3A_115 = arith.constant 0 : i32
          %dma_start3A_116 = tpu.memref_slice %arg11[%run_scoped3A_113, %dma_start3A_115] : memref<30x96xi32, #tpu.memory_space<vmem>> -> memref<1x96xi32, #tpu.memory_space<vmem>>
          %dma_start3A_117 = tpu.memref_squeeze %dma_start3A_116 : memref<1x96xi32, #tpu.memory_space<vmem>> -> memref<96xi32, #tpu.memory_space<vmem>>
          %dma_start3A_118 = arith.constant 0 : i32
          %dma_start3A_119 = arith.constant 0 : i32
          %dma_start3A_120 = tpu.memref_slice %arg14[%dma_start3A_118, %dma_start3A_119] : memref<10240x64xf32, #tpu.memory_space<vmem_shared>> -> memref<10240x64xf32, #tpu.memory_space<vmem_shared>>
          tpu.enqueue_indirect_dma source(%arg13 : memref<96x64xf32, #tpu.memory_space<vmem>>) target(%dma_start3A_120 : memref<10240x64xf32, #tpu.memory_space<vmem_shared>>) offsets(%dma_start3A_117 : memref<96xi32, #tpu.memory_space<vmem>>) semaphore(%run_scoped3A_114 : memref<!tpu.dma_semaphore, #tpu.memory_space<semaphore_mem>>) {add = true}
          %dma_wait3A_121 = arith.constant 0 : i32
          %dma_wait3A_122 = tpu.memref_slice %arg11[%run_scoped3A_113, %dma_wait3A_121] : memref<30x96xi32, #tpu.memory_space<vmem>> -> memref<1x96xi32, #tpu.memory_space<vmem>>
          %dma_wait3A_123 = tpu.memref_squeeze %dma_wait3A_122 : memref<1x96xi32, #tpu.memory_space<vmem>> -> memref<96xi32, #tpu.memory_space<vmem>>
          %dma_wait3A_124 = arith.constant 0 : i32
          %dma_wait3A_125 = arith.constant 0 : i32
          %dma_wait3A_126 = tpu.memref_slice %arg14[%dma_wait3A_124, %dma_wait3A_125] : memref<10240x64xf32, #tpu.memory_space<vmem_shared>> -> memref<10240x64xf32, #tpu.memory_space<vmem_shared>>
          tpu.wait_indirect_dma semaphore(%run_scoped3A_114 : memref<!tpu.dma_semaphore, #tpu.memory_space<semaphore_mem>>) src(%arg13 : memref<96x64xf32, #tpu.memory_space<vmem>>) dst(%dma_wait3A_126 : memref<10240x64xf32, #tpu.memory_space<vmem_shared>>)
          tpu.yield
        }) : () -> ()
      } else {
      }
      %scan3A_81 = arith.constant 0 : i32
      scf.yield %scan3A_81 : i32
    }
    %scan3A_22 = arith.constant 7 : i32
    %barrier3A_23 = arith.constant 0 : index
    tpu.barrier barrier_id(%barrier3A_23)
    %mul3A_24 = arith.constant 640 : i32
    %mul3A_25 = arith.muli %arg1, %mul3A_24 : i32
    %mul3A_26 = arith.constant 10240 : i32
    %mul3A_27 = arith.muli %arg0, %mul3A_26 : i32
    %mul3A_28 = arith.constant 640 : i32
    %mul3A_29 = arith.muli %arg1, %mul3A_28 : i32
    %add3A_30 = arith.addi %mul3A_27, %mul3A_29 : i32
    "tpu.region"() ({
      %run_scoped3A = tpu.sem_alloc : memref<!tpu.dma_semaphore, #tpu.memory_space<semaphore_mem>>
      %dma_start3A = arith.constant 0 : i32
      %dma_start3A_67 = tpu.memref_slice %arg8[%add3A_30, %dma_start3A] : memref<20480x64xf32, #tpu.memory_space<hbm>> -> memref<640x64xf32, #tpu.memory_space<hbm>>
      %dma_start3A_68 = arith.constant 0 : i32
      %dma_start3A_69 = tpu.memref_slice %arg14[%mul3A_25, %dma_start3A_68] : memref<10240x64xf32, #tpu.memory_space<vmem_shared>> -> memref<640x64xf32, #tpu.memory_space<vmem_shared>>
      tpu.enqueue_dma source(%dma_start3A_69 : memref<640x64xf32, #tpu.memory_space<vmem_shared>>) target(%dma_start3A_67 : memref<640x64xf32, #tpu.memory_space<hbm>>) target_semaphore(%run_scoped3A : memref<!tpu.dma_semaphore, #tpu.memory_space<semaphore_mem>>)
      %dma_wait3A = arith.constant 0 : i32
      %dma_wait3A_70 = tpu.memref_slice %arg8[%add3A_30, %dma_wait3A] : memref<20480x64xf32, #tpu.memory_space<hbm>> -> memref<640x64xf32, #tpu.memory_space<hbm>>
      %dma_wait3A_71 = arith.constant 0 : i32
      %dma_wait3A_72 = tpu.memref_slice %arg14[%mul3A_25, %dma_wait3A_71] : memref<10240x64xf32, #tpu.memory_space<vmem_shared>> -> memref<640x64xf32, #tpu.memory_space<vmem_shared>>
      tpu.wait_dma2 semaphore(%run_scoped3A : memref<!tpu.dma_semaphore, #tpu.memory_space<semaphore_mem>>) src(%dma_wait3A_72 : memref<640x64xf32, #tpu.memory_space<vmem_shared>>) dst(%dma_wait3A_70 : memref<640x64xf32, #tpu.memory_space<hbm>>)
      tpu.yield
    }) : () -> ()
    %barrier3A_31 = arith.constant 0 : index
    tpu.barrier barrier_id(%barrier3A_31)
    %scan3A_32 = arith.constant 0 : i32
    %scan3A_33 = arith.constant 0 : i32
    %scan3A_34 = arith.constant 96 : i32
    %scan3A_35 = arith.addi %scan3A_33, %scan3A_34 : i32
    %scan3A_36 = arith.constant 1 : i32
    %scan3A_37 = scf.for %scan3A_67 = %scan3A_33 to %scan3A_35 step %scan3A_36 iter_args(%scan3A_68 = %scan3A_32) -> (i32)  : i32 {
      %swap3A = arith.index_cast %scan3A_67 : i32 to index
      %swap3A_69 = arith.constant 0 : index
      %swap3A_70 = tpu.vector_load %arg12[%swap3A, %swap3A_69] {strides = array<i32>} : memref<96x64xf32, #tpu.memory_space<vmem>>, vector<16xf32>,
      tpu.vector_store %arg12[%swap3A, %swap3A_69], %broadcast_in_dim3A_0 {strides = array<i32>} : memref<96x64xf32, #tpu.memory_space<vmem>>, vector<16xf32>,
      %swap3A_71 = arith.index_cast %scan3A_67 : i32 to index
      %swap3A_72 = arith.constant 16 : index
      %swap3A_73 = tpu.vector_load %arg12[%swap3A_71, %swap3A_72] {strides = array<i32>} : memref<96x64xf32, #tpu.memory_space<vmem>>, vector<16xf32>,
      tpu.vector_store %arg12[%swap3A_71, %swap3A_72], %broadcast_in_dim3A_0 {strides = array<i32>} : memref<96x64xf32, #tpu.memory_space<vmem>>, vector<16xf32>,
      %swap3A_74 = arith.index_cast %scan3A_67 : i32 to index
      %swap3A_75 = arith.constant 32 : index
      %swap3A_76 = tpu.vector_load %arg12[%swap3A_74, %swap3A_75] {strides = array<i32>} : memref<96x64xf32, #tpu.memory_space<vmem>>, vector<16xf32>,
      tpu.vector_store %arg12[%swap3A_74, %swap3A_75], %broadcast_in_dim3A_0 {strides = array<i32>} : memref<96x64xf32, #tpu.memory_space<vmem>>, vector<16xf32>,
      %swap3A_77 = arith.index_cast %scan3A_67 : i32 to index
      %swap3A_78 = arith.constant 48 : index
      %swap3A_79 = tpu.vector_load %arg12[%swap3A_77, %swap3A_78] {strides = array<i32>} : memref<96x64xf32, #tpu.memory_space<vmem>>, vector<16xf32>,
      tpu.vector_store %arg12[%swap3A_77, %swap3A_78], %broadcast_in_dim3A_0 {strides = array<i32>} : memref<96x64xf32, #tpu.memory_space<vmem>>, vector<16xf32>,
      %scan3A_80 = arith.constant 0 : i32
      scf.yield %scan3A_80 : i32
    }
    %scan3A_38 = arith.constant 96 : i32
    %scan3A_39 = arith.constant 0 : i32
    %scan3A_40 = arith.constant 0 : i32
    %scan3A_41 = arith.constant 6 : i32
    %scan3A_42 = arith.addi %scan3A_40, %scan3A_41 : i32
    %scan3A_43 = arith.constant 1 : i32
    %scan3A_44 = scf.for %scan3A_67 = %scan3A_40 to %scan3A_42 step %scan3A_43 iter_args(%scan3A_68 = %scan3A_39) -> (i32)  : i32 {
      %mul3A_69 = arith.constant 640 : i32
      %mul3A_70 = arith.muli %arg1, %mul3A_69 : i32
      %mul3A_71 = arith.constant 96 : i32
      %mul3A_72 = arith.muli %scan3A_67, %mul3A_71 : i32
      %add3A_73 = arith.addi %mul3A_70, %mul3A_72 : i32
      "tpu.region"() ({
        %run_scoped3A = tpu.sem_alloc : memref<!tpu.dma_semaphore, #tpu.memory_space<semaphore_mem>>
        %dma_start3A = arith.constant 0 : i32
        %dma_start3A_75 = tpu.memref_slice %arg14[%add3A_73, %dma_start3A] : memref<10240x64xf32, #tpu.memory_space<vmem_shared>> -> memref<96x64xf32, #tpu.memory_space<vmem_shared>>
        %dma_start3A_76 = arith.constant 0 : i32
        %dma_start3A_77 = tpu.memref_slice %arg14[%add3A_73, %dma_start3A_76] : memref<10240x64xf32, #tpu.memory_space<vmem_shared>> -> memref<96x64xf32, #tpu.memory_space<vmem_shared>>
        tpu.enqueue_dma source(%arg12 : memref<96x64xf32, #tpu.memory_space<vmem>>) target(%dma_start3A_77 : memref<96x64xf32, #tpu.memory_space<vmem_shared>>) target_semaphore(%run_scoped3A : memref<!tpu.dma_semaphore, #tpu.memory_space<semaphore_mem>>)
        %dma_wait3A = arith.constant 0 : i32
        %dma_wait3A_78 = tpu.memref_slice %arg14[%add3A_73, %dma_wait3A] : memref<10240x64xf32, #tpu.memory_space<vmem_shared>> -> memref<96x64xf32, #tpu.memory_space<vmem_shared>>
        %dma_wait3A_79 = arith.constant 0 : i32
        %dma_wait3A_80 = tpu.memref_slice %arg14[%add3A_73, %dma_wait3A_79] : memref<10240x64xf32, #tpu.memory_space<vmem_shared>> -> memref<96x64xf32, #tpu.memory_space<vmem_shared>>
        tpu.wait_dma2 semaphore(%run_scoped3A : memref<!tpu.dma_semaphore, #tpu.memory_space<semaphore_mem>>) src(%arg12 : memref<96x64xf32, #tpu.memory_space<vmem>>) dst(%dma_wait3A_80 : memref<96x64xf32, #tpu.memory_space<vmem_shared>>)
        tpu.yield
      }) : () -> ()
      %scan3A_74 = arith.constant 0 : i32
      scf.yield %scan3A_74 : i32
    }
    %scan3A_45 = arith.constant 6 : i32
    %mul3A_46 = arith.constant 640 : i32
    %mul3A_47 = arith.muli %arg1, %mul3A_46 : i32
    %add3A_48 = arith.constant 576 : i32
    %add3A_49 = arith.addi %mul3A_47, %add3A_48 : i32
    "tpu.region"() ({
      %run_scoped3A = tpu.sem_alloc : memref<!tpu.dma_semaphore, #tpu.memory_space<semaphore_mem>>
      %dma_start3A = arith.constant 0 : i32
      %dma_start3A_67 = arith.constant 0 : i32
      %dma_start3A_68 = tpu.memref_slice %arg12[%dma_start3A, %dma_start3A_67] : memref<96x64xf32, #tpu.memory_space<vmem>> -> memref<64x64xf32, #tpu.memory_space<vmem>>
      %dma_start3A_69 = arith.constant 0 : i32
      %dma_start3A_70 = tpu.memref_slice %arg14[%add3A_49, %dma_start3A_69] : memref<10240x64xf32, #tpu.memory_space<vmem_shared>> -> memref<64x64xf32, #tpu.memory_space<vmem_shared>>
      %dma_start3A_71 = arith.constant 0 : i32
      %dma_start3A_72 = tpu.memref_slice %arg14[%add3A_49, %dma_start3A_71] : memref<10240x64xf32, #tpu.memory_space<vmem_shared>> -> memref<64x64xf32, #tpu.memory_space<vmem_shared>>
      %dma_start3A_73 = arith.constant 0 : i32
      %dma_start3A_74 = arith.constant 0 : i32
      %dma_start3A_75 = tpu.memref_slice %arg12[%dma_start3A_73, %dma_start3A_74] : memref<96x64xf32, #tpu.memory_space<vmem>> -> memref<64x64xf32, #tpu.memory_space<vmem>>
      tpu.enqueue_dma source(%dma_start3A_75 : memref<64x64xf32, #tpu.memory_space<vmem>>) target(%dma_start3A_72 : memref<64x64xf32, #tpu.memory_space<vmem_shared>>) target_semaphore(%run_scoped3A : memref<!tpu.dma_semaphore, #tpu.memory_space<semaphore_mem>>)
      %dma_wait3A = arith.constant 0 : i32
      %dma_wait3A_76 = arith.constant 0 : i32
      %dma_wait3A_77 = tpu.memref_slice %arg12[%dma_wait3A, %dma_wait3A_76] : memref<96x64xf32, #tpu.memory_space<vmem>> -> memref<64x64xf32, #tpu.memory_space<vmem>>
      %dma_wait3A_78 = arith.constant 0 : i32
      %dma_wait3A_79 = tpu.memref_slice %arg14[%add3A_49, %dma_wait3A_78] : memref<10240x64xf32, #tpu.memory_space<vmem_shared>> -> memref<64x64xf32, #tpu.memory_space<vmem_shared>>
      %dma_wait3A_80 = arith.constant 0 : i32
      %dma_wait3A_81 = tpu.memref_slice %arg14[%add3A_49, %dma_wait3A_80] : memref<10240x64xf32, #tpu.memory_space<vmem_shared>> -> memref<64x64xf32, #tpu.memory_space<vmem_shared>>
      %dma_wait3A_82 = arith.constant 0 : i32
      %dma_wait3A_83 = arith.constant 0 : i32
      %dma_wait3A_84 = tpu.memref_slice %arg12[%dma_wait3A_82, %dma_wait3A_83] : memref<96x64xf32, #tpu.memory_space<vmem>> -> memref<64x64xf32, #tpu.memory_space<vmem>>
      tpu.wait_dma2 semaphore(%run_scoped3A : memref<!tpu.dma_semaphore, #tpu.memory_space<semaphore_mem>>) src(%dma_wait3A_84 : memref<64x64xf32, #tpu.memory_space<vmem>>) dst(%dma_wait3A_81 : memref<64x64xf32, #tpu.memory_space<vmem_shared>>)
      tpu.yield
    }) : () -> ()
    %barrier3A_50 = arith.constant 0 : index
    tpu.barrier barrier_id(%barrier3A_50)
    %scan3A_51 = arith.constant 0 : i32
    %scan3A_52 = arith.constant 0 : i32
    %scan3A_53 = arith.constant 7 : i32
    %scan3A_54 = arith.addi %scan3A_52, %scan3A_53 : i32
    %scan3A_55 = arith.constant 1 : i32
    %scan3A_56 = scf.for %scan3A_67 = %scan3A_52 to %scan3A_54 step %scan3A_55 iter_args(%scan3A_68 = %scan3A_51) -> (i32)  : i32 {
      %mul3A_69 = arith.constant 210 : i32
      %mul3A_70 = arith.muli %arg1, %mul3A_69 : i32
      %mul3A_71 = arith.constant 30 : i32
      %mul3A_72 = arith.muli %scan3A_67, %mul3A_71 : i32
      %add3A_73 = arith.addi %mul3A_70, %mul3A_72 : i32
      "tpu.region"() ({
        %run_scoped3A = tpu.sem_alloc : memref<!tpu.dma_semaphore, #tpu.memory_space<semaphore_mem>>
        %dma_start3A = arith.constant 0 : i32
        %dma_start3A_82 = tpu.memref_slice %arg2[%add3A_73, %dma_start3A] : memref<3360x96xi32, #tpu.memory_space<hbm>> -> memref<30x96xi32, #tpu.memory_space<hbm>>
        %dma_start3A_83 = arith.constant 0 : i32
        %dma_start3A_84 = tpu.memref_slice %arg2[%add3A_73, %dma_start3A_83] : memref<3360x96xi32, #tpu.memory_space<hbm>> -> memref<30x96xi32, #tpu.memory_space<hbm>>
        tpu.enqueue_dma source(%dma_start3A_84 : memref<30x96xi32, #tpu.memory_space<hbm>>) target(%arg10 : memref<30x96xi32, #tpu.memory_space<vmem>>) target_semaphore(%run_scoped3A : memref<!tpu.dma_semaphore, #tpu.memory_space<semaphore_mem>>)
        %dma_wait3A = arith.constant 0 : i32
        %dma_wait3A_85 = tpu.memref_slice %arg2[%add3A_73, %dma_wait3A] : memref<3360x96xi32, #tpu.memory_space<hbm>> -> memref<30x96xi32, #tpu.memory_space<hbm>>
        %dma_wait3A_86 = arith.constant 0 : i32
        %dma_wait3A_87 = tpu.memref_slice %arg2[%add3A_73, %dma_wait3A_86] : memref<3360x96xi32, #tpu.memory_space<hbm>> -> memref<30x96xi32, #tpu.memory_space<hbm>>
        tpu.wait_dma2 semaphore(%run_scoped3A : memref<!tpu.dma_semaphore, #tpu.memory_space<semaphore_mem>>) src(%dma_wait3A_87 : memref<30x96xi32, #tpu.memory_space<hbm>>) dst(%arg10 : memref<30x96xi32, #tpu.memory_space<vmem>>)
        tpu.yield
      }) : () -> ()
      "tpu.region"() ({
        %run_scoped3A = tpu.sem_alloc : memref<!tpu.dma_semaphore, #tpu.memory_space<semaphore_mem>>
        %dma_start3A = arith.constant 0 : i32
        %dma_start3A_82 = tpu.memref_slice %arg3[%add3A_73, %dma_start3A] : memref<3360x96xi32, #tpu.memory_space<hbm>> -> memref<30x96xi32, #tpu.memory_space<hbm>>
        %dma_start3A_83 = arith.constant 0 : i32
        %dma_start3A_84 = tpu.memref_slice %arg3[%add3A_73, %dma_start3A_83] : memref<3360x96xi32, #tpu.memory_space<hbm>> -> memref<30x96xi32, #tpu.memory_space<hbm>>
        tpu.enqueue_dma source(%dma_start3A_84 : memref<30x96xi32, #tpu.memory_space<hbm>>) target(%arg11 : memref<30x96xi32, #tpu.memory_space<vmem>>) target_semaphore(%run_scoped3A : memref<!tpu.dma_semaphore, #tpu.memory_space<semaphore_mem>>)
        %dma_wait3A = arith.constant 0 : i32
        %dma_wait3A_85 = tpu.memref_slice %arg3[%add3A_73, %dma_wait3A] : memref<3360x96xi32, #tpu.memory_space<hbm>> -> memref<30x96xi32, #tpu.memory_space<hbm>>
        %dma_wait3A_86 = arith.constant 0 : i32
        %dma_wait3A_87 = tpu.memref_slice %arg3[%add3A_73, %dma_wait3A_86] : memref<3360x96xi32, #tpu.memory_space<hbm>> -> memref<30x96xi32, #tpu.memory_space<hbm>>
        tpu.wait_dma2 semaphore(%run_scoped3A : memref<!tpu.dma_semaphore, #tpu.memory_space<semaphore_mem>>) src(%dma_wait3A_87 : memref<30x96xi32, #tpu.memory_space<hbm>>) dst(%arg11 : memref<30x96xi32, #tpu.memory_space<vmem>>)
        tpu.yield
      }) : () -> ()
      %eq3A = arith.constant 0 : i32
      %eq3A_74 = arith.cmpi eq, %arg0, %eq3A : i32
      %convert_element_type3A = arith.extui %eq3A_74 : i1 to i32
      %cond3A = arith.constant 0 : i32
      %cond3A_75 = arith.cmpi ne, %convert_element_type3A, %cond3A : i32
      scf.if %cond3A_75 {
        %dma_start3A = arith.constant 0 : i32
        %dma_start3A_82 = arith.constant 0 : i32
        %dma_start3A_83 = tpu.memref_slice %arg10[%dma_start3A, %dma_start3A_82] : memref<30x96xi32, #tpu.memory_space<vmem>> -> memref<1x96xi32, #tpu.memory_space<vmem>>
        %dma_start3A_84 = tpu.memref_squeeze %dma_start3A_83 : memref<1x96xi32, #tpu.memory_space<vmem>> -> memref<96xi32, #tpu.memory_space<vmem>>
        %dma_start3A_85 = arith.constant 0 : i32
        %dma_start3A_86 = arith.constant 0 : i32
        %dma_start3A_87 = tpu.memref_slice %arg5[%dma_start3A_85, %dma_start3A_86] : memref<10240x64xf32, #tpu.memory_space<hbm>> -> memref<10240x64xf32, #tpu.memory_space<hbm>>
        tpu.enqueue_indirect_dma source(%dma_start3A_87 : memref<10240x64xf32, #tpu.memory_space<hbm>>) target(%arg12 : memref<96x64xf32, #tpu.memory_space<vmem>>) offsets(%dma_start3A_84 : memref<96xi32, #tpu.memory_space<vmem>>) semaphore(%arg15 : memref<!tpu.dma_semaphore, #tpu.memory_space<semaphore_mem>>)
        %dma_start3A_88 = arith.constant 1 : i32
        %dma_start3A_89 = arith.constant 0 : i32
        %dma_start3A_90 = tpu.memref_slice %arg10[%dma_start3A_88, %dma_start3A_89] : memref<30x96xi32, #tpu.memory_space<vmem>> -> memref<1x96xi32, #tpu.memory_space<vmem>>
        %dma_start3A_91 = tpu.memref_squeeze %dma_start3A_90 : memref<1x96xi32, #tpu.memory_space<vmem>> -> memref<96xi32, #tpu.memory_space<vmem>>
        %dma_start3A_92 = arith.constant 0 : i32
        %dma_start3A_93 = arith.constant 0 : i32
        %dma_start3A_94 = tpu.memref_slice %arg5[%dma_start3A_92, %dma_start3A_93] : memref<10240x64xf32, #tpu.memory_space<hbm>> -> memref<10240x64xf32, #tpu.memory_space<hbm>>
        tpu.enqueue_indirect_dma source(%dma_start3A_94 : memref<10240x64xf32, #tpu.memory_space<hbm>>) target(%arg13 : memref<96x64xf32, #tpu.memory_space<vmem>>) offsets(%dma_start3A_91 : memref<96xi32, #tpu.memory_space<vmem>>) semaphore(%arg16 : memref<!tpu.dma_semaphore, #tpu.memory_space<semaphore_mem>>)
        %scan3A_95 = arith.constant 0 : i32
        %scan3A_96 = arith.constant 0 : i32
        %scan3A_97 = arith.constant 14 : i32
        %scan3A_98 = arith.addi %scan3A_96, %scan3A_97 : i32
        %scan3A_99 = arith.constant 1 : i32
        %scan3A_100 = scf.for %scan3A_114 = %scan3A_96 to %scan3A_98 step %scan3A_99 iter_args(%scan3A_115 = %scan3A_95) -> (i32)  : i32 {
          %mul3A_116 = arith.constant 2 : i32
          %mul3A_117 = arith.muli %mul3A_116, %scan3A_114 : i32
          %dma_wait3A_118 = arith.constant 0 : i32
          %dma_wait3A_119 = arith.constant 0 : i32
          %dma_wait3A_120 = tpu.memref_slice %arg5[%dma_wait3A_118, %dma_wait3A_119] : memref<10240x64xf32, #tpu.memory_space<hbm>> -> memref<96x64xf32, #tpu.memory_space<hbm>>
          %dma_wait3A_121 = arith.constant 0 : i32
          %dma_wait3A_122 = arith.constant 0 : i32
          %dma_wait3A_123 = tpu.memref_slice %arg5[%dma_wait3A_121, %dma_wait3A_122] : memref<10240x64xf32, #tpu.memory_space<hbm>> -> memref<96x64xf32, #tpu.memory_space<hbm>>
          tpu.wait_dma2 semaphore(%arg15 : memref<!tpu.dma_semaphore, #tpu.memory_space<semaphore_mem>>) src(%dma_wait3A_123 : memref<96x64xf32, #tpu.memory_space<hbm>>) dst(%arg12 : memref<96x64xf32, #tpu.memory_space<vmem>>)
          "tpu.region"() ({
            %run_scoped3A_149 = tpu.sem_alloc : memref<!tpu.dma_semaphore, #tpu.memory_space<semaphore_mem>>
            %dma_start3A_150 = arith.constant 0 : i32
            %dma_start3A_151 = tpu.memref_slice %arg11[%mul3A_117, %dma_start3A_150] : memref<30x96xi32, #tpu.memory_space<vmem>> -> memref<1x96xi32, #tpu.memory_space<vmem>>
            %dma_start3A_152 = tpu.memref_squeeze %dma_start3A_151 : memref<1x96xi32, #tpu.memory_space<vmem>> -> memref<96xi32, #tpu.memory_space<vmem>>
            %dma_start3A_153 = arith.constant 0 : i32
            %dma_start3A_154 = arith.constant 0 : i32
            %dma_start3A_155 = tpu.memref_slice %arg14[%dma_start3A_153, %dma_start3A_154] : memref<10240x64xf32, #tpu.memory_space<vmem_shared>> -> memref<10240x64xf32, #tpu.memory_space<vmem_shared>>
            tpu.enqueue_indirect_dma source(%arg12 : memref<96x64xf32, #tpu.memory_space<vmem>>) target(%dma_start3A_155 : memref<10240x64xf32, #tpu.memory_space<vmem_shared>>) offsets(%dma_start3A_152 : memref<96xi32, #tpu.memory_space<vmem>>) semaphore(%run_scoped3A_149 : memref<!tpu.dma_semaphore, #tpu.memory_space<semaphore_mem>>) {add = true}
            %dma_wait3A_156 = arith.constant 0 : i32
            %dma_wait3A_157 = tpu.memref_slice %arg11[%mul3A_117, %dma_wait3A_156] : memref<30x96xi32, #tpu.memory_space<vmem>> -> memref<1x96xi32, #tpu.memory_space<vmem>>
            %dma_wait3A_158 = tpu.memref_squeeze %dma_wait3A_157 : memref<1x96xi32, #tpu.memory_space<vmem>> -> memref<96xi32, #tpu.memory_space<vmem>>
            %dma_wait3A_159 = arith.constant 0 : i32
            %dma_wait3A_160 = arith.constant 0 : i32
            %dma_wait3A_161 = tpu.memref_slice %arg14[%dma_wait3A_159, %dma_wait3A_160] : memref<10240x64xf32, #tpu.memory_space<vmem_shared>> -> memref<10240x64xf32, #tpu.memory_space<vmem_shared>>
            tpu.wait_indirect_dma semaphore(%run_scoped3A_149 : memref<!tpu.dma_semaphore, #tpu.memory_space<semaphore_mem>>) src(%arg12 : memref<96x64xf32, #tpu.memory_space<vmem>>) dst(%dma_wait3A_161 : memref<10240x64xf32, #tpu.memory_space<vmem_shared>>)
            tpu.yield
          }) : () -> ()
          %add3A_124 = arith.constant 2 : i32
          %add3A_125 = arith.addi %mul3A_117, %add3A_124 : i32
          %dma_start3A_126 = arith.constant 0 : i32
          %dma_start3A_127 = tpu.memref_slice %arg10[%add3A_125, %dma_start3A_126] : memref<30x96xi32, #tpu.memory_space<vmem>> -> memref<1x96xi32, #tpu.memory_space<vmem>>
          %dma_start3A_128 = tpu.memref_squeeze %dma_start3A_127 : memref<1x96xi32, #tpu.memory_space<vmem>> -> memref<96xi32, #tpu.memory_space<vmem>>
          %dma_start3A_129 = arith.constant 0 : i32
          %dma_start3A_130 = arith.constant 0 : i32
          %dma_start3A_131 = tpu.memref_slice %arg5[%dma_start3A_129, %dma_start3A_130] : memref<10240x64xf32, #tpu.memory_space<hbm>> -> memref<10240x64xf32, #tpu.memory_space<hbm>>
          tpu.enqueue_indirect_dma source(%dma_start3A_131 : memref<10240x64xf32, #tpu.memory_space<hbm>>) target(%arg12 : memref<96x64xf32, #tpu.memory_space<vmem>>) offsets(%dma_start3A_128 : memref<96xi32, #tpu.memory_space<vmem>>) semaphore(%arg15 : memref<!tpu.dma_semaphore, #tpu.memory_space<semaphore_mem>>)
          %dma_wait3A_132 = arith.constant 0 : i32
          %dma_wait3A_133 = arith.constant 0 : i32
          %dma_wait3A_134 = tpu.memref_slice %arg5[%dma_wait3A_132, %dma_wait3A_133] : memref<10240x64xf32, #tpu.memory_space<hbm>> -> memref<96x64xf32, #tpu.memory_space<hbm>>
          %dma_wait3A_135 = arith.constant 0 : i32
          %dma_wait3A_136 = arith.constant 0 : i32
          %dma_wait3A_137 = tpu.memref_slice %arg5[%dma_wait3A_135, %dma_wait3A_136] : memref<10240x64xf32, #tpu.memory_space<hbm>> -> memref<96x64xf32, #tpu.memory_space<hbm>>
          tpu.wait_dma2 semaphore(%arg16 : memref<!tpu.dma_semaphore, #tpu.memory_space<semaphore_mem>>) src(%dma_wait3A_137 : memref<96x64xf32, #tpu.memory_space<hbm>>) dst(%arg13 : memref<96x64xf32, #tpu.memory_space<vmem>>)
          %add3A_138 = arith.constant 1 : i32
          %add3A_139 = arith.addi %mul3A_117, %add3A_138 : i32
          "tpu.region"() ({
            %run_scoped3A_149 = tpu.sem_alloc : memref<!tpu.dma_semaphore, #tpu.memory_space<semaphore_mem>>
            %dma_start3A_150 = arith.constant 0 : i32
            %dma_start3A_151 = tpu.memref_slice %arg11[%add3A_139, %dma_start3A_150] : memref<30x96xi32, #tpu.memory_space<vmem>> -> memref<1x96xi32, #tpu.memory_space<vmem>>
            %dma_start3A_152 = tpu.memref_squeeze %dma_start3A_151 : memref<1x96xi32, #tpu.memory_space<vmem>> -> memref<96xi32, #tpu.memory_space<vmem>>
            %dma_start3A_153 = arith.constant 0 : i32
            %dma_start3A_154 = arith.constant 0 : i32
            %dma_start3A_155 = tpu.memref_slice %arg14[%dma_start3A_153, %dma_start3A_154] : memref<10240x64xf32, #tpu.memory_space<vmem_shared>> -> memref<10240x64xf32, #tpu.memory_space<vmem_shared>>
            tpu.enqueue_indirect_dma source(%arg13 : memref<96x64xf32, #tpu.memory_space<vmem>>) target(%dma_start3A_155 : memref<10240x64xf32, #tpu.memory_space<vmem_shared>>) offsets(%dma_start3A_152 : memref<96xi32, #tpu.memory_space<vmem>>) semaphore(%run_scoped3A_149 : memref<!tpu.dma_semaphore, #tpu.memory_space<semaphore_mem>>) {add = true}
            %dma_wait3A_156 = arith.constant 0 : i32
            %dma_wait3A_157 = tpu.memref_slice %arg11[%add3A_139, %dma_wait3A_156] : memref<30x96xi32, #tpu.memory_space<vmem>> -> memref<1x96xi32, #tpu.memory_space<vmem>>
            %dma_wait3A_158 = tpu.memref_squeeze %dma_wait3A_157 : memref<1x96xi32, #tpu.memory_space<vmem>> -> memref<96xi32, #tpu.memory_space<vmem>>
            %dma_wait3A_159 = arith.constant 0 : i32
            %dma_wait3A_160 = arith.constant 0 : i32
            %dma_wait3A_161 = tpu.memref_slice %arg14[%dma_wait3A_159, %dma_wait3A_160] : memref<10240x64xf32, #tpu.memory_space<vmem_shared>> -> memref<10240x64xf32, #tpu.memory_space<vmem_shared>>
            tpu.wait_indirect_dma semaphore(%run_scoped3A_149 : memref<!tpu.dma_semaphore, #tpu.memory_space<semaphore_mem>>) src(%arg13 : memref<96x64xf32, #tpu.memory_space<vmem>>) dst(%dma_wait3A_161 : memref<10240x64xf32, #tpu.memory_space<vmem_shared>>)
            tpu.yield
          }) : () -> ()
          %add3A_140 = arith.constant 3 : i32
          %add3A_141 = arith.addi %mul3A_117, %add3A_140 : i32
          %dma_start3A_142 = arith.constant 0 : i32
          %dma_start3A_143 = tpu.memref_slice %arg10[%add3A_141, %dma_start3A_142] : memref<30x96xi32, #tpu.memory_space<vmem>> -> memref<1x96xi32, #tpu.memory_space<vmem>>
          %dma_start3A_144 = tpu.memref_squeeze %dma_start3A_143 : memref<1x96xi32, #tpu.memory_space<vmem>> -> memref<96xi32, #tpu.memory_space<vmem>>
          %dma_start3A_145 = arith.constant 0 : i32
          %dma_start3A_146 = arith.constant 0 : i32
          %dma_start3A_147 = tpu.memref_slice %arg5[%dma_start3A_145, %dma_start3A_146] : memref<10240x64xf32, #tpu.memory_space<hbm>> -> memref<10240x64xf32, #tpu.memory_space<hbm>>
          tpu.enqueue_indirect_dma source(%dma_start3A_147 : memref<10240x64xf32, #tpu.memory_space<hbm>>) target(%arg13 : memref<96x64xf32, #tpu.memory_space<vmem>>) offsets(%dma_start3A_144 : memref<96xi32, #tpu.memory_space<vmem>>) semaphore(%arg16 : memref<!tpu.dma_semaphore, #tpu.memory_space<semaphore_mem>>)
          %scan3A_148 = arith.constant 0 : i32
          scf.yield %scan3A_148 : i32
        }
        %scan3A_101 = arith.constant 14 : i32
        %dma_wait3A = arith.constant 0 : i32
        %dma_wait3A_102 = arith.constant 0 : i32
        %dma_wait3A_103 = tpu.memref_slice %arg5[%dma_wait3A, %dma_wait3A_102] : memref<10240x64xf32, #tpu.memory_space<hbm>> -> memref<96x64xf32, #tpu.memory_space<hbm>>
        %dma_wait3A_104 = arith.constant 0 : i32
        %dma_wait3A_105 = arith.constant 0 : i32
        %dma_wait3A_106 = tpu.memref_slice %arg5[%dma_wait3A_104, %dma_wait3A_105] : memref<10240x64xf32, #tpu.memory_space<hbm>> -> memref<96x64xf32, #tpu.memory_space<hbm>>
        tpu.wait_dma2 semaphore(%arg15 : memref<!tpu.dma_semaphore, #tpu.memory_space<semaphore_mem>>) src(%dma_wait3A_106 : memref<96x64xf32, #tpu.memory_space<hbm>>) dst(%arg12 : memref<96x64xf32, #tpu.memory_space<vmem>>)
        %run_scoped3A = arith.constant 28 : i32
        "tpu.region"() ({
          %run_scoped3A_114 = tpu.sem_alloc : memref<!tpu.dma_semaphore, #tpu.memory_space<semaphore_mem>>
          %dma_start3A_115 = arith.constant 0 : i32
          %dma_start3A_116 = tpu.memref_slice %arg11[%run_scoped3A, %dma_start3A_115] : memref<30x96xi32, #tpu.memory_space<vmem>> -> memref<1x96xi32, #tpu.memory_space<vmem>>
          %dma_start3A_117 = tpu.memref_squeeze %dma_start3A_116 : memref<1x96xi32, #tpu.memory_space<vmem>> -> memref<96xi32, #tpu.memory_space<vmem>>
          %dma_start3A_118 = arith.constant 0 : i32
          %dma_start3A_119 = arith.constant 0 : i32
          %dma_start3A_120 = tpu.memref_slice %arg14[%dma_start3A_118, %dma_start3A_119] : memref<10240x64xf32, #tpu.memory_space<vmem_shared>> -> memref<10240x64xf32, #tpu.memory_space<vmem_shared>>
          tpu.enqueue_indirect_dma source(%arg12 : memref<96x64xf32, #tpu.memory_space<vmem>>) target(%dma_start3A_120 : memref<10240x64xf32, #tpu.memory_space<vmem_shared>>) offsets(%dma_start3A_117 : memref<96xi32, #tpu.memory_space<vmem>>) semaphore(%run_scoped3A_114 : memref<!tpu.dma_semaphore, #tpu.memory_space<semaphore_mem>>) {add = true}
          %dma_wait3A_121 = arith.constant 0 : i32
          %dma_wait3A_122 = tpu.memref_slice %arg11[%run_scoped3A, %dma_wait3A_121] : memref<30x96xi32, #tpu.memory_space<vmem>> -> memref<1x96xi32, #tpu.memory_space<vmem>>
          %dma_wait3A_123 = tpu.memref_squeeze %dma_wait3A_122 : memref<1x96xi32, #tpu.memory_space<vmem>> -> memref<96xi32, #tpu.memory_space<vmem>>
          %dma_wait3A_124 = arith.constant 0 : i32
          %dma_wait3A_125 = arith.constant 0 : i32
          %dma_wait3A_126 = tpu.memref_slice %arg14[%dma_wait3A_124, %dma_wait3A_125] : memref<10240x64xf32, #tpu.memory_space<vmem_shared>> -> memref<10240x64xf32, #tpu.memory_space<vmem_shared>>
          tpu.wait_indirect_dma semaphore(%run_scoped3A_114 : memref<!tpu.dma_semaphore, #tpu.memory_space<semaphore_mem>>) src(%arg12 : memref<96x64xf32, #tpu.memory_space<vmem>>) dst(%dma_wait3A_126 : memref<10240x64xf32, #tpu.memory_space<vmem_shared>>)
          tpu.yield
        }) : () -> ()
        %dma_wait3A_107 = arith.constant 0 : i32
        %dma_wait3A_108 = arith.constant 0 : i32
        %dma_wait3A_109 = tpu.memref_slice %arg5[%dma_wait3A_107, %dma_wait3A_108] : memref<10240x64xf32, #tpu.memory_space<hbm>> -> memref<96x64xf32, #tpu.memory_space<hbm>>
        %dma_wait3A_110 = arith.constant 0 : i32
        %dma_wait3A_111 = arith.constant 0 : i32
        %dma_wait3A_112 = tpu.memref_slice %arg5[%dma_wait3A_110, %dma_wait3A_111] : memref<10240x64xf32, #tpu.memory_space<hbm>> -> memref<96x64xf32, #tpu.memory_space<hbm>>
        tpu.wait_dma2 semaphore(%arg16 : memref<!tpu.dma_semaphore, #tpu.memory_space<semaphore_mem>>) src(%dma_wait3A_112 : memref<96x64xf32, #tpu.memory_space<hbm>>) dst(%arg13 : memref<96x64xf32, #tpu.memory_space<vmem>>)
        %run_scoped3A_113 = arith.constant 29 : i32
        "tpu.region"() ({
          %run_scoped3A_114 = tpu.sem_alloc : memref<!tpu.dma_semaphore, #tpu.memory_space<semaphore_mem>>
          %dma_start3A_115 = arith.constant 0 : i32
          %dma_start3A_116 = tpu.memref_slice %arg11[%run_scoped3A_113, %dma_start3A_115] : memref<30x96xi32, #tpu.memory_space<vmem>> -> memref<1x96xi32, #tpu.memory_space<vmem>>
          %dma_start3A_117 = tpu.memref_squeeze %dma_start3A_116 : memref<1x96xi32, #tpu.memory_space<vmem>> -> memref<96xi32, #tpu.memory_space<vmem>>
          %dma_start3A_118 = arith.constant 0 : i32
          %dma_start3A_119 = arith.constant 0 : i32
          %dma_start3A_120 = tpu.memref_slice %arg14[%dma_start3A_118, %dma_start3A_119] : memref<10240x64xf32, #tpu.memory_space<vmem_shared>> -> memref<10240x64xf32, #tpu.memory_space<vmem_shared>>
          tpu.enqueue_indirect_dma source(%arg13 : memref<96x64xf32, #tpu.memory_space<vmem>>) target(%dma_start3A_120 : memref<10240x64xf32, #tpu.memory_space<vmem_shared>>) offsets(%dma_start3A_117 : memref<96xi32, #tpu.memory_space<vmem>>) semaphore(%run_scoped3A_114 : memref<!tpu.dma_semaphore, #tpu.memory_space<semaphore_mem>>) {add = true}
          %dma_wait3A_121 = arith.constant 0 : i32
          %dma_wait3A_122 = tpu.memref_slice %arg11[%run_scoped3A_113, %dma_wait3A_121] : memref<30x96xi32, #tpu.memory_space<vmem>> -> memref<1x96xi32, #tpu.memory_space<vmem>>
          %dma_wait3A_123 = tpu.memref_squeeze %dma_wait3A_122 : memref<1x96xi32, #tpu.memory_space<vmem>> -> memref<96xi32, #tpu.memory_space<vmem>>
          %dma_wait3A_124 = arith.constant 0 : i32
          %dma_wait3A_125 = arith.constant 0 : i32
          %dma_wait3A_126 = tpu.memref_slice %arg14[%dma_wait3A_124, %dma_wait3A_125] : memref<10240x64xf32, #tpu.memory_space<vmem_shared>> -> memref<10240x64xf32, #tpu.memory_space<vmem_shared>>
          tpu.wait_indirect_dma semaphore(%run_scoped3A_114 : memref<!tpu.dma_semaphore, #tpu.memory_space<semaphore_mem>>) src(%arg13 : memref<96x64xf32, #tpu.memory_space<vmem>>) dst(%dma_wait3A_126 : memref<10240x64xf32, #tpu.memory_space<vmem_shared>>)
          tpu.yield
        }) : () -> ()
      } else {
      }
      %eq3A_76 = arith.constant 1 : i32
      %eq3A_77 = arith.cmpi eq, %arg0, %eq3A_76 : i32
      %convert_element_type3A_78 = arith.extui %eq3A_77 : i1 to i32
      %cond3A_79 = arith.constant 0 : i32
      %cond3A_80 = arith.cmpi ne, %convert_element_type3A_78, %cond3A_79 : i32
      scf.if %cond3A_80 {
        %dma_start3A = arith.constant 0 : i32
        %dma_start3A_82 = arith.constant 0 : i32
        %dma_start3A_83 = tpu.memref_slice %arg10[%dma_start3A, %dma_start3A_82] : memref<30x96xi32, #tpu.memory_space<vmem>> -> memref<1x96xi32, #tpu.memory_space<vmem>>
        %dma_start3A_84 = tpu.memref_squeeze %dma_start3A_83 : memref<1x96xi32, #tpu.memory_space<vmem>> -> memref<96xi32, #tpu.memory_space<vmem>>
        %dma_start3A_85 = arith.constant 0 : i32
        %dma_start3A_86 = arith.constant 0 : i32
        %dma_start3A_87 = tpu.memref_slice %arg7[%dma_start3A_85, %dma_start3A_86] : memref<10240x64xf32, #tpu.memory_space<hbm>> -> memref<10240x64xf32, #tpu.memory_space<hbm>>
        tpu.enqueue_indirect_dma source(%dma_start3A_87 : memref<10240x64xf32, #tpu.memory_space<hbm>>) target(%arg12 : memref<96x64xf32, #tpu.memory_space<vmem>>) offsets(%dma_start3A_84 : memref<96xi32, #tpu.memory_space<vmem>>) semaphore(%arg15 : memref<!tpu.dma_semaphore, #tpu.memory_space<semaphore_mem>>)
        %dma_start3A_88 = arith.constant 1 : i32
        %dma_start3A_89 = arith.constant 0 : i32
        %dma_start3A_90 = tpu.memref_slice %arg10[%dma_start3A_88, %dma_start3A_89] : memref<30x96xi32, #tpu.memory_space<vmem>> -> memref<1x96xi32, #tpu.memory_space<vmem>>
        %dma_start3A_91 = tpu.memref_squeeze %dma_start3A_90 : memref<1x96xi32, #tpu.memory_space<vmem>> -> memref<96xi32, #tpu.memory_space<vmem>>
        %dma_start3A_92 = arith.constant 0 : i32
        %dma_start3A_93 = arith.constant 0 : i32
        %dma_start3A_94 = tpu.memref_slice %arg7[%dma_start3A_92, %dma_start3A_93] : memref<10240x64xf32, #tpu.memory_space<hbm>> -> memref<10240x64xf32, #tpu.memory_space<hbm>>
        tpu.enqueue_indirect_dma source(%dma_start3A_94 : memref<10240x64xf32, #tpu.memory_space<hbm>>) target(%arg13 : memref<96x64xf32, #tpu.memory_space<vmem>>) offsets(%dma_start3A_91 : memref<96xi32, #tpu.memory_space<vmem>>) semaphore(%arg16 : memref<!tpu.dma_semaphore, #tpu.memory_space<semaphore_mem>>)
        %scan3A_95 = arith.constant 0 : i32
        %scan3A_96 = arith.constant 0 : i32
        %scan3A_97 = arith.constant 14 : i32
        %scan3A_98 = arith.addi %scan3A_96, %scan3A_97 : i32
        %scan3A_99 = arith.constant 1 : i32
        %scan3A_100 = scf.for %scan3A_114 = %scan3A_96 to %scan3A_98 step %scan3A_99 iter_args(%scan3A_115 = %scan3A_95) -> (i32)  : i32 {
          %mul3A_116 = arith.constant 2 : i32
          %mul3A_117 = arith.muli %mul3A_116, %scan3A_114 : i32
          %dma_wait3A_118 = arith.constant 0 : i32
          %dma_wait3A_119 = arith.constant 0 : i32
          %dma_wait3A_120 = tpu.memref_slice %arg7[%dma_wait3A_118, %dma_wait3A_119] : memref<10240x64xf32, #tpu.memory_space<hbm>> -> memref<96x64xf32, #tpu.memory_space<hbm>>
          %dma_wait3A_121 = arith.constant 0 : i32
          %dma_wait3A_122 = arith.constant 0 : i32
          %dma_wait3A_123 = tpu.memref_slice %arg7[%dma_wait3A_121, %dma_wait3A_122] : memref<10240x64xf32, #tpu.memory_space<hbm>> -> memref<96x64xf32, #tpu.memory_space<hbm>>
          tpu.wait_dma2 semaphore(%arg15 : memref<!tpu.dma_semaphore, #tpu.memory_space<semaphore_mem>>) src(%dma_wait3A_123 : memref<96x64xf32, #tpu.memory_space<hbm>>) dst(%arg12 : memref<96x64xf32, #tpu.memory_space<vmem>>)
          "tpu.region"() ({
            %run_scoped3A_149 = tpu.sem_alloc : memref<!tpu.dma_semaphore, #tpu.memory_space<semaphore_mem>>
            %dma_start3A_150 = arith.constant 0 : i32
            %dma_start3A_151 = tpu.memref_slice %arg11[%mul3A_117, %dma_start3A_150] : memref<30x96xi32, #tpu.memory_space<vmem>> -> memref<1x96xi32, #tpu.memory_space<vmem>>
            %dma_start3A_152 = tpu.memref_squeeze %dma_start3A_151 : memref<1x96xi32, #tpu.memory_space<vmem>> -> memref<96xi32, #tpu.memory_space<vmem>>
            %dma_start3A_153 = arith.constant 0 : i32
            %dma_start3A_154 = arith.constant 0 : i32
            %dma_start3A_155 = tpu.memref_slice %arg14[%dma_start3A_153, %dma_start3A_154] : memref<10240x64xf32, #tpu.memory_space<vmem_shared>> -> memref<10240x64xf32, #tpu.memory_space<vmem_shared>>
            tpu.enqueue_indirect_dma source(%arg12 : memref<96x64xf32, #tpu.memory_space<vmem>>) target(%dma_start3A_155 : memref<10240x64xf32, #tpu.memory_space<vmem_shared>>) offsets(%dma_start3A_152 : memref<96xi32, #tpu.memory_space<vmem>>) semaphore(%run_scoped3A_149 : memref<!tpu.dma_semaphore, #tpu.memory_space<semaphore_mem>>) {add = true}
            %dma_wait3A_156 = arith.constant 0 : i32
            %dma_wait3A_157 = tpu.memref_slice %arg11[%mul3A_117, %dma_wait3A_156] : memref<30x96xi32, #tpu.memory_space<vmem>> -> memref<1x96xi32, #tpu.memory_space<vmem>>
            %dma_wait3A_158 = tpu.memref_squeeze %dma_wait3A_157 : memref<1x96xi32, #tpu.memory_space<vmem>> -> memref<96xi32, #tpu.memory_space<vmem>>
            %dma_wait3A_159 = arith.constant 0 : i32
            %dma_wait3A_160 = arith.constant 0 : i32
            %dma_wait3A_161 = tpu.memref_slice %arg14[%dma_wait3A_159, %dma_wait3A_160] : memref<10240x64xf32, #tpu.memory_space<vmem_shared>> -> memref<10240x64xf32, #tpu.memory_space<vmem_shared>>
            tpu.wait_indirect_dma semaphore(%run_scoped3A_149 : memref<!tpu.dma_semaphore, #tpu.memory_space<semaphore_mem>>) src(%arg12 : memref<96x64xf32, #tpu.memory_space<vmem>>) dst(%dma_wait3A_161 : memref<10240x64xf32, #tpu.memory_space<vmem_shared>>)
            tpu.yield
          }) : () -> ()
          %add3A_124 = arith.constant 2 : i32
          %add3A_125 = arith.addi %mul3A_117, %add3A_124 : i32
          %dma_start3A_126 = arith.constant 0 : i32
          %dma_start3A_127 = tpu.memref_slice %arg10[%add3A_125, %dma_start3A_126] : memref<30x96xi32, #tpu.memory_space<vmem>> -> memref<1x96xi32, #tpu.memory_space<vmem>>
          %dma_start3A_128 = tpu.memref_squeeze %dma_start3A_127 : memref<1x96xi32, #tpu.memory_space<vmem>> -> memref<96xi32, #tpu.memory_space<vmem>>
          %dma_start3A_129 = arith.constant 0 : i32
          %dma_start3A_130 = arith.constant 0 : i32
          %dma_start3A_131 = tpu.memref_slice %arg7[%dma_start3A_129, %dma_start3A_130] : memref<10240x64xf32, #tpu.memory_space<hbm>> -> memref<10240x64xf32, #tpu.memory_space<hbm>>
          tpu.enqueue_indirect_dma source(%dma_start3A_131 : memref<10240x64xf32, #tpu.memory_space<hbm>>) target(%arg12 : memref<96x64xf32, #tpu.memory_space<vmem>>) offsets(%dma_start3A_128 : memref<96xi32, #tpu.memory_space<vmem>>) semaphore(%arg15 : memref<!tpu.dma_semaphore, #tpu.memory_space<semaphore_mem>>)
          %dma_wait3A_132 = arith.constant 0 : i32
          %dma_wait3A_133 = arith.constant 0 : i32
          %dma_wait3A_134 = tpu.memref_slice %arg7[%dma_wait3A_132, %dma_wait3A_133] : memref<10240x64xf32, #tpu.memory_space<hbm>> -> memref<96x64xf32, #tpu.memory_space<hbm>>
          %dma_wait3A_135 = arith.constant 0 : i32
          %dma_wait3A_136 = arith.constant 0 : i32
          %dma_wait3A_137 = tpu.memref_slice %arg7[%dma_wait3A_135, %dma_wait3A_136] : memref<10240x64xf32, #tpu.memory_space<hbm>> -> memref<96x64xf32, #tpu.memory_space<hbm>>
          tpu.wait_dma2 semaphore(%arg16 : memref<!tpu.dma_semaphore, #tpu.memory_space<semaphore_mem>>) src(%dma_wait3A_137 : memref<96x64xf32, #tpu.memory_space<hbm>>) dst(%arg13 : memref<96x64xf32, #tpu.memory_space<vmem>>)
          %add3A_138 = arith.constant 1 : i32
          %add3A_139 = arith.addi %mul3A_117, %add3A_138 : i32
          "tpu.region"() ({
            %run_scoped3A_149 = tpu.sem_alloc : memref<!tpu.dma_semaphore, #tpu.memory_space<semaphore_mem>>
            %dma_start3A_150 = arith.constant 0 : i32
            %dma_start3A_151 = tpu.memref_slice %arg11[%add3A_139, %dma_start3A_150] : memref<30x96xi32, #tpu.memory_space<vmem>> -> memref<1x96xi32, #tpu.memory_space<vmem>>
            %dma_start3A_152 = tpu.memref_squeeze %dma_start3A_151 : memref<1x96xi32, #tpu.memory_space<vmem>> -> memref<96xi32, #tpu.memory_space<vmem>>
            %dma_start3A_153 = arith.constant 0 : i32
            %dma_start3A_154 = arith.constant 0 : i32
            %dma_start3A_155 = tpu.memref_slice %arg14[%dma_start3A_153, %dma_start3A_154] : memref<10240x64xf32, #tpu.memory_space<vmem_shared>> -> memref<10240x64xf32, #tpu.memory_space<vmem_shared>>
            tpu.enqueue_indirect_dma source(%arg13 : memref<96x64xf32, #tpu.memory_space<vmem>>) target(%dma_start3A_155 : memref<10240x64xf32, #tpu.memory_space<vmem_shared>>) offsets(%dma_start3A_152 : memref<96xi32, #tpu.memory_space<vmem>>) semaphore(%run_scoped3A_149 : memref<!tpu.dma_semaphore, #tpu.memory_space<semaphore_mem>>) {add = true}
            %dma_wait3A_156 = arith.constant 0 : i32
            %dma_wait3A_157 = tpu.memref_slice %arg11[%add3A_139, %dma_wait3A_156] : memref<30x96xi32, #tpu.memory_space<vmem>> -> memref<1x96xi32, #tpu.memory_space<vmem>>
            %dma_wait3A_158 = tpu.memref_squeeze %dma_wait3A_157 : memref<1x96xi32, #tpu.memory_space<vmem>> -> memref<96xi32, #tpu.memory_space<vmem>>
            %dma_wait3A_159 = arith.constant 0 : i32
            %dma_wait3A_160 = arith.constant 0 : i32
            %dma_wait3A_161 = tpu.memref_slice %arg14[%dma_wait3A_159, %dma_wait3A_160] : memref<10240x64xf32, #tpu.memory_space<vmem_shared>> -> memref<10240x64xf32, #tpu.memory_space<vmem_shared>>
            tpu.wait_indirect_dma semaphore(%run_scoped3A_149 : memref<!tpu.dma_semaphore, #tpu.memory_space<semaphore_mem>>) src(%arg13 : memref<96x64xf32, #tpu.memory_space<vmem>>) dst(%dma_wait3A_161 : memref<10240x64xf32, #tpu.memory_space<vmem_shared>>)
            tpu.yield
          }) : () -> ()
          %add3A_140 = arith.constant 3 : i32
          %add3A_141 = arith.addi %mul3A_117, %add3A_140 : i32
          %dma_start3A_142 = arith.constant 0 : i32
          %dma_start3A_143 = tpu.memref_slice %arg10[%add3A_141, %dma_start3A_142] : memref<30x96xi32, #tpu.memory_space<vmem>> -> memref<1x96xi32, #tpu.memory_space<vmem>>
          %dma_start3A_144 = tpu.memref_squeeze %dma_start3A_143 : memref<1x96xi32, #tpu.memory_space<vmem>> -> memref<96xi32, #tpu.memory_space<vmem>>
          %dma_start3A_145 = arith.constant 0 : i32
          %dma_start3A_146 = arith.constant 0 : i32
          %dma_start3A_147 = tpu.memref_slice %arg7[%dma_start3A_145, %dma_start3A_146] : memref<10240x64xf32, #tpu.memory_space<hbm>> -> memref<10240x64xf32, #tpu.memory_space<hbm>>
          tpu.enqueue_indirect_dma source(%dma_start3A_147 : memref<10240x64xf32, #tpu.memory_space<hbm>>) target(%arg13 : memref<96x64xf32, #tpu.memory_space<vmem>>) offsets(%dma_start3A_144 : memref<96xi32, #tpu.memory_space<vmem>>) semaphore(%arg16 : memref<!tpu.dma_semaphore, #tpu.memory_space<semaphore_mem>>)
          %scan3A_148 = arith.constant 0 : i32
          scf.yield %scan3A_148 : i32
        }
        %scan3A_101 = arith.constant 14 : i32
        %dma_wait3A = arith.constant 0 : i32
        %dma_wait3A_102 = arith.constant 0 : i32
        %dma_wait3A_103 = tpu.memref_slice %arg7[%dma_wait3A, %dma_wait3A_102] : memref<10240x64xf32, #tpu.memory_space<hbm>> -> memref<96x64xf32, #tpu.memory_space<hbm>>
        %dma_wait3A_104 = arith.constant 0 : i32
        %dma_wait3A_105 = arith.constant 0 : i32
        %dma_wait3A_106 = tpu.memref_slice %arg7[%dma_wait3A_104, %dma_wait3A_105] : memref<10240x64xf32, #tpu.memory_space<hbm>> -> memref<96x64xf32, #tpu.memory_space<hbm>>
        tpu.wait_dma2 semaphore(%arg15 : memref<!tpu.dma_semaphore, #tpu.memory_space<semaphore_mem>>) src(%dma_wait3A_106 : memref<96x64xf32, #tpu.memory_space<hbm>>) dst(%arg12 : memref<96x64xf32, #tpu.memory_space<vmem>>)
        %run_scoped3A = arith.constant 28 : i32
        "tpu.region"() ({
          %run_scoped3A_114 = tpu.sem_alloc : memref<!tpu.dma_semaphore, #tpu.memory_space<semaphore_mem>>
          %dma_start3A_115 = arith.constant 0 : i32
          %dma_start3A_116 = tpu.memref_slice %arg11[%run_scoped3A, %dma_start3A_115] : memref<30x96xi32, #tpu.memory_space<vmem>> -> memref<1x96xi32, #tpu.memory_space<vmem>>
          %dma_start3A_117 = tpu.memref_squeeze %dma_start3A_116 : memref<1x96xi32, #tpu.memory_space<vmem>> -> memref<96xi32, #tpu.memory_space<vmem>>
          %dma_start3A_118 = arith.constant 0 : i32
          %dma_start3A_119 = arith.constant 0 : i32
          %dma_start3A_120 = tpu.memref_slice %arg14[%dma_start3A_118, %dma_start3A_119] : memref<10240x64xf32, #tpu.memory_space<vmem_shared>> -> memref<10240x64xf32, #tpu.memory_space<vmem_shared>>
          tpu.enqueue_indirect_dma source(%arg12 : memref<96x64xf32, #tpu.memory_space<vmem>>) target(%dma_start3A_120 : memref<10240x64xf32, #tpu.memory_space<vmem_shared>>) offsets(%dma_start3A_117 : memref<96xi32, #tpu.memory_space<vmem>>) semaphore(%run_scoped3A_114 : memref<!tpu.dma_semaphore, #tpu.memory_space<semaphore_mem>>) {add = true}
          %dma_wait3A_121 = arith.constant 0 : i32
          %dma_wait3A_122 = tpu.memref_slice %arg11[%run_scoped3A, %dma_wait3A_121] : memref<30x96xi32, #tpu.memory_space<vmem>> -> memref<1x96xi32, #tpu.memory_space<vmem>>
          %dma_wait3A_123 = tpu.memref_squeeze %dma_wait3A_122 : memref<1x96xi32, #tpu.memory_space<vmem>> -> memref<96xi32, #tpu.memory_space<vmem>>
          %dma_wait3A_124 = arith.constant 0 : i32
          %dma_wait3A_125 = arith.constant 0 : i32
          %dma_wait3A_126 = tpu.memref_slice %arg14[%dma_wait3A_124, %dma_wait3A_125] : memref<10240x64xf32, #tpu.memory_space<vmem_shared>> -> memref<10240x64xf32, #tpu.memory_space<vmem_shared>>
          tpu.wait_indirect_dma semaphore(%run_scoped3A_114 : memref<!tpu.dma_semaphore, #tpu.memory_space<semaphore_mem>>) src(%arg12 : memref<96x64xf32, #tpu.memory_space<vmem>>) dst(%dma_wait3A_126 : memref<10240x64xf32, #tpu.memory_space<vmem_shared>>)
          tpu.yield
        }) : () -> ()
        %dma_wait3A_107 = arith.constant 0 : i32
        %dma_wait3A_108 = arith.constant 0 : i32
        %dma_wait3A_109 = tpu.memref_slice %arg7[%dma_wait3A_107, %dma_wait3A_108] : memref<10240x64xf32, #tpu.memory_space<hbm>> -> memref<96x64xf32, #tpu.memory_space<hbm>>
        %dma_wait3A_110 = arith.constant 0 : i32
        %dma_wait3A_111 = arith.constant 0 : i32
        %dma_wait3A_112 = tpu.memref_slice %arg7[%dma_wait3A_110, %dma_wait3A_111] : memref<10240x64xf32, #tpu.memory_space<hbm>> -> memref<96x64xf32, #tpu.memory_space<hbm>>
        tpu.wait_dma2 semaphore(%arg16 : memref<!tpu.dma_semaphore, #tpu.memory_space<semaphore_mem>>) src(%dma_wait3A_112 : memref<96x64xf32, #tpu.memory_space<hbm>>) dst(%arg13 : memref<96x64xf32, #tpu.memory_space<vmem>>)
        %run_scoped3A_113 = arith.constant 29 : i32
        "tpu.region"() ({
          %run_scoped3A_114 = tpu.sem_alloc : memref<!tpu.dma_semaphore, #tpu.memory_space<semaphore_mem>>
          %dma_start3A_115 = arith.constant 0 : i32
          %dma_start3A_116 = tpu.memref_slice %arg11[%run_scoped3A_113, %dma_start3A_115] : memref<30x96xi32, #tpu.memory_space<vmem>> -> memref<1x96xi32, #tpu.memory_space<vmem>>
          %dma_start3A_117 = tpu.memref_squeeze %dma_start3A_116 : memref<1x96xi32, #tpu.memory_space<vmem>> -> memref<96xi32, #tpu.memory_space<vmem>>
          %dma_start3A_118 = arith.constant 0 : i32
          %dma_start3A_119 = arith.constant 0 : i32
          %dma_start3A_120 = tpu.memref_slice %arg14[%dma_start3A_118, %dma_start3A_119] : memref<10240x64xf32, #tpu.memory_space<vmem_shared>> -> memref<10240x64xf32, #tpu.memory_space<vmem_shared>>
          tpu.enqueue_indirect_dma source(%arg13 : memref<96x64xf32, #tpu.memory_space<vmem>>) target(%dma_start3A_120 : memref<10240x64xf32, #tpu.memory_space<vmem_shared>>) offsets(%dma_start3A_117 : memref<96xi32, #tpu.memory_space<vmem>>) semaphore(%run_scoped3A_114 : memref<!tpu.dma_semaphore, #tpu.memory_space<semaphore_mem>>) {add = true}
          %dma_wait3A_121 = arith.constant 0 : i32
          %dma_wait3A_122 = tpu.memref_slice %arg11[%run_scoped3A_113, %dma_wait3A_121] : memref<30x96xi32, #tpu.memory_space<vmem>> -> memref<1x96xi32, #tpu.memory_space<vmem>>
          %dma_wait3A_123 = tpu.memref_squeeze %dma_wait3A_122 : memref<1x96xi32, #tpu.memory_space<vmem>> -> memref<96xi32, #tpu.memory_space<vmem>>
          %dma_wait3A_124 = arith.constant 0 : i32
          %dma_wait3A_125 = arith.constant 0 : i32
          %dma_wait3A_126 = tpu.memref_slice %arg14[%dma_wait3A_124, %dma_wait3A_125] : memref<10240x64xf32, #tpu.memory_space<vmem_shared>> -> memref<10240x64xf32, #tpu.memory_space<vmem_shared>>
          tpu.wait_indirect_dma semaphore(%run_scoped3A_114 : memref<!tpu.dma_semaphore, #tpu.memory_space<semaphore_mem>>) src(%arg13 : memref<96x64xf32, #tpu.memory_space<vmem>>) dst(%dma_wait3A_126 : memref<10240x64xf32, #tpu.memory_space<vmem_shared>>)
          tpu.yield
        }) : () -> ()
      } else {
      }
      %scan3A_81 = arith.constant 0 : i32
      scf.yield %scan3A_81 : i32
    }
    %scan3A_57 = arith.constant 7 : i32
    %barrier3A_58 = arith.constant 0 : index
    tpu.barrier barrier_id(%barrier3A_58)
    %mul3A_59 = arith.constant 640 : i32
    %mul3A_60 = arith.muli %arg1, %mul3A_59 : i32
    %mul3A_61 = arith.constant 10240 : i32
    %mul3A_62 = arith.muli %arg0, %mul3A_61 : i32
    %mul3A_63 = arith.constant 640 : i32
    %mul3A_64 = arith.muli %arg1, %mul3A_63 : i32
    %add3A_65 = arith.addi %mul3A_62, %mul3A_64 : i32
    "tpu.region"() ({
      %run_scoped3A = tpu.sem_alloc : memref<!tpu.dma_semaphore, #tpu.memory_space<semaphore_mem>>
      %dma_start3A = arith.constant 0 : i32
      %dma_start3A_67 = tpu.memref_slice %arg9[%add3A_65, %dma_start3A] : memref<20480x64xf32, #tpu.memory_space<hbm>> -> memref<640x64xf32, #tpu.memory_space<hbm>>
      %dma_start3A_68 = arith.constant 0 : i32
      %dma_start3A_69 = tpu.memref_slice %arg14[%mul3A_60, %dma_start3A_68] : memref<10240x64xf32, #tpu.memory_space<vmem_shared>> -> memref<640x64xf32, #tpu.memory_space<vmem_shared>>
      tpu.enqueue_dma source(%dma_start3A_69 : memref<640x64xf32, #tpu.memory_space<vmem_shared>>) target(%dma_start3A_67 : memref<640x64xf32, #tpu.memory_space<hbm>>) target_semaphore(%run_scoped3A : memref<!tpu.dma_semaphore, #tpu.memory_space<semaphore_mem>>)
      %dma_wait3A = arith.constant 0 : i32
      %dma_wait3A_70 = tpu.memref_slice %arg9[%add3A_65, %dma_wait3A] : memref<20480x64xf32, #tpu.memory_space<hbm>> -> memref<640x64xf32, #tpu.memory_space<hbm>>
      %dma_wait3A_71 = arith.constant 0 : i32
      %dma_wait3A_72 = tpu.memref_slice %arg14[%mul3A_60, %dma_wait3A_71] : memref<10240x64xf32, #tpu.memory_space<vmem_shared>> -> memref<640x64xf32, #tpu.memory_space<vmem_shared>>
      tpu.wait_dma2 semaphore(%run_scoped3A : memref<!tpu.dma_semaphore, #tpu.memory_space<semaphore_mem>>) src(%dma_wait3A_72 : memref<640x64xf32, #tpu.memory_space<vmem_shared>>) dst(%dma_wait3A_70 : memref<640x64xf32, #tpu.memory_space<hbm>>)
      tpu.yield
    }) : () -> ()
    %barrier3A_66 = arith.constant 0 : index
    tpu.barrier barrier_id(%barrier3A_66)
    return
  }
}

#map = affine_map<(d0, d1) -> (0, 0)>
module attributes {stable_mosaic.version = 14 : i64} {
  func.func @_agg_body(%arg0: i32, %arg1: i32, %arg2: memref<3360x96xi32, #tpu.memory_space<hbm>>, %arg3: memref<3360x96xi32, #tpu.memory_space<hbm>>, %arg4: memref<10240x64xf32, #tpu.memory_space<hbm>>, %arg5: memref<10240x64xf32, #tpu.memory_space<hbm>>, %arg6: memref<10240x64xf32, #tpu.memory_space<hbm>>, %arg7: memref<10240x64xf32, #tpu.memory_space<hbm>>, %arg8: memref<20480x64xf32, #tpu.memory_space<hbm>>, %arg9: memref<20480x64xf32, #tpu.memory_space<hbm>>, %arg10: memref<30x96xi32, #tpu.memory_space<vmem>>, %arg11: memref<30x96xi32, #tpu.memory_space<vmem>>, %arg12: memref<96x64xf32, #tpu.memory_space<vmem>>, %arg13: memref<96x64xf32, #tpu.memory_space<vmem>>, %arg14: memref<10240x64xf32, #tpu.memory_space<vmem_shared>>, %arg15: memref<!tpu.dma_semaphore, #tpu.memory_space<semaphore_mem>>, %arg16: memref<!tpu.dma_semaphore, #tpu.memory_space<semaphore_mem>>) attributes {dimension_semantics = [#tpu.dimension_semantics<core_parallel>, #tpu.dimension_semantics<subcore_parallel>], iteration_bounds = array<i64: 2, 16>, scalar_prefetch = 0 : i64, scratch_operands = 7 : i64, tpu.core_type = #tpu.core_type<sc_vector_subcore>, window_params = [{transform_indices = #map}, {transform_indices = #map}, {transform_indices = #map}, {transform_indices = #map}, {transform_indices = #map}, {transform_indices = #map}, {transform_indices = #map}, {transform_indices = #map}]} {
    %broadcast_in_dim3A = arith.constant 0.000000e+00 : f32
    %broadcast_in_dim3A_0 = vector.broadcast %broadcast_in_dim3A : f32 to vector<16xf32>
    %scan3A = arith.constant 0 : i32
    %scan3A_1 = arith.constant 0 : i32
    %scan3A_2 = arith.constant 96 : i32
    %scan3A_3 = arith.addi %scan3A_1, %scan3A_2 : i32
    %scan3A_4 = arith.constant 1 : i32
    %scan3A_5 = scf.for %scan3A_67 = %scan3A_1 to %scan3A_3 step %scan3A_4 iter_args(%scan3A_68 = %scan3A) -> (i32)  : i32 {
      %swap3A = arith.index_cast %scan3A_67 : i32 to index
      %swap3A_69 = arith.constant 0 : index
      %swap3A_70 = tpu.vector_load %arg12[%swap3A, %swap3A_69] {strides = array<i32>} : memref<96x64xf32, #tpu.memory_space<vmem>>, vector<16xf32>,
      tpu.vector_store %arg12[%swap3A, %swap3A_69], %broadcast_in_dim3A_0 {strides = array<i32>} : memref<96x64xf32, #tpu.memory_space<vmem>>, vector<16xf32>,
      %swap3A_71 = arith.index_cast %scan3A_67 : i32 to index
      %swap3A_72 = arith.constant 16 : index
      %swap3A_73 = tpu.vector_load %arg12[%swap3A_71, %swap3A_72] {strides = array<i32>} : memref<96x64xf32, #tpu.memory_space<vmem>>, vector<16xf32>,
      tpu.vector_store %arg12[%swap3A_71, %swap3A_72], %broadcast_in_dim3A_0 {strides = array<i32>} : memref<96x64xf32, #tpu.memory_space<vmem>>, vector<16xf32>,
      %swap3A_74 = arith.index_cast %scan3A_67 : i32 to index
      %swap3A_75 = arith.constant 32 : index
      %swap3A_76 = tpu.vector_load %arg12[%swap3A_74, %swap3A_75] {strides = array<i32>} : memref<96x64xf32, #tpu.memory_space<vmem>>, vector<16xf32>,
      tpu.vector_store %arg12[%swap3A_74, %swap3A_75], %broadcast_in_dim3A_0 {strides = array<i32>} : memref<96x64xf32, #tpu.memory_space<vmem>>, vector<16xf32>,
      %swap3A_77 = arith.index_cast %scan3A_67 : i32 to index
      %swap3A_78 = arith.constant 48 : index
      %swap3A_79 = tpu.vector_load %arg12[%swap3A_77, %swap3A_78] {strides = array<i32>} : memref<96x64xf32, #tpu.memory_space<vmem>>, vector<16xf32>,
      tpu.vector_store %arg12[%swap3A_77, %swap3A_78], %broadcast_in_dim3A_0 {strides = array<i32>} : memref<96x64xf32, #tpu.memory_space<vmem>>, vector<16xf32>,
      %scan3A_80 = arith.constant 0 : i32
      scf.yield %scan3A_80 : i32
    }
    %scan3A_6 = arith.constant 96 : i32
    %scan3A_7 = arith.constant 0 : i32
    %scan3A_8 = arith.constant 0 : i32
    %scan3A_9 = arith.constant 6 : i32
    %scan3A_10 = arith.addi %scan3A_8, %scan3A_9 : i32
    %scan3A_11 = arith.constant 1 : i32
    %scan3A_12 = scf.for %scan3A_67 = %scan3A_8 to %scan3A_10 step %scan3A_11 iter_args(%scan3A_68 = %scan3A_7) -> (i32)  : i32 {
      %mul3A_69 = arith.constant 640 : i32
      %mul3A_70 = arith.muli %arg1, %mul3A_69 : i32
      %mul3A_71 = arith.constant 96 : i32
      %mul3A_72 = arith.muli %scan3A_67, %mul3A_71 : i32
      %add3A_73 = arith.addi %mul3A_70, %mul3A_72 : i32
      "tpu.region"() ({
        %run_scoped3A = tpu.sem_alloc : memref<!tpu.dma_semaphore, #tpu.memory_space<semaphore_mem>>
        %dma_start3A = arith.constant 0 : i32
        %dma_start3A_75 = tpu.memref_slice %arg14[%add3A_73, %dma_start3A] : memref<10240x64xf32, #tpu.memory_space<vmem_shared>> -> memref<96x64xf32, #tpu.memory_space<vmem_shared>>
        %dma_start3A_76 = arith.constant 0 : i32
        %dma_start3A_77 = tpu.memref_slice %arg14[%add3A_73, %dma_start3A_76] : memref<10240x64xf32, #tpu.memory_space<vmem_shared>> -> memref<96x64xf32, #tpu.memory_space<vmem_shared>>
        tpu.enqueue_dma source(%arg12 : memref<96x64xf32, #tpu.memory_space<vmem>>) target(%dma_start3A_77 : memref<96x64xf32, #tpu.memory_space<vmem_shared>>) target_semaphore(%run_scoped3A : memref<!tpu.dma_semaphore, #tpu.memory_space<semaphore_mem>>)
        %dma_wait3A = arith.constant 0 : i32
        %dma_wait3A_78 = tpu.memref_slice %arg14[%add3A_73, %dma_wait3A] : memref<10240x64xf32, #tpu.memory_space<vmem_shared>> -> memref<96x64xf32, #tpu.memory_space<vmem_shared>>
        %dma_wait3A_79 = arith.constant 0 : i32
        %dma_wait3A_80 = tpu.memref_slice %arg14[%add3A_73, %dma_wait3A_79] : memref<10240x64xf32, #tpu.memory_space<vmem_shared>> -> memref<96x64xf32, #tpu.memory_space<vmem_shared>>
        tpu.wait_dma2 semaphore(%run_scoped3A : memref<!tpu.dma_semaphore, #tpu.memory_space<semaphore_mem>>) src(%arg12 : memref<96x64xf32, #tpu.memory_space<vmem>>) dst(%dma_wait3A_80 : memref<96x64xf32, #tpu.memory_space<vmem_shared>>)
        tpu.yield
      }) : () -> ()
      %scan3A_74 = arith.constant 0 : i32
      scf.yield %scan3A_74 : i32
    }
    %scan3A_13 = arith.constant 6 : i32
    %mul3A = arith.constant 640 : i32
    %mul3A_14 = arith.muli %arg1, %mul3A : i32
    %add3A = arith.constant 576 : i32
    %add3A_15 = arith.addi %mul3A_14, %add3A : i32
    "tpu.region"() ({
      %run_scoped3A = tpu.sem_alloc : memref<!tpu.dma_semaphore, #tpu.memory_space<semaphore_mem>>
      %dma_start3A = arith.constant 0 : i32
      %dma_start3A_67 = arith.constant 0 : i32
      %dma_start3A_68 = tpu.memref_slice %arg12[%dma_start3A, %dma_start3A_67] : memref<96x64xf32, #tpu.memory_space<vmem>> -> memref<64x64xf32, #tpu.memory_space<vmem>>
      %dma_start3A_69 = arith.constant 0 : i32
      %dma_start3A_70 = tpu.memref_slice %arg14[%add3A_15, %dma_start3A_69] : memref<10240x64xf32, #tpu.memory_space<vmem_shared>> -> memref<64x64xf32, #tpu.memory_space<vmem_shared>>
      %dma_start3A_71 = arith.constant 0 : i32
      %dma_start3A_72 = tpu.memref_slice %arg14[%add3A_15, %dma_start3A_71] : memref<10240x64xf32, #tpu.memory_space<vmem_shared>> -> memref<64x64xf32, #tpu.memory_space<vmem_shared>>
      %dma_start3A_73 = arith.constant 0 : i32
      %dma_start3A_74 = arith.constant 0 : i32
      %dma_start3A_75 = tpu.memref_slice %arg12[%dma_start3A_73, %dma_start3A_74] : memref<96x64xf32, #tpu.memory_space<vmem>> -> memref<64x64xf32, #tpu.memory_space<vmem>>
      tpu.enqueue_dma source(%dma_start3A_75 : memref<64x64xf32, #tpu.memory_space<vmem>>) target(%dma_start3A_72 : memref<64x64xf32, #tpu.memory_space<vmem_shared>>) target_semaphore(%run_scoped3A : memref<!tpu.dma_semaphore, #tpu.memory_space<semaphore_mem>>)
      %dma_wait3A = arith.constant 0 : i32
      %dma_wait3A_76 = arith.constant 0 : i32
      %dma_wait3A_77 = tpu.memref_slice %arg12[%dma_wait3A, %dma_wait3A_76] : memref<96x64xf32, #tpu.memory_space<vmem>> -> memref<64x64xf32, #tpu.memory_space<vmem>>
      %dma_wait3A_78 = arith.constant 0 : i32
      %dma_wait3A_79 = tpu.memref_slice %arg14[%add3A_15, %dma_wait3A_78] : memref<10240x64xf32, #tpu.memory_space<vmem_shared>> -> memref<64x64xf32, #tpu.memory_space<vmem_shared>>
      %dma_wait3A_80 = arith.constant 0 : i32
      %dma_wait3A_81 = tpu.memref_slice %arg14[%add3A_15, %dma_wait3A_80] : memref<10240x64xf32, #tpu.memory_space<vmem_shared>> -> memref<64x64xf32, #tpu.memory_space<vmem_shared>>
      %dma_wait3A_82 = arith.constant 0 : i32
      %dma_wait3A_83 = arith.constant 0 : i32
      %dma_wait3A_84 = tpu.memref_slice %arg12[%dma_wait3A_82, %dma_wait3A_83] : memref<96x64xf32, #tpu.memory_space<vmem>> -> memref<64x64xf32, #tpu.memory_space<vmem>>
      tpu.wait_dma2 semaphore(%run_scoped3A : memref<!tpu.dma_semaphore, #tpu.memory_space<semaphore_mem>>) src(%dma_wait3A_84 : memref<64x64xf32, #tpu.memory_space<vmem>>) dst(%dma_wait3A_81 : memref<64x64xf32, #tpu.memory_space<vmem_shared>>)
      tpu.yield
    }) : () -> ()
    %barrier3A = arith.constant 0 : index
    tpu.barrier barrier_id(%barrier3A)
    %scan3A_16 = arith.constant 0 : i32
    %scan3A_17 = arith.constant 0 : i32
    %scan3A_18 = arith.constant 7 : i32
    %scan3A_19 = arith.addi %scan3A_17, %scan3A_18 : i32
    %scan3A_20 = arith.constant 1 : i32
    %scan3A_21 = scf.for %scan3A_67 = %scan3A_17 to %scan3A_19 step %scan3A_20 iter_args(%scan3A_68 = %scan3A_16) -> (i32)  : i32 {
      %mul3A_69 = arith.constant 210 : i32
      %mul3A_70 = arith.muli %arg1, %mul3A_69 : i32
      %mul3A_71 = arith.constant 30 : i32
      %mul3A_72 = arith.muli %scan3A_67, %mul3A_71 : i32
      %add3A_73 = arith.addi %mul3A_70, %mul3A_72 : i32
      "tpu.region"() ({
        %run_scoped3A = tpu.sem_alloc : memref<!tpu.dma_semaphore, #tpu.memory_space<semaphore_mem>>
        %dma_start3A = arith.constant 0 : i32
        %dma_start3A_82 = tpu.memref_slice %arg2[%add3A_73, %dma_start3A] : memref<3360x96xi32, #tpu.memory_space<hbm>> -> memref<30x96xi32, #tpu.memory_space<hbm>>
        %dma_start3A_83 = arith.constant 0 : i32
        %dma_start3A_84 = tpu.memref_slice %arg2[%add3A_73, %dma_start3A_83] : memref<3360x96xi32, #tpu.memory_space<hbm>> -> memref<30x96xi32, #tpu.memory_space<hbm>>
        tpu.enqueue_dma source(%dma_start3A_84 : memref<30x96xi32, #tpu.memory_space<hbm>>) target(%arg10 : memref<30x96xi32, #tpu.memory_space<vmem>>) target_semaphore(%run_scoped3A : memref<!tpu.dma_semaphore, #tpu.memory_space<semaphore_mem>>)
        %dma_wait3A = arith.constant 0 : i32
        %dma_wait3A_85 = tpu.memref_slice %arg2[%add3A_73, %dma_wait3A] : memref<3360x96xi32, #tpu.memory_space<hbm>> -> memref<30x96xi32, #tpu.memory_space<hbm>>
        %dma_wait3A_86 = arith.constant 0 : i32
        %dma_wait3A_87 = tpu.memref_slice %arg2[%add3A_73, %dma_wait3A_86] : memref<3360x96xi32, #tpu.memory_space<hbm>> -> memref<30x96xi32, #tpu.memory_space<hbm>>
        tpu.wait_dma2 semaphore(%run_scoped3A : memref<!tpu.dma_semaphore, #tpu.memory_space<semaphore_mem>>) src(%dma_wait3A_87 : memref<30x96xi32, #tpu.memory_space<hbm>>) dst(%arg10 : memref<30x96xi32, #tpu.memory_space<vmem>>)
        tpu.yield
      }) : () -> ()
      "tpu.region"() ({
        %run_scoped3A = tpu.sem_alloc : memref<!tpu.dma_semaphore, #tpu.memory_space<semaphore_mem>>
        %dma_start3A = arith.constant 0 : i32
        %dma_start3A_82 = tpu.memref_slice %arg3[%add3A_73, %dma_start3A] : memref<3360x96xi32, #tpu.memory_space<hbm>> -> memref<30x96xi32, #tpu.memory_space<hbm>>
        %dma_start3A_83 = arith.constant 0 : i32
        %dma_start3A_84 = tpu.memref_slice %arg3[%add3A_73, %dma_start3A_83] : memref<3360x96xi32, #tpu.memory_space<hbm>> -> memref<30x96xi32, #tpu.memory_space<hbm>>
        tpu.enqueue_dma source(%dma_start3A_84 : memref<30x96xi32, #tpu.memory_space<hbm>>) target(%arg11 : memref<30x96xi32, #tpu.memory_space<vmem>>) target_semaphore(%run_scoped3A : memref<!tpu.dma_semaphore, #tpu.memory_space<semaphore_mem>>)
        %dma_wait3A = arith.constant 0 : i32
        %dma_wait3A_85 = tpu.memref_slice %arg3[%add3A_73, %dma_wait3A] : memref<3360x96xi32, #tpu.memory_space<hbm>> -> memref<30x96xi32, #tpu.memory_space<hbm>>
        %dma_wait3A_86 = arith.constant 0 : i32
        %dma_wait3A_87 = tpu.memref_slice %arg3[%add3A_73, %dma_wait3A_86] : memref<3360x96xi32, #tpu.memory_space<hbm>> -> memref<30x96xi32, #tpu.memory_space<hbm>>
        tpu.wait_dma2 semaphore(%run_scoped3A : memref<!tpu.dma_semaphore, #tpu.memory_space<semaphore_mem>>) src(%dma_wait3A_87 : memref<30x96xi32, #tpu.memory_space<hbm>>) dst(%arg11 : memref<30x96xi32, #tpu.memory_space<vmem>>)
        tpu.yield
      }) : () -> ()
      %eq3A = arith.constant 0 : i32
      %eq3A_74 = arith.cmpi eq, %arg0, %eq3A : i32
      %convert_element_type3A = arith.extui %eq3A_74 : i1 to i32
      %cond3A = arith.constant 0 : i32
      %cond3A_75 = arith.cmpi ne, %convert_element_type3A, %cond3A : i32
      scf.if %cond3A_75 {
        %dma_start3A = arith.constant 0 : i32
        %dma_start3A_82 = arith.constant 0 : i32
        %dma_start3A_83 = tpu.memref_slice %arg10[%dma_start3A, %dma_start3A_82] : memref<30x96xi32, #tpu.memory_space<vmem>> -> memref<1x96xi32, #tpu.memory_space<vmem>>
        %dma_start3A_84 = tpu.memref_squeeze %dma_start3A_83 : memref<1x96xi32, #tpu.memory_space<vmem>> -> memref<96xi32, #tpu.memory_space<vmem>>
        %dma_start3A_85 = arith.constant 0 : i32
        %dma_start3A_86 = arith.constant 0 : i32
        %dma_start3A_87 = tpu.memref_slice %arg4[%dma_start3A_85, %dma_start3A_86] : memref<10240x64xf32, #tpu.memory_space<hbm>> -> memref<10240x64xf32, #tpu.memory_space<hbm>>
        tpu.enqueue_indirect_dma source(%dma_start3A_87 : memref<10240x64xf32, #tpu.memory_space<hbm>>) target(%arg12 : memref<96x64xf32, #tpu.memory_space<vmem>>) offsets(%dma_start3A_84 : memref<96xi32, #tpu.memory_space<vmem>>) semaphore(%arg15 : memref<!tpu.dma_semaphore, #tpu.memory_space<semaphore_mem>>)
        %dma_start3A_88 = arith.constant 1 : i32
        %dma_start3A_89 = arith.constant 0 : i32
        %dma_start3A_90 = tpu.memref_slice %arg10[%dma_start3A_88, %dma_start3A_89] : memref<30x96xi32, #tpu.memory_space<vmem>> -> memref<1x96xi32, #tpu.memory_space<vmem>>
        %dma_start3A_91 = tpu.memref_squeeze %dma_start3A_90 : memref<1x96xi32, #tpu.memory_space<vmem>> -> memref<96xi32, #tpu.memory_space<vmem>>
        %dma_start3A_92 = arith.constant 0 : i32
        %dma_start3A_93 = arith.constant 0 : i32
        %dma_start3A_94 = tpu.memref_slice %arg4[%dma_start3A_92, %dma_start3A_93] : memref<10240x64xf32, #tpu.memory_space<hbm>> -> memref<10240x64xf32, #tpu.memory_space<hbm>>
        tpu.enqueue_indirect_dma source(%dma_start3A_94 : memref<10240x64xf32, #tpu.memory_space<hbm>>) target(%arg13 : memref<96x64xf32, #tpu.memory_space<vmem>>) offsets(%dma_start3A_91 : memref<96xi32, #tpu.memory_space<vmem>>) semaphore(%arg16 : memref<!tpu.dma_semaphore, #tpu.memory_space<semaphore_mem>>)
        %scan3A_95 = arith.constant 0 : i32
        %scan3A_96 = arith.constant 0 : i32
        %scan3A_97 = arith.constant 14 : i32
        %scan3A_98 = arith.addi %scan3A_96, %scan3A_97 : i32
        %scan3A_99 = arith.constant 1 : i32
        %scan3A_100 = scf.for %scan3A_114 = %scan3A_96 to %scan3A_98 step %scan3A_99 iter_args(%scan3A_115 = %scan3A_95) -> (i32)  : i32 {
          %mul3A_116 = arith.constant 2 : i32
          %mul3A_117 = arith.muli %mul3A_116, %scan3A_114 : i32
          %dma_wait3A_118 = arith.constant 0 : i32
          %dma_wait3A_119 = arith.constant 0 : i32
          %dma_wait3A_120 = tpu.memref_slice %arg4[%dma_wait3A_118, %dma_wait3A_119] : memref<10240x64xf32, #tpu.memory_space<hbm>> -> memref<96x64xf32, #tpu.memory_space<hbm>>
          %dma_wait3A_121 = arith.constant 0 : i32
          %dma_wait3A_122 = arith.constant 0 : i32
          %dma_wait3A_123 = tpu.memref_slice %arg4[%dma_wait3A_121, %dma_wait3A_122] : memref<10240x64xf32, #tpu.memory_space<hbm>> -> memref<96x64xf32, #tpu.memory_space<hbm>>
          tpu.wait_dma2 semaphore(%arg15 : memref<!tpu.dma_semaphore, #tpu.memory_space<semaphore_mem>>) src(%dma_wait3A_123 : memref<96x64xf32, #tpu.memory_space<hbm>>) dst(%arg12 : memref<96x64xf32, #tpu.memory_space<vmem>>)
          "tpu.region"() ({
            %run_scoped3A_149 = tpu.sem_alloc : memref<!tpu.dma_semaphore, #tpu.memory_space<semaphore_mem>>
            %dma_start3A_150 = arith.constant 0 : i32
            %dma_start3A_151 = tpu.memref_slice %arg11[%mul3A_117, %dma_start3A_150] : memref<30x96xi32, #tpu.memory_space<vmem>> -> memref<1x96xi32, #tpu.memory_space<vmem>>
            %dma_start3A_152 = tpu.memref_squeeze %dma_start3A_151 : memref<1x96xi32, #tpu.memory_space<vmem>> -> memref<96xi32, #tpu.memory_space<vmem>>
            %dma_start3A_153 = arith.constant 0 : i32
            %dma_start3A_154 = arith.constant 0 : i32
            %dma_start3A_155 = tpu.memref_slice %arg14[%dma_start3A_153, %dma_start3A_154] : memref<10240x64xf32, #tpu.memory_space<vmem_shared>> -> memref<10240x64xf32, #tpu.memory_space<vmem_shared>>
            tpu.enqueue_indirect_dma source(%arg12 : memref<96x64xf32, #tpu.memory_space<vmem>>) target(%dma_start3A_155 : memref<10240x64xf32, #tpu.memory_space<vmem_shared>>) offsets(%dma_start3A_152 : memref<96xi32, #tpu.memory_space<vmem>>) semaphore(%run_scoped3A_149 : memref<!tpu.dma_semaphore, #tpu.memory_space<semaphore_mem>>) {add = true}
            %dma_wait3A_156 = arith.constant 0 : i32
            %dma_wait3A_157 = tpu.memref_slice %arg11[%mul3A_117, %dma_wait3A_156] : memref<30x96xi32, #tpu.memory_space<vmem>> -> memref<1x96xi32, #tpu.memory_space<vmem>>
            %dma_wait3A_158 = tpu.memref_squeeze %dma_wait3A_157 : memref<1x96xi32, #tpu.memory_space<vmem>> -> memref<96xi32, #tpu.memory_space<vmem>>
            %dma_wait3A_159 = arith.constant 0 : i32
            %dma_wait3A_160 = arith.constant 0 : i32
            %dma_wait3A_161 = tpu.memref_slice %arg14[%dma_wait3A_159, %dma_wait3A_160] : memref<10240x64xf32, #tpu.memory_space<vmem_shared>> -> memref<10240x64xf32, #tpu.memory_space<vmem_shared>>
            tpu.wait_indirect_dma semaphore(%run_scoped3A_149 : memref<!tpu.dma_semaphore, #tpu.memory_space<semaphore_mem>>) src(%arg12 : memref<96x64xf32, #tpu.memory_space<vmem>>) dst(%dma_wait3A_161 : memref<10240x64xf32, #tpu.memory_space<vmem_shared>>)
            tpu.yield
          }) : () -> ()
          %add3A_124 = arith.constant 2 : i32
          %add3A_125 = arith.addi %mul3A_117, %add3A_124 : i32
          %dma_start3A_126 = arith.constant 0 : i32
          %dma_start3A_127 = tpu.memref_slice %arg10[%add3A_125, %dma_start3A_126] : memref<30x96xi32, #tpu.memory_space<vmem>> -> memref<1x96xi32, #tpu.memory_space<vmem>>
          %dma_start3A_128 = tpu.memref_squeeze %dma_start3A_127 : memref<1x96xi32, #tpu.memory_space<vmem>> -> memref<96xi32, #tpu.memory_space<vmem>>
          %dma_start3A_129 = arith.constant 0 : i32
          %dma_start3A_130 = arith.constant 0 : i32
          %dma_start3A_131 = tpu.memref_slice %arg4[%dma_start3A_129, %dma_start3A_130] : memref<10240x64xf32, #tpu.memory_space<hbm>> -> memref<10240x64xf32, #tpu.memory_space<hbm>>
          tpu.enqueue_indirect_dma source(%dma_start3A_131 : memref<10240x64xf32, #tpu.memory_space<hbm>>) target(%arg12 : memref<96x64xf32, #tpu.memory_space<vmem>>) offsets(%dma_start3A_128 : memref<96xi32, #tpu.memory_space<vmem>>) semaphore(%arg15 : memref<!tpu.dma_semaphore, #tpu.memory_space<semaphore_mem>>)
          %dma_wait3A_132 = arith.constant 0 : i32
          %dma_wait3A_133 = arith.constant 0 : i32
          %dma_wait3A_134 = tpu.memref_slice %arg4[%dma_wait3A_132, %dma_wait3A_133] : memref<10240x64xf32, #tpu.memory_space<hbm>> -> memref<96x64xf32, #tpu.memory_space<hbm>>
          %dma_wait3A_135 = arith.constant 0 : i32
          %dma_wait3A_136 = arith.constant 0 : i32
          %dma_wait3A_137 = tpu.memref_slice %arg4[%dma_wait3A_135, %dma_wait3A_136] : memref<10240x64xf32, #tpu.memory_space<hbm>> -> memref<96x64xf32, #tpu.memory_space<hbm>>
          tpu.wait_dma2 semaphore(%arg16 : memref<!tpu.dma_semaphore, #tpu.memory_space<semaphore_mem>>) src(%dma_wait3A_137 : memref<96x64xf32, #tpu.memory_space<hbm>>) dst(%arg13 : memref<96x64xf32, #tpu.memory_space<vmem>>)
          %add3A_138 = arith.constant 1 : i32
          %add3A_139 = arith.addi %mul3A_117, %add3A_138 : i32
          "tpu.region"() ({
            %run_scoped3A_149 = tpu.sem_alloc : memref<!tpu.dma_semaphore, #tpu.memory_space<semaphore_mem>>
            %dma_start3A_150 = arith.constant 0 : i32
            %dma_start3A_151 = tpu.memref_slice %arg11[%add3A_139, %dma_start3A_150] : memref<30x96xi32, #tpu.memory_space<vmem>> -> memref<1x96xi32, #tpu.memory_space<vmem>>
            %dma_start3A_152 = tpu.memref_squeeze %dma_start3A_151 : memref<1x96xi32, #tpu.memory_space<vmem>> -> memref<96xi32, #tpu.memory_space<vmem>>
            %dma_start3A_153 = arith.constant 0 : i32
            %dma_start3A_154 = arith.constant 0 : i32
            %dma_start3A_155 = tpu.memref_slice %arg14[%dma_start3A_153, %dma_start3A_154] : memref<10240x64xf32, #tpu.memory_space<vmem_shared>> -> memref<10240x64xf32, #tpu.memory_space<vmem_shared>>
            tpu.enqueue_indirect_dma source(%arg13 : memref<96x64xf32, #tpu.memory_space<vmem>>) target(%dma_start3A_155 : memref<10240x64xf32, #tpu.memory_space<vmem_shared>>) offsets(%dma_start3A_152 : memref<96xi32, #tpu.memory_space<vmem>>) semaphore(%run_scoped3A_149 : memref<!tpu.dma_semaphore, #tpu.memory_space<semaphore_mem>>) {add = true}
            %dma_wait3A_156 = arith.constant 0 : i32
            %dma_wait3A_157 = tpu.memref_slice %arg11[%add3A_139, %dma_wait3A_156] : memref<30x96xi32, #tpu.memory_space<vmem>> -> memref<1x96xi32, #tpu.memory_space<vmem>>
            %dma_wait3A_158 = tpu.memref_squeeze %dma_wait3A_157 : memref<1x96xi32, #tpu.memory_space<vmem>> -> memref<96xi32, #tpu.memory_space<vmem>>
            %dma_wait3A_159 = arith.constant 0 : i32
            %dma_wait3A_160 = arith.constant 0 : i32
            %dma_wait3A_161 = tpu.memref_slice %arg14[%dma_wait3A_159, %dma_wait3A_160] : memref<10240x64xf32, #tpu.memory_space<vmem_shared>> -> memref<10240x64xf32, #tpu.memory_space<vmem_shared>>
            tpu.wait_indirect_dma semaphore(%run_scoped3A_149 : memref<!tpu.dma_semaphore, #tpu.memory_space<semaphore_mem>>) src(%arg13 : memref<96x64xf32, #tpu.memory_space<vmem>>) dst(%dma_wait3A_161 : memref<10240x64xf32, #tpu.memory_space<vmem_shared>>)
            tpu.yield
          }) : () -> ()
          %add3A_140 = arith.constant 3 : i32
          %add3A_141 = arith.addi %mul3A_117, %add3A_140 : i32
          %dma_start3A_142 = arith.constant 0 : i32
          %dma_start3A_143 = tpu.memref_slice %arg10[%add3A_141, %dma_start3A_142] : memref<30x96xi32, #tpu.memory_space<vmem>> -> memref<1x96xi32, #tpu.memory_space<vmem>>
          %dma_start3A_144 = tpu.memref_squeeze %dma_start3A_143 : memref<1x96xi32, #tpu.memory_space<vmem>> -> memref<96xi32, #tpu.memory_space<vmem>>
          %dma_start3A_145 = arith.constant 0 : i32
          %dma_start3A_146 = arith.constant 0 : i32
          %dma_start3A_147 = tpu.memref_slice %arg4[%dma_start3A_145, %dma_start3A_146] : memref<10240x64xf32, #tpu.memory_space<hbm>> -> memref<10240x64xf32, #tpu.memory_space<hbm>>
          tpu.enqueue_indirect_dma source(%dma_start3A_147 : memref<10240x64xf32, #tpu.memory_space<hbm>>) target(%arg13 : memref<96x64xf32, #tpu.memory_space<vmem>>) offsets(%dma_start3A_144 : memref<96xi32, #tpu.memory_space<vmem>>) semaphore(%arg16 : memref<!tpu.dma_semaphore, #tpu.memory_space<semaphore_mem>>)
          %scan3A_148 = arith.constant 0 : i32
          scf.yield %scan3A_148 : i32
        }
        %scan3A_101 = arith.constant 14 : i32
        %dma_wait3A = arith.constant 0 : i32
        %dma_wait3A_102 = arith.constant 0 : i32
        %dma_wait3A_103 = tpu.memref_slice %arg4[%dma_wait3A, %dma_wait3A_102] : memref<10240x64xf32, #tpu.memory_space<hbm>> -> memref<96x64xf32, #tpu.memory_space<hbm>>
        %dma_wait3A_104 = arith.constant 0 : i32
        %dma_wait3A_105 = arith.constant 0 : i32
        %dma_wait3A_106 = tpu.memref_slice %arg4[%dma_wait3A_104, %dma_wait3A_105] : memref<10240x64xf32, #tpu.memory_space<hbm>> -> memref<96x64xf32, #tpu.memory_space<hbm>>
        tpu.wait_dma2 semaphore(%arg15 : memref<!tpu.dma_semaphore, #tpu.memory_space<semaphore_mem>>) src(%dma_wait3A_106 : memref<96x64xf32, #tpu.memory_space<hbm>>) dst(%arg12 : memref<96x64xf32, #tpu.memory_space<vmem>>)
        %run_scoped3A = arith.constant 28 : i32
        "tpu.region"() ({
          %run_scoped3A_114 = tpu.sem_alloc : memref<!tpu.dma_semaphore, #tpu.memory_space<semaphore_mem>>
          %dma_start3A_115 = arith.constant 0 : i32
          %dma_start3A_116 = tpu.memref_slice %arg11[%run_scoped3A, %dma_start3A_115] : memref<30x96xi32, #tpu.memory_space<vmem>> -> memref<1x96xi32, #tpu.memory_space<vmem>>
          %dma_start3A_117 = tpu.memref_squeeze %dma_start3A_116 : memref<1x96xi32, #tpu.memory_space<vmem>> -> memref<96xi32, #tpu.memory_space<vmem>>
          %dma_start3A_118 = arith.constant 0 : i32
          %dma_start3A_119 = arith.constant 0 : i32
          %dma_start3A_120 = tpu.memref_slice %arg14[%dma_start3A_118, %dma_start3A_119] : memref<10240x64xf32, #tpu.memory_space<vmem_shared>> -> memref<10240x64xf32, #tpu.memory_space<vmem_shared>>
          tpu.enqueue_indirect_dma source(%arg12 : memref<96x64xf32, #tpu.memory_space<vmem>>) target(%dma_start3A_120 : memref<10240x64xf32, #tpu.memory_space<vmem_shared>>) offsets(%dma_start3A_117 : memref<96xi32, #tpu.memory_space<vmem>>) semaphore(%run_scoped3A_114 : memref<!tpu.dma_semaphore, #tpu.memory_space<semaphore_mem>>) {add = true}
          %dma_wait3A_121 = arith.constant 0 : i32
          %dma_wait3A_122 = tpu.memref_slice %arg11[%run_scoped3A, %dma_wait3A_121] : memref<30x96xi32, #tpu.memory_space<vmem>> -> memref<1x96xi32, #tpu.memory_space<vmem>>
          %dma_wait3A_123 = tpu.memref_squeeze %dma_wait3A_122 : memref<1x96xi32, #tpu.memory_space<vmem>> -> memref<96xi32, #tpu.memory_space<vmem>>
          %dma_wait3A_124 = arith.constant 0 : i32
          %dma_wait3A_125 = arith.constant 0 : i32
          %dma_wait3A_126 = tpu.memref_slice %arg14[%dma_wait3A_124, %dma_wait3A_125] : memref<10240x64xf32, #tpu.memory_space<vmem_shared>> -> memref<10240x64xf32, #tpu.memory_space<vmem_shared>>
          tpu.wait_indirect_dma semaphore(%run_scoped3A_114 : memref<!tpu.dma_semaphore, #tpu.memory_space<semaphore_mem>>) src(%arg12 : memref<96x64xf32, #tpu.memory_space<vmem>>) dst(%dma_wait3A_126 : memref<10240x64xf32, #tpu.memory_space<vmem_shared>>)
          tpu.yield
        }) : () -> ()
        %dma_wait3A_107 = arith.constant 0 : i32
        %dma_wait3A_108 = arith.constant 0 : i32
        %dma_wait3A_109 = tpu.memref_slice %arg4[%dma_wait3A_107, %dma_wait3A_108] : memref<10240x64xf32, #tpu.memory_space<hbm>> -> memref<96x64xf32, #tpu.memory_space<hbm>>
        %dma_wait3A_110 = arith.constant 0 : i32
        %dma_wait3A_111 = arith.constant 0 : i32
        %dma_wait3A_112 = tpu.memref_slice %arg4[%dma_wait3A_110, %dma_wait3A_111] : memref<10240x64xf32, #tpu.memory_space<hbm>> -> memref<96x64xf32, #tpu.memory_space<hbm>>
        tpu.wait_dma2 semaphore(%arg16 : memref<!tpu.dma_semaphore, #tpu.memory_space<semaphore_mem>>) src(%dma_wait3A_112 : memref<96x64xf32, #tpu.memory_space<hbm>>) dst(%arg13 : memref<96x64xf32, #tpu.memory_space<vmem>>)
        %run_scoped3A_113 = arith.constant 29 : i32
        "tpu.region"() ({
          %run_scoped3A_114 = tpu.sem_alloc : memref<!tpu.dma_semaphore, #tpu.memory_space<semaphore_mem>>
          %dma_start3A_115 = arith.constant 0 : i32
          %dma_start3A_116 = tpu.memref_slice %arg11[%run_scoped3A_113, %dma_start3A_115] : memref<30x96xi32, #tpu.memory_space<vmem>> -> memref<1x96xi32, #tpu.memory_space<vmem>>
          %dma_start3A_117 = tpu.memref_squeeze %dma_start3A_116 : memref<1x96xi32, #tpu.memory_space<vmem>> -> memref<96xi32, #tpu.memory_space<vmem>>
          %dma_start3A_118 = arith.constant 0 : i32
          %dma_start3A_119 = arith.constant 0 : i32
          %dma_start3A_120 = tpu.memref_slice %arg14[%dma_start3A_118, %dma_start3A_119] : memref<10240x64xf32, #tpu.memory_space<vmem_shared>> -> memref<10240x64xf32, #tpu.memory_space<vmem_shared>>
          tpu.enqueue_indirect_dma source(%arg13 : memref<96x64xf32, #tpu.memory_space<vmem>>) target(%dma_start3A_120 : memref<10240x64xf32, #tpu.memory_space<vmem_shared>>) offsets(%dma_start3A_117 : memref<96xi32, #tpu.memory_space<vmem>>) semaphore(%run_scoped3A_114 : memref<!tpu.dma_semaphore, #tpu.memory_space<semaphore_mem>>) {add = true}
          %dma_wait3A_121 = arith.constant 0 : i32
          %dma_wait3A_122 = tpu.memref_slice %arg11[%run_scoped3A_113, %dma_wait3A_121] : memref<30x96xi32, #tpu.memory_space<vmem>> -> memref<1x96xi32, #tpu.memory_space<vmem>>
          %dma_wait3A_123 = tpu.memref_squeeze %dma_wait3A_122 : memref<1x96xi32, #tpu.memory_space<vmem>> -> memref<96xi32, #tpu.memory_space<vmem>>
          %dma_wait3A_124 = arith.constant 0 : i32
          %dma_wait3A_125 = arith.constant 0 : i32
          %dma_wait3A_126 = tpu.memref_slice %arg14[%dma_wait3A_124, %dma_wait3A_125] : memref<10240x64xf32, #tpu.memory_space<vmem_shared>> -> memref<10240x64xf32, #tpu.memory_space<vmem_shared>>
          tpu.wait_indirect_dma semaphore(%run_scoped3A_114 : memref<!tpu.dma_semaphore, #tpu.memory_space<semaphore_mem>>) src(%arg13 : memref<96x64xf32, #tpu.memory_space<vmem>>) dst(%dma_wait3A_126 : memref<10240x64xf32, #tpu.memory_space<vmem_shared>>)
          tpu.yield
        }) : () -> ()
      } else {
      }
      %eq3A_76 = arith.constant 1 : i32
      %eq3A_77 = arith.cmpi eq, %arg0, %eq3A_76 : i32
      %convert_element_type3A_78 = arith.extui %eq3A_77 : i1 to i32
      %cond3A_79 = arith.constant 0 : i32
      %cond3A_80 = arith.cmpi ne, %convert_element_type3A_78, %cond3A_79 : i32
      scf.if %cond3A_80 {
        %dma_start3A = arith.constant 0 : i32
        %dma_start3A_82 = arith.constant 0 : i32
        %dma_start3A_83 = tpu.memref_slice %arg10[%dma_start3A, %dma_start3A_82] : memref<30x96xi32, #tpu.memory_space<vmem>> -> memref<1x96xi32, #tpu.memory_space<vmem>>
        %dma_start3A_84 = tpu.memref_squeeze %dma_start3A_83 : memref<1x96xi32, #tpu.memory_space<vmem>> -> memref<96xi32, #tpu.memory_space<vmem>>
        %dma_start3A_85 = arith.constant 0 : i32
        %dma_start3A_86 = arith.constant 0 : i32
        %dma_start3A_87 = tpu.memref_slice %arg6[%dma_start3A_85, %dma_start3A_86] : memref<10240x64xf32, #tpu.memory_space<hbm>> -> memref<10240x64xf32, #tpu.memory_space<hbm>>
        tpu.enqueue_indirect_dma source(%dma_start3A_87 : memref<10240x64xf32, #tpu.memory_space<hbm>>) target(%arg12 : memref<96x64xf32, #tpu.memory_space<vmem>>) offsets(%dma_start3A_84 : memref<96xi32, #tpu.memory_space<vmem>>) semaphore(%arg15 : memref<!tpu.dma_semaphore, #tpu.memory_space<semaphore_mem>>)
        %dma_start3A_88 = arith.constant 1 : i32
        %dma_start3A_89 = arith.constant 0 : i32
        %dma_start3A_90 = tpu.memref_slice %arg10[%dma_start3A_88, %dma_start3A_89] : memref<30x96xi32, #tpu.memory_space<vmem>> -> memref<1x96xi32, #tpu.memory_space<vmem>>
        %dma_start3A_91 = tpu.memref_squeeze %dma_start3A_90 : memref<1x96xi32, #tpu.memory_space<vmem>> -> memref<96xi32, #tpu.memory_space<vmem>>
        %dma_start3A_92 = arith.constant 0 : i32
        %dma_start3A_93 = arith.constant 0 : i32
        %dma_start3A_94 = tpu.memref_slice %arg6[%dma_start3A_92, %dma_start3A_93] : memref<10240x64xf32, #tpu.memory_space<hbm>> -> memref<10240x64xf32, #tpu.memory_space<hbm>>
        tpu.enqueue_indirect_dma source(%dma_start3A_94 : memref<10240x64xf32, #tpu.memory_space<hbm>>) target(%arg13 : memref<96x64xf32, #tpu.memory_space<vmem>>) offsets(%dma_start3A_91 : memref<96xi32, #tpu.memory_space<vmem>>) semaphore(%arg16 : memref<!tpu.dma_semaphore, #tpu.memory_space<semaphore_mem>>)
        %scan3A_95 = arith.constant 0 : i32
        %scan3A_96 = arith.constant 0 : i32
        %scan3A_97 = arith.constant 14 : i32
        %scan3A_98 = arith.addi %scan3A_96, %scan3A_97 : i32
        %scan3A_99 = arith.constant 1 : i32
        %scan3A_100 = scf.for %scan3A_114 = %scan3A_96 to %scan3A_98 step %scan3A_99 iter_args(%scan3A_115 = %scan3A_95) -> (i32)  : i32 {
          %mul3A_116 = arith.constant 2 : i32
          %mul3A_117 = arith.muli %mul3A_116, %scan3A_114 : i32
          %dma_wait3A_118 = arith.constant 0 : i32
          %dma_wait3A_119 = arith.constant 0 : i32
          %dma_wait3A_120 = tpu.memref_slice %arg6[%dma_wait3A_118, %dma_wait3A_119] : memref<10240x64xf32, #tpu.memory_space<hbm>> -> memref<96x64xf32, #tpu.memory_space<hbm>>
          %dma_wait3A_121 = arith.constant 0 : i32
          %dma_wait3A_122 = arith.constant 0 : i32
          %dma_wait3A_123 = tpu.memref_slice %arg6[%dma_wait3A_121, %dma_wait3A_122] : memref<10240x64xf32, #tpu.memory_space<hbm>> -> memref<96x64xf32, #tpu.memory_space<hbm>>
          tpu.wait_dma2 semaphore(%arg15 : memref<!tpu.dma_semaphore, #tpu.memory_space<semaphore_mem>>) src(%dma_wait3A_123 : memref<96x64xf32, #tpu.memory_space<hbm>>) dst(%arg12 : memref<96x64xf32, #tpu.memory_space<vmem>>)
          "tpu.region"() ({
            %run_scoped3A_149 = tpu.sem_alloc : memref<!tpu.dma_semaphore, #tpu.memory_space<semaphore_mem>>
            %dma_start3A_150 = arith.constant 0 : i32
            %dma_start3A_151 = tpu.memref_slice %arg11[%mul3A_117, %dma_start3A_150] : memref<30x96xi32, #tpu.memory_space<vmem>> -> memref<1x96xi32, #tpu.memory_space<vmem>>
            %dma_start3A_152 = tpu.memref_squeeze %dma_start3A_151 : memref<1x96xi32, #tpu.memory_space<vmem>> -> memref<96xi32, #tpu.memory_space<vmem>>
            %dma_start3A_153 = arith.constant 0 : i32
            %dma_start3A_154 = arith.constant 0 : i32
            %dma_start3A_155 = tpu.memref_slice %arg14[%dma_start3A_153, %dma_start3A_154] : memref<10240x64xf32, #tpu.memory_space<vmem_shared>> -> memref<10240x64xf32, #tpu.memory_space<vmem_shared>>
            tpu.enqueue_indirect_dma source(%arg12 : memref<96x64xf32, #tpu.memory_space<vmem>>) target(%dma_start3A_155 : memref<10240x64xf32, #tpu.memory_space<vmem_shared>>) offsets(%dma_start3A_152 : memref<96xi32, #tpu.memory_space<vmem>>) semaphore(%run_scoped3A_149 : memref<!tpu.dma_semaphore, #tpu.memory_space<semaphore_mem>>) {add = true}
            %dma_wait3A_156 = arith.constant 0 : i32
            %dma_wait3A_157 = tpu.memref_slice %arg11[%mul3A_117, %dma_wait3A_156] : memref<30x96xi32, #tpu.memory_space<vmem>> -> memref<1x96xi32, #tpu.memory_space<vmem>>
            %dma_wait3A_158 = tpu.memref_squeeze %dma_wait3A_157 : memref<1x96xi32, #tpu.memory_space<vmem>> -> memref<96xi32, #tpu.memory_space<vmem>>
            %dma_wait3A_159 = arith.constant 0 : i32
            %dma_wait3A_160 = arith.constant 0 : i32
            %dma_wait3A_161 = tpu.memref_slice %arg14[%dma_wait3A_159, %dma_wait3A_160] : memref<10240x64xf32, #tpu.memory_space<vmem_shared>> -> memref<10240x64xf32, #tpu.memory_space<vmem_shared>>
            tpu.wait_indirect_dma semaphore(%run_scoped3A_149 : memref<!tpu.dma_semaphore, #tpu.memory_space<semaphore_mem>>) src(%arg12 : memref<96x64xf32, #tpu.memory_space<vmem>>) dst(%dma_wait3A_161 : memref<10240x64xf32, #tpu.memory_space<vmem_shared>>)
            tpu.yield
          }) : () -> ()
          %add3A_124 = arith.constant 2 : i32
          %add3A_125 = arith.addi %mul3A_117, %add3A_124 : i32
          %dma_start3A_126 = arith.constant 0 : i32
          %dma_start3A_127 = tpu.memref_slice %arg10[%add3A_125, %dma_start3A_126] : memref<30x96xi32, #tpu.memory_space<vmem>> -> memref<1x96xi32, #tpu.memory_space<vmem>>
          %dma_start3A_128 = tpu.memref_squeeze %dma_start3A_127 : memref<1x96xi32, #tpu.memory_space<vmem>> -> memref<96xi32, #tpu.memory_space<vmem>>
          %dma_start3A_129 = arith.constant 0 : i32
          %dma_start3A_130 = arith.constant 0 : i32
          %dma_start3A_131 = tpu.memref_slice %arg6[%dma_start3A_129, %dma_start3A_130] : memref<10240x64xf32, #tpu.memory_space<hbm>> -> memref<10240x64xf32, #tpu.memory_space<hbm>>
          tpu.enqueue_indirect_dma source(%dma_start3A_131 : memref<10240x64xf32, #tpu.memory_space<hbm>>) target(%arg12 : memref<96x64xf32, #tpu.memory_space<vmem>>) offsets(%dma_start3A_128 : memref<96xi32, #tpu.memory_space<vmem>>) semaphore(%arg15 : memref<!tpu.dma_semaphore, #tpu.memory_space<semaphore_mem>>)
          %dma_wait3A_132 = arith.constant 0 : i32
          %dma_wait3A_133 = arith.constant 0 : i32
          %dma_wait3A_134 = tpu.memref_slice %arg6[%dma_wait3A_132, %dma_wait3A_133] : memref<10240x64xf32, #tpu.memory_space<hbm>> -> memref<96x64xf32, #tpu.memory_space<hbm>>
          %dma_wait3A_135 = arith.constant 0 : i32
          %dma_wait3A_136 = arith.constant 0 : i32
          %dma_wait3A_137 = tpu.memref_slice %arg6[%dma_wait3A_135, %dma_wait3A_136] : memref<10240x64xf32, #tpu.memory_space<hbm>> -> memref<96x64xf32, #tpu.memory_space<hbm>>
          tpu.wait_dma2 semaphore(%arg16 : memref<!tpu.dma_semaphore, #tpu.memory_space<semaphore_mem>>) src(%dma_wait3A_137 : memref<96x64xf32, #tpu.memory_space<hbm>>) dst(%arg13 : memref<96x64xf32, #tpu.memory_space<vmem>>)
          %add3A_138 = arith.constant 1 : i32
          %add3A_139 = arith.addi %mul3A_117, %add3A_138 : i32
          "tpu.region"() ({
            %run_scoped3A_149 = tpu.sem_alloc : memref<!tpu.dma_semaphore, #tpu.memory_space<semaphore_mem>>
            %dma_start3A_150 = arith.constant 0 : i32
            %dma_start3A_151 = tpu.memref_slice %arg11[%add3A_139, %dma_start3A_150] : memref<30x96xi32, #tpu.memory_space<vmem>> -> memref<1x96xi32, #tpu.memory_space<vmem>>
            %dma_start3A_152 = tpu.memref_squeeze %dma_start3A_151 : memref<1x96xi32, #tpu.memory_space<vmem>> -> memref<96xi32, #tpu.memory_space<vmem>>
            %dma_start3A_153 = arith.constant 0 : i32
            %dma_start3A_154 = arith.constant 0 : i32
            %dma_start3A_155 = tpu.memref_slice %arg14[%dma_start3A_153, %dma_start3A_154] : memref<10240x64xf32, #tpu.memory_space<vmem_shared>> -> memref<10240x64xf32, #tpu.memory_space<vmem_shared>>
            tpu.enqueue_indirect_dma source(%arg13 : memref<96x64xf32, #tpu.memory_space<vmem>>) target(%dma_start3A_155 : memref<10240x64xf32, #tpu.memory_space<vmem_shared>>) offsets(%dma_start3A_152 : memref<96xi32, #tpu.memory_space<vmem>>) semaphore(%run_scoped3A_149 : memref<!tpu.dma_semaphore, #tpu.memory_space<semaphore_mem>>) {add = true}
            %dma_wait3A_156 = arith.constant 0 : i32
            %dma_wait3A_157 = tpu.memref_slice %arg11[%add3A_139, %dma_wait3A_156] : memref<30x96xi32, #tpu.memory_space<vmem>> -> memref<1x96xi32, #tpu.memory_space<vmem>>
            %dma_wait3A_158 = tpu.memref_squeeze %dma_wait3A_157 : memref<1x96xi32, #tpu.memory_space<vmem>> -> memref<96xi32, #tpu.memory_space<vmem>>
            %dma_wait3A_159 = arith.constant 0 : i32
            %dma_wait3A_160 = arith.constant 0 : i32
            %dma_wait3A_161 = tpu.memref_slice %arg14[%dma_wait3A_159, %dma_wait3A_160] : memref<10240x64xf32, #tpu.memory_space<vmem_shared>> -> memref<10240x64xf32, #tpu.memory_space<vmem_shared>>
            tpu.wait_indirect_dma semaphore(%run_scoped3A_149 : memref<!tpu.dma_semaphore, #tpu.memory_space<semaphore_mem>>) src(%arg13 : memref<96x64xf32, #tpu.memory_space<vmem>>) dst(%dma_wait3A_161 : memref<10240x64xf32, #tpu.memory_space<vmem_shared>>)
            tpu.yield
          }) : () -> ()
          %add3A_140 = arith.constant 3 : i32
          %add3A_141 = arith.addi %mul3A_117, %add3A_140 : i32
          %dma_start3A_142 = arith.constant 0 : i32
          %dma_start3A_143 = tpu.memref_slice %arg10[%add3A_141, %dma_start3A_142] : memref<30x96xi32, #tpu.memory_space<vmem>> -> memref<1x96xi32, #tpu.memory_space<vmem>>
          %dma_start3A_144 = tpu.memref_squeeze %dma_start3A_143 : memref<1x96xi32, #tpu.memory_space<vmem>> -> memref<96xi32, #tpu.memory_space<vmem>>
          %dma_start3A_145 = arith.constant 0 : i32
          %dma_start3A_146 = arith.constant 0 : i32
          %dma_start3A_147 = tpu.memref_slice %arg6[%dma_start3A_145, %dma_start3A_146] : memref<10240x64xf32, #tpu.memory_space<hbm>> -> memref<10240x64xf32, #tpu.memory_space<hbm>>
          tpu.enqueue_indirect_dma source(%dma_start3A_147 : memref<10240x64xf32, #tpu.memory_space<hbm>>) target(%arg13 : memref<96x64xf32, #tpu.memory_space<vmem>>) offsets(%dma_start3A_144 : memref<96xi32, #tpu.memory_space<vmem>>) semaphore(%arg16 : memref<!tpu.dma_semaphore, #tpu.memory_space<semaphore_mem>>)
          %scan3A_148 = arith.constant 0 : i32
          scf.yield %scan3A_148 : i32
        }
        %scan3A_101 = arith.constant 14 : i32
        %dma_wait3A = arith.constant 0 : i32
        %dma_wait3A_102 = arith.constant 0 : i32
        %dma_wait3A_103 = tpu.memref_slice %arg6[%dma_wait3A, %dma_wait3A_102] : memref<10240x64xf32, #tpu.memory_space<hbm>> -> memref<96x64xf32, #tpu.memory_space<hbm>>
        %dma_wait3A_104 = arith.constant 0 : i32
        %dma_wait3A_105 = arith.constant 0 : i32
        %dma_wait3A_106 = tpu.memref_slice %arg6[%dma_wait3A_104, %dma_wait3A_105] : memref<10240x64xf32, #tpu.memory_space<hbm>> -> memref<96x64xf32, #tpu.memory_space<hbm>>
        tpu.wait_dma2 semaphore(%arg15 : memref<!tpu.dma_semaphore, #tpu.memory_space<semaphore_mem>>) src(%dma_wait3A_106 : memref<96x64xf32, #tpu.memory_space<hbm>>) dst(%arg12 : memref<96x64xf32, #tpu.memory_space<vmem>>)
        %run_scoped3A = arith.constant 28 : i32
        "tpu.region"() ({
          %run_scoped3A_114 = tpu.sem_alloc : memref<!tpu.dma_semaphore, #tpu.memory_space<semaphore_mem>>
          %dma_start3A_115 = arith.constant 0 : i32
          %dma_start3A_116 = tpu.memref_slice %arg11[%run_scoped3A, %dma_start3A_115] : memref<30x96xi32, #tpu.memory_space<vmem>> -> memref<1x96xi32, #tpu.memory_space<vmem>>
          %dma_start3A_117 = tpu.memref_squeeze %dma_start3A_116 : memref<1x96xi32, #tpu.memory_space<vmem>> -> memref<96xi32, #tpu.memory_space<vmem>>
          %dma_start3A_118 = arith.constant 0 : i32
          %dma_start3A_119 = arith.constant 0 : i32
          %dma_start3A_120 = tpu.memref_slice %arg14[%dma_start3A_118, %dma_start3A_119] : memref<10240x64xf32, #tpu.memory_space<vmem_shared>> -> memref<10240x64xf32, #tpu.memory_space<vmem_shared>>
          tpu.enqueue_indirect_dma source(%arg12 : memref<96x64xf32, #tpu.memory_space<vmem>>) target(%dma_start3A_120 : memref<10240x64xf32, #tpu.memory_space<vmem_shared>>) offsets(%dma_start3A_117 : memref<96xi32, #tpu.memory_space<vmem>>) semaphore(%run_scoped3A_114 : memref<!tpu.dma_semaphore, #tpu.memory_space<semaphore_mem>>) {add = true}
          %dma_wait3A_121 = arith.constant 0 : i32
          %dma_wait3A_122 = tpu.memref_slice %arg11[%run_scoped3A, %dma_wait3A_121] : memref<30x96xi32, #tpu.memory_space<vmem>> -> memref<1x96xi32, #tpu.memory_space<vmem>>
          %dma_wait3A_123 = tpu.memref_squeeze %dma_wait3A_122 : memref<1x96xi32, #tpu.memory_space<vmem>> -> memref<96xi32, #tpu.memory_space<vmem>>
          %dma_wait3A_124 = arith.constant 0 : i32
          %dma_wait3A_125 = arith.constant 0 : i32
          %dma_wait3A_126 = tpu.memref_slice %arg14[%dma_wait3A_124, %dma_wait3A_125] : memref<10240x64xf32, #tpu.memory_space<vmem_shared>> -> memref<10240x64xf32, #tpu.memory_space<vmem_shared>>
          tpu.wait_indirect_dma semaphore(%run_scoped3A_114 : memref<!tpu.dma_semaphore, #tpu.memory_space<semaphore_mem>>) src(%arg12 : memref<96x64xf32, #tpu.memory_space<vmem>>) dst(%dma_wait3A_126 : memref<10240x64xf32, #tpu.memory_space<vmem_shared>>)
          tpu.yield
        }) : () -> ()
        %dma_wait3A_107 = arith.constant 0 : i32
        %dma_wait3A_108 = arith.constant 0 : i32
        %dma_wait3A_109 = tpu.memref_slice %arg6[%dma_wait3A_107, %dma_wait3A_108] : memref<10240x64xf32, #tpu.memory_space<hbm>> -> memref<96x64xf32, #tpu.memory_space<hbm>>
        %dma_wait3A_110 = arith.constant 0 : i32
        %dma_wait3A_111 = arith.constant 0 : i32
        %dma_wait3A_112 = tpu.memref_slice %arg6[%dma_wait3A_110, %dma_wait3A_111] : memref<10240x64xf32, #tpu.memory_space<hbm>> -> memref<96x64xf32, #tpu.memory_space<hbm>>
        tpu.wait_dma2 semaphore(%arg16 : memref<!tpu.dma_semaphore, #tpu.memory_space<semaphore_mem>>) src(%dma_wait3A_112 : memref<96x64xf32, #tpu.memory_space<hbm>>) dst(%arg13 : memref<96x64xf32, #tpu.memory_space<vmem>>)
        %run_scoped3A_113 = arith.constant 29 : i32
        "tpu.region"() ({
          %run_scoped3A_114 = tpu.sem_alloc : memref<!tpu.dma_semaphore, #tpu.memory_space<semaphore_mem>>
          %dma_start3A_115 = arith.constant 0 : i32
          %dma_start3A_116 = tpu.memref_slice %arg11[%run_scoped3A_113, %dma_start3A_115] : memref<30x96xi32, #tpu.memory_space<vmem>> -> memref<1x96xi32, #tpu.memory_space<vmem>>
          %dma_start3A_117 = tpu.memref_squeeze %dma_start3A_116 : memref<1x96xi32, #tpu.memory_space<vmem>> -> memref<96xi32, #tpu.memory_space<vmem>>
          %dma_start3A_118 = arith.constant 0 : i32
          %dma_start3A_119 = arith.constant 0 : i32
          %dma_start3A_120 = tpu.memref_slice %arg14[%dma_start3A_118, %dma_start3A_119] : memref<10240x64xf32, #tpu.memory_space<vmem_shared>> -> memref<10240x64xf32, #tpu.memory_space<vmem_shared>>
          tpu.enqueue_indirect_dma source(%arg13 : memref<96x64xf32, #tpu.memory_space<vmem>>) target(%dma_start3A_120 : memref<10240x64xf32, #tpu.memory_space<vmem_shared>>) offsets(%dma_start3A_117 : memref<96xi32, #tpu.memory_space<vmem>>) semaphore(%run_scoped3A_114 : memref<!tpu.dma_semaphore, #tpu.memory_space<semaphore_mem>>) {add = true}
          %dma_wait3A_121 = arith.constant 0 : i32
          %dma_wait3A_122 = tpu.memref_slice %arg11[%run_scoped3A_113, %dma_wait3A_121] : memref<30x96xi32, #tpu.memory_space<vmem>> -> memref<1x96xi32, #tpu.memory_space<vmem>>
          %dma_wait3A_123 = tpu.memref_squeeze %dma_wait3A_122 : memref<1x96xi32, #tpu.memory_space<vmem>> -> memref<96xi32, #tpu.memory_space<vmem>>
          %dma_wait3A_124 = arith.constant 0 : i32
          %dma_wait3A_125 = arith.constant 0 : i32
          %dma_wait3A_126 = tpu.memref_slice %arg14[%dma_wait3A_124, %dma_wait3A_125] : memref<10240x64xf32, #tpu.memory_space<vmem_shared>> -> memref<10240x64xf32, #tpu.memory_space<vmem_shared>>
          tpu.wait_indirect_dma semaphore(%run_scoped3A_114 : memref<!tpu.dma_semaphore, #tpu.memory_space<semaphore_mem>>) src(%arg13 : memref<96x64xf32, #tpu.memory_space<vmem>>) dst(%dma_wait3A_126 : memref<10240x64xf32, #tpu.memory_space<vmem_shared>>)
          tpu.yield
        }) : () -> ()
      } else {
      }
      %scan3A_81 = arith.constant 0 : i32
      scf.yield %scan3A_81 : i32
    }
    %scan3A_22 = arith.constant 7 : i32
    %barrier3A_23 = arith.constant 0 : index
    tpu.barrier barrier_id(%barrier3A_23)
    %mul3A_24 = arith.constant 640 : i32
    %mul3A_25 = arith.muli %arg1, %mul3A_24 : i32
    %mul3A_26 = arith.constant 10240 : i32
    %mul3A_27 = arith.muli %arg0, %mul3A_26 : i32
    %mul3A_28 = arith.constant 640 : i32
    %mul3A_29 = arith.muli %arg1, %mul3A_28 : i32
    %add3A_30 = arith.addi %mul3A_27, %mul3A_29 : i32
    "tpu.region"() ({
      %run_scoped3A = tpu.sem_alloc : memref<!tpu.dma_semaphore, #tpu.memory_space<semaphore_mem>>
      %dma_start3A = arith.constant 0 : i32
      %dma_start3A_67 = tpu.memref_slice %arg8[%add3A_30, %dma_start3A] : memref<20480x64xf32, #tpu.memory_space<hbm>> -> memref<640x64xf32, #tpu.memory_space<hbm>>
      %dma_start3A_68 = arith.constant 0 : i32
      %dma_start3A_69 = tpu.memref_slice %arg14[%mul3A_25, %dma_start3A_68] : memref<10240x64xf32, #tpu.memory_space<vmem_shared>> -> memref<640x64xf32, #tpu.memory_space<vmem_shared>>
      tpu.enqueue_dma source(%dma_start3A_69 : memref<640x64xf32, #tpu.memory_space<vmem_shared>>) target(%dma_start3A_67 : memref<640x64xf32, #tpu.memory_space<hbm>>) target_semaphore(%run_scoped3A : memref<!tpu.dma_semaphore, #tpu.memory_space<semaphore_mem>>)
      %dma_wait3A = arith.constant 0 : i32
      %dma_wait3A_70 = tpu.memref_slice %arg8[%add3A_30, %dma_wait3A] : memref<20480x64xf32, #tpu.memory_space<hbm>> -> memref<640x64xf32, #tpu.memory_space<hbm>>
      %dma_wait3A_71 = arith.constant 0 : i32
      %dma_wait3A_72 = tpu.memref_slice %arg14[%mul3A_25, %dma_wait3A_71] : memref<10240x64xf32, #tpu.memory_space<vmem_shared>> -> memref<640x64xf32, #tpu.memory_space<vmem_shared>>
      tpu.wait_dma2 semaphore(%run_scoped3A : memref<!tpu.dma_semaphore, #tpu.memory_space<semaphore_mem>>) src(%dma_wait3A_72 : memref<640x64xf32, #tpu.memory_space<vmem_shared>>) dst(%dma_wait3A_70 : memref<640x64xf32, #tpu.memory_space<hbm>>)
      tpu.yield
    }) : () -> ()
    %barrier3A_31 = arith.constant 0 : index
    tpu.barrier barrier_id(%barrier3A_31)
    %scan3A_32 = arith.constant 0 : i32
    %scan3A_33 = arith.constant 0 : i32
    %scan3A_34 = arith.constant 96 : i32
    %scan3A_35 = arith.addi %scan3A_33, %scan3A_34 : i32
    %scan3A_36 = arith.constant 1 : i32
    %scan3A_37 = scf.for %scan3A_67 = %scan3A_33 to %scan3A_35 step %scan3A_36 iter_args(%scan3A_68 = %scan3A_32) -> (i32)  : i32 {
      %swap3A = arith.index_cast %scan3A_67 : i32 to index
      %swap3A_69 = arith.constant 0 : index
      %swap3A_70 = tpu.vector_load %arg12[%swap3A, %swap3A_69] {strides = array<i32>} : memref<96x64xf32, #tpu.memory_space<vmem>>, vector<16xf32>,
      tpu.vector_store %arg12[%swap3A, %swap3A_69], %broadcast_in_dim3A_0 {strides = array<i32>} : memref<96x64xf32, #tpu.memory_space<vmem>>, vector<16xf32>,
      %swap3A_71 = arith.index_cast %scan3A_67 : i32 to index
      %swap3A_72 = arith.constant 16 : index
      %swap3A_73 = tpu.vector_load %arg12[%swap3A_71, %swap3A_72] {strides = array<i32>} : memref<96x64xf32, #tpu.memory_space<vmem>>, vector<16xf32>,
      tpu.vector_store %arg12[%swap3A_71, %swap3A_72], %broadcast_in_dim3A_0 {strides = array<i32>} : memref<96x64xf32, #tpu.memory_space<vmem>>, vector<16xf32>,
      %swap3A_74 = arith.index_cast %scan3A_67 : i32 to index
      %swap3A_75 = arith.constant 32 : index
      %swap3A_76 = tpu.vector_load %arg12[%swap3A_74, %swap3A_75] {strides = array<i32>} : memref<96x64xf32, #tpu.memory_space<vmem>>, vector<16xf32>,
      tpu.vector_store %arg12[%swap3A_74, %swap3A_75], %broadcast_in_dim3A_0 {strides = array<i32>} : memref<96x64xf32, #tpu.memory_space<vmem>>, vector<16xf32>,
      %swap3A_77 = arith.index_cast %scan3A_67 : i32 to index
      %swap3A_78 = arith.constant 48 : index
      %swap3A_79 = tpu.vector_load %arg12[%swap3A_77, %swap3A_78] {strides = array<i32>} : memref<96x64xf32, #tpu.memory_space<vmem>>, vector<16xf32>,
      tpu.vector_store %arg12[%swap3A_77, %swap3A_78], %broadcast_in_dim3A_0 {strides = array<i32>} : memref<96x64xf32, #tpu.memory_space<vmem>>, vector<16xf32>,
      %scan3A_80 = arith.constant 0 : i32
      scf.yield %scan3A_80 : i32
    }
    %scan3A_38 = arith.constant 96 : i32
    %scan3A_39 = arith.constant 0 : i32
    %scan3A_40 = arith.constant 0 : i32
    %scan3A_41 = arith.constant 6 : i32
    %scan3A_42 = arith.addi %scan3A_40, %scan3A_41 : i32
    %scan3A_43 = arith.constant 1 : i32
    %scan3A_44 = scf.for %scan3A_67 = %scan3A_40 to %scan3A_42 step %scan3A_43 iter_args(%scan3A_68 = %scan3A_39) -> (i32)  : i32 {
      %mul3A_69 = arith.constant 640 : i32
      %mul3A_70 = arith.muli %arg1, %mul3A_69 : i32
      %mul3A_71 = arith.constant 96 : i32
      %mul3A_72 = arith.muli %scan3A_67, %mul3A_71 : i32
      %add3A_73 = arith.addi %mul3A_70, %mul3A_72 : i32
      "tpu.region"() ({
        %run_scoped3A = tpu.sem_alloc : memref<!tpu.dma_semaphore, #tpu.memory_space<semaphore_mem>>
        %dma_start3A = arith.constant 0 : i32
        %dma_start3A_75 = tpu.memref_slice %arg14[%add3A_73, %dma_start3A] : memref<10240x64xf32, #tpu.memory_space<vmem_shared>> -> memref<96x64xf32, #tpu.memory_space<vmem_shared>>
        %dma_start3A_76 = arith.constant 0 : i32
        %dma_start3A_77 = tpu.memref_slice %arg14[%add3A_73, %dma_start3A_76] : memref<10240x64xf32, #tpu.memory_space<vmem_shared>> -> memref<96x64xf32, #tpu.memory_space<vmem_shared>>
        tpu.enqueue_dma source(%arg12 : memref<96x64xf32, #tpu.memory_space<vmem>>) target(%dma_start3A_77 : memref<96x64xf32, #tpu.memory_space<vmem_shared>>) target_semaphore(%run_scoped3A : memref<!tpu.dma_semaphore, #tpu.memory_space<semaphore_mem>>)
        %dma_wait3A = arith.constant 0 : i32
        %dma_wait3A_78 = tpu.memref_slice %arg14[%add3A_73, %dma_wait3A] : memref<10240x64xf32, #tpu.memory_space<vmem_shared>> -> memref<96x64xf32, #tpu.memory_space<vmem_shared>>
        %dma_wait3A_79 = arith.constant 0 : i32
        %dma_wait3A_80 = tpu.memref_slice %arg14[%add3A_73, %dma_wait3A_79] : memref<10240x64xf32, #tpu.memory_space<vmem_shared>> -> memref<96x64xf32, #tpu.memory_space<vmem_shared>>
        tpu.wait_dma2 semaphore(%run_scoped3A : memref<!tpu.dma_semaphore, #tpu.memory_space<semaphore_mem>>) src(%arg12 : memref<96x64xf32, #tpu.memory_space<vmem>>) dst(%dma_wait3A_80 : memref<96x64xf32, #tpu.memory_space<vmem_shared>>)
        tpu.yield
      }) : () -> ()
      %scan3A_74 = arith.constant 0 : i32
      scf.yield %scan3A_74 : i32
    }
    %scan3A_45 = arith.constant 6 : i32
    %mul3A_46 = arith.constant 640 : i32
    %mul3A_47 = arith.muli %arg1, %mul3A_46 : i32
    %add3A_48 = arith.constant 576 : i32
    %add3A_49 = arith.addi %mul3A_47, %add3A_48 : i32
    "tpu.region"() ({
      %run_scoped3A = tpu.sem_alloc : memref<!tpu.dma_semaphore, #tpu.memory_space<semaphore_mem>>
      %dma_start3A = arith.constant 0 : i32
      %dma_start3A_67 = arith.constant 0 : i32
      %dma_start3A_68 = tpu.memref_slice %arg12[%dma_start3A, %dma_start3A_67] : memref<96x64xf32, #tpu.memory_space<vmem>> -> memref<64x64xf32, #tpu.memory_space<vmem>>
      %dma_start3A_69 = arith.constant 0 : i32
      %dma_start3A_70 = tpu.memref_slice %arg14[%add3A_49, %dma_start3A_69] : memref<10240x64xf32, #tpu.memory_space<vmem_shared>> -> memref<64x64xf32, #tpu.memory_space<vmem_shared>>
      %dma_start3A_71 = arith.constant 0 : i32
      %dma_start3A_72 = tpu.memref_slice %arg14[%add3A_49, %dma_start3A_71] : memref<10240x64xf32, #tpu.memory_space<vmem_shared>> -> memref<64x64xf32, #tpu.memory_space<vmem_shared>>
      %dma_start3A_73 = arith.constant 0 : i32
      %dma_start3A_74 = arith.constant 0 : i32
      %dma_start3A_75 = tpu.memref_slice %arg12[%dma_start3A_73, %dma_start3A_74] : memref<96x64xf32, #tpu.memory_space<vmem>> -> memref<64x64xf32, #tpu.memory_space<vmem>>
      tpu.enqueue_dma source(%dma_start3A_75 : memref<64x64xf32, #tpu.memory_space<vmem>>) target(%dma_start3A_72 : memref<64x64xf32, #tpu.memory_space<vmem_shared>>) target_semaphore(%run_scoped3A : memref<!tpu.dma_semaphore, #tpu.memory_space<semaphore_mem>>)
      %dma_wait3A = arith.constant 0 : i32
      %dma_wait3A_76 = arith.constant 0 : i32
      %dma_wait3A_77 = tpu.memref_slice %arg12[%dma_wait3A, %dma_wait3A_76] : memref<96x64xf32, #tpu.memory_space<vmem>> -> memref<64x64xf32, #tpu.memory_space<vmem>>
      %dma_wait3A_78 = arith.constant 0 : i32
      %dma_wait3A_79 = tpu.memref_slice %arg14[%add3A_49, %dma_wait3A_78] : memref<10240x64xf32, #tpu.memory_space<vmem_shared>> -> memref<64x64xf32, #tpu.memory_space<vmem_shared>>
      %dma_wait3A_80 = arith.constant 0 : i32
      %dma_wait3A_81 = tpu.memref_slice %arg14[%add3A_49, %dma_wait3A_80] : memref<10240x64xf32, #tpu.memory_space<vmem_shared>> -> memref<64x64xf32, #tpu.memory_space<vmem_shared>>
      %dma_wait3A_82 = arith.constant 0 : i32
      %dma_wait3A_83 = arith.constant 0 : i32
      %dma_wait3A_84 = tpu.memref_slice %arg12[%dma_wait3A_82, %dma_wait3A_83] : memref<96x64xf32, #tpu.memory_space<vmem>> -> memref<64x64xf32, #tpu.memory_space<vmem>>
      tpu.wait_dma2 semaphore(%run_scoped3A : memref<!tpu.dma_semaphore, #tpu.memory_space<semaphore_mem>>) src(%dma_wait3A_84 : memref<64x64xf32, #tpu.memory_space<vmem>>) dst(%dma_wait3A_81 : memref<64x64xf32, #tpu.memory_space<vmem_shared>>)
      tpu.yield
    }) : () -> ()
    %barrier3A_50 = arith.constant 0 : index
    tpu.barrier barrier_id(%barrier3A_50)
    %scan3A_51 = arith.constant 0 : i32
    %scan3A_52 = arith.constant 0 : i32
    %scan3A_53 = arith.constant 7 : i32
    %scan3A_54 = arith.addi %scan3A_52, %scan3A_53 : i32
    %scan3A_55 = arith.constant 1 : i32
    %scan3A_56 = scf.for %scan3A_67 = %scan3A_52 to %scan3A_54 step %scan3A_55 iter_args(%scan3A_68 = %scan3A_51) -> (i32)  : i32 {
      %mul3A_69 = arith.constant 210 : i32
      %mul3A_70 = arith.muli %arg1, %mul3A_69 : i32
      %mul3A_71 = arith.constant 30 : i32
      %mul3A_72 = arith.muli %scan3A_67, %mul3A_71 : i32
      %add3A_73 = arith.addi %mul3A_70, %mul3A_72 : i32
      "tpu.region"() ({
        %run_scoped3A = tpu.sem_alloc : memref<!tpu.dma_semaphore, #tpu.memory_space<semaphore_mem>>
        %dma_start3A = arith.constant 0 : i32
        %dma_start3A_82 = tpu.memref_slice %arg2[%add3A_73, %dma_start3A] : memref<3360x96xi32, #tpu.memory_space<hbm>> -> memref<30x96xi32, #tpu.memory_space<hbm>>
        %dma_start3A_83 = arith.constant 0 : i32
        %dma_start3A_84 = tpu.memref_slice %arg2[%add3A_73, %dma_start3A_83] : memref<3360x96xi32, #tpu.memory_space<hbm>> -> memref<30x96xi32, #tpu.memory_space<hbm>>
        tpu.enqueue_dma source(%dma_start3A_84 : memref<30x96xi32, #tpu.memory_space<hbm>>) target(%arg10 : memref<30x96xi32, #tpu.memory_space<vmem>>) target_semaphore(%run_scoped3A : memref<!tpu.dma_semaphore, #tpu.memory_space<semaphore_mem>>)
        %dma_wait3A = arith.constant 0 : i32
        %dma_wait3A_85 = tpu.memref_slice %arg2[%add3A_73, %dma_wait3A] : memref<3360x96xi32, #tpu.memory_space<hbm>> -> memref<30x96xi32, #tpu.memory_space<hbm>>
        %dma_wait3A_86 = arith.constant 0 : i32
        %dma_wait3A_87 = tpu.memref_slice %arg2[%add3A_73, %dma_wait3A_86] : memref<3360x96xi32, #tpu.memory_space<hbm>> -> memref<30x96xi32, #tpu.memory_space<hbm>>
        tpu.wait_dma2 semaphore(%run_scoped3A : memref<!tpu.dma_semaphore, #tpu.memory_space<semaphore_mem>>) src(%dma_wait3A_87 : memref<30x96xi32, #tpu.memory_space<hbm>>) dst(%arg10 : memref<30x96xi32, #tpu.memory_space<vmem>>)
        tpu.yield
      }) : () -> ()
      "tpu.region"() ({
        %run_scoped3A = tpu.sem_alloc : memref<!tpu.dma_semaphore, #tpu.memory_space<semaphore_mem>>
        %dma_start3A = arith.constant 0 : i32
        %dma_start3A_82 = tpu.memref_slice %arg3[%add3A_73, %dma_start3A] : memref<3360x96xi32, #tpu.memory_space<hbm>> -> memref<30x96xi32, #tpu.memory_space<hbm>>
        %dma_start3A_83 = arith.constant 0 : i32
        %dma_start3A_84 = tpu.memref_slice %arg3[%add3A_73, %dma_start3A_83] : memref<3360x96xi32, #tpu.memory_space<hbm>> -> memref<30x96xi32, #tpu.memory_space<hbm>>
        tpu.enqueue_dma source(%dma_start3A_84 : memref<30x96xi32, #tpu.memory_space<hbm>>) target(%arg11 : memref<30x96xi32, #tpu.memory_space<vmem>>) target_semaphore(%run_scoped3A : memref<!tpu.dma_semaphore, #tpu.memory_space<semaphore_mem>>)
        %dma_wait3A = arith.constant 0 : i32
        %dma_wait3A_85 = tpu.memref_slice %arg3[%add3A_73, %dma_wait3A] : memref<3360x96xi32, #tpu.memory_space<hbm>> -> memref<30x96xi32, #tpu.memory_space<hbm>>
        %dma_wait3A_86 = arith.constant 0 : i32
        %dma_wait3A_87 = tpu.memref_slice %arg3[%add3A_73, %dma_wait3A_86] : memref<3360x96xi32, #tpu.memory_space<hbm>> -> memref<30x96xi32, #tpu.memory_space<hbm>>
        tpu.wait_dma2 semaphore(%run_scoped3A : memref<!tpu.dma_semaphore, #tpu.memory_space<semaphore_mem>>) src(%dma_wait3A_87 : memref<30x96xi32, #tpu.memory_space<hbm>>) dst(%arg11 : memref<30x96xi32, #tpu.memory_space<vmem>>)
        tpu.yield
      }) : () -> ()
      %eq3A = arith.constant 0 : i32
      %eq3A_74 = arith.cmpi eq, %arg0, %eq3A : i32
      %convert_element_type3A = arith.extui %eq3A_74 : i1 to i32
      %cond3A = arith.constant 0 : i32
      %cond3A_75 = arith.cmpi ne, %convert_element_type3A, %cond3A : i32
      scf.if %cond3A_75 {
        %dma_start3A = arith.constant 0 : i32
        %dma_start3A_82 = arith.constant 0 : i32
        %dma_start3A_83 = tpu.memref_slice %arg10[%dma_start3A, %dma_start3A_82] : memref<30x96xi32, #tpu.memory_space<vmem>> -> memref<1x96xi32, #tpu.memory_space<vmem>>
        %dma_start3A_84 = tpu.memref_squeeze %dma_start3A_83 : memref<1x96xi32, #tpu.memory_space<vmem>> -> memref<96xi32, #tpu.memory_space<vmem>>
        %dma_start3A_85 = arith.constant 0 : i32
        %dma_start3A_86 = arith.constant 0 : i32
        %dma_start3A_87 = tpu.memref_slice %arg5[%dma_start3A_85, %dma_start3A_86] : memref<10240x64xf32, #tpu.memory_space<hbm>> -> memref<10240x64xf32, #tpu.memory_space<hbm>>
        tpu.enqueue_indirect_dma source(%dma_start3A_87 : memref<10240x64xf32, #tpu.memory_space<hbm>>) target(%arg12 : memref<96x64xf32, #tpu.memory_space<vmem>>) offsets(%dma_start3A_84 : memref<96xi32, #tpu.memory_space<vmem>>) semaphore(%arg15 : memref<!tpu.dma_semaphore, #tpu.memory_space<semaphore_mem>>)
        %dma_start3A_88 = arith.constant 1 : i32
        %dma_start3A_89 = arith.constant 0 : i32
        %dma_start3A_90 = tpu.memref_slice %arg10[%dma_start3A_88, %dma_start3A_89] : memref<30x96xi32, #tpu.memory_space<vmem>> -> memref<1x96xi32, #tpu.memory_space<vmem>>
        %dma_start3A_91 = tpu.memref_squeeze %dma_start3A_90 : memref<1x96xi32, #tpu.memory_space<vmem>> -> memref<96xi32, #tpu.memory_space<vmem>>
        %dma_start3A_92 = arith.constant 0 : i32
        %dma_start3A_93 = arith.constant 0 : i32
        %dma_start3A_94 = tpu.memref_slice %arg5[%dma_start3A_92, %dma_start3A_93] : memref<10240x64xf32, #tpu.memory_space<hbm>> -> memref<10240x64xf32, #tpu.memory_space<hbm>>
        tpu.enqueue_indirect_dma source(%dma_start3A_94 : memref<10240x64xf32, #tpu.memory_space<hbm>>) target(%arg13 : memref<96x64xf32, #tpu.memory_space<vmem>>) offsets(%dma_start3A_91 : memref<96xi32, #tpu.memory_space<vmem>>) semaphore(%arg16 : memref<!tpu.dma_semaphore, #tpu.memory_space<semaphore_mem>>)
        %scan3A_95 = arith.constant 0 : i32
        %scan3A_96 = arith.constant 0 : i32
        %scan3A_97 = arith.constant 14 : i32
        %scan3A_98 = arith.addi %scan3A_96, %scan3A_97 : i32
        %scan3A_99 = arith.constant 1 : i32
        %scan3A_100 = scf.for %scan3A_114 = %scan3A_96 to %scan3A_98 step %scan3A_99 iter_args(%scan3A_115 = %scan3A_95) -> (i32)  : i32 {
          %mul3A_116 = arith.constant 2 : i32
          %mul3A_117 = arith.muli %mul3A_116, %scan3A_114 : i32
          %dma_wait3A_118 = arith.constant 0 : i32
          %dma_wait3A_119 = arith.constant 0 : i32
          %dma_wait3A_120 = tpu.memref_slice %arg5[%dma_wait3A_118, %dma_wait3A_119] : memref<10240x64xf32, #tpu.memory_space<hbm>> -> memref<96x64xf32, #tpu.memory_space<hbm>>
          %dma_wait3A_121 = arith.constant 0 : i32
          %dma_wait3A_122 = arith.constant 0 : i32
          %dma_wait3A_123 = tpu.memref_slice %arg5[%dma_wait3A_121, %dma_wait3A_122] : memref<10240x64xf32, #tpu.memory_space<hbm>> -> memref<96x64xf32, #tpu.memory_space<hbm>>
          tpu.wait_dma2 semaphore(%arg15 : memref<!tpu.dma_semaphore, #tpu.memory_space<semaphore_mem>>) src(%dma_wait3A_123 : memref<96x64xf32, #tpu.memory_space<hbm>>) dst(%arg12 : memref<96x64xf32, #tpu.memory_space<vmem>>)
          "tpu.region"() ({
            %run_scoped3A_149 = tpu.sem_alloc : memref<!tpu.dma_semaphore, #tpu.memory_space<semaphore_mem>>
            %dma_start3A_150 = arith.constant 0 : i32
            %dma_start3A_151 = tpu.memref_slice %arg11[%mul3A_117, %dma_start3A_150] : memref<30x96xi32, #tpu.memory_space<vmem>> -> memref<1x96xi32, #tpu.memory_space<vmem>>
            %dma_start3A_152 = tpu.memref_squeeze %dma_start3A_151 : memref<1x96xi32, #tpu.memory_space<vmem>> -> memref<96xi32, #tpu.memory_space<vmem>>
            %dma_start3A_153 = arith.constant 0 : i32
            %dma_start3A_154 = arith.constant 0 : i32
            %dma_start3A_155 = tpu.memref_slice %arg14[%dma_start3A_153, %dma_start3A_154] : memref<10240x64xf32, #tpu.memory_space<vmem_shared>> -> memref<10240x64xf32, #tpu.memory_space<vmem_shared>>
            tpu.enqueue_indirect_dma source(%arg12 : memref<96x64xf32, #tpu.memory_space<vmem>>) target(%dma_start3A_155 : memref<10240x64xf32, #tpu.memory_space<vmem_shared>>) offsets(%dma_start3A_152 : memref<96xi32, #tpu.memory_space<vmem>>) semaphore(%run_scoped3A_149 : memref<!tpu.dma_semaphore, #tpu.memory_space<semaphore_mem>>) {add = true}
            %dma_wait3A_156 = arith.constant 0 : i32
            %dma_wait3A_157 = tpu.memref_slice %arg11[%mul3A_117, %dma_wait3A_156] : memref<30x96xi32, #tpu.memory_space<vmem>> -> memref<1x96xi32, #tpu.memory_space<vmem>>
            %dma_wait3A_158 = tpu.memref_squeeze %dma_wait3A_157 : memref<1x96xi32, #tpu.memory_space<vmem>> -> memref<96xi32, #tpu.memory_space<vmem>>
            %dma_wait3A_159 = arith.constant 0 : i32
            %dma_wait3A_160 = arith.constant 0 : i32
            %dma_wait3A_161 = tpu.memref_slice %arg14[%dma_wait3A_159, %dma_wait3A_160] : memref<10240x64xf32, #tpu.memory_space<vmem_shared>> -> memref<10240x64xf32, #tpu.memory_space<vmem_shared>>
            tpu.wait_indirect_dma semaphore(%run_scoped3A_149 : memref<!tpu.dma_semaphore, #tpu.memory_space<semaphore_mem>>) src(%arg12 : memref<96x64xf32, #tpu.memory_space<vmem>>) dst(%dma_wait3A_161 : memref<10240x64xf32, #tpu.memory_space<vmem_shared>>)
            tpu.yield
          }) : () -> ()
          %add3A_124 = arith.constant 2 : i32
          %add3A_125 = arith.addi %mul3A_117, %add3A_124 : i32
          %dma_start3A_126 = arith.constant 0 : i32
          %dma_start3A_127 = tpu.memref_slice %arg10[%add3A_125, %dma_start3A_126] : memref<30x96xi32, #tpu.memory_space<vmem>> -> memref<1x96xi32, #tpu.memory_space<vmem>>
          %dma_start3A_128 = tpu.memref_squeeze %dma_start3A_127 : memref<1x96xi32, #tpu.memory_space<vmem>> -> memref<96xi32, #tpu.memory_space<vmem>>
          %dma_start3A_129 = arith.constant 0 : i32
          %dma_start3A_130 = arith.constant 0 : i32
          %dma_start3A_131 = tpu.memref_slice %arg5[%dma_start3A_129, %dma_start3A_130] : memref<10240x64xf32, #tpu.memory_space<hbm>> -> memref<10240x64xf32, #tpu.memory_space<hbm>>
          tpu.enqueue_indirect_dma source(%dma_start3A_131 : memref<10240x64xf32, #tpu.memory_space<hbm>>) target(%arg12 : memref<96x64xf32, #tpu.memory_space<vmem>>) offsets(%dma_start3A_128 : memref<96xi32, #tpu.memory_space<vmem>>) semaphore(%arg15 : memref<!tpu.dma_semaphore, #tpu.memory_space<semaphore_mem>>)
          %dma_wait3A_132 = arith.constant 0 : i32
          %dma_wait3A_133 = arith.constant 0 : i32
          %dma_wait3A_134 = tpu.memref_slice %arg5[%dma_wait3A_132, %dma_wait3A_133] : memref<10240x64xf32, #tpu.memory_space<hbm>> -> memref<96x64xf32, #tpu.memory_space<hbm>>
          %dma_wait3A_135 = arith.constant 0 : i32
          %dma_wait3A_136 = arith.constant 0 : i32
          %dma_wait3A_137 = tpu.memref_slice %arg5[%dma_wait3A_135, %dma_wait3A_136] : memref<10240x64xf32, #tpu.memory_space<hbm>> -> memref<96x64xf32, #tpu.memory_space<hbm>>
          tpu.wait_dma2 semaphore(%arg16 : memref<!tpu.dma_semaphore, #tpu.memory_space<semaphore_mem>>) src(%dma_wait3A_137 : memref<96x64xf32, #tpu.memory_space<hbm>>) dst(%arg13 : memref<96x64xf32, #tpu.memory_space<vmem>>)
          %add3A_138 = arith.constant 1 : i32
          %add3A_139 = arith.addi %mul3A_117, %add3A_138 : i32
          "tpu.region"() ({
            %run_scoped3A_149 = tpu.sem_alloc : memref<!tpu.dma_semaphore, #tpu.memory_space<semaphore_mem>>
            %dma_start3A_150 = arith.constant 0 : i32
            %dma_start3A_151 = tpu.memref_slice %arg11[%add3A_139, %dma_start3A_150] : memref<30x96xi32, #tpu.memory_space<vmem>> -> memref<1x96xi32, #tpu.memory_space<vmem>>
            %dma_start3A_152 = tpu.memref_squeeze %dma_start3A_151 : memref<1x96xi32, #tpu.memory_space<vmem>> -> memref<96xi32, #tpu.memory_space<vmem>>
            %dma_start3A_153 = arith.constant 0 : i32
            %dma_start3A_154 = arith.constant 0 : i32
            %dma_start3A_155 = tpu.memref_slice %arg14[%dma_start3A_153, %dma_start3A_154] : memref<10240x64xf32, #tpu.memory_space<vmem_shared>> -> memref<10240x64xf32, #tpu.memory_space<vmem_shared>>
            tpu.enqueue_indirect_dma source(%arg13 : memref<96x64xf32, #tpu.memory_space<vmem>>) target(%dma_start3A_155 : memref<10240x64xf32, #tpu.memory_space<vmem_shared>>) offsets(%dma_start3A_152 : memref<96xi32, #tpu.memory_space<vmem>>) semaphore(%run_scoped3A_149 : memref<!tpu.dma_semaphore, #tpu.memory_space<semaphore_mem>>) {add = true}
            %dma_wait3A_156 = arith.constant 0 : i32
            %dma_wait3A_157 = tpu.memref_slice %arg11[%add3A_139, %dma_wait3A_156] : memref<30x96xi32, #tpu.memory_space<vmem>> -> memref<1x96xi32, #tpu.memory_space<vmem>>
            %dma_wait3A_158 = tpu.memref_squeeze %dma_wait3A_157 : memref<1x96xi32, #tpu.memory_space<vmem>> -> memref<96xi32, #tpu.memory_space<vmem>>
            %dma_wait3A_159 = arith.constant 0 : i32
            %dma_wait3A_160 = arith.constant 0 : i32
            %dma_wait3A_161 = tpu.memref_slice %arg14[%dma_wait3A_159, %dma_wait3A_160] : memref<10240x64xf32, #tpu.memory_space<vmem_shared>> -> memref<10240x64xf32, #tpu.memory_space<vmem_shared>>
            tpu.wait_indirect_dma semaphore(%run_scoped3A_149 : memref<!tpu.dma_semaphore, #tpu.memory_space<semaphore_mem>>) src(%arg13 : memref<96x64xf32, #tpu.memory_space<vmem>>) dst(%dma_wait3A_161 : memref<10240x64xf32, #tpu.memory_space<vmem_shared>>)
            tpu.yield
          }) : () -> ()
          %add3A_140 = arith.constant 3 : i32
          %add3A_141 = arith.addi %mul3A_117, %add3A_140 : i32
          %dma_start3A_142 = arith.constant 0 : i32
          %dma_start3A_143 = tpu.memref_slice %arg10[%add3A_141, %dma_start3A_142] : memref<30x96xi32, #tpu.memory_space<vmem>> -> memref<1x96xi32, #tpu.memory_space<vmem>>
          %dma_start3A_144 = tpu.memref_squeeze %dma_start3A_143 : memref<1x96xi32, #tpu.memory_space<vmem>> -> memref<96xi32, #tpu.memory_space<vmem>>
          %dma_start3A_145 = arith.constant 0 : i32
          %dma_start3A_146 = arith.constant 0 : i32
          %dma_start3A_147 = tpu.memref_slice %arg5[%dma_start3A_145, %dma_start3A_146] : memref<10240x64xf32, #tpu.memory_space<hbm>> -> memref<10240x64xf32, #tpu.memory_space<hbm>>
          tpu.enqueue_indirect_dma source(%dma_start3A_147 : memref<10240x64xf32, #tpu.memory_space<hbm>>) target(%arg13 : memref<96x64xf32, #tpu.memory_space<vmem>>) offsets(%dma_start3A_144 : memref<96xi32, #tpu.memory_space<vmem>>) semaphore(%arg16 : memref<!tpu.dma_semaphore, #tpu.memory_space<semaphore_mem>>)
          %scan3A_148 = arith.constant 0 : i32
          scf.yield %scan3A_148 : i32
        }
        %scan3A_101 = arith.constant 14 : i32
        %dma_wait3A = arith.constant 0 : i32
        %dma_wait3A_102 = arith.constant 0 : i32
        %dma_wait3A_103 = tpu.memref_slice %arg5[%dma_wait3A, %dma_wait3A_102] : memref<10240x64xf32, #tpu.memory_space<hbm>> -> memref<96x64xf32, #tpu.memory_space<hbm>>
        %dma_wait3A_104 = arith.constant 0 : i32
        %dma_wait3A_105 = arith.constant 0 : i32
        %dma_wait3A_106 = tpu.memref_slice %arg5[%dma_wait3A_104, %dma_wait3A_105] : memref<10240x64xf32, #tpu.memory_space<hbm>> -> memref<96x64xf32, #tpu.memory_space<hbm>>
        tpu.wait_dma2 semaphore(%arg15 : memref<!tpu.dma_semaphore, #tpu.memory_space<semaphore_mem>>) src(%dma_wait3A_106 : memref<96x64xf32, #tpu.memory_space<hbm>>) dst(%arg12 : memref<96x64xf32, #tpu.memory_space<vmem>>)
        %run_scoped3A = arith.constant 28 : i32
        "tpu.region"() ({
          %run_scoped3A_114 = tpu.sem_alloc : memref<!tpu.dma_semaphore, #tpu.memory_space<semaphore_mem>>
          %dma_start3A_115 = arith.constant 0 : i32
          %dma_start3A_116 = tpu.memref_slice %arg11[%run_scoped3A, %dma_start3A_115] : memref<30x96xi32, #tpu.memory_space<vmem>> -> memref<1x96xi32, #tpu.memory_space<vmem>>
          %dma_start3A_117 = tpu.memref_squeeze %dma_start3A_116 : memref<1x96xi32, #tpu.memory_space<vmem>> -> memref<96xi32, #tpu.memory_space<vmem>>
          %dma_start3A_118 = arith.constant 0 : i32
          %dma_start3A_119 = arith.constant 0 : i32
          %dma_start3A_120 = tpu.memref_slice %arg14[%dma_start3A_118, %dma_start3A_119] : memref<10240x64xf32, #tpu.memory_space<vmem_shared>> -> memref<10240x64xf32, #tpu.memory_space<vmem_shared>>
          tpu.enqueue_indirect_dma source(%arg12 : memref<96x64xf32, #tpu.memory_space<vmem>>) target(%dma_start3A_120 : memref<10240x64xf32, #tpu.memory_space<vmem_shared>>) offsets(%dma_start3A_117 : memref<96xi32, #tpu.memory_space<vmem>>) semaphore(%run_scoped3A_114 : memref<!tpu.dma_semaphore, #tpu.memory_space<semaphore_mem>>) {add = true}
          %dma_wait3A_121 = arith.constant 0 : i32
          %dma_wait3A_122 = tpu.memref_slice %arg11[%run_scoped3A, %dma_wait3A_121] : memref<30x96xi32, #tpu.memory_space<vmem>> -> memref<1x96xi32, #tpu.memory_space<vmem>>
          %dma_wait3A_123 = tpu.memref_squeeze %dma_wait3A_122 : memref<1x96xi32, #tpu.memory_space<vmem>> -> memref<96xi32, #tpu.memory_space<vmem>>
          %dma_wait3A_124 = arith.constant 0 : i32
          %dma_wait3A_125 = arith.constant 0 : i32
          %dma_wait3A_126 = tpu.memref_slice %arg14[%dma_wait3A_124, %dma_wait3A_125] : memref<10240x64xf32, #tpu.memory_space<vmem_shared>> -> memref<10240x64xf32, #tpu.memory_space<vmem_shared>>
          tpu.wait_indirect_dma semaphore(%run_scoped3A_114 : memref<!tpu.dma_semaphore, #tpu.memory_space<semaphore_mem>>) src(%arg12 : memref<96x64xf32, #tpu.memory_space<vmem>>) dst(%dma_wait3A_126 : memref<10240x64xf32, #tpu.memory_space<vmem_shared>>)
          tpu.yield
        }) : () -> ()
        %dma_wait3A_107 = arith.constant 0 : i32
        %dma_wait3A_108 = arith.constant 0 : i32
        %dma_wait3A_109 = tpu.memref_slice %arg5[%dma_wait3A_107, %dma_wait3A_108] : memref<10240x64xf32, #tpu.memory_space<hbm>> -> memref<96x64xf32, #tpu.memory_space<hbm>>
        %dma_wait3A_110 = arith.constant 0 : i32
        %dma_wait3A_111 = arith.constant 0 : i32
        %dma_wait3A_112 = tpu.memref_slice %arg5[%dma_wait3A_110, %dma_wait3A_111] : memref<10240x64xf32, #tpu.memory_space<hbm>> -> memref<96x64xf32, #tpu.memory_space<hbm>>
        tpu.wait_dma2 semaphore(%arg16 : memref<!tpu.dma_semaphore, #tpu.memory_space<semaphore_mem>>) src(%dma_wait3A_112 : memref<96x64xf32, #tpu.memory_space<hbm>>) dst(%arg13 : memref<96x64xf32, #tpu.memory_space<vmem>>)
        %run_scoped3A_113 = arith.constant 29 : i32
        "tpu.region"() ({
          %run_scoped3A_114 = tpu.sem_alloc : memref<!tpu.dma_semaphore, #tpu.memory_space<semaphore_mem>>
          %dma_start3A_115 = arith.constant 0 : i32
          %dma_start3A_116 = tpu.memref_slice %arg11[%run_scoped3A_113, %dma_start3A_115] : memref<30x96xi32, #tpu.memory_space<vmem>> -> memref<1x96xi32, #tpu.memory_space<vmem>>
          %dma_start3A_117 = tpu.memref_squeeze %dma_start3A_116 : memref<1x96xi32, #tpu.memory_space<vmem>> -> memref<96xi32, #tpu.memory_space<vmem>>
          %dma_start3A_118 = arith.constant 0 : i32
          %dma_start3A_119 = arith.constant 0 : i32
          %dma_start3A_120 = tpu.memref_slice %arg14[%dma_start3A_118, %dma_start3A_119] : memref<10240x64xf32, #tpu.memory_space<vmem_shared>> -> memref<10240x64xf32, #tpu.memory_space<vmem_shared>>
          tpu.enqueue_indirect_dma source(%arg13 : memref<96x64xf32, #tpu.memory_space<vmem>>) target(%dma_start3A_120 : memref<10240x64xf32, #tpu.memory_space<vmem_shared>>) offsets(%dma_start3A_117 : memref<96xi32, #tpu.memory_space<vmem>>) semaphore(%run_scoped3A_114 : memref<!tpu.dma_semaphore, #tpu.memory_space<semaphore_mem>>) {add = true}
          %dma_wait3A_121 = arith.constant 0 : i32
          %dma_wait3A_122 = tpu.memref_slice %arg11[%run_scoped3A_113, %dma_wait3A_121] : memref<30x96xi32, #tpu.memory_space<vmem>> -> memref<1x96xi32, #tpu.memory_space<vmem>>
          %dma_wait3A_123 = tpu.memref_squeeze %dma_wait3A_122 : memref<1x96xi32, #tpu.memory_space<vmem>> -> memref<96xi32, #tpu.memory_space<vmem>>
          %dma_wait3A_124 = arith.constant 0 : i32
          %dma_wait3A_125 = arith.constant 0 : i32
          %dma_wait3A_126 = tpu.memref_slice %arg14[%dma_wait3A_124, %dma_wait3A_125] : memref<10240x64xf32, #tpu.memory_space<vmem_shared>> -> memref<10240x64xf32, #tpu.memory_space<vmem_shared>>
          tpu.wait_indirect_dma semaphore(%run_scoped3A_114 : memref<!tpu.dma_semaphore, #tpu.memory_space<semaphore_mem>>) src(%arg13 : memref<96x64xf32, #tpu.memory_space<vmem>>) dst(%dma_wait3A_126 : memref<10240x64xf32, #tpu.memory_space<vmem_shared>>)
          tpu.yield
        }) : () -> ()
      } else {
      }
      %eq3A_76 = arith.constant 1 : i32
      %eq3A_77 = arith.cmpi eq, %arg0, %eq3A_76 : i32
      %convert_element_type3A_78 = arith.extui %eq3A_77 : i1 to i32
      %cond3A_79 = arith.constant 0 : i32
      %cond3A_80 = arith.cmpi ne, %convert_element_type3A_78, %cond3A_79 : i32
      scf.if %cond3A_80 {
        %dma_start3A = arith.constant 0 : i32
        %dma_start3A_82 = arith.constant 0 : i32
        %dma_start3A_83 = tpu.memref_slice %arg10[%dma_start3A, %dma_start3A_82] : memref<30x96xi32, #tpu.memory_space<vmem>> -> memref<1x96xi32, #tpu.memory_space<vmem>>
        %dma_start3A_84 = tpu.memref_squeeze %dma_start3A_83 : memref<1x96xi32, #tpu.memory_space<vmem>> -> memref<96xi32, #tpu.memory_space<vmem>>
        %dma_start3A_85 = arith.constant 0 : i32
        %dma_start3A_86 = arith.constant 0 : i32
        %dma_start3A_87 = tpu.memref_slice %arg7[%dma_start3A_85, %dma_start3A_86] : memref<10240x64xf32, #tpu.memory_space<hbm>> -> memref<10240x64xf32, #tpu.memory_space<hbm>>
        tpu.enqueue_indirect_dma source(%dma_start3A_87 : memref<10240x64xf32, #tpu.memory_space<hbm>>) target(%arg12 : memref<96x64xf32, #tpu.memory_space<vmem>>) offsets(%dma_start3A_84 : memref<96xi32, #tpu.memory_space<vmem>>) semaphore(%arg15 : memref<!tpu.dma_semaphore, #tpu.memory_space<semaphore_mem>>)
        %dma_start3A_88 = arith.constant 1 : i32
        %dma_start3A_89 = arith.constant 0 : i32
        %dma_start3A_90 = tpu.memref_slice %arg10[%dma_start3A_88, %dma_start3A_89] : memref<30x96xi32, #tpu.memory_space<vmem>> -> memref<1x96xi32, #tpu.memory_space<vmem>>
        %dma_start3A_91 = tpu.memref_squeeze %dma_start3A_90 : memref<1x96xi32, #tpu.memory_space<vmem>> -> memref<96xi32, #tpu.memory_space<vmem>>
        %dma_start3A_92 = arith.constant 0 : i32
        %dma_start3A_93 = arith.constant 0 : i32
        %dma_start3A_94 = tpu.memref_slice %arg7[%dma_start3A_92, %dma_start3A_93] : memref<10240x64xf32, #tpu.memory_space<hbm>> -> memref<10240x64xf32, #tpu.memory_space<hbm>>
        tpu.enqueue_indirect_dma source(%dma_start3A_94 : memref<10240x64xf32, #tpu.memory_space<hbm>>) target(%arg13 : memref<96x64xf32, #tpu.memory_space<vmem>>) offsets(%dma_start3A_91 : memref<96xi32, #tpu.memory_space<vmem>>) semaphore(%arg16 : memref<!tpu.dma_semaphore, #tpu.memory_space<semaphore_mem>>)
        %scan3A_95 = arith.constant 0 : i32
        %scan3A_96 = arith.constant 0 : i32
        %scan3A_97 = arith.constant 14 : i32
        %scan3A_98 = arith.addi %scan3A_96, %scan3A_97 : i32
        %scan3A_99 = arith.constant 1 : i32
        %scan3A_100 = scf.for %scan3A_114 = %scan3A_96 to %scan3A_98 step %scan3A_99 iter_args(%scan3A_115 = %scan3A_95) -> (i32)  : i32 {
          %mul3A_116 = arith.constant 2 : i32
          %mul3A_117 = arith.muli %mul3A_116, %scan3A_114 : i32
          %dma_wait3A_118 = arith.constant 0 : i32
          %dma_wait3A_119 = arith.constant 0 : i32
          %dma_wait3A_120 = tpu.memref_slice %arg7[%dma_wait3A_118, %dma_wait3A_119] : memref<10240x64xf32, #tpu.memory_space<hbm>> -> memref<96x64xf32, #tpu.memory_space<hbm>>
          %dma_wait3A_121 = arith.constant 0 : i32
          %dma_wait3A_122 = arith.constant 0 : i32
          %dma_wait3A_123 = tpu.memref_slice %arg7[%dma_wait3A_121, %dma_wait3A_122] : memref<10240x64xf32, #tpu.memory_space<hbm>> -> memref<96x64xf32, #tpu.memory_space<hbm>>
          tpu.wait_dma2 semaphore(%arg15 : memref<!tpu.dma_semaphore, #tpu.memory_space<semaphore_mem>>) src(%dma_wait3A_123 : memref<96x64xf32, #tpu.memory_space<hbm>>) dst(%arg12 : memref<96x64xf32, #tpu.memory_space<vmem>>)
          "tpu.region"() ({
            %run_scoped3A_149 = tpu.sem_alloc : memref<!tpu.dma_semaphore, #tpu.memory_space<semaphore_mem>>
            %dma_start3A_150 = arith.constant 0 : i32
            %dma_start3A_151 = tpu.memref_slice %arg11[%mul3A_117, %dma_start3A_150] : memref<30x96xi32, #tpu.memory_space<vmem>> -> memref<1x96xi32, #tpu.memory_space<vmem>>
            %dma_start3A_152 = tpu.memref_squeeze %dma_start3A_151 : memref<1x96xi32, #tpu.memory_space<vmem>> -> memref<96xi32, #tpu.memory_space<vmem>>
            %dma_start3A_153 = arith.constant 0 : i32
            %dma_start3A_154 = arith.constant 0 : i32
            %dma_start3A_155 = tpu.memref_slice %arg14[%dma_start3A_153, %dma_start3A_154] : memref<10240x64xf32, #tpu.memory_space<vmem_shared>> -> memref<10240x64xf32, #tpu.memory_space<vmem_shared>>
            tpu.enqueue_indirect_dma source(%arg12 : memref<96x64xf32, #tpu.memory_space<vmem>>) target(%dma_start3A_155 : memref<10240x64xf32, #tpu.memory_space<vmem_shared>>) offsets(%dma_start3A_152 : memref<96xi32, #tpu.memory_space<vmem>>) semaphore(%run_scoped3A_149 : memref<!tpu.dma_semaphore, #tpu.memory_space<semaphore_mem>>) {add = true}
            %dma_wait3A_156 = arith.constant 0 : i32
            %dma_wait3A_157 = tpu.memref_slice %arg11[%mul3A_117, %dma_wait3A_156] : memref<30x96xi32, #tpu.memory_space<vmem>> -> memref<1x96xi32, #tpu.memory_space<vmem>>
            %dma_wait3A_158 = tpu.memref_squeeze %dma_wait3A_157 : memref<1x96xi32, #tpu.memory_space<vmem>> -> memref<96xi32, #tpu.memory_space<vmem>>
            %dma_wait3A_159 = arith.constant 0 : i32
            %dma_wait3A_160 = arith.constant 0 : i32
            %dma_wait3A_161 = tpu.memref_slice %arg14[%dma_wait3A_159, %dma_wait3A_160] : memref<10240x64xf32, #tpu.memory_space<vmem_shared>> -> memref<10240x64xf32, #tpu.memory_space<vmem_shared>>
            tpu.wait_indirect_dma semaphore(%run_scoped3A_149 : memref<!tpu.dma_semaphore, #tpu.memory_space<semaphore_mem>>) src(%arg12 : memref<96x64xf32, #tpu.memory_space<vmem>>) dst(%dma_wait3A_161 : memref<10240x64xf32, #tpu.memory_space<vmem_shared>>)
            tpu.yield
          }) : () -> ()
          %add3A_124 = arith.constant 2 : i32
          %add3A_125 = arith.addi %mul3A_117, %add3A_124 : i32
          %dma_start3A_126 = arith.constant 0 : i32
          %dma_start3A_127 = tpu.memref_slice %arg10[%add3A_125, %dma_start3A_126] : memref<30x96xi32, #tpu.memory_space<vmem>> -> memref<1x96xi32, #tpu.memory_space<vmem>>
          %dma_start3A_128 = tpu.memref_squeeze %dma_start3A_127 : memref<1x96xi32, #tpu.memory_space<vmem>> -> memref<96xi32, #tpu.memory_space<vmem>>
          %dma_start3A_129 = arith.constant 0 : i32
          %dma_start3A_130 = arith.constant 0 : i32
          %dma_start3A_131 = tpu.memref_slice %arg7[%dma_start3A_129, %dma_start3A_130] : memref<10240x64xf32, #tpu.memory_space<hbm>> -> memref<10240x64xf32, #tpu.memory_space<hbm>>
          tpu.enqueue_indirect_dma source(%dma_start3A_131 : memref<10240x64xf32, #tpu.memory_space<hbm>>) target(%arg12 : memref<96x64xf32, #tpu.memory_space<vmem>>) offsets(%dma_start3A_128 : memref<96xi32, #tpu.memory_space<vmem>>) semaphore(%arg15 : memref<!tpu.dma_semaphore, #tpu.memory_space<semaphore_mem>>)
          %dma_wait3A_132 = arith.constant 0 : i32
          %dma_wait3A_133 = arith.constant 0 : i32
          %dma_wait3A_134 = tpu.memref_slice %arg7[%dma_wait3A_132, %dma_wait3A_133] : memref<10240x64xf32, #tpu.memory_space<hbm>> -> memref<96x64xf32, #tpu.memory_space<hbm>>
          %dma_wait3A_135 = arith.constant 0 : i32
          %dma_wait3A_136 = arith.constant 0 : i32
          %dma_wait3A_137 = tpu.memref_slice %arg7[%dma_wait3A_135, %dma_wait3A_136] : memref<10240x64xf32, #tpu.memory_space<hbm>> -> memref<96x64xf32, #tpu.memory_space<hbm>>
          tpu.wait_dma2 semaphore(%arg16 : memref<!tpu.dma_semaphore, #tpu.memory_space<semaphore_mem>>) src(%dma_wait3A_137 : memref<96x64xf32, #tpu.memory_space<hbm>>) dst(%arg13 : memref<96x64xf32, #tpu.memory_space<vmem>>)
          %add3A_138 = arith.constant 1 : i32
          %add3A_139 = arith.addi %mul3A_117, %add3A_138 : i32
          "tpu.region"() ({
            %run_scoped3A_149 = tpu.sem_alloc : memref<!tpu.dma_semaphore, #tpu.memory_space<semaphore_mem>>
            %dma_start3A_150 = arith.constant 0 : i32
            %dma_start3A_151 = tpu.memref_slice %arg11[%add3A_139, %dma_start3A_150] : memref<30x96xi32, #tpu.memory_space<vmem>> -> memref<1x96xi32, #tpu.memory_space<vmem>>
            %dma_start3A_152 = tpu.memref_squeeze %dma_start3A_151 : memref<1x96xi32, #tpu.memory_space<vmem>> -> memref<96xi32, #tpu.memory_space<vmem>>
            %dma_start3A_153 = arith.constant 0 : i32
            %dma_start3A_154 = arith.constant 0 : i32
            %dma_start3A_155 = tpu.memref_slice %arg14[%dma_start3A_153, %dma_start3A_154] : memref<10240x64xf32, #tpu.memory_space<vmem_shared>> -> memref<10240x64xf32, #tpu.memory_space<vmem_shared>>
            tpu.enqueue_indirect_dma source(%arg13 : memref<96x64xf32, #tpu.memory_space<vmem>>) target(%dma_start3A_155 : memref<10240x64xf32, #tpu.memory_space<vmem_shared>>) offsets(%dma_start3A_152 : memref<96xi32, #tpu.memory_space<vmem>>) semaphore(%run_scoped3A_149 : memref<!tpu.dma_semaphore, #tpu.memory_space<semaphore_mem>>) {add = true}
            %dma_wait3A_156 = arith.constant 0 : i32
            %dma_wait3A_157 = tpu.memref_slice %arg11[%add3A_139, %dma_wait3A_156] : memref<30x96xi32, #tpu.memory_space<vmem>> -> memref<1x96xi32, #tpu.memory_space<vmem>>
            %dma_wait3A_158 = tpu.memref_squeeze %dma_wait3A_157 : memref<1x96xi32, #tpu.memory_space<vmem>> -> memref<96xi32, #tpu.memory_space<vmem>>
            %dma_wait3A_159 = arith.constant 0 : i32
            %dma_wait3A_160 = arith.constant 0 : i32
            %dma_wait3A_161 = tpu.memref_slice %arg14[%dma_wait3A_159, %dma_wait3A_160] : memref<10240x64xf32, #tpu.memory_space<vmem_shared>> -> memref<10240x64xf32, #tpu.memory_space<vmem_shared>>
            tpu.wait_indirect_dma semaphore(%run_scoped3A_149 : memref<!tpu.dma_semaphore, #tpu.memory_space<semaphore_mem>>) src(%arg13 : memref<96x64xf32, #tpu.memory_space<vmem>>) dst(%dma_wait3A_161 : memref<10240x64xf32, #tpu.memory_space<vmem_shared>>)
            tpu.yield
          }) : () -> ()
          %add3A_140 = arith.constant 3 : i32
          %add3A_141 = arith.addi %mul3A_117, %add3A_140 : i32
          %dma_start3A_142 = arith.constant 0 : i32
          %dma_start3A_143 = tpu.memref_slice %arg10[%add3A_141, %dma_start3A_142] : memref<30x96xi32, #tpu.memory_space<vmem>> -> memref<1x96xi32, #tpu.memory_space<vmem>>
          %dma_start3A_144 = tpu.memref_squeeze %dma_start3A_143 : memref<1x96xi32, #tpu.memory_space<vmem>> -> memref<96xi32, #tpu.memory_space<vmem>>
          %dma_start3A_145 = arith.constant 0 : i32
          %dma_start3A_146 = arith.constant 0 : i32
          %dma_start3A_147 = tpu.memref_slice %arg7[%dma_start3A_145, %dma_start3A_146] : memref<10240x64xf32, #tpu.memory_space<hbm>> -> memref<10240x64xf32, #tpu.memory_space<hbm>>
          tpu.enqueue_indirect_dma source(%dma_start3A_147 : memref<10240x64xf32, #tpu.memory_space<hbm>>) target(%arg13 : memref<96x64xf32, #tpu.memory_space<vmem>>) offsets(%dma_start3A_144 : memref<96xi32, #tpu.memory_space<vmem>>) semaphore(%arg16 : memref<!tpu.dma_semaphore, #tpu.memory_space<semaphore_mem>>)
          %scan3A_148 = arith.constant 0 : i32
          scf.yield %scan3A_148 : i32
        }
        %scan3A_101 = arith.constant 14 : i32
        %dma_wait3A = arith.constant 0 : i32
        %dma_wait3A_102 = arith.constant 0 : i32
        %dma_wait3A_103 = tpu.memref_slice %arg7[%dma_wait3A, %dma_wait3A_102] : memref<10240x64xf32, #tpu.memory_space<hbm>> -> memref<96x64xf32, #tpu.memory_space<hbm>>
        %dma_wait3A_104 = arith.constant 0 : i32
        %dma_wait3A_105 = arith.constant 0 : i32
        %dma_wait3A_106 = tpu.memref_slice %arg7[%dma_wait3A_104, %dma_wait3A_105] : memref<10240x64xf32, #tpu.memory_space<hbm>> -> memref<96x64xf32, #tpu.memory_space<hbm>>
        tpu.wait_dma2 semaphore(%arg15 : memref<!tpu.dma_semaphore, #tpu.memory_space<semaphore_mem>>) src(%dma_wait3A_106 : memref<96x64xf32, #tpu.memory_space<hbm>>) dst(%arg12 : memref<96x64xf32, #tpu.memory_space<vmem>>)
        %run_scoped3A = arith.constant 28 : i32
        "tpu.region"() ({
          %run_scoped3A_114 = tpu.sem_alloc : memref<!tpu.dma_semaphore, #tpu.memory_space<semaphore_mem>>
          %dma_start3A_115 = arith.constant 0 : i32
          %dma_start3A_116 = tpu.memref_slice %arg11[%run_scoped3A, %dma_start3A_115] : memref<30x96xi32, #tpu.memory_space<vmem>> -> memref<1x96xi32, #tpu.memory_space<vmem>>
          %dma_start3A_117 = tpu.memref_squeeze %dma_start3A_116 : memref<1x96xi32, #tpu.memory_space<vmem>> -> memref<96xi32, #tpu.memory_space<vmem>>
          %dma_start3A_118 = arith.constant 0 : i32
          %dma_start3A_119 = arith.constant 0 : i32
          %dma_start3A_120 = tpu.memref_slice %arg14[%dma_start3A_118, %dma_start3A_119] : memref<10240x64xf32, #tpu.memory_space<vmem_shared>> -> memref<10240x64xf32, #tpu.memory_space<vmem_shared>>
          tpu.enqueue_indirect_dma source(%arg12 : memref<96x64xf32, #tpu.memory_space<vmem>>) target(%dma_start3A_120 : memref<10240x64xf32, #tpu.memory_space<vmem_shared>>) offsets(%dma_start3A_117 : memref<96xi32, #tpu.memory_space<vmem>>) semaphore(%run_scoped3A_114 : memref<!tpu.dma_semaphore, #tpu.memory_space<semaphore_mem>>) {add = true}
          %dma_wait3A_121 = arith.constant 0 : i32
          %dma_wait3A_122 = tpu.memref_slice %arg11[%run_scoped3A, %dma_wait3A_121] : memref<30x96xi32, #tpu.memory_space<vmem>> -> memref<1x96xi32, #tpu.memory_space<vmem>>
          %dma_wait3A_123 = tpu.memref_squeeze %dma_wait3A_122 : memref<1x96xi32, #tpu.memory_space<vmem>> -> memref<96xi32, #tpu.memory_space<vmem>>
          %dma_wait3A_124 = arith.constant 0 : i32
          %dma_wait3A_125 = arith.constant 0 : i32
          %dma_wait3A_126 = tpu.memref_slice %arg14[%dma_wait3A_124, %dma_wait3A_125] : memref<10240x64xf32, #tpu.memory_space<vmem_shared>> -> memref<10240x64xf32, #tpu.memory_space<vmem_shared>>
          tpu.wait_indirect_dma semaphore(%run_scoped3A_114 : memref<!tpu.dma_semaphore, #tpu.memory_space<semaphore_mem>>) src(%arg12 : memref<96x64xf32, #tpu.memory_space<vmem>>) dst(%dma_wait3A_126 : memref<10240x64xf32, #tpu.memory_space<vmem_shared>>)
          tpu.yield
        }) : () -> ()
        %dma_wait3A_107 = arith.constant 0 : i32
        %dma_wait3A_108 = arith.constant 0 : i32
        %dma_wait3A_109 = tpu.memref_slice %arg7[%dma_wait3A_107, %dma_wait3A_108] : memref<10240x64xf32, #tpu.memory_space<hbm>> -> memref<96x64xf32, #tpu.memory_space<hbm>>
        %dma_wait3A_110 = arith.constant 0 : i32
        %dma_wait3A_111 = arith.constant 0 : i32
        %dma_wait3A_112 = tpu.memref_slice %arg7[%dma_wait3A_110, %dma_wait3A_111] : memref<10240x64xf32, #tpu.memory_space<hbm>> -> memref<96x64xf32, #tpu.memory_space<hbm>>
        tpu.wait_dma2 semaphore(%arg16 : memref<!tpu.dma_semaphore, #tpu.memory_space<semaphore_mem>>) src(%dma_wait3A_112 : memref<96x64xf32, #tpu.memory_space<hbm>>) dst(%arg13 : memref<96x64xf32, #tpu.memory_space<vmem>>)
        %run_scoped3A_113 = arith.constant 29 : i32
        "tpu.region"() ({
          %run_scoped3A_114 = tpu.sem_alloc : memref<!tpu.dma_semaphore, #tpu.memory_space<semaphore_mem>>
          %dma_start3A_115 = arith.constant 0 : i32
          %dma_start3A_116 = tpu.memref_slice %arg11[%run_scoped3A_113, %dma_start3A_115] : memref<30x96xi32, #tpu.memory_space<vmem>> -> memref<1x96xi32, #tpu.memory_space<vmem>>
          %dma_start3A_117 = tpu.memref_squeeze %dma_start3A_116 : memref<1x96xi32, #tpu.memory_space<vmem>> -> memref<96xi32, #tpu.memory_space<vmem>>
          %dma_start3A_118 = arith.constant 0 : i32
          %dma_start3A_119 = arith.constant 0 : i32
          %dma_start3A_120 = tpu.memref_slice %arg14[%dma_start3A_118, %dma_start3A_119] : memref<10240x64xf32, #tpu.memory_space<vmem_shared>> -> memref<10240x64xf32, #tpu.memory_space<vmem_shared>>
          tpu.enqueue_indirect_dma source(%arg13 : memref<96x64xf32, #tpu.memory_space<vmem>>) target(%dma_start3A_120 : memref<10240x64xf32, #tpu.memory_space<vmem_shared>>) offsets(%dma_start3A_117 : memref<96xi32, #tpu.memory_space<vmem>>) semaphore(%run_scoped3A_114 : memref<!tpu.dma_semaphore, #tpu.memory_space<semaphore_mem>>) {add = true}
          %dma_wait3A_121 = arith.constant 0 : i32
          %dma_wait3A_122 = tpu.memref_slice %arg11[%run_scoped3A_113, %dma_wait3A_121] : memref<30x96xi32, #tpu.memory_space<vmem>> -> memref<1x96xi32, #tpu.memory_space<vmem>>
          %dma_wait3A_123 = tpu.memref_squeeze %dma_wait3A_122 : memref<1x96xi32, #tpu.memory_space<vmem>> -> memref<96xi32, #tpu.memory_space<vmem>>
          %dma_wait3A_124 = arith.constant 0 : i32
          %dma_wait3A_125 = arith.constant 0 : i32
          %dma_wait3A_126 = tpu.memref_slice %arg14[%dma_wait3A_124, %dma_wait3A_125] : memref<10240x64xf32, #tpu.memory_space<vmem_shared>> -> memref<10240x64xf32, #tpu.memory_space<vmem_shared>>
          tpu.wait_indirect_dma semaphore(%run_scoped3A_114 : memref<!tpu.dma_semaphore, #tpu.memory_space<semaphore_mem>>) src(%arg13 : memref<96x64xf32, #tpu.memory_space<vmem>>) dst(%dma_wait3A_126 : memref<10240x64xf32, #tpu.memory_space<vmem_shared>>)
          tpu.yield
        }) : () -> ()
      } else {
      }
      %scan3A_81 = arith.constant 0 : i32
      scf.yield %scan3A_81 : i32
    }
    %scan3A_57 = arith.constant 7 : i32
    %barrier3A_58 = arith.constant 0 : index
    tpu.barrier barrier_id(%barrier3A_58)
    %mul3A_59 = arith.constant 640 : i32
    %mul3A_60 = arith.muli %arg1, %mul3A_59 : i32
    %mul3A_61 = arith.constant 10240 : i32
    %mul3A_62 = arith.muli %arg0, %mul3A_61 : i32
    %mul3A_63 = arith.constant 640 : i32
    %mul3A_64 = arith.muli %arg1, %mul3A_63 : i32
    %add3A_65 = arith.addi %mul3A_62, %mul3A_64 : i32
    "tpu.region"() ({
      %run_scoped3A = tpu.sem_alloc : memref<!tpu.dma_semaphore, #tpu.memory_space<semaphore_mem>>
      %dma_start3A = arith.constant 0 : i32
      %dma_start3A_67 = tpu.memref_slice %arg9[%add3A_65, %dma_start3A] : memref<20480x64xf32, #tpu.memory_space<hbm>> -> memref<640x64xf32, #tpu.memory_space<hbm>>
      %dma_start3A_68 = arith.constant 0 : i32
      %dma_start3A_69 = tpu.memref_slice %arg14[%mul3A_60, %dma_start3A_68] : memref<10240x64xf32, #tpu.memory_space<vmem_shared>> -> memref<640x64xf32, #tpu.memory_space<vmem_shared>>
      tpu.enqueue_dma source(%dma_start3A_69 : memref<640x64xf32, #tpu.memory_space<vmem_shared>>) target(%dma_start3A_67 : memref<640x64xf32, #tpu.memory_space<hbm>>) target_semaphore(%run_scoped3A : memref<!tpu.dma_semaphore, #tpu.memory_space<semaphore_mem>>)
      %dma_wait3A = arith.constant 0 : i32
      %dma_wait3A_70 = tpu.memref_slice %arg9[%add3A_65, %dma_wait3A] : memref<20480x64xf32, #tpu.memory_space<hbm>> -> memref<640x64xf32, #tpu.memory_space<hbm>>
      %dma_wait3A_71 = arith.constant 0 : i32
      %dma_wait3A_72 = tpu.memref_slice %arg14[%mul3A_60, %dma_wait3A_71] : memref<10240x64xf32, #tpu.memory_space<vmem_shared>> -> memref<640x64xf32, #tpu.memory_space<vmem_shared>>
      tpu.wait_dma2 semaphore(%run_scoped3A : memref<!tpu.dma_semaphore, #tpu.memory_space<semaphore_mem>>) src(%dma_wait3A_72 : memref<640x64xf32, #tpu.memory_space<vmem_shared>>) dst(%dma_wait3A_70 : memref<640x64xf32, #tpu.memory_space<hbm>>)
      tpu.yield
    }) : () -> ()
    %barrier3A_66 = arith.constant 0 : index
    tpu.barrier barrier_id(%barrier3A_66)
    return
  }
}

module attributes {stable_mosaic.version = 14 : i64} {
  func.func @_tc1_body(%arg0: i32, %arg1: memref<2048x16xf32, #tpu.memory_space<vmem>>, %arg2: memref<2048x16xf32, #tpu.memory_space<vmem>>, %arg3: memref<2048x128xf32, #tpu.memory_space<vmem>>, %arg4: memref<128x256xf32, #tpu.memory_space<vmem>>, %arg5: memref<2048x64xf32, #tpu.memory_space<vmem>>, %arg6: memref<2048x64xf32, #tpu.memory_space<vmem>>, %arg7: memref<2048x64xf32, #tpu.memory_space<vmem>>, %arg8: memref<2048x64xf32, #tpu.memory_space<vmem>>, %arg9: memref<2048x128xf32, #tpu.memory_space<vmem>>) attributes {dimension_semantics = [#tpu.dimension_semantics<arbitrary>], iteration_bounds = array<i64: 5>, scalar_prefetch = 0 : i64, scratch_operands = 0 : i64, tpu.core_type = #tpu.core_type<tc>, window_params = [{transform_indices = @transform_0, window_bounds = array<i64: 2048, 16>}, {transform_indices = @transform_1, window_bounds = array<i64: 2048, 16>}, {transform_indices = @transform_2, window_bounds = array<i64: 2048, 128>}, {pipeline_mode = #tpu.pipeline_mode<synchronous>, transform_indices = @transform_3, window_bounds = array<i64: 128, 256>}, {transform_indices = @transform_4, window_bounds = array<i64: 2048, 64>}, {transform_indices = @transform_5, window_bounds = array<i64: 2048, 64>}, {transform_indices = @transform_6, window_bounds = array<i64: 2048, 64>}, {transform_indices = @transform_7, window_bounds = array<i64: 2048, 64>}, {transform_indices = @transform_8, window_bounds = array<i64: 2048, 128>}]} {
    %get3A = arith.constant 0 : index
    %get3A_0 = arith.constant 0 : index
    %get3A_1 = vector.load %arg1[%get3A, %get3A_0] : memref<2048x16xf32, #tpu.memory_space<vmem>>, vector<2048x16xf32>
    %get3A_2 = arith.constant 0 : index
    %get3A_3 = arith.constant 0 : index
    %get3A_4 = vector.load %arg2[%get3A_2, %get3A_3] : memref<2048x16xf32, #tpu.memory_space<vmem>>, vector<2048x16xf32>
    %add3A = arith.addf %get3A_1, %get3A_4 : vector<2048x16xf32>
    %concatenate3A = tpu.concatenate %add3A, %add3A, %add3A, %add3A, %add3A, %add3A, %add3A, %add3A in 1 : vector<2048x16xf32>, vector<2048x16xf32>, vector<2048x16xf32>, vector<2048x16xf32>, vector<2048x16xf32>, vector<2048x16xf32>, vector<2048x16xf32>, vector<2048x16xf32> -> vector<2048x128xf32>
    %gt3A = arith.constant 0.000000e+00 : f32
    %gt3A_5 = vector.broadcast %gt3A : f32 to vector<2048x128xf32>
    %gt3A_6 = arith.cmpf ogt, %concatenate3A, %gt3A_5 : vector<2048x128xf32>
    %max3A = arith.constant 9.99999996E-13 : f32
    %max3A_7 = vector.broadcast %max3A : f32 to vector<2048x128xf32>
    %max3A_8 = arith.maximumf %concatenate3A, %max3A_7 : vector<2048x128xf32>
    %rsqrt3A = math.rsqrt %max3A_8 : vector<2048x128xf32>
    %jit3A = arith.constant 0.000000e+00 : f32
    %broadcast_in_dim3A = vector.broadcast %jit3A : f32 to vector<2048x128xf32>
    %select_n3A = arith.select %gt3A_6, %rsqrt3A, %broadcast_in_dim3A : vector<2048x128xi1>, vector<2048x128xf32>
    %swap3A = arith.constant 0 : index
    %swap3A_9 = arith.constant 0 : index
    %swap3A_10 = vector.load %arg9[%swap3A, %swap3A_9] : memref<2048x128xf32, #tpu.memory_space<vmem>>, vector<2048x128xf32>
    tpu.vector_store %arg9[%swap3A, %swap3A_9], %select_n3A {strides = array<i32>} : memref<2048x128xf32, #tpu.memory_space<vmem>>, vector<2048x128xf32>,
    %get3A_11 = arith.constant 0 : index
    %get3A_12 = arith.constant 0 : index
    %get3A_13 = vector.load %arg3[%get3A_11, %get3A_12] : memref<2048x128xf32, #tpu.memory_space<vmem>>, vector<2048x128xf32>
    %get3A_14 = arith.constant 0 : index
    %get3A_15 = arith.constant 0 : index
    %get3A_16 = vector.load %arg4[%get3A_14, %get3A_15] : memref<128x256xf32, #tpu.memory_space<vmem>>, vector<128x256xf32>
    %dot_general3A = arith.constant dense<0.000000e+00> : vector<2048x256xf32>
    %dot_general3A_17 = tpu.matmul %get3A_13, %get3A_16, %dot_general3A {dimension_numbers = #tpu.dot_dimension_numbers<[1], [0], [0], [1], [0, 0, 1, 1], [], []>, precision = #tpu.contract_precision<fp32>, transpose_lhs_hint = false} : vector<2048x128xf32>, vector<128x256xf32>, vector<2048x256xf32> -> vector<2048x256xf32>
    %slice3A = vector.extract_strided_slice %dot_general3A_17 {offsets = [0, 0], sizes = [2048, 128], strides = [1, 1]} : vector<2048x256xf32> to vector<2048x128xf32>
    %mul3A = arith.mulf %slice3A, %select_n3A : vector<2048x128xf32>
    %slice3A_18 = vector.extract_strided_slice %dot_general3A_17 {offsets = [0, 128], sizes = [2048, 128], strides = [1, 1]} : vector<2048x256xf32> to vector<2048x128xf32>
    %mul3A_19 = arith.mulf %slice3A_18, %select_n3A : vector<2048x128xf32>
    %slice3A_20 = vector.extract_strided_slice %mul3A {offsets = [0, 0], sizes = [2048, 64], strides = [1, 1]} : vector<2048x128xf32> to vector<2048x64xf32>
    %swap3A_21 = arith.constant 0 : index
    %swap3A_22 = arith.constant 0 : index
    %swap3A_23 = vector.load %arg5[%swap3A_21, %swap3A_22] : memref<2048x64xf32, #tpu.memory_space<vmem>>, vector<2048x64xf32>
    tpu.vector_store %arg5[%swap3A_21, %swap3A_22], %slice3A_20 {strides = array<i32>} : memref<2048x64xf32, #tpu.memory_space<vmem>>, vector<2048x64xf32>,
    %slice3A_24 = vector.extract_strided_slice %mul3A {offsets = [0, 64], sizes = [2048, 64], strides = [1, 1]} : vector<2048x128xf32> to vector<2048x64xf32>
    %swap3A_25 = arith.constant 0 : index
    %swap3A_26 = arith.constant 0 : index
    %swap3A_27 = vector.load %arg6[%swap3A_25, %swap3A_26] : memref<2048x64xf32, #tpu.memory_space<vmem>>, vector<2048x64xf32>
    tpu.vector_store %arg6[%swap3A_25, %swap3A_26], %slice3A_24 {strides = array<i32>} : memref<2048x64xf32, #tpu.memory_space<vmem>>, vector<2048x64xf32>,
    %slice3A_28 = vector.extract_strided_slice %mul3A_19 {offsets = [0, 0], sizes = [2048, 64], strides = [1, 1]} : vector<2048x128xf32> to vector<2048x64xf32>
    %swap3A_29 = arith.constant 0 : index
    %swap3A_30 = arith.constant 0 : index
    %swap3A_31 = vector.load %arg7[%swap3A_29, %swap3A_30] : memref<2048x64xf32, #tpu.memory_space<vmem>>, vector<2048x64xf32>
    tpu.vector_store %arg7[%swap3A_29, %swap3A_30], %slice3A_28 {strides = array<i32>} : memref<2048x64xf32, #tpu.memory_space<vmem>>, vector<2048x64xf32>,
    %slice3A_32 = vector.extract_strided_slice %mul3A_19 {offsets = [0, 64], sizes = [2048, 64], strides = [1, 1]} : vector<2048x128xf32> to vector<2048x64xf32>
    %swap3A_33 = arith.constant 0 : index
    %swap3A_34 = arith.constant 0 : index
    %swap3A_35 = vector.load %arg8[%swap3A_33, %swap3A_34] : memref<2048x64xf32, #tpu.memory_space<vmem>>, vector<2048x64xf32>
    tpu.vector_store %arg8[%swap3A_33, %swap3A_34], %slice3A_32 {strides = array<i32>} : memref<2048x64xf32, #tpu.memory_space<vmem>>, vector<2048x64xf32>,
    return
  }
  func.func @transform_0(%arg0: i32) -> (i32, i32) {
    %add3A = arith.constant 0 : i32
    %add3A_0 = arith.addi %arg0, %add3A : i32
    %c0_i32 = arith.constant 0 : i32
    %c0_i32_1 = arith.constant 0 : i32
    return %add3A_0, %c0_i32 : i32, i32
  }
  func.func @transform_1(%arg0: i32) -> (i32, i32) {
    %add3A = arith.constant 5 : i32
    %add3A_0 = arith.addi %arg0, %add3A : i32
    %c0_i32 = arith.constant 0 : i32
    %c0_i32_1 = arith.constant 0 : i32
    return %add3A_0, %c0_i32 : i32, i32
  }
  func.func @transform_2(%arg0: i32) -> (i32, i32) {
    %add3A = arith.constant 0 : i32
    %add3A_0 = arith.addi %arg0, %add3A : i32
    %c0_i32 = arith.constant 0 : i32
    %c0_i32_1 = arith.constant 0 : i32
    return %add3A_0, %c0_i32 : i32, i32
  }
  func.func @transform_3(%arg0: i32) -> (i32, i32) {
    %c0_i32 = arith.constant 0 : i32
    %c0_i32_0 = arith.constant 0 : i32
    %c0_i32_1 = arith.constant 0 : i32
    return %c0_i32, %c0_i32_0 : i32, i32
  }
  func.func @transform_4(%arg0: i32) -> (i32, i32) {
    %add3A = arith.constant 0 : i32
    %add3A_0 = arith.addi %arg0, %add3A : i32
    %c0_i32 = arith.constant 0 : i32
    %c0_i32_1 = arith.constant 0 : i32
    return %add3A_0, %c0_i32 : i32, i32
  }
  func.func @transform_5(%arg0: i32) -> (i32, i32) {
    %add3A = arith.constant 0 : i32
    %add3A_0 = arith.addi %arg0, %add3A : i32
    %c0_i32 = arith.constant 0 : i32
    %c0_i32_1 = arith.constant 0 : i32
    return %add3A_0, %c0_i32 : i32, i32
  }
  func.func @transform_6(%arg0: i32) -> (i32, i32) {
    %add3A = arith.constant 0 : i32
    %add3A_0 = arith.addi %arg0, %add3A : i32
    %c0_i32 = arith.constant 0 : i32
    %c0_i32_1 = arith.constant 0 : i32
    return %add3A_0, %c0_i32 : i32, i32
  }
  func.func @transform_7(%arg0: i32) -> (i32, i32) {
    %add3A = arith.constant 0 : i32
    %add3A_0 = arith.addi %arg0, %add3A : i32
    %c0_i32 = arith.constant 0 : i32
    %c0_i32_1 = arith.constant 0 : i32
    return %add3A_0, %c0_i32 : i32, i32
  }
  func.func @transform_8(%arg0: i32) -> (i32, i32) {
    %add3A = arith.constant 0 : i32
    %add3A_0 = arith.addi %arg0, %add3A : i32
    %c0_i32 = arith.constant 0 : i32
    %c0_i32_1 = arith.constant 0 : i32
    return %add3A_0, %c0_i32 : i32, i32
  }
}

module attributes {stable_mosaic.version = 14 : i64} {
  func.func @_tc2_body(%arg0: i32, %arg1: memref<2048x64xf32, #tpu.memory_space<vmem>>, %arg2: memref<2048x64xf32, #tpu.memory_space<vmem>>, %arg3: memref<2048x64xf32, #tpu.memory_space<vmem>>, %arg4: memref<2048x64xf32, #tpu.memory_space<vmem>>, %arg5: memref<2048x128xf32, #tpu.memory_space<vmem>>, %arg6: memref<1x128xf32, #tpu.memory_space<vmem>>, %arg7: memref<1x128xf32, #tpu.memory_space<vmem>>, %arg8: memref<128x128xf32, #tpu.memory_space<vmem>>, %arg9: memref<128x128xf32, #tpu.memory_space<vmem>>, %arg10: memref<2048x64xf32, #tpu.memory_space<vmem>>, %arg11: memref<2048x64xf32, #tpu.memory_space<vmem>>, %arg12: memref<2048x64xf32, #tpu.memory_space<vmem>>, %arg13: memref<2048x64xf32, #tpu.memory_space<vmem>>, %arg14: memref<2048x128xf32, #tpu.memory_space<vmem>>, %arg15: memref<2048x128xf32, #tpu.memory_space<vmem>>) attributes {dimension_semantics = [#tpu.dimension_semantics<arbitrary>], iteration_bounds = array<i64: 5>, scalar_prefetch = 0 : i64, scratch_operands = 0 : i64, tpu.core_type = #tpu.core_type<tc>, window_params = [{transform_indices = @transform_0, window_bounds = array<i64: 2048, 64>}, {transform_indices = @transform_1, window_bounds = array<i64: 2048, 64>}, {transform_indices = @transform_2, window_bounds = array<i64: 2048, 64>}, {transform_indices = @transform_3, window_bounds = array<i64: 2048, 64>}, {transform_indices = @transform_4, window_bounds = array<i64: 2048, 128>}, {pipeline_mode = #tpu.pipeline_mode<synchronous>, transform_indices = @transform_5, window_bounds = array<i64: 1, 128>}, {pipeline_mode = #tpu.pipeline_mode<synchronous>, transform_indices = @transform_6, window_bounds = array<i64: 1, 128>}, {pipeline_mode = #tpu.pipeline_mode<synchronous>, transform_indices = @transform_7, window_bounds = array<i64: 128, 128>}, {pipeline_mode = #tpu.pipeline_mode<synchronous>, transform_indices = @transform_8, window_bounds = array<i64: 128, 128>}, {transform_indices = @transform_9, window_bounds = array<i64: 2048, 64>}, {transform_indices = @transform_10, window_bounds = array<i64: 2048, 64>}, {transform_indices = @transform_11, window_bounds = array<i64: 2048, 64>}, {transform_indices = @transform_12, window_bounds = array<i64: 2048, 64>}, {transform_indices = @transform_13, window_bounds = array<i64: 2048, 128>}, {transform_indices = @transform_14, window_bounds = array<i64: 2048, 128>}]} {
    %get3A = arith.constant 0 : index
    %get3A_0 = arith.constant 0 : index
    %get3A_1 = vector.load %arg5[%get3A, %get3A_0] : memref<2048x128xf32, #tpu.memory_space<vmem>>, vector<2048x128xf32>
    %get3A_2 = arith.constant 0 : index
    %get3A_3 = arith.constant 0 : index
    %get3A_4 = vector.load %arg1[%get3A_2, %get3A_3] : memref<2048x64xf32, #tpu.memory_space<vmem>>, vector<2048x64xf32>
    %get3A_5 = arith.constant 0 : index
    %get3A_6 = arith.constant 0 : index
    %get3A_7 = vector.load %arg2[%get3A_5, %get3A_6] : memref<2048x64xf32, #tpu.memory_space<vmem>>, vector<2048x64xf32>
    %concatenate3A = tpu.concatenate %get3A_4, %get3A_7 in 1 : vector<2048x64xf32>, vector<2048x64xf32> -> vector<2048x128xf32>
    %get3A_8 = arith.constant 0 : index
    %get3A_9 = arith.constant 0 : index
    %get3A_10 = vector.load %arg3[%get3A_8, %get3A_9] : memref<2048x64xf32, #tpu.memory_space<vmem>>, vector<2048x64xf32>
    %get3A_11 = arith.constant 0 : index
    %get3A_12 = arith.constant 0 : index
    %get3A_13 = vector.load %arg4[%get3A_11, %get3A_12] : memref<2048x64xf32, #tpu.memory_space<vmem>>, vector<2048x64xf32>
    %concatenate3A_14 = tpu.concatenate %get3A_10, %get3A_13 in 1 : vector<2048x64xf32>, vector<2048x64xf32> -> vector<2048x128xf32>
    %mul3A = arith.mulf %concatenate3A, %get3A_1 : vector<2048x128xf32>
    %get3A_15 = arith.constant 0 : index
    %get3A_16 = arith.constant 0 : index
    %get3A_17 = vector.load %arg6[%get3A_15, %get3A_16] : memref<1x128xf32, #tpu.memory_space<vmem>>, vector<1x128xf32>
    %add3A = vector.broadcast %get3A_17 : vector<1x128xf32> to vector<2048x128xf32>
    %add3A_18 = arith.addf %mul3A, %add3A : vector<2048x128xf32>
    %tanh3A = math.tanh %add3A_18 : vector<2048x128xf32>
    %mul3A_19 = arith.mulf %concatenate3A_14, %get3A_1 : vector<2048x128xf32>
    %get3A_20 = arith.constant 0 : index
    %get3A_21 = arith.constant 0 : index
    %get3A_22 = vector.load %arg7[%get3A_20, %get3A_21] : memref<1x128xf32, #tpu.memory_space<vmem>>, vector<1x128xf32>
    %add3A_23 = vector.broadcast %get3A_22 : vector<1x128xf32> to vector<2048x128xf32>
    %add3A_24 = arith.addf %mul3A_19, %add3A_23 : vector<2048x128xf32>
    %tanh3A_25 = math.tanh %add3A_24 : vector<2048x128xf32>
    %swap3A = arith.constant 0 : index
    %swap3A_26 = arith.constant 0 : index
    %swap3A_27 = vector.load %arg14[%swap3A, %swap3A_26] : memref<2048x128xf32, #tpu.memory_space<vmem>>, vector<2048x128xf32>
    tpu.vector_store %arg14[%swap3A, %swap3A_26], %tanh3A {strides = array<i32>} : memref<2048x128xf32, #tpu.memory_space<vmem>>, vector<2048x128xf32>,
    %swap3A_28 = arith.constant 0 : index
    %swap3A_29 = arith.constant 0 : index
    %swap3A_30 = vector.load %arg15[%swap3A_28, %swap3A_29] : memref<2048x128xf32, #tpu.memory_space<vmem>>, vector<2048x128xf32>
    tpu.vector_store %arg15[%swap3A_28, %swap3A_29], %tanh3A_25 {strides = array<i32>} : memref<2048x128xf32, #tpu.memory_space<vmem>>, vector<2048x128xf32>,
    %get3A_31 = arith.constant 0 : index
    %get3A_32 = arith.constant 0 : index
    %get3A_33 = vector.load %arg8[%get3A_31, %get3A_32] : memref<128x128xf32, #tpu.memory_space<vmem>>, vector<128x128xf32>
    %dot_general3A = arith.constant dense<0.000000e+00> : vector<2048x128xf32>
    %dot_general3A_34 = tpu.matmul %tanh3A, %get3A_33, %dot_general3A {dimension_numbers = #tpu.dot_dimension_numbers<[1], [0], [0], [1], [0, 0, 1, 1], [], []>, precision = #tpu.contract_precision<fp32>, transpose_lhs_hint = false} : vector<2048x128xf32>, vector<128x128xf32>, vector<2048x128xf32> -> vector<2048x128xf32>
    %mul3A_35 = arith.mulf %get3A_1, %dot_general3A_34 : vector<2048x128xf32>
    %get3A_36 = arith.constant 0 : index
    %get3A_37 = arith.constant 0 : index
    %get3A_38 = vector.load %arg9[%get3A_36, %get3A_37] : memref<128x128xf32, #tpu.memory_space<vmem>>, vector<128x128xf32>
    %dot_general3A_39 = arith.constant dense<0.000000e+00> : vector<2048x128xf32>
    %dot_general3A_40 = tpu.matmul %tanh3A_25, %get3A_38, %dot_general3A_39 {dimension_numbers = #tpu.dot_dimension_numbers<[1], [0], [0], [1], [0, 0, 1, 1], [], []>, precision = #tpu.contract_precision<fp32>, transpose_lhs_hint = false} : vector<2048x128xf32>, vector<128x128xf32>, vector<2048x128xf32> -> vector<2048x128xf32>
    %mul3A_41 = arith.mulf %get3A_1, %dot_general3A_40 : vector<2048x128xf32>
    %slice3A = vector.extract_strided_slice %mul3A_35 {offsets = [0, 0], sizes = [2048, 64], strides = [1, 1]} : vector<2048x128xf32> to vector<2048x64xf32>
    %swap3A_42 = arith.constant 0 : index
    %swap3A_43 = arith.constant 0 : index
    %swap3A_44 = vector.load %arg10[%swap3A_42, %swap3A_43] : memref<2048x64xf32, #tpu.memory_space<vmem>>, vector<2048x64xf32>
    tpu.vector_store %arg10[%swap3A_42, %swap3A_43], %slice3A {strides = array<i32>} : memref<2048x64xf32, #tpu.memory_space<vmem>>, vector<2048x64xf32>,
    %slice3A_45 = vector.extract_strided_slice %mul3A_35 {offsets = [0, 64], sizes = [2048, 64], strides = [1, 1]} : vector<2048x128xf32> to vector<2048x64xf32>
    %swap3A_46 = arith.constant 0 : index
    %swap3A_47 = arith.constant 0 : index
    %swap3A_48 = vector.load %arg11[%swap3A_46, %swap3A_47] : memref<2048x64xf32, #tpu.memory_space<vmem>>, vector<2048x64xf32>
    tpu.vector_store %arg11[%swap3A_46, %swap3A_47], %slice3A_45 {strides = array<i32>} : memref<2048x64xf32, #tpu.memory_space<vmem>>, vector<2048x64xf32>,
    %slice3A_49 = vector.extract_strided_slice %mul3A_41 {offsets = [0, 0], sizes = [2048, 64], strides = [1, 1]} : vector<2048x128xf32> to vector<2048x64xf32>
    %swap3A_50 = arith.constant 0 : index
    %swap3A_51 = arith.constant 0 : index
    %swap3A_52 = vector.load %arg12[%swap3A_50, %swap3A_51] : memref<2048x64xf32, #tpu.memory_space<vmem>>, vector<2048x64xf32>
    tpu.vector_store %arg12[%swap3A_50, %swap3A_51], %slice3A_49 {strides = array<i32>} : memref<2048x64xf32, #tpu.memory_space<vmem>>, vector<2048x64xf32>,
    %slice3A_53 = vector.extract_strided_slice %mul3A_41 {offsets = [0, 64], sizes = [2048, 64], strides = [1, 1]} : vector<2048x128xf32> to vector<2048x64xf32>
    %swap3A_54 = arith.constant 0 : index
    %swap3A_55 = arith.constant 0 : index
    %swap3A_56 = vector.load %arg13[%swap3A_54, %swap3A_55] : memref<2048x64xf32, #tpu.memory_space<vmem>>, vector<2048x64xf32>
    tpu.vector_store %arg13[%swap3A_54, %swap3A_55], %slice3A_53 {strides = array<i32>} : memref<2048x64xf32, #tpu.memory_space<vmem>>, vector<2048x64xf32>,
    return
  }
  func.func @transform_0(%arg0: i32) -> (i32, i32) {
    %add3A = arith.constant 0 : i32
    %add3A_0 = arith.addi %arg0, %add3A : i32
    %c0_i32 = arith.constant 0 : i32
    %c0_i32_1 = arith.constant 0 : i32
    return %add3A_0, %c0_i32 : i32, i32
  }
  func.func @transform_1(%arg0: i32) -> (i32, i32) {
    %add3A = arith.constant 0 : i32
    %add3A_0 = arith.addi %arg0, %add3A : i32
    %c0_i32 = arith.constant 0 : i32
    %c0_i32_1 = arith.constant 0 : i32
    return %add3A_0, %c0_i32 : i32, i32
  }
  func.func @transform_2(%arg0: i32) -> (i32, i32) {
    %add3A = arith.constant 5 : i32
    %add3A_0 = arith.addi %arg0, %add3A : i32
    %c0_i32 = arith.constant 0 : i32
    %c0_i32_1 = arith.constant 0 : i32
    return %add3A_0, %c0_i32 : i32, i32
  }
  func.func @transform_3(%arg0: i32) -> (i32, i32) {
    %add3A = arith.constant 5 : i32
    %add3A_0 = arith.addi %arg0, %add3A : i32
    %c0_i32 = arith.constant 0 : i32
    %c0_i32_1 = arith.constant 0 : i32
    return %add3A_0, %c0_i32 : i32, i32
  }
  func.func @transform_4(%arg0: i32) -> (i32, i32) {
    %add3A = arith.constant 0 : i32
    %add3A_0 = arith.addi %arg0, %add3A : i32
    %c0_i32 = arith.constant 0 : i32
    %c0_i32_1 = arith.constant 0 : i32
    return %add3A_0, %c0_i32 : i32, i32
  }
  func.func @transform_5(%arg0: i32) -> (i32, i32) {
    %c0_i32 = arith.constant 0 : i32
    %c0_i32_0 = arith.constant 0 : i32
    %c0_i32_1 = arith.constant 0 : i32
    return %c0_i32, %c0_i32_0 : i32, i32
  }
  func.func @transform_6(%arg0: i32) -> (i32, i32) {
    %c0_i32 = arith.constant 0 : i32
    %c0_i32_0 = arith.constant 0 : i32
    %c0_i32_1 = arith.constant 0 : i32
    return %c0_i32, %c0_i32_0 : i32, i32
  }
  func.func @transform_7(%arg0: i32) -> (i32, i32) {
    %c0_i32 = arith.constant 0 : i32
    %c0_i32_0 = arith.constant 0 : i32
    %c0_i32_1 = arith.constant 0 : i32
    return %c0_i32, %c0_i32_0 : i32, i32
  }
  func.func @transform_8(%arg0: i32) -> (i32, i32) {
    %c0_i32 = arith.constant 0 : i32
    %c0_i32_0 = arith.constant 0 : i32
    %c0_i32_1 = arith.constant 0 : i32
    return %c0_i32, %c0_i32_0 : i32, i32
  }
  func.func @transform_9(%arg0: i32) -> (i32, i32) {
    %add3A = arith.constant 0 : i32
    %add3A_0 = arith.addi %arg0, %add3A : i32
    %c0_i32 = arith.constant 0 : i32
    %c0_i32_1 = arith.constant 0 : i32
    return %add3A_0, %c0_i32 : i32, i32
  }
  func.func @transform_10(%arg0: i32) -> (i32, i32) {
    %add3A = arith.constant 0 : i32
    %add3A_0 = arith.addi %arg0, %add3A : i32
    %c0_i32 = arith.constant 0 : i32
    %c0_i32_1 = arith.constant 0 : i32
    return %add3A_0, %c0_i32 : i32, i32
  }
  func.func @transform_11(%arg0: i32) -> (i32, i32) {
    %add3A = arith.constant 0 : i32
    %add3A_0 = arith.addi %arg0, %add3A : i32
    %c0_i32 = arith.constant 0 : i32
    %c0_i32_1 = arith.constant 0 : i32
    return %add3A_0, %c0_i32 : i32, i32
  }
  func.func @transform_12(%arg0: i32) -> (i32, i32) {
    %add3A = arith.constant 0 : i32
    %add3A_0 = arith.addi %arg0, %add3A : i32
    %c0_i32 = arith.constant 0 : i32
    %c0_i32_1 = arith.constant 0 : i32
    return %add3A_0, %c0_i32 : i32, i32
  }
  func.func @transform_13(%arg0: i32) -> (i32, i32) {
    %add3A = arith.constant 0 : i32
    %add3A_0 = arith.addi %arg0, %add3A : i32
    %c0_i32 = arith.constant 0 : i32
    %c0_i32_1 = arith.constant 0 : i32
    return %add3A_0, %c0_i32 : i32, i32
  }
  func.func @transform_14(%arg0: i32) -> (i32, i32) {
    %add3A = arith.constant 0 : i32
    %add3A_0 = arith.addi %arg0, %add3A : i32
    %c0_i32 = arith.constant 0 : i32
    %c0_i32_1 = arith.constant 0 : i32
    return %add3A_0, %c0_i32 : i32, i32
  }
}

module attributes {stable_mosaic.version = 14 : i64} {
  func.func @_tc3_body(%arg0: i32, %arg1: memref<2048x64xf32, #tpu.memory_space<vmem>>, %arg2: memref<2048x64xf32, #tpu.memory_space<vmem>>, %arg3: memref<2048x64xf32, #tpu.memory_space<vmem>>, %arg4: memref<2048x64xf32, #tpu.memory_space<vmem>>, %arg5: memref<2048x128xf32, #tpu.memory_space<vmem>>, %arg6: memref<2048x128xf32, #tpu.memory_space<vmem>>, %arg7: memref<2048x128xf32, #tpu.memory_space<vmem>>, %arg8: memref<1x128xf32, #tpu.memory_space<vmem>>, %arg9: memref<1x128xf32, #tpu.memory_space<vmem>>, %arg10: memref<128x128xf32, #tpu.memory_space<vmem>>, %arg11: memref<1x128xf32, #tpu.memory_space<vmem>>, %arg12: memref<128x128xf32, #tpu.memory_space<vmem>>, %arg13: memref<1x128xf32, #tpu.memory_space<vmem>>, %arg14: memref<1x128xf32, #tpu.memory_space<vmem>>, %arg15: memref<1x128xf32, #tpu.memory_space<vmem>>, %arg16: memref<1x128xf32, #tpu.memory_space<vmem>>, %arg17: memref<1x128xf32, #tpu.memory_space<vmem>>, %arg18: memref<1x128xf32, #tpu.memory_space<vmem>>, %arg19: memref<1x128xf32, #tpu.memory_space<vmem>>, %arg20: memref<1x128xf32, #tpu.memory_space<vmem>>, %arg21: memref<1x8x256xf32, #tpu.memory_space<vmem>>) attributes {dimension_semantics = [#tpu.dimension_semantics<arbitrary>], iteration_bounds = array<i64: 5>, scalar_prefetch = 0 : i64, scratch_operands = 0 : i64, tpu.core_type = #tpu.core_type<tc>, window_params = [{transform_indices = @transform_0, window_bounds = array<i64: 2048, 64>}, {transform_indices = @transform_1, window_bounds = array<i64: 2048, 64>}, {transform_indices = @transform_2, window_bounds = array<i64: 2048, 64>}, {transform_indices = @transform_3, window_bounds = array<i64: 2048, 64>}, {transform_indices = @transform_4, window_bounds = array<i64: 2048, 128>}, {transform_indices = @transform_5, window_bounds = array<i64: 2048, 128>}, {transform_indices = @transform_6, window_bounds = array<i64: 2048, 128>}, {pipeline_mode = #tpu.pipeline_mode<synchronous>, transform_indices = @transform_7, window_bounds = array<i64: 1, 128>}, {pipeline_mode = #tpu.pipeline_mode<synchronous>, transform_indices = @transform_8, window_bounds = array<i64: 1, 128>}, {pipeline_mode = #tpu.pipeline_mode<synchronous>, transform_indices = @transform_9, window_bounds = array<i64: 128, 128>}, {pipeline_mode = #tpu.pipeline_mode<synchronous>, transform_indices = @transform_10, window_bounds = array<i64: 1, 128>}, {pipeline_mode = #tpu.pipeline_mode<synchronous>, transform_indices = @transform_11, window_bounds = array<i64: 128, 128>}, {pipeline_mode = #tpu.pipeline_mode<synchronous>, transform_indices = @transform_12, window_bounds = array<i64: 1, 128>}, {pipeline_mode = #tpu.pipeline_mode<synchronous>, transform_indices = @transform_13, window_bounds = array<i64: 1, 128>}, {pipeline_mode = #tpu.pipeline_mode<synchronous>, transform_indices = @transform_14, window_bounds = array<i64: 1, 128>}, {pipeline_mode = #tpu.pipeline_mode<synchronous>, transform_indices = @transform_15, window_bounds = array<i64: 1, 128>}, {pipeline_mode = #tpu.pipeline_mode<synchronous>, transform_indices = @transform_16, window_bounds = array<i64: 1, 128>}, {pipeline_mode = #tpu.pipeline_mode<synchronous>, transform_indices = @transform_17, window_bounds = array<i64: 1, 128>}, {pipeline_mode = #tpu.pipeline_mode<synchronous>, transform_indices = @transform_18, window_bounds = array<i64: 1, 128>}, {pipeline_mode = #tpu.pipeline_mode<synchronous>, transform_indices = @transform_19, window_bounds = array<i64: 1, 128>}, {transform_indices = @transform_20, window_bounds = array<i64: 1, 8, 256>}]} {
    %get3A = arith.constant 0 : index
    %get3A_0 = arith.constant 0 : index
    %get3A_1 = vector.load %arg5[%get3A, %get3A_0] : memref<2048x128xf32, #tpu.memory_space<vmem>>, vector<2048x128xf32>
    %get3A_2 = arith.constant 0 : index
    %get3A_3 = arith.constant 0 : index
    %get3A_4 = vector.load %arg1[%get3A_2, %get3A_3] : memref<2048x64xf32, #tpu.memory_space<vmem>>, vector<2048x64xf32>
    %get3A_5 = arith.constant 0 : index
    %get3A_6 = arith.constant 0 : index
    %get3A_7 = vector.load %arg2[%get3A_5, %get3A_6] : memref<2048x64xf32, #tpu.memory_space<vmem>>, vector<2048x64xf32>
    %concatenate3A = tpu.concatenate %get3A_4, %get3A_7 in 1 : vector<2048x64xf32>, vector<2048x64xf32> -> vector<2048x128xf32>
    %get3A_8 = arith.constant 0 : index
    %get3A_9 = arith.constant 0 : index
    %get3A_10 = vector.load %arg3[%get3A_8, %get3A_9] : memref<2048x64xf32, #tpu.memory_space<vmem>>, vector<2048x64xf32>
    %get3A_11 = arith.constant 0 : index
    %get3A_12 = arith.constant 0 : index
    %get3A_13 = vector.load %arg4[%get3A_11, %get3A_12] : memref<2048x64xf32, #tpu.memory_space<vmem>>, vector<2048x64xf32>
    %concatenate3A_14 = tpu.concatenate %get3A_10, %get3A_13 in 1 : vector<2048x64xf32>, vector<2048x64xf32> -> vector<2048x128xf32>
    %mul3A = arith.mulf %concatenate3A, %get3A_1 : vector<2048x128xf32>
    %get3A_15 = arith.constant 0 : index
    %get3A_16 = arith.constant 0 : index
    %get3A_17 = vector.load %arg8[%get3A_15, %get3A_16] : memref<1x128xf32, #tpu.memory_space<vmem>>, vector<1x128xf32>
    %add3A = vector.broadcast %get3A_17 : vector<1x128xf32> to vector<2048x128xf32>
    %add3A_18 = arith.addf %mul3A, %add3A : vector<2048x128xf32>
    %tanh3A = math.tanh %add3A_18 : vector<2048x128xf32>
    %mul3A_19 = arith.mulf %concatenate3A_14, %get3A_1 : vector<2048x128xf32>
    %get3A_20 = arith.constant 0 : index
    %get3A_21 = arith.constant 0 : index
    %get3A_22 = vector.load %arg9[%get3A_20, %get3A_21] : memref<1x128xf32, #tpu.memory_space<vmem>>, vector<1x128xf32>
    %add3A_23 = vector.broadcast %get3A_22 : vector<1x128xf32> to vector<2048x128xf32>
    %add3A_24 = arith.addf %mul3A_19, %add3A_23 : vector<2048x128xf32>
    %tanh3A_25 = math.tanh %add3A_24 : vector<2048x128xf32>
    %get3A_26 = arith.constant 0 : index
    %get3A_27 = arith.constant 0 : index
    %get3A_28 = vector.load %arg6[%get3A_26, %get3A_27] : memref<2048x128xf32, #tpu.memory_space<vmem>>, vector<2048x128xf32>
    %max3A = arith.maximumf %get3A_28, %tanh3A : vector<2048x128xf32>
    %get3A_29 = arith.constant 0 : index
    %get3A_30 = arith.constant 0 : index
    %get3A_31 = vector.load %arg7[%get3A_29, %get3A_30] : memref<2048x128xf32, #tpu.memory_space<vmem>>, vector<2048x128xf32>
    %max3A_32 = arith.maximumf %get3A_31, %tanh3A_25 : vector<2048x128xf32>
    %get3A_33 = arith.constant 0 : index
    %get3A_34 = arith.constant 0 : index
    %get3A_35 = vector.load %arg10[%get3A_33, %get3A_34] : memref<128x128xf32, #tpu.memory_space<vmem>>, vector<128x128xf32>
    %dot_general3A = arith.constant dense<0.000000e+00> : vector<2048x128xf32>
    %dot_general3A_36 = tpu.matmul %max3A, %get3A_35, %dot_general3A {dimension_numbers = #tpu.dot_dimension_numbers<[1], [0], [0], [1], [0, 0, 1, 1], [], []>, precision = #tpu.contract_precision<fp32>, transpose_lhs_hint = false} : vector<2048x128xf32>, vector<128x128xf32>, vector<2048x128xf32> -> vector<2048x128xf32>
    %get3A_37 = arith.constant 0 : index
    %get3A_38 = arith.constant 0 : index
    %get3A_39 = vector.load %arg11[%get3A_37, %get3A_38] : memref<1x128xf32, #tpu.memory_space<vmem>>, vector<1x128xf32>
    %add3A_40 = vector.broadcast %get3A_39 : vector<1x128xf32> to vector<2048x128xf32>
    %add3A_41 = arith.addf %dot_general3A_36, %add3A_40 : vector<2048x128xf32>
    %get3A_42 = arith.constant 0 : index
    %get3A_43 = arith.constant 0 : index
    %get3A_44 = vector.load %arg12[%get3A_42, %get3A_43] : memref<128x128xf32, #tpu.memory_space<vmem>>, vector<128x128xf32>
    %dot_general3A_45 = arith.constant dense<0.000000e+00> : vector<2048x128xf32>
    %dot_general3A_46 = tpu.matmul %max3A_32, %get3A_44, %dot_general3A_45 {dimension_numbers = #tpu.dot_dimension_numbers<[1], [0], [0], [1], [0, 0, 1, 1], [], []>, precision = #tpu.contract_precision<fp32>, transpose_lhs_hint = false} : vector<2048x128xf32>, vector<128x128xf32>, vector<2048x128xf32> -> vector<2048x128xf32>
    %get3A_47 = arith.constant 0 : index
    %get3A_48 = arith.constant 0 : index
    %get3A_49 = vector.load %arg13[%get3A_47, %get3A_48] : memref<1x128xf32, #tpu.memory_space<vmem>>, vector<1x128xf32>
    %add3A_50 = vector.broadcast %get3A_49 : vector<1x128xf32> to vector<2048x128xf32>
    %add3A_51 = arith.addf %dot_general3A_46, %add3A_50 : vector<2048x128xf32>
    %get3A_52 = arith.constant 0 : index
    %get3A_53 = arith.constant 0 : index
    %get3A_54 = vector.load %arg14[%get3A_52, %get3A_53] : memref<1x128xf32, #tpu.memory_space<vmem>>, vector<1x128xf32>
    %get3A_55 = arith.constant 0 : index
    %get3A_56 = arith.constant 0 : index
    %get3A_57 = vector.load %arg15[%get3A_55, %get3A_56] : memref<1x128xf32, #tpu.memory_space<vmem>>, vector<1x128xf32>
    %reduce_sum3A = arith.constant dense<0.000000e+00> : vector<2048xf32>
    %reduce_sum3A_58 = vector.multi_reduction <add>, %add3A_41, %reduce_sum3A [1] : vector<2048x128xf32> to vector<2048xf32>
    %broadcast_in_dim3A = vector.shape_cast %reduce_sum3A_58 : vector<2048xf32> to vector<2048x1xf32>
    %div3A = arith.constant 1.280000e+02 : f32
    %div3A_59 = vector.broadcast %div3A : f32 to vector<2048x1xf32>
    %div3A_60 = arith.divf %broadcast_in_dim3A, %div3A_59 : vector<2048x1xf32>
    %jit3A = arith.constant 0 : i32
    %reduce_sum3A_61 = arith.constant dense<0.000000e+00> : vector<2048xf32>
    %reduce_sum3A_62 = vector.multi_reduction <add>, %add3A_41, %reduce_sum3A_61 [1] : vector<2048x128xf32> to vector<2048xf32>
    %broadcast_in_dim3A_63 = vector.shape_cast %reduce_sum3A_62 : vector<2048xf32> to vector<2048x1xf32>
    %div3A_64 = arith.constant 1.280000e+02 : f32
    %div3A_65 = vector.broadcast %div3A_64 : f32 to vector<2048x1xf32>
    %div3A_66 = arith.divf %broadcast_in_dim3A_63, %div3A_65 : vector<2048x1xf32>
    %sub3A = vector.broadcast %div3A_66 : vector<2048x1xf32> to vector<2048x128xf32>
    %sub3A_67 = arith.subf %add3A_41, %sub3A : vector<2048x128xf32>
    %square3A = arith.mulf %sub3A_67, %sub3A_67 : vector<2048x128xf32>
    %convert_element_type3A = arith.sitofp %jit3A : i32 to f32
    %sub3A_68 = arith.constant 1.280000e+02 : f32
    %sub3A_69 = arith.subf %sub3A_68, %convert_element_type3A : f32
    %reduce_sum3A_70 = arith.constant dense<0.000000e+00> : vector<2048xf32>
    %reduce_sum3A_71 = vector.multi_reduction <add>, %square3A, %reduce_sum3A_70 [1] : vector<2048x128xf32> to vector<2048xf32>
    %broadcast_in_dim3A_72 = vector.shape_cast %reduce_sum3A_71 : vector<2048xf32> to vector<2048x1xf32>
    %div3A_73 = vector.broadcast %sub3A_69 : f32 to vector<2048x1xf32>
    %div3A_74 = arith.divf %broadcast_in_dim3A_72, %div3A_73 : vector<2048x1xf32>
    %gt3A = arith.constant 0.000000e+00 : f32
    %gt3A_75 = arith.cmpf ogt, %sub3A_69, %gt3A : f32
    %jit3A_76 = arith.constant 0x7FC00000 : f32
    %broadcast_in_dim3A_77 = vector.broadcast %jit3A_76 : f32 to vector<2048x1xf32>
    %select_n3A = arith.select %gt3A_75, %div3A_74, %broadcast_in_dim3A_77 : vector<2048x1xf32>
    %sub3A_78 = vector.broadcast %div3A_60 : vector<2048x1xf32> to vector<2048x128xf32>
    %sub3A_79 = arith.subf %add3A_41, %sub3A_78 : vector<2048x128xf32>
    %add3A_80 = arith.constant 9.99999974E-6 : f32
    %add3A_81 = vector.broadcast %add3A_80 : f32 to vector<2048x1xf32>
    %add3A_82 = arith.addf %select_n3A, %add3A_81 : vector<2048x1xf32>
    %sqrt3A = math.sqrt %add3A_82 : vector<2048x1xf32>
    %div3A_83 = vector.broadcast %sqrt3A : vector<2048x1xf32> to vector<2048x128xf32>
    %div3A_84 = arith.divf %sub3A_79, %div3A_83 : vector<2048x128xf32>
    %mul3A_85 = vector.broadcast %get3A_54 : vector<1x128xf32> to vector<2048x128xf32>
    %mul3A_86 = arith.mulf %div3A_84, %mul3A_85 : vector<2048x128xf32>
    %add3A_87 = vector.broadcast %get3A_57 : vector<1x128xf32> to vector<2048x128xf32>
    %add3A_88 = arith.addf %mul3A_86, %add3A_87 : vector<2048x128xf32>
    %get3A_89 = arith.constant 0 : index
    %get3A_90 = arith.constant 0 : index
    %get3A_91 = vector.load %arg16[%get3A_89, %get3A_90] : memref<1x128xf32, #tpu.memory_space<vmem>>, vector<1x128xf32>
    %get3A_92 = arith.constant 0 : index
    %get3A_93 = arith.constant 0 : index
    %get3A_94 = vector.load %arg17[%get3A_92, %get3A_93] : memref<1x128xf32, #tpu.memory_space<vmem>>, vector<1x128xf32>
    %reduce_sum3A_95 = arith.constant dense<0.000000e+00> : vector<2048xf32>
    %reduce_sum3A_96 = vector.multi_reduction <add>, %add3A_51, %reduce_sum3A_95 [1] : vector<2048x128xf32> to vector<2048xf32>
    %broadcast_in_dim3A_97 = vector.shape_cast %reduce_sum3A_96 : vector<2048xf32> to vector<2048x1xf32>
    %div3A_98 = arith.constant 1.280000e+02 : f32
    %div3A_99 = vector.broadcast %div3A_98 : f32 to vector<2048x1xf32>
    %div3A_100 = arith.divf %broadcast_in_dim3A_97, %div3A_99 : vector<2048x1xf32>
    %jit3A_101 = arith.constant 0 : i32
    %reduce_sum3A_102 = arith.constant dense<0.000000e+00> : vector<2048xf32>
    %reduce_sum3A_103 = vector.multi_reduction <add>, %add3A_51, %reduce_sum3A_102 [1] : vector<2048x128xf32> to vector<2048xf32>
    %broadcast_in_dim3A_104 = vector.shape_cast %reduce_sum3A_103 : vector<2048xf32> to vector<2048x1xf32>
    %div3A_105 = arith.constant 1.280000e+02 : f32
    %div3A_106 = vector.broadcast %div3A_105 : f32 to vector<2048x1xf32>
    %div3A_107 = arith.divf %broadcast_in_dim3A_104, %div3A_106 : vector<2048x1xf32>
    %sub3A_108 = vector.broadcast %div3A_107 : vector<2048x1xf32> to vector<2048x128xf32>
    %sub3A_109 = arith.subf %add3A_51, %sub3A_108 : vector<2048x128xf32>
    %square3A_110 = arith.mulf %sub3A_109, %sub3A_109 : vector<2048x128xf32>
    %convert_element_type3A_111 = arith.sitofp %jit3A_101 : i32 to f32
    %sub3A_112 = arith.constant 1.280000e+02 : f32
    %sub3A_113 = arith.subf %sub3A_112, %convert_element_type3A_111 : f32
    %reduce_sum3A_114 = arith.constant dense<0.000000e+00> : vector<2048xf32>
    %reduce_sum3A_115 = vector.multi_reduction <add>, %square3A_110, %reduce_sum3A_114 [1] : vector<2048x128xf32> to vector<2048xf32>
    %broadcast_in_dim3A_116 = vector.shape_cast %reduce_sum3A_115 : vector<2048xf32> to vector<2048x1xf32>
    %div3A_117 = vector.broadcast %sub3A_113 : f32 to vector<2048x1xf32>
    %div3A_118 = arith.divf %broadcast_in_dim3A_116, %div3A_117 : vector<2048x1xf32>
    %gt3A_119 = arith.constant 0.000000e+00 : f32
    %gt3A_120 = arith.cmpf ogt, %sub3A_113, %gt3A_119 : f32
    %jit3A_121 = arith.constant 0x7FC00000 : f32
    %broadcast_in_dim3A_122 = vector.broadcast %jit3A_121 : f32 to vector<2048x1xf32>
    %select_n3A_123 = arith.select %gt3A_120, %div3A_118, %broadcast_in_dim3A_122 : vector<2048x1xf32>
    %sub3A_124 = vector.broadcast %div3A_100 : vector<2048x1xf32> to vector<2048x128xf32>
    %sub3A_125 = arith.subf %add3A_51, %sub3A_124 : vector<2048x128xf32>
    %add3A_126 = arith.constant 9.99999974E-6 : f32
    %add3A_127 = vector.broadcast %add3A_126 : f32 to vector<2048x1xf32>
    %add3A_128 = arith.addf %select_n3A_123, %add3A_127 : vector<2048x1xf32>
    %sqrt3A_129 = math.sqrt %add3A_128 : vector<2048x1xf32>
    %div3A_130 = vector.broadcast %sqrt3A_129 : vector<2048x1xf32> to vector<2048x128xf32>
    %div3A_131 = arith.divf %sub3A_125, %div3A_130 : vector<2048x128xf32>
    %mul3A_132 = vector.broadcast %get3A_91 : vector<1x128xf32> to vector<2048x128xf32>
    %mul3A_133 = arith.mulf %div3A_131, %mul3A_132 : vector<2048x128xf32>
    %add3A_134 = vector.broadcast %get3A_94 : vector<1x128xf32> to vector<2048x128xf32>
    %add3A_135 = arith.addf %mul3A_133, %add3A_134 : vector<2048x128xf32>
    %add3A_136 = arith.addf %add3A_88, %add3A_135 : vector<2048x128xf32>
    %mul3A_137 = arith.constant 5.000000e-01 : f32
    %mul3A_138 = vector.broadcast %mul3A_137 : f32 to vector<2048x128xf32>
    %mul3A_139 = arith.mulf %add3A_136, %mul3A_138 : vector<2048x128xf32>
    %sqrt3A_140 = arith.constant 1.000010e+00 : f32
    %sqrt3A_141 = math.sqrt %sqrt3A_140 : f32
    %div3A_142 = vector.broadcast %sqrt3A_141 : f32 to vector<2048x128xf32>
    %div3A_143 = arith.divf %mul3A_139, %div3A_142 : vector<2048x128xf32>
    %get3A_144 = arith.constant 0 : index
    %get3A_145 = arith.constant 0 : index
    %get3A_146 = vector.load %arg18[%get3A_144, %get3A_145] : memref<1x128xf32, #tpu.memory_space<vmem>>, vector<1x128xf32>
    %mul3A_147 = vector.broadcast %get3A_146 : vector<1x128xf32> to vector<2048x128xf32>
    %mul3A_148 = arith.mulf %div3A_143, %mul3A_147 : vector<2048x128xf32>
    %get3A_149 = arith.constant 0 : index
    %get3A_150 = arith.constant 0 : index
    %get3A_151 = vector.load %arg19[%get3A_149, %get3A_150] : memref<1x128xf32, #tpu.memory_space<vmem>>, vector<1x128xf32>
    %add3A_152 = vector.broadcast %get3A_151 : vector<1x128xf32> to vector<2048x128xf32>
    %add3A_153 = arith.addf %mul3A_148, %add3A_152 : vector<2048x128xf32>
    %get3A_154 = arith.constant 0 : index
    %get3A_155 = arith.constant 0 : index
    %get3A_156 = vector.load %arg20[%get3A_154, %get3A_155] : memref<1x128xf32, #tpu.memory_space<vmem>>, vector<1x128xf32>
    %mul3A_157 = vector.broadcast %get3A_156 : vector<1x128xf32> to vector<2048x128xf32>
    %mul3A_158 = arith.mulf %add3A_153, %mul3A_157 : vector<2048x128xf32>
    %reduce_sum3A_159 = arith.constant dense<0.000000e+00> : vector<2048xf32>
    %reduce_sum3A_160 = vector.multi_reduction <add>, %mul3A_158, %reduce_sum3A_159 [1] : vector<2048x128xf32> to vector<2048xf32>
    %reshape3A = vector.shape_cast %reduce_sum3A_160 : vector<2048xf32> to vector<1x8x256xf32>
    %swap3A = arith.constant 0 : index
    %swap3A_161 = arith.constant 0 : index
    %swap3A_162 = arith.constant 0 : index
    %swap3A_163 = vector.load %arg21[%swap3A, %swap3A_161, %swap3A_162] : memref<1x8x256xf32, #tpu.memory_space<vmem>>, vector<1x8x256xf32>
    tpu.vector_store %arg21[%swap3A, %swap3A_161, %swap3A_162], %reshape3A {strides = array<i32>} : memref<1x8x256xf32, #tpu.memory_space<vmem>>, vector<1x8x256xf32>,
    return
  }
  func.func @transform_0(%arg0: i32) -> (i32, i32) {
    %add3A = arith.constant 0 : i32
    %add3A_0 = arith.addi %arg0, %add3A : i32
    %c0_i32 = arith.constant 0 : i32
    %c0_i32_1 = arith.constant 0 : i32
    return %add3A_0, %c0_i32 : i32, i32
  }
  func.func @transform_1(%arg0: i32) -> (i32, i32) {
    %add3A = arith.constant 0 : i32
    %add3A_0 = arith.addi %arg0, %add3A : i32
    %c0_i32 = arith.constant 0 : i32
    %c0_i32_1 = arith.constant 0 : i32
    return %add3A_0, %c0_i32 : i32, i32
  }
  func.func @transform_2(%arg0: i32) -> (i32, i32) {
    %add3A = arith.constant 5 : i32
    %add3A_0 = arith.addi %arg0, %add3A : i32
    %c0_i32 = arith.constant 0 : i32
    %c0_i32_1 = arith.constant 0 : i32
    return %add3A_0, %c0_i32 : i32, i32
  }
  func.func @transform_3(%arg0: i32) -> (i32, i32) {
    %add3A = arith.constant 5 : i32
    %add3A_0 = arith.addi %arg0, %add3A : i32
    %c0_i32 = arith.constant 0 : i32
    %c0_i32_1 = arith.constant 0 : i32
    return %add3A_0, %c0_i32 : i32, i32
  }
  func.func @transform_4(%arg0: i32) -> (i32, i32) {
    %add3A = arith.constant 0 : i32
    %add3A_0 = arith.addi %arg0, %add3A : i32
    %c0_i32 = arith.constant 0 : i32
    %c0_i32_1 = arith.constant 0 : i32
    return %add3A_0, %c0_i32 : i32, i32
  }
  func.func @transform_5(%arg0: i32) -> (i32, i32) {
    %add3A = arith.constant 0 : i32
    %add3A_0 = arith.addi %arg0, %add3A : i32
    %c0_i32 = arith.constant 0 : i32
    %c0_i32_1 = arith.constant 0 : i32
    return %add3A_0, %c0_i32 : i32, i32
  }
  func.func @transform_6(%arg0: i32) -> (i32, i32) {
    %add3A = arith.constant 0 : i32
    %add3A_0 = arith.addi %arg0, %add3A : i32
    %c0_i32 = arith.constant 0 : i32
    %c0_i32_1 = arith.constant 0 : i32
    return %add3A_0, %c0_i32 : i32, i32
  }
  func.func @transform_7(%arg0: i32) -> (i32, i32) {
    %c0_i32 = arith.constant 0 : i32
    %c0_i32_0 = arith.constant 0 : i32
    %c0_i32_1 = arith.constant 0 : i32
    return %c0_i32, %c0_i32_0 : i32, i32
  }
  func.func @transform_8(%arg0: i32) -> (i32, i32) {
    %c0_i32 = arith.constant 0 : i32
    %c0_i32_0 = arith.constant 0 : i32
    %c0_i32_1 = arith.constant 0 : i32
    return %c0_i32, %c0_i32_0 : i32, i32
  }
  func.func @transform_9(%arg0: i32) -> (i32, i32) {
    %c0_i32 = arith.constant 0 : i32
    %c0_i32_0 = arith.constant 0 : i32
    %c0_i32_1 = arith.constant 0 : i32
    return %c0_i32, %c0_i32_0 : i32, i32
  }
  func.func @transform_10(%arg0: i32) -> (i32, i32) {
    %c0_i32 = arith.constant 0 : i32
    %c0_i32_0 = arith.constant 0 : i32
    %c0_i32_1 = arith.constant 0 : i32
    return %c0_i32, %c0_i32_0 : i32, i32
  }
  func.func @transform_11(%arg0: i32) -> (i32, i32) {
    %c0_i32 = arith.constant 0 : i32
    %c0_i32_0 = arith.constant 0 : i32
    %c0_i32_1 = arith.constant 0 : i32
    return %c0_i32, %c0_i32_0 : i32, i32
  }
  func.func @transform_12(%arg0: i32) -> (i32, i32) {
    %c0_i32 = arith.constant 0 : i32
    %c0_i32_0 = arith.constant 0 : i32
    %c0_i32_1 = arith.constant 0 : i32
    return %c0_i32, %c0_i32_0 : i32, i32
  }
  func.func @transform_13(%arg0: i32) -> (i32, i32) {
    %c0_i32 = arith.constant 0 : i32
    %c0_i32_0 = arith.constant 0 : i32
    %c0_i32_1 = arith.constant 0 : i32
    return %c0_i32, %c0_i32_0 : i32, i32
  }
  func.func @transform_14(%arg0: i32) -> (i32, i32) {
    %c0_i32 = arith.constant 0 : i32
    %c0_i32_0 = arith.constant 0 : i32
    %c0_i32_1 = arith.constant 0 : i32
    return %c0_i32, %c0_i32_0 : i32, i32
  }
  func.func @transform_15(%arg0: i32) -> (i32, i32) {
    %c0_i32 = arith.constant 0 : i32
    %c0_i32_0 = arith.constant 0 : i32
    %c0_i32_1 = arith.constant 0 : i32
    return %c0_i32, %c0_i32_0 : i32, i32
  }
  func.func @transform_16(%arg0: i32) -> (i32, i32) {
    %c0_i32 = arith.constant 0 : i32
    %c0_i32_0 = arith.constant 0 : i32
    %c0_i32_1 = arith.constant 0 : i32
    return %c0_i32, %c0_i32_0 : i32, i32
  }
  func.func @transform_17(%arg0: i32) -> (i32, i32) {
    %c0_i32 = arith.constant 0 : i32
    %c0_i32_0 = arith.constant 0 : i32
    %c0_i32_1 = arith.constant 0 : i32
    return %c0_i32, %c0_i32_0 : i32, i32
  }
  func.func @transform_18(%arg0: i32) -> (i32, i32) {
    %c0_i32 = arith.constant 0 : i32
    %c0_i32_0 = arith.constant 0 : i32
    %c0_i32_1 = arith.constant 0 : i32
    return %c0_i32, %c0_i32_0 : i32, i32
  }
  func.func @transform_19(%arg0: i32) -> (i32, i32) {
    %c0_i32 = arith.constant 0 : i32
    %c0_i32_0 = arith.constant 0 : i32
    %c0_i32_1 = arith.constant 0 : i32
    return %c0_i32, %c0_i32_0 : i32, i32
  }
  func.func @transform_20(%arg0: i32) -> (i32, i32, i32) {
    %c0_i32 = arith.constant 0 : i32
    %c0_i32_0 = arith.constant 0 : i32
    %c0_i32_1 = arith.constant 0 : i32
    return %arg0, %c0_i32, %c0_i32_0 : i32, i32, i32
  }
}

</mosaic_0001>

<sc_bundles>
// kernel: kernel.11.cloned.1.call-start
scs
__scs_entry_jumppad:
0x0: {  	(pc) =	sbr.rel $0x88, $3  }
0x1: {  	(tag) =	ssettag $0x0;
	lr =	simm.s32 $0x1  }
0x2: {  	[smem:$0x3F8C] =	sst lr;
	_ =	strace $0xD0000000  }
0x3: {  	_ = 	snop  }
0x4: {  	_ = 	snop  }
0x5: {  	_ = 	snop  }
0x6: {  	_ = 	snop  }
0x7: {  	_ = 	snop  }
__scs_overlays_trampoline_lowered:
0x8: {  	[smem:$0x3F9B] =	sst s0  }
0x9: {  	[smem:$0x3F9C] =	sst s1  }
0xa: {  	[smem:$0x3F9D] =	sst s2  }
0xb: {  	[smem:$0x3F9E] =	sst s3  }
0xc: {  	[smem:$0x3F9F] =	sst s4  }
0xd: {  	[smem:$0x3FA0] =	sst s5  }
0xe: {  	[smem:$0x3FA1] =	sst s6  }
0xf: {  	[smem:$0x3FA2] =	sst s7  }
0x10: {  	[smem:$0x3FA3] =	sst s8  }
0x11: {  	[smem:$0x3FA4] =	sst s9;
	s0 =	simm.s32 @!p0 $0x0  }
0x12: {  	s1 =	sld [smem:$0x3F8A];
	s0 =	simm.s32 @p0 $0x1  }
0x13: {  	[smem:$0x3FA5] =	sst s0;
	s0 =	simm.s32 @!p1 $0x0  }
0x14: {  	s2 =	sld [smem:$0x3F89];
	s0 =	simm.s32 @p1 $0x1  }
0x15: {  	[smem:$0x3FA6] =	sst s0;
	s0 =	simm.s32 @!p2 $0x0  }
0x16: {  	s3 =	sld [smem:$0x3FDB];
	s0 =	simm.s32 @p2 $0x1  }
0x17: {  	s4 =	simm.s32 $0x1BF5;
	[smem:$0x3FA8] =	sst s0  }
0x18: {  	s0 =	sld [smem:$0x3F8B];
	_ =	swait.ge [sflag:s4], $0x0  }
0x19: {  	s7 =	sld [smem:$0x3F8C]  }
0x1a: {  	s8 =	sadd.s32 $0xFFFFE003, lr  }
0x1b: {  	s9 =	sadd.s32 $0xFFFFFEF7, lr;
	s5 =	simm.s32 $0xFFFFFFFF;
	p2 =	slt.u32 s8, $0xFFFFF086  }
0x1c: {  	p1 =	slt.u32 s9, $0xF7A;
	s5 =	simm.s32 @!p2 $0x0  }
0x1d: {  	s5 =	simm.s32 @p1 $0x1;
	p0 =	seq.s32 s7, s2  }
0x1e: {  	s7 =	smul.u32 @!p0 $0xF7A, s2;
	p2 =	seq.s32 @!p0 s5, $0x0  }
0x1f: {  	s9 =	smul.u32 $0xF7A, s1;
	s8 =	simm.s32 @!p0 $0x1BF5;
	p2 =	por !p2, p0  }
0x20: {  	[sflag:s8] =	ssyncset.s32 @!p0 $0xFFFFF086;
	s6 =	sadd.s32 @!p0 s3, s7;
	s7 =	simm.s32 @!p0 $0x108  }
0x21: {  	s3 =	sadd.s32 s3, s9;
	s6 =	sadd.s32 @!p0 $0x88, s6;
	s7 =	simm.s32 @p2 $0x1082  }
0x22: {  	[simem:s7], [sflag:s8] =	dma.local @!p0 [hbm:s6], $0xF7A  }
0x23: {  	s9 =	sor.u32 $0xD0000000, s2;
	s6 =	simm.s32 $0x108;
	_ =	swait.ge @!p0 [sflag:s8], $0x0  }
0x24: {  	s3 =	sadd.s32 $0x88, s3;
	s6 =	simm.s32 @!p1 $0x1082;
	[sflag:s4] =	ssyncset.s32 $0xFFFFF086  }
0x25: {  	[simem:s6], [sflag:s4] =	dma.local [hbm:s3], $0xF7A  }
0x26: {  	[smem:$0x3F8C] =	sst s1;
	(tag) =	ssettag s2;
	_ =	strace s9  }
0x27: {  	s1 =	sld [smem:$0x3F9C]  }
0x28: {  	s2 =	sld [smem:$0x3F9D]  }
0x29: {  	s4 =	sld [smem:$0x3F9F]  }
0x2a: {  	p0 =	seq.s32 s5, $0x0;
	s5 =	sld [smem:$0x3FA0]  }
0x2b: {  	s6 =	sld [smem:$0x3FA1]  }
0x2c: {  	s7 =	sld [smem:$0x3FA2]  }
0x2d: {  	s3 =	simm.s32 $0x108;
	s8 =	sld [smem:$0x3FA3]  }
0x2e: {  	s3 =	simm.s32 @!p0 $0x1082;
	s9 =	sld [smem:$0x3FA4]  }
0x2f: {  	lr =	sadd.s32 s0, s3;
	s0 =	sld [smem:$0x3F9B]  }
0x30: {  	s3 =	sld [smem:$0x3F9E]  }
0x31: {  	[smem:$0x3FA7] =	sst s10  }
0x32: {  	s10 =	sld [smem:$0x3FA5];
	_ =	sdelay $0x3  }
0x33: {  	p0 =	seq.s32 s10, $0x1;
	s10 =	sld [smem:$0x3FA7];
	_ =	sdelay $0x3  }
0x34: {  	[smem:$0x3FA7] =	sst s10  }
0x35: {  	s10 =	sld [smem:$0x3FA6];
	_ =	sdelay $0x3  }
0x36: {  	p1 =	seq.s32 s10, $0x1;
	s10 =	sld [smem:$0x3FA7];
	_ =	sdelay $0x3  }
0x37: {  	[smem:$0x3FA7] =	sst s10  }
0x38: {  	s10 =	sld [smem:$0x3FA8]  }
0x39: {  	_ = 	snop;
	(pc) =	sbr.ind lr, $3  }
0x3a: {  	_ = 	snop  }
0x3b: {  	_ = 	snop  }
0x3c: {  	p2 =	seq.s32 s10, $0x1;
	s10 =	sld [smem:$0x3FA7]  }
0x3d: {  	_ =	shalt  }
0x3e: {  	_ =	shalt  }
0x3f: {  	_ =	shalt  }
0x40: {  	_ =	shalt  }
0x41: {  	_ =	shalt  }
0x42: {  	_ =	shalt  }
0x43: {  	_ =	shalt  }
0x44: {  	_ =	shalt  }
0x45: {  	_ =	shalt  }
0x46: {  	_ =	shalt  }
0x47: {  	_ =	shalt  }
0x48: {  	_ =	shalt  }
0x49: {  	_ =	shalt  }
0x4a: {  	_ =	shalt  }
0x4b: {  	_ =	shalt  }
0x4c: {  	_ =	shalt  }
0x4d: {  	_ =	shalt  }
0x4e: {  	_ =	shalt  }
0x4f: {  	_ =	shalt  }
0x50: {  	_ =	shalt  }
0x51: {  	_ =	shalt  }
0x52: {  	_ =	shalt  }
0x53: {  	_ =	shalt  }
0x54: {  	_ =	shalt  }
0x55: {  	_ =	shalt  }
0x56: {  	_ =	shalt  }
0x57: {  	_ =	shalt  }
0x58: {  	_ =	shalt  }
0x59: {  	_ =	shalt  }
0x5a: {  	_ =	shalt  }
0x5b: {  	_ =	shalt  }
0x5c: {  	_ =	shalt  }
0x5d: {  	_ =	shalt  }
0x5e: {  	_ =	shalt  }
0x5f: {  	_ =	shalt  }
0x60: {  	_ =	shalt  }
0x61: {  	_ =	shalt  }
0x62: {  	_ =	shalt  }
0x63: {  	_ =	shalt  }
0x64: {  	_ =	shalt  }
0x65: {  	_ =	shalt  }
0x66: {  	_ =	shalt  }
0x67: {  	_ =	shalt  }
0x68: {  	_ =	shalt  }
0x69: {  	_ =	shalt  }
0x6a: {  	_ =	shalt  }
0x6b: {  	_ =	shalt  }
0x6c: {  	_ =	shalt  }
0x6d: {  	_ =	shalt  }
0x6e: {  	_ =	shalt  }
0x6f: {  	_ =	shalt  }
0x70: {  	_ =	shalt  }
0x71: {  	_ =	shalt  }
0x72: {  	_ =	shalt  }
0x73: {  	_ =	shalt  }
0x74: {  	_ =	shalt  }
0x75: {  	_ =	shalt  }
0x76: {  	_ =	shalt  }
0x77: {  	_ =	shalt  }
0x78: {  	_ =	shalt  }
0x79: {  	_ =	shalt  }
0x7a: {  	_ =	shalt  }
0x7b: {  	_ =	shalt  }
0x7c: {  	_ =	shalt  }
0x7d: {  	_ =	shalt  }
0x7e: {  	_ =	shalt  }
0x7f: {  	_ =	shalt  }
0x80: {  	_ =	shalt  }
0x81: {  	_ =	shalt  }
0x82: {  	_ =	shalt  }
0x83: {  	_ =	shalt  }
0x84: {  	_ =	shalt  }
0x85: {  	_ =	shalt  }
0x86: {  	_ =	shalt  }
0x87: {  	_ =	shalt  }
.Lfunc_end0:
.L_simem_size_0:
called_computation.1_lowered:
.L_overlay_start_0:
0x88: {  	s2 =	sld [smem:$0x3FD9]  }
0x89: {  	s3 =	sld [smem:$0x3FFE];
	_ =	sdelay $0x1  }
0x8a: {  	s1 =	srdreg.scid  }
0x8b: {  	s0 =	sand.u32 $0x1, s1  }
0x8c: {  	s16 =	sshll.u32 s0, $0xA;
	s2 =	sadd.s32 s3, s2  }
0x8d: {  	s2 =	sadd.s32 s2, s16  }
0x8e: {  	[smem:$0x3FB3] =	sst s2  }
0x8f: {  	_ = 	snop  }
0x90: {  	(tm) =	ssettm $0x1  }
0x91: {  	s17 =	sld [smem:$0x3FFB];
	_ =	sdelay $0x3  }
0x92: {  	_ =	strace s17  }
0x93: {  	s2 =	sld [smem:$0x3FFC];
	_ =	sdelay $0x3  }
0x94: {  	_ =	strace s2  }
0x95: {  	s2 =	sld [smem:$0x3FFD];
	_ =	sdelay $0x3  }
0x96: {  	_ =	strace s2  }
0x97: {  	_ =	strace $0x8FFFFFFF  }
0x98: {  	s18 =	sld [smem:$0x3FDB];
	_ =	sdelay $0x1  }
0x99: {  	s19 =	simm.s32 $_scs_section_size  }
0x9a: {  	s4 =	simm.s32 $_size__tile_overlayer_lowered;
	s5 =	simm.s32 $_tile_overlayer_lowered  }
0x9b: {  	s22 =	simm.s32 $0x1BFF;
	s21 =	sshll.u32 s5, $0x1;
	s2 =	sadd.s32 s19, s18  }
0x9c: {  	s6 =	simm.s32 $0x0;
	s20 =	sshll.u32 s4, $0x1;
	s4 =	sadd.s32 s21, s2  }
0x9d: {  	[timem:s6], [sflag:s22] =	dma.local [hbm:s4], s20  }
0x9e: {  	_ =	swait.ge [sflag:s22], s20  }
0x9f: {  	s3 =	ssub.s32 $0x0, s20;
	[sflag:s22] =	ssyncset.done $0x0  }
0xa0: {  	[sflag:s22] =	ssyncadd.s32 s3;
	_ =	sdelay $0x1  }
0xa1: {  	s23 =	simm.s32 $0x1B8B  }
0xa2: {  	_ =	swait.ge [sflag:s23], $0x1  }
0xa3: {  	[sflag:s23] =	ssyncset.done $0x0  }
0xa4: {  	s25 =	simm.s32 $0x1B8E;
	s24 =	sld [smem:$0x3FFE];
	[sflag:s23] =	ssyncadd.s32 $0xFFFFFFFF  }
0xa5: {  	s26 =	simm.s32 $execute0_lowered;
	[smem:$0x3FD2] =	sst s25  }
0xa6: {  	s4 =	sshll.u32 s26, $0x1;
	_ =	strace $0x80000049;
	[dreg:$0x1] =	wrdreg $0xFFFFFFFF  }
0xa7: {  	s28 =	simm.s32 $_size_execute0_lowered;
	s2 =	sadd.s32 s2, s4;
	[dreg:$0x0] =	wrdreg $0x0  }
0xa8: {  	s4 =	sshll.u32 s28, $0x1;
	[dreg:$0x2] =	wrdreg s2  }
0xa9: {  	[dreg:$0x3] =	wrdreg s4  }
0xaa: {  	[dreg:$0x4] =	wrdreg $0xC0  }
0xab: {  	_ =	task [dreg:s6], $0x5FFFF  }
0xac: {  	[dreg:$0x1] =	wrdreg $0xFFFFFFFF  }
0xad: {  	[dreg:$0x0] =	wrdreg $0x60  }
0xae: {  	[dreg:$0x2] =	wrdreg s24  }
0xaf: {  	[dreg:$0x3] =	wrdreg $0x46800  }
0xb0: {  	[dreg:$0x4] =	wrdreg $0x9  }
0xb1: {  	_ =	task.clear_ibuf [dreg:s6], $0x5FFFF;
	_ =	strace $0x90000049  }
0xb2: {  	s29 =	simm.s32 $0x9;
	_ =	strace $0x8000004B  }
0xb3: {  	_ =	swait.ge [sflag:s29], $0x1  }
0xb4: {  	[sflag:s29] =	ssyncadd.s32 $0xFFFFFFFF  }
0xb5: {  	_ =	strace $0x9000004B  }
0xb6: {  	_ =	sfence  }
0xb7: {  	s30 =	sld [smem:$0x0];
	_ =	sdelay $0x2  }
0xb8: {  	s31 =	sshll.u32 s1, $0xD;
	s1 =	sshrl.u32 s1, $0x2  }
0xb9: {  	s3 =	sand.u32 $0x4000, s31;
	s1 =	sadd.s32 s1, s30  }
0xba: {  	s0 =	sor.u32 s3, s0;
	s1 =	sshll.u32 s1, $0x11  }
0xbb: {  	s0 =	sor.u32 s1, s0  }
0xbc: {  	s0 =	sadd.s32 $0x8F2B, s0  }
0xbd: {  	[sflag:s0] =	ssyncadd.remote.s32 $0x1  }
0xbe: {  	_ =	sfence.sel $0xFFFF  }
0xbf: {  	[dreg:$0x0] =	wrdreg $0xFFFFFFFF;
	(pc) =	sbr.abs _section_cstart, $3  }
0xc0: {  	[dreg:$0x1] =	wrdreg $0xFFFFFFFF  }
0xc1: {  	_ =	task.clear_ibuf [dreg:s6], $0x2FFFF;
	_ =	strace $0x9FFFFFFF  }
0xc2: {  	(tm) =	ssettm $0x7FFFFFFF  }
0xc3: {  	_ =	shalt  }
tec
execute0_lowered:
.L_overlay_start_1:
0x0: {  	(tag) =	ssettag $0x1  }
0x1: {  	s0 =	rddreg [dreg:$0x0]  }
0x2: {  	s2 =	rddreg [dreg:$0x1];
	s3 =	simm.s32 $0x0  }
0x3: {  	s1 =	srdreg.scid;
	s15 =	stileid.u32;
	s21 =	simm.s32 $0x1680  }
0x4: {  	s22 =	simm.s32 $0x3;
	s28 =	simm.s32 $0x1;
	s29 =	simm.s32 $0x2  }
0x5: {  	s30 =	simm.s32 $0x15C0;
	s31 =	simm.s32 $0x1620;
	[smem:$0x7FF] =	sst s3  }
0x6: {  	s1 =	sand.u32 $0x1, s1;
	s10 =	smul.u32 $0x280, s15;
	s4 =	sadd.s32 $0x19600, s0  }
0x7: {  	s5 =	sadd.s32 $0x5800, s0;
	s6 =	sadd.s32 $0x23400, s0;
	s12 =	smul.u32 $0x28000, s15  }
0x8: {  	s7 =	sadd.s32 $0x37400, s0;
	s8 =	sadd.s32 $0x4B400, s0;
	s9 =	sadd.s32 $0x5F400, s0  }
0x9: {  	_ =	strace $0x8000004A;
	s11 =	smul.u32 $0x2800, s1;
	s23 =	ssub.s32 $0x2, s1  }
0xa: {  	p0 =	sne.s32 s1, $0x0;
	s12 =	sshrl.u32 s12, $0x2;
	s14 =	sshrl.u32 s23, $0x1  }
0xb: {  	s10 =	sadd.s32 s10, s11;
	s11 =	ssub.s32 s23, s14;
	s23 =	simm.s32 $0x4  }
0xc: {  	s13 =	sshll.u32 s10, $0x3;
	s10 =	sadd.s32 s12, s2;
	s24 =	smax.u32 s11, $0x1  }
0xd: {  	s0 =	sadd.s32 s13, s0;
	s12 =	sadd.s32 $0x9000, s10;
	[dreg:$0x6] =	wrdreg s24  }
0xe: {  	s25 =	sadd.s32 $0x1800, s10;
	s26 =	sadd.s32 $0x3000, s10;
	s18 =	sadd.s32 $0x4800, s10  }
.Ltmp0:
0xf: {  	s19 =	sadd.s32 $0x6000, s10;
	[dreg:$0x3] =	wrdreg s12;
	(pc) =	sbr.rel .LBB2_1-.Ltmp0, $4  }
0x10: {  	s20 =	sadd.s32 $0x7800, s10;
	s24 =	simm.s32 $0xB40;
	[dreg:$0x7] =	wrdreg s25  }
0x11: {  	s12 =	smul.u32 $0xD2, s15;
	s13 =	sadd.s32 $0xC3400, s0;
	[dreg:$0x8] =	wrdreg s26  }
0x12: {  	s0 =	sadd.s32 $0x73400, s0;
	s25 =	simm.s32 $0x60;
	[dreg:$0x4] =	wrdreg s13  }
0x13: {  	v0 =	vimm.f32 $0.0e+00;
	s26 =	simm.s32 $0x2E80;
	[dreg:$0x5] =	wrdreg s0;
	s0 =	simm.s32 $0x0  }
.LBB2_23:
0x14: {  	[bflag:$0x0] =	sbarrier.arrive $0xFFFF  }
0x15: {  	s11 =	rddreg [dreg:$0x5]  }
0x16: {  	[hbm:s11], [sflag:s1] =	dma.local [spmem:s13], $0x1400  }
0x17: {  	_ =	swait.ge [sflag:s22], $0x1400  }
0x18: {  	s0 =	sadd.s32 $0x1, s0;
	s17 =	rddreg [dreg:$0x6]  }
0x19: {  	p1 =	sne.s32 s0, s17  }
.Ltmp1:
0x1a: {  	_ = 	snop;
	(pc) =	sbr.rel @!p1 .LBB2_24-.Ltmp1, $3  }
0x1b: {  	[sflag:s22] =	ssyncset.done $0x0  }
0x1c: {  	[sflag:s22] =	ssyncadd.s32 $0xFFFFEC00  }
0x1d: {  	[bflag:$0x0] =	sbarrier.arrive $0xFFFF;
	_ =	sdelay $0x1  }
.LBB2_1:
0x1e: {  	s11 =	simm.s32 $0x100;
	s1 =	simm.s32 $0x0  }
.LBB2_2:
0x1f: {  	p1 =	sne.s32 s11, $0x5F00;
	[tilespmem:s1+$0x16B0] =	vst v0;
	s13 =	smov.u32 s11;
	s11 =	sadd.s32 $0x100, s11  }
.Ltmp2:
0x20: {  	[tilespmem:s1+$0x16A0] =	vst v0;
	(pc) =	sbr.rel @p1 .LBB2_2-.Ltmp2, $3  }
0x21: {  	[tilespmem:s1+$0x1680] =	vst v0  }
0x22: {  	[tilespmem:s1+$0x1690] =	vst v0;
	_ =	sdelay $0x1  }
0x23: {  	s1 =	sshra.s32 s13, $0x2  }
0x24: {  	[tilespmem:s1+$0x16B0] =	vst v0  }
0x25: {  	[tilespmem:s1+$0x16A0] =	vst v0  }
0x26: {  	[tilespmem:s1+$0x1680] =	vst v0  }
0x27: {  	[tilespmem:s1+$0x1690] =	vst v0  }
0x28: {  	[spmem:s10] =	stream.linear.scatter [tilespmem:s21], [sflag:$0x3], $0x1800, $0x38;
	[tilespmem:$0xE680] =	vst v63  }
0x29: {  	_ =	swait.ge [sflag:s22], $0x1800  }
0x2a: {  	[sflag:s22] =	ssyncset.done $0x0  }
0x2b: {  	s15 =	rddreg [dreg:$0x7];
	[sflag:s22] =	ssyncadd.s32 $0xFFFFE800  }
0x2c: {  	[spmem:s15] =	stream.linear.scatter [tilespmem:s21], [sflag:$0x3], $0x1800, $0x38;
	[tilespmem:$0xE680] =	vst v63  }
0x2d: {  	_ =	swait.ge [sflag:s22], $0x1800  }
0x2e: {  	[sflag:s22] =	ssyncset.done $0x0  }
0x2f: {  	s16 =	rddreg [dreg:$0x8];
	[sflag:s22] =	ssyncadd.s32 $0xFFFFE800  }
0x30: {  	[spmem:s16] =	stream.linear.scatter [tilespmem:s21], [sflag:$0x3], $0x1800, $0x38;
	[tilespmem:$0xE680] =	vst v63  }
0x31: {  	_ =	swait.ge [sflag:s22], $0x1800  }
0x32: {  	[sflag:s22] =	ssyncset.done $0x0  }
0x33: {  	[sflag:s22] =	ssyncadd.s32 $0xFFFFE800  }
0x34: {  	[spmem:s18] =	stream.linear.scatter [tilespmem:s21], [sflag:$0x3], $0x1800, $0x38;
	[tilespmem:$0xE680] =	vst v63  }
0x35: {  	_ =	swait.ge [sflag:s22], $0x1800  }
0x36: {  	[sflag:s22] =	ssyncset.done $0x0  }
0x37: {  	[sflag:s22] =	ssyncadd.s32 $0xFFFFE800  }
0x38: {  	[spmem:s19] =	stream.linear.scatter [tilespmem:s21], [sflag:$0x3], $0x1800, $0x38;
	[tilespmem:$0xE680] =	vst v63  }
0x39: {  	_ =	swait.ge [sflag:s22], $0x1800  }
0x3a: {  	[sflag:s22] =	ssyncset.done $0x0  }
0x3b: {  	[sflag:s22] =	ssyncadd.s32 $0xFFFFE800  }
0x3c: {  	[spmem:s20] =	stream.linear.scatter [tilespmem:s21], [sflag:$0x3], $0x1800, $0x38;
	[tilespmem:$0xE680] =	vst v63  }
0x3d: {  	_ =	swait.ge [sflag:s22], $0x1800  }
0x3e: {  	[sflag:s22] =	ssyncset.done $0x0  }
0x3f: {  	s17 =	rddreg [dreg:$0x3];
	[sflag:s22] =	ssyncadd.s32 $0xFFFFE800  }
0x40: {  	[spmem:s17] =	stream.linear.scatter [tilespmem:s21], [sflag:$0x3], $0x1000, $0x38;
	[tilespmem:$0xE680] =	vst v63  }
.Ltmp3:
0x41: {  	_ =	swait.ge [sflag:s22], $0x1000;
	(pc) =	sbr.rel .LBB2_4-.Ltmp3, $4  }
0x42: {  	[sflag:s22] =	ssyncset.done $0x0  }
0x43: {  	[sflag:s22] =	ssyncadd.s32 $0xFFFFF000  }
0x44: {  	[bflag:$0x0] =	sbarrier.arrive $0xFFFF  }
0x45: {  	s1 =	simm.s32 $0x0  }
.LBB2_10:
0x46: {  	[tilespmem:s26], [sflag:$0x2] =	stream.indirect.gather [hbm4b:s8+s25], $0x40, s13, s25, $0xb8;
	[tilespmem:$0xE680] =	vst v63  }
0x47: {  	s13 =	simm.s32 $0x3  }
.LBB2_11:
0x48: {  	_ =	swait.ge [sflag:s28], $0x1800  }
0x49: {  	[sflag:s28] =	ssyncset.done $0x0  }
0x4a: {  	[sflag:s28] =	ssyncadd.s32 $0xFFFFE800  }
0x4b: {  	[spmem:s2] =	stream.indirect.scatter.add.f32 [tilespmem:s21], [sflag:$0x4], $0x40, s30, s25, $0xb8;
	[tilespmem:$0xE680] =	vst v63  }
0x4c: {  	_ =	swait.ge [sflag:s23], $0x1800  }
0x4d: {  	[sflag:s23] =	ssyncset.done $0x0  }
0x4e: {  	[sflag:s23] =	ssyncadd.s32 $0xFFFFE800  }
0x4f: {  	s1 =	sadd.s32 $0x1, s1;
	_ =	swait.ge [sflag:s29], $0x1800  }
0x50: {  	p1 =	sne.s32 s1, $0x7;
	[sflag:s29] =	ssyncset.done $0x0  }
.Ltmp4:
0x51: {  	[sflag:s29] =	ssyncadd.s32 $0xFFFFE800;
	(pc) =	sbr.rel @!p1 .LBB2_12-.Ltmp4, $4  }
0x52: {  	[spmem:s2] =	stream.indirect.scatter.add.f32 [tilespmem:s26], [sflag:s13], $0x40, s31, s25, $0xb8;
	[tilespmem:$0xE680] =	vst v63  }
0x53: {  	_ =	swait.ge [sflag:s13], $0x1800  }
0x54: {  	[sflag:s13] =	ssyncset.done $0x0  }
0x55: {  	[sflag:s13] =	ssyncadd.s32 $0xFFFFE800  }
.LBB2_4:
0x56: {  	s11 =	smul.u32 $0x1E, s1;
	_ =	sdelay $0x1  }
0x57: {  	s11 =	sadd.s32 s12, s11  }
0x58: {  	s11 =	smul.u32 $0xC, s11;
	_ =	sdelay $0x1  }
0x59: {  	s13 =	sadd.s32 s4, s11  }
0x5a: {  	[tilespmem:s3], [sflag:$0x4] =	stream.linear.gather [hbm4b:s13+s3], $0xB40, $0x38;
	[tilespmem:$0xE680] =	vst v63  }
0x5b: {  	_ =	swait.ge [sflag:s23], $0xB40  }
0x5c: {  	[sflag:s23] =	ssyncset.done $0x0  }
.Ltmp5:
0x5d: {  	s11 =	sadd.s32 s5, s11;
	[sflag:s23] =	ssyncadd.s32 $0xFFFFF4C0;
	(pc) =	sbr.rel @p0 .LBB2_8-.Ltmp5, $4  }
0x5e: {  	[tilespmem:s24], [sflag:$0x4] =	stream.linear.gather [hbm4b:s11+s3], $0xB40, $0x38;
	[tilespmem:$0xE680] =	vst v63  }
0x5f: {  	_ =	swait.ge [sflag:s23], $0xB40  }
0x60: {  	[sflag:s23] =	ssyncset.done $0x0  }
0x61: {  	s11 =	simm.s32 $0x0;
	[sflag:s23] =	ssyncadd.s32 $0xFFFFF4C0  }
0x62: {  	[tilespmem:s21], [sflag:$0x1] =	stream.indirect.gather [hbm4b:s6+s25], $0x40, s11, s25, $0xb8;
	[tilespmem:$0xE680] =	vst v63  }
0x63: {  	_ = 	snop  }
0x64: {  	[tilespmem:s26], [sflag:$0x2] =	stream.indirect.gather [hbm4b:s6+s25], $0x40, s25, s25, $0xb8;
	[tilespmem:$0xE680] =	vst v63  }
0x65: {  	_ =	swait.ge [sflag:s28], $0x1800  }
0x66: {  	[sflag:s28] =	ssyncset.done $0x0  }
0x67: {  	s15 =	simm.s32 $0xB40;
	s13 =	simm.s32 $0x4;
	[sflag:s28] =	ssyncadd.s32 $0xFFFFE800  }
0x68: {  	[spmem:s2] =	stream.indirect.scatter.add.f32 [tilespmem:s21], [sflag:$0x4], $0x40, s15, s25, $0xb8;
	[tilespmem:$0xE680] =	vst v63  }
0x69: {  	_ =	swait.ge [sflag:s13], $0x1800  }
0x6a: {  	[sflag:s13] =	ssyncset.done $0x0  }
0x6b: {  	s16 =	simm.s32 $0xC0;
	[sflag:s13] =	ssyncadd.s32 $0xFFFFE800  }
0x6c: {  	[tilespmem:s21], [sflag:$0x1] =	stream.indirect.gather [hbm4b:s6+s25], $0x40, s16, s25, $0xb8;
	[tilespmem:$0xE680] =	vst v63  }
0x6d: {  	_ =	swait.ge [sflag:s29], $0x1800  }
0x6e: {  	[sflag:s29] =	ssyncset.done $0x0  }
0x6f: {  	s17 =	simm.s32 $0xBA0;
	[sflag:s29] =	ssyncadd.s32 $0xFFFFE800  }
0x70: {  	[spmem:s2] =	stream.indirect.scatter.add.f32 [tilespmem:s26], [sflag:$0x4], $0x40, s17, s25, $0xb8;
	[tilespmem:$0xE680] =	vst v63  }
0x71: {  	_ =	swait.ge [sflag:s13], $0x1800  }
0x72: {  	[sflag:s13] =	ssyncset.done $0x0  }
0x73: {  	s14 =	simm.s32 $0x300;
	s11 =	simm.s32 $0x120;
	[sflag:s13] =	ssyncadd.s32 $0xFFFFE800  }
.LBB2_6:
0x74: {  	[tilespmem:s26], [sflag:$0x2] =	stream.indirect.gather [hbm4b:s6+s25], $0x40, s11, s25, $0xb8;
	[tilespmem:$0xE680] =	vst v63  }
0x75: {  	s11 =	smov.u32 s14  }
0x76: {  	p1 =	seq.s32 s14, $0x2700;
	s14 =	sadd.s32 $0x300, s14;
	_ =	swait.ge [sflag:s28], $0x1800  }
0x77: {  	s11 =	sshra.s32 s11, $0x2;
	[sflag:s28] =	ssyncset.done $0x0  }
0x78: {  	s15 =	sadd.s32 $0xB40, s11;
	[sflag:s28] =	ssyncadd.s32 $0xFFFFE800  }
0x79: {  	[spmem:s2] =	stream.indirect.scatter.add.f32 [tilespmem:s21], [sflag:$0x4], $0x40, s15, s25, $0xb8;
	[tilespmem:$0xE680] =	vst v63  }
0x7a: {  	_ =	swait.ge [sflag:s13], $0x1800  }
0x7b: {  	[sflag:s13] =	ssyncset.done $0x0  }
0x7c: {  	s15 =	sadd.s32 $0xC0, s11;
	[sflag:s13] =	ssyncadd.s32 $0xFFFFE800  }
0x7d: {  	[tilespmem:s21], [sflag:$0x1] =	stream.indirect.gather [hbm4b:s6+s25], $0x40, s15, s25, $0xb8;
	[tilespmem:$0xE680] =	vst v63  }
0x7e: {  	_ =	swait.ge [sflag:s29], $0x1800  }
0x7f: {  	[sflag:s29] =	ssyncset.done $0x0  }
.Ltmp6:
0x80: {  	s15 =	sadd.s32 $0xBA0, s11;
	[sflag:s29] =	ssyncadd.s32 $0xFFFFE800;
	(pc) =	sbr.rel @!p1 .LBB2_6-.Ltmp6, $4  }
0x81: {  	[spmem:s2] =	stream.indirect.scatter.add.f32 [tilespmem:s26], [sflag:$0x4], $0x40, s15, s25, $0xb8;
	[tilespmem:$0xE680] =	vst v63  }
0x82: {  	_ =	swait.ge [sflag:s13], $0x1800  }
0x83: {  	[sflag:s13] =	ssyncset.done $0x0  }
0x84: {  	s11 =	sadd.s32 $0x120, s11;
	[sflag:s13] =	ssyncadd.s32 $0xFFFFE800  }
.Ltmp7:
0x85: {  	(pc) =	sbr.rel .LBB2_11-.Ltmp7, $2  }
0x86: {  	_ =	sdelay $0x2  }
0x87: {  	[tilespmem:s26], [sflag:$0x2] =	stream.indirect.gather [hbm4b:s6+s25], $0x40, s11, s25, $0xb8;
	[tilespmem:$0xE680] =	vst v63  }
.LBB2_8:
0x88: {  	[tilespmem:s21], [sflag:$0x1] =	stream.indirect.gather [hbm4b:s8+s25], $0x40, s11, s25, $0xb8;
	[tilespmem:$0xE680] =	vst v63  }
0x89: {  	_ = 	snop  }
0x8a: {  	[tilespmem:s26], [sflag:$0x2] =	stream.indirect.gather [hbm4b:s8+s25], $0x40, s25, s25, $0xb8;
	[tilespmem:$0xE680] =	vst v63  }
0x8b: {  	_ =	swait.ge [sflag:s28], $0x1800  }
0x8c: {  	[sflag:s28] =	ssyncset.done $0x0  }
0x8d: {  	s15 =	simm.s32 $0xB40;
	[sflag:s28] =	ssyncadd.s32 $0xFFFFE800  }
0x8e: {  	[spmem:s2] =	stream.indirect.scatter.add.f32 [tilespmem:s21], [sflag:$0x4], $0x40, s15, s25, $0xb8;
	[tilespmem:$0xE680] =	vst v63  }
0x8f: {  	_ =	swait.ge [sflag:s23], $0x1800  }
0x90: {  	[sflag:s23] =	ssyncset.done $0x0  }
0x91: {  	s16 =	simm.s32 $0xC0;
	[sflag:s23] =	ssyncadd.s32 $0xFFFFE800  }
0x92: {  	[tilespmem:s21], [sflag:$0x1] =	stream.indirect.gather [hbm4b:s8+s25], $0x40, s16, s25, $0xb8;
	[tilespmem:$0xE680] =	vst v63  }
0x93: {  	_ =	swait.ge [sflag:s29], $0x1800  }
0x94: {  	[sflag:s29] =	ssyncset.done $0x0  }
0x95: {  	s17 =	simm.s32 $0xBA0;
	[sflag:s29] =	ssyncadd.s32 $0xFFFFE800  }
0x96: {  	[spmem:s2] =	stream.indirect.scatter.add.f32 [tilespmem:s26], [sflag:$0x4], $0x40, s17, s25, $0xb8;
	[tilespmem:$0xE680] =	vst v63  }
0x97: {  	_ =	swait.ge [sflag:s23], $0x1800  }
0x98: {  	[sflag:s23] =	ssyncset.done $0x0  }
0x99: {  	s11 =	simm.s32 $0x300;
	s13 =	simm.s32 $0x120;
	[sflag:s23] =	ssyncadd.s32 $0xFFFFE800  }
.LBB2_9:
0x9a: {  	[tilespmem:s26], [sflag:$0x2] =	stream.indirect.gather [hbm4b:s8+s25], $0x40, s13, s25, $0xb8;
	[tilespmem:$0xE680] =	vst v63  }
0x9b: {  	s13 =	smov.u32 s11  }
0x9c: {  	p1 =	sne.s32 s11, $0x2700;
	s11 =	sadd.s32 $0x300, s11;
	_ =	swait.ge [sflag:s28], $0x1800  }
0x9d: {  	s13 =	sshra.s32 s13, $0x2;
	[sflag:s28] =	ssyncset.done $0x0  }
0x9e: {  	s14 =	sadd.s32 $0xB40, s13;
	[sflag:s28] =	ssyncadd.s32 $0xFFFFE800  }
0x9f: {  	[spmem:s2] =	stream.indirect.scatter.add.f32 [tilespmem:s21], [sflag:$0x4], $0x40, s14, s25, $0xb8;
	[tilespmem:$0xE680] =	vst v63  }
0xa0: {  	_ =	swait.ge [sflag:s23], $0x1800  }
0xa1: {  	[sflag:s23] =	ssyncset.done $0x0  }
0xa2: {  	s14 =	sadd.s32 $0xC0, s13;
	[sflag:s23] =	ssyncadd.s32 $0xFFFFE800  }
0xa3: {  	[tilespmem:s21], [sflag:$0x1] =	stream.indirect.gather [hbm4b:s8+s25], $0x40, s14, s25, $0xb8;
	[tilespmem:$0xE680] =	vst v63  }
0xa4: {  	_ =	swait.ge [sflag:s29], $0x1800  }
0xa5: {  	[sflag:s29] =	ssyncset.done $0x0  }
.Ltmp8:
0xa6: {  	s14 =	sadd.s32 $0xBA0, s13;
	[sflag:s29] =	ssyncadd.s32 $0xFFFFE800;
	(pc) =	sbr.rel @p1 .LBB2_9-.Ltmp8, $4  }
0xa7: {  	[spmem:s2] =	stream.indirect.scatter.add.f32 [tilespmem:s26], [sflag:$0x4], $0x40, s14, s25, $0xb8;
	[tilespmem:$0xE680] =	vst v63  }
0xa8: {  	_ =	swait.ge [sflag:s23], $0x1800  }
0xa9: {  	[sflag:s23] =	ssyncset.done $0x0  }
0xaa: {  	s13 =	sadd.s32 $0x120, s13;
	[sflag:s23] =	ssyncadd.s32 $0xFFFFE800  }
.Ltmp9:
0xab: {  	_ = 	snop;
	(pc) =	sbr.rel .LBB2_10-.Ltmp9, $1  }
0xac: {  	_ =	sdelay $0x3  }
.LBB2_12:
0xad: {  	s1 =	stileid.u32  }
0xae: {  	[bflag:$0x0] =	sbarrier.arrive $0xFFFF;
	s1 =	sshll.u32 s1, $0x6  }
0xaf: {  	s13 =	sshrl.u32 s10, $0x3;
	s11 =	rddreg [dreg:$0x4];
	s1 =	sor.u32 $0x1C03, s1  }
0xb0: {  	[hbm:s11], [sflag:s1] =	dma.local [spmem:s13], $0x1400  }
0xb1: {  	_ =	swait.ge [sflag:s22], $0x1400  }
0xb2: {  	[sflag:s22] =	ssyncset.done $0x0  }
0xb3: {  	[sflag:s22] =	ssyncadd.s32 $0xFFFFEC00  }
0xb4: {  	s14 =	simm.s32 $0x100;
	s11 =	simm.s32 $0x0;
	[bflag:$0x0] =	sbarrier.arrive $0xFFFF  }
.LBB2_13:
0xb5: {  	p1 =	sne.s32 s14, $0x5F00;
	[tilespmem:s11+$0x16B0] =	vst v0;
	s15 =	smov.u32 s14;
	s14 =	sadd.s32 $0x100, s14  }
.Ltmp10:
0xb6: {  	[tilespmem:s11+$0x16A0] =	vst v0;
	(pc) =	sbr.rel @p1 .LBB2_13-.Ltmp10, $3  }
0xb7: {  	[tilespmem:s11+$0x1680] =	vst v0  }
0xb8: {  	[tilespmem:s11+$0x1690] =	vst v0;
	_ =	sdelay $0x1  }
0xb9: {  	s11 =	sshra.s32 s15, $0x2  }
0xba: {  	[tilespmem:s11+$0x16B0] =	vst v0  }
0xbb: {  	[tilespmem:s11+$0x16A0] =	vst v0  }
0xbc: {  	[tilespmem:s11+$0x1680] =	vst v0  }
0xbd: {  	[tilespmem:s11+$0x1690] =	vst v0  }
0xbe: {  	[spmem:s10] =	stream.linear.scatter [tilespmem:s21], [sflag:$0x3], $0x1800, $0x38;
	[tilespmem:$0xE680] =	vst v63  }
0xbf: {  	_ =	swait.ge [sflag:s22], $0x1800  }
0xc0: {  	[sflag:s22] =	ssyncset.done $0x0  }
0xc1: {  	s15 =	rddreg [dreg:$0x7];
	[sflag:s22] =	ssyncadd.s32 $0xFFFFE800  }
0xc2: {  	[spmem:s15] =	stream.linear.scatter [tilespmem:s21], [sflag:$0x3], $0x1800, $0x38;
	[tilespmem:$0xE680] =	vst v63  }
0xc3: {  	_ =	swait.ge [sflag:s22], $0x1800  }
0xc4: {  	[sflag:s22] =	ssyncset.done $0x0  }
0xc5: {  	s16 =	rddreg [dreg:$0x8];
	[sflag:s22] =	ssyncadd.s32 $0xFFFFE800  }
0xc6: {  	[spmem:s16] =	stream.linear.scatter [tilespmem:s21], [sflag:$0x3], $0x1800, $0x38;
	[tilespmem:$0xE680] =	vst v63  }
0xc7: {  	_ =	swait.ge [sflag:s22], $0x1800  }
0xc8: {  	[sflag:s22] =	ssyncset.done $0x0  }
0xc9: {  	[sflag:s22] =	ssyncadd.s32 $0xFFFFE800  }
0xca: {  	[spmem:s18] =	stream.linear.scatter [tilespmem:s21], [sflag:$0x3], $0x1800, $0x38;
	[tilespmem:$0xE680] =	vst v63  }
0xcb: {  	_ =	swait.ge [sflag:s22], $0x1800  }
0xcc: {  	[sflag:s22] =	ssyncset.done $0x0  }
0xcd: {  	[sflag:s22] =	ssyncadd.s32 $0xFFFFE800  }
0xce: {  	[spmem:s19] =	stream.linear.scatter [tilespmem:s21], [sflag:$0x3], $0x1800, $0x38;
	[tilespmem:$0xE680] =	vst v63  }
0xcf: {  	_ =	swait.ge [sflag:s22], $0x1800  }
0xd0: {  	[sflag:s22] =	ssyncset.done $0x0  }
0xd1: {  	[sflag:s22] =	ssyncadd.s32 $0xFFFFE800  }
0xd2: {  	[spmem:s20] =	stream.linear.scatter [tilespmem:s21], [sflag:$0x3], $0x1800, $0x38;
	[tilespmem:$0xE680] =	vst v63  }
0xd3: {  	_ =	swait.ge [sflag:s22], $0x1800  }
0xd4: {  	[sflag:s22] =	ssyncset.done $0x0  }
0xd5: {  	s17 =	rddreg [dreg:$0x3];
	[sflag:s22] =	ssyncadd.s32 $0xFFFFE800  }
0xd6: {  	[spmem:s17] =	stream.linear.scatter [tilespmem:s21], [sflag:$0x3], $0x1000, $0x38;
	[tilespmem:$0xE680] =	vst v63  }
.Ltmp11:
0xd7: {  	_ =	swait.ge [sflag:s22], $0x1000;
	(pc) =	sbr.rel .LBB2_15-.Ltmp11, $4  }
0xd8: {  	[sflag:s22] =	ssyncset.done $0x0  }
0xd9: {  	[sflag:s22] =	ssyncadd.s32 $0xFFFFF000  }
0xda: {  	[bflag:$0x0] =	sbarrier.arrive $0xFFFF  }
0xdb: {  	s14 =	simm.s32 $0x0  }
.LBB2_21:
0xdc: {  	[tilespmem:s26], [sflag:$0x2] =	stream.indirect.gather [hbm4b:s9+s25], $0x40, s15, s25, $0xb8;
	[tilespmem:$0xE680] =	vst v63  }
0xdd: {  	s15 =	simm.s32 $0x3  }
.LBB2_22:
0xde: {  	_ =	swait.ge [sflag:s28], $0x1800  }
0xdf: {  	[sflag:s28] =	ssyncset.done $0x0  }
0xe0: {  	[sflag:s28] =	ssyncadd.s32 $0xFFFFE800  }
0xe1: {  	[spmem:s2] =	stream.indirect.scatter.add.f32 [tilespmem:s21], [sflag:$0x4], $0x40, s30, s25, $0xb8;
	[tilespmem:$0xE680] =	vst v63  }
0xe2: {  	_ =	swait.ge [sflag:s23], $0x1800  }
0xe3: {  	[sflag:s23] =	ssyncset.done $0x0  }
0xe4: {  	[sflag:s23] =	ssyncadd.s32 $0xFFFFE800  }
0xe5: {  	s14 =	sadd.s32 $0x1, s14;
	_ =	swait.ge [sflag:s29], $0x1800  }
0xe6: {  	p1 =	sne.s32 s14, $0x7;
	[sflag:s29] =	ssyncset.done $0x0  }
.Ltmp12:
0xe7: {  	[sflag:s29] =	ssyncadd.s32 $0xFFFFE800;
	(pc) =	sbr.rel @!p1 .LBB2_23-.Ltmp12, $4  }
0xe8: {  	[spmem:s2] =	stream.indirect.scatter.add.f32 [tilespmem:s26], [sflag:s15], $0x40, s31, s25, $0xb8;
	[tilespmem:$0xE680] =	vst v63  }
0xe9: {  	_ =	swait.ge [sflag:s15], $0x1800  }
0xea: {  	[sflag:s15] =	ssyncset.done $0x0  }
0xeb: {  	[sflag:s15] =	ssyncadd.s32 $0xFFFFE800  }
.LBB2_15:
0xec: {  	s11 =	smul.u32 $0x1E, s14;
	_ =	sdelay $0x1  }
0xed: {  	s11 =	sadd.s32 s12, s11  }
0xee: {  	s11 =	smul.u32 $0xC, s11;
	_ =	sdelay $0x1  }
0xef: {  	s15 =	sadd.s32 s4, s11  }
0xf0: {  	[tilespmem:s3], [sflag:$0x4] =	stream.linear.gather [hbm4b:s15+s3], $0xB40, $0x38;
	[tilespmem:$0xE680] =	vst v63  }
0xf1: {  	_ =	swait.ge [sflag:s23], $0xB40  }
0xf2: {  	[sflag:s23] =	ssyncset.done $0x0  }
.Ltmp13:
0xf3: {  	s11 =	sadd.s32 s5, s11;
	[sflag:s23] =	ssyncadd.s32 $0xFFFFF4C0;
	(pc) =	sbr.rel @p0 .LBB2_19-.Ltmp13, $4  }
0xf4: {  	[tilespmem:s24], [sflag:$0x4] =	stream.linear.gather [hbm4b:s11+s3], $0xB40, $0x38;
	[tilespmem:$0xE680] =	vst v63  }
0xf5: {  	_ =	swait.ge [sflag:s23], $0xB40  }
0xf6: {  	[sflag:s23] =	ssyncset.done $0x0  }
0xf7: {  	s11 =	simm.s32 $0x0;
	[sflag:s23] =	ssyncadd.s32 $0xFFFFF4C0  }
0xf8: {  	[tilespmem:s21], [sflag:$0x1] =	stream.indirect.gather [hbm4b:s7+s25], $0x40, s11, s25, $0xb8;
	[tilespmem:$0xE680] =	vst v63  }
0xf9: {  	_ = 	snop  }
0xfa: {  	[tilespmem:s26], [sflag:$0x2] =	stream.indirect.gather [hbm4b:s7+s25], $0x40, s25, s25, $0xb8;
	[tilespmem:$0xE680] =	vst v63  }
0xfb: {  	_ =	swait.ge [sflag:s28], $0x1800  }
0xfc: {  	[sflag:s28] =	ssyncset.done $0x0  }
0xfd: {  	s17 =	simm.s32 $0xB40;
	s15 =	simm.s32 $0x4;
	[sflag:s28] =	ssyncadd.s32 $0xFFFFE800  }
0xfe: {  	[spmem:s2] =	stream.indirect.scatter.add.f32 [tilespmem:s21], [sflag:$0x4], $0x40, s17, s25, $0xb8;
	[tilespmem:$0xE680] =	vst v63  }
0xff: {  	_ =	swait.ge [sflag:s15], $0x1800  }
0x100: {  	[sflag:s15] =	ssyncset.done $0x0  }
0x101: {  	s16 =	simm.s32 $0xC0;
	[sflag:s15] =	ssyncadd.s32 $0xFFFFE800  }
0x102: {  	[tilespmem:s21], [sflag:$0x1] =	stream.indirect.gather [hbm4b:s7+s25], $0x40, s16, s25, $0xb8;
	[tilespmem:$0xE680] =	vst v63  }
0x103: {  	_ =	swait.ge [sflag:s29], $0x1800  }
0x104: {  	[sflag:s29] =	ssyncset.done $0x0  }
0x105: {  	s17 =	simm.s32 $0xBA0;
	[sflag:s29] =	ssyncadd.s32 $0xFFFFE800  }
0x106: {  	[spmem:s2] =	stream.indirect.scatter.add.f32 [tilespmem:s26], [sflag:$0x4], $0x40, s17, s25, $0xb8;
	[tilespmem:$0xE680] =	vst v63  }
0x107: {  	_ =	swait.ge [sflag:s15], $0x1800  }
0x108: {  	[sflag:s15] =	ssyncset.done $0x0  }
0x109: {  	s11 =	simm.s32 $0x300;
	s16 =	simm.s32 $0x120;
	[sflag:s15] =	ssyncadd.s32 $0xFFFFE800  }
.LBB2_17:
0x10a: {  	[tilespmem:s26], [sflag:$0x2] =	stream.indirect.gather [hbm4b:s7+s25], $0x40, s16, s25, $0xb8;
	[tilespmem:$0xE680] =	vst v63  }
0x10b: {  	s16 =	smov.u32 s11  }
0x10c: {  	p1 =	seq.s32 s11, $0x2700;
	s11 =	sadd.s32 $0x300, s11;
	_ =	swait.ge [sflag:s28], $0x1800  }
0x10d: {  	s16 =	sshra.s32 s16, $0x2;
	[sflag:s28] =	ssyncset.done $0x0  }
0x10e: {  	s17 =	sadd.s32 $0xB40, s16;
	[sflag:s28] =	ssyncadd.s32 $0xFFFFE800  }
0x10f: {  	[spmem:s2] =	stream.indirect.scatter.add.f32 [tilespmem:s21], [sflag:$0x4], $0x40, s17, s25, $0xb8;
	[tilespmem:$0xE680] =	vst v63  }
0x110: {  	_ =	swait.ge [sflag:s15], $0x1800  }
0x111: {  	[sflag:s15] =	ssyncset.done $0x0  }
0x112: {  	s17 =	sadd.s32 $0xC0, s16;
	[sflag:s15] =	ssyncadd.s32 $0xFFFFE800  }
0x113: {  	[tilespmem:s21], [sflag:$0x1] =	stream.indirect.gather [hbm4b:s7+s25], $0x40, s17, s25, $0xb8;
	[tilespmem:$0xE680] =	vst v63  }
0x114: {  	_ =	swait.ge [sflag:s29], $0x1800  }
0x115: {  	[sflag:s29] =	ssyncset.done $0x0  }
.Ltmp14:
0x116: {  	s17 =	sadd.s32 $0xBA0, s16;
	[sflag:s29] =	ssyncadd.s32 $0xFFFFE800;
	(pc) =	sbr.rel @!p1 .LBB2_17-.Ltmp14, $4  }
0x117: {  	[spmem:s2] =	stream.indirect.scatter.add.f32 [tilespmem:s26], [sflag:$0x4], $0x40, s17, s25, $0xb8;
	[tilespmem:$0xE680] =	vst v63  }
0x118: {  	_ =	swait.ge [sflag:s15], $0x1800  }
0x119: {  	[sflag:s15] =	ssyncset.done $0x0  }
0x11a: {  	s16 =	sadd.s32 $0x120, s16;
	[sflag:s15] =	ssyncadd.s32 $0xFFFFE800  }
.Ltmp15:
0x11b: {  	(pc) =	sbr.rel .LBB2_22-.Ltmp15, $2  }
0x11c: {  	_ =	sdelay $0x2  }
0x11d: {  	[tilespmem:s26], [sflag:$0x2] =	stream.indirect.gather [hbm4b:s7+s25], $0x40, s16, s25, $0xb8;
	[tilespmem:$0xE680] =	vst v63  }
.LBB2_19:
0x11e: {  	[tilespmem:s21], [sflag:$0x1] =	stream.indirect.gather [hbm4b:s9+s25], $0x40, s11, s25, $0xb8;
	[tilespmem:$0xE680] =	vst v63  }
0x11f: {  	_ = 	snop  }
0x120: {  	[tilespmem:s26], [sflag:$0x2] =	stream.indirect.gather [hbm4b:s9+s25], $0x40, s25, s25, $0xb8;
	[tilespmem:$0xE680] =	vst v63  }
0x121: {  	_ =	swait.ge [sflag:s28], $0x1800  }
0x122: {  	[sflag:s28] =	ssyncset.done $0x0  }
0x123: {  	s15 =	simm.s32 $0xB40;
	[sflag:s28] =	ssyncadd.s32 $0xFFFFE800  }
0x124: {  	[spmem:s2] =	stream.indirect.scatter.add.f32 [tilespmem:s21], [sflag:$0x4], $0x40, s15, s25, $0xb8;
	[tilespmem:$0xE680] =	vst v63  }
0x125: {  	_ =	swait.ge [sflag:s23], $0x1800  }
0x126: {  	[sflag:s23] =	ssyncset.done $0x0  }
0x127: {  	s16 =	simm.s32 $0xC0;
	[sflag:s23] =	ssyncadd.s32 $0xFFFFE800  }
0x128: {  	[tilespmem:s21], [sflag:$0x1] =	stream.indirect.gather [hbm4b:s9+s25], $0x40, s16, s25, $0xb8;
	[tilespmem:$0xE680] =	vst v63  }
0x129: {  	_ =	swait.ge [sflag:s29], $0x1800  }
0x12a: {  	[sflag:s29] =	ssyncset.done $0x0  }
0x12b: {  	s17 =	simm.s32 $0xBA0;
	[sflag:s29] =	ssyncadd.s32 $0xFFFFE800  }
0x12c: {  	[spmem:s2] =	stream.indirect.scatter.add.f32 [tilespmem:s26], [sflag:$0x4], $0x40, s17, s25, $0xb8;
	[tilespmem:$0xE680] =	vst v63  }
0x12d: {  	_ =	swait.ge [sflag:s23], $0x1800  }
0x12e: {  	[sflag:s23] =	ssyncset.done $0x0  }
0x12f: {  	s11 =	simm.s32 $0x300;
	s15 =	simm.s32 $0x120;
	[sflag:s23] =	ssyncadd.s32 $0xFFFFE800  }
.LBB2_20:
0x130: {  	[tilespmem:s26], [sflag:$0x2] =	stream.indirect.gather [hbm4b:s9+s25], $0x40, s15, s25, $0xb8;
	[tilespmem:$0xE680] =	vst v63  }
0x131: {  	s15 =	smov.u32 s11  }
0x132: {  	p1 =	sne.s32 s11, $0x2700;
	s11 =	sadd.s32 $0x300, s11;
	_ =	swait.ge [sflag:s28], $0x1800  }
0x133: {  	s15 =	sshra.s32 s15, $0x2;
	[sflag:s28] =	ssyncset.done $0x0  }
0x134: {  	s16 =	sadd.s32 $0xB40, s15;
	[sflag:s28] =	ssyncadd.s32 $0xFFFFE800  }
0x135: {  	[spmem:s2] =	stream.indirect.scatter.add.f32 [tilespmem:s21], [sflag:$0x4], $0x40, s16, s25, $0xb8;
	[tilespmem:$0xE680] =	vst v63  }
0x136: {  	_ =	swait.ge [sflag:s23], $0x1800  }
0x137: {  	[sflag:s23] =	ssyncset.done $0x0  }
0x138: {  	s16 =	sadd.s32 $0xC0, s15;
	[sflag:s23] =	ssyncadd.s32 $0xFFFFE800  }
0x139: {  	[tilespmem:s21], [sflag:$0x1] =	stream.indirect.gather [hbm4b:s9+s25], $0x40, s16, s25, $0xb8;
	[tilespmem:$0xE680] =	vst v63  }
0x13a: {  	_ =	swait.ge [sflag:s29], $0x1800  }
0x13b: {  	[sflag:s29] =	ssyncset.done $0x0  }
.Ltmp16:
0x13c: {  	s16 =	sadd.s32 $0xBA0, s15;
	[sflag:s29] =	ssyncadd.s32 $0xFFFFE800;
	(pc) =	sbr.rel @p1 .LBB2_20-.Ltmp16, $4  }
0x13d: {  	[spmem:s2] =	stream.indirect.scatter.add.f32 [tilespmem:s26], [sflag:$0x4], $0x40, s16, s25, $0xb8;
	[tilespmem:$0xE680] =	vst v63  }
0x13e: {  	_ =	swait.ge [sflag:s23], $0x1800  }
0x13f: {  	[sflag:s23] =	ssyncset.done $0x0  }
0x140: {  	s15 =	sadd.s32 $0x120, s15;
	[sflag:s23] =	ssyncadd.s32 $0xFFFFE800  }
.Ltmp17:
0x141: {  	_ = 	snop;
	(pc) =	sbr.rel .LBB2_21-.Ltmp17, $1  }
0x142: {  	_ =	sdelay $0x3  }
.LBB2_24:
0x143: {  	_ =	sfence.sel $0x180000  }
0x144: {  	[bflag:$0x0] =	sbarrier.arrive $0xFFFF  }
0x145: {  	_ =	strace $0x9000004A  }
0x146: {  	s0 =	stileid.u32;
	[bflag:$0x2] =	sbarrier.arrive $0xFFFF  }
0x147: {  	p0 =	sne.s32 s0, $0x0;
	s0 =	rddreg [dreg:$0x2]  }
0x148: {  	s0 =	sadd.s32 @!p0 $0x100000, s0  }
0x149: {  	[sflag:s0] =	ssyncadd.tile.s32 @!p0 $0x1;
	_ =	shalt  }
.Lfunc_end2:
_tile_overlayer_lowered:
.L_overlay_start_2:
0x14a: {  	(tag) =	ssettag $0x2  }
0x14b: {  	s0 =	rddreg [dreg:$0x0];
	s2 =	stileid.u32  }
0x14c: {  	s1 =	rddreg [dreg:$0x1];
	p0 =	sne.s32 s2, $0x0  }
0x14d: {  	s3 =	rddreg [dreg:$0x2];
	[bflag:$0x3] =	sbarrier.arrive $0xFFFF;
	s2 =	simm.s32 @!p0 $0x1C03  }
0x14e: {  	[timem:s3], [sflag:s2] =	dma.local @!p0 [hbm:s0], s1  }
0x14f: {  	s0 =	simm.s32 @!p0 $0x3  }
0x150: {  	_ =	swait.ge @!p0 [sflag:s0], s1  }
0x151: {  	s1 =	ssub.s32 @!p0 $0x0, s1;
	[sflag:s0] =	ssyncset.done @!p0 $0x0  }
0x152: {  	[sflag:s0] =	ssyncadd.s32 @!p0 s1  }
0x153: {  	[bflag:$0x3] =	sbarrier.arrive $0xFFFF  }
0x154: {  	_ =	shalt  }

// kernel: kernel.14.cloned.1.call-start
scs
__scs_entry_jumppad:
0x0: {  	(pc) =	sbr.rel $0x88, $3  }
0x1: {  	(tag) =	ssettag $0x0;
	lr =	simm.s32 $0x1  }
0x2: {  	[smem:$0x3F8C] =	sst lr;
	_ =	strace $0xD0000000  }
0x3: {  	_ = 	snop  }
0x4: {  	_ = 	snop  }
0x5: {  	_ = 	snop  }
0x6: {  	_ = 	snop  }
0x7: {  	_ = 	snop  }
__scs_overlays_trampoline_lowered:
0x8: {  	[smem:$0x3F9B] =	sst s0  }
0x9: {  	[smem:$0x3F9C] =	sst s1  }
0xa: {  	[smem:$0x3F9D] =	sst s2  }
0xb: {  	[smem:$0x3F9E] =	sst s3  }
0xc: {  	[smem:$0x3F9F] =	sst s4  }
0xd: {  	[smem:$0x3FA0] =	sst s5  }
0xe: {  	[smem:$0x3FA1] =	sst s6  }
0xf: {  	[smem:$0x3FA2] =	sst s7  }
0x10: {  	[smem:$0x3FA3] =	sst s8  }
0x11: {  	[smem:$0x3FA4] =	sst s9;
	s0 =	simm.s32 @!p0 $0x0  }
0x12: {  	s1 =	sld [smem:$0x3F8A];
	s0 =	simm.s32 @p0 $0x1  }
0x13: {  	[smem:$0x3FA5] =	sst s0;
	s0 =	simm.s32 @!p1 $0x0  }
0x14: {  	s2 =	sld [smem:$0x3F89];
	s0 =	simm.s32 @p1 $0x1  }
0x15: {  	[smem:$0x3FA6] =	sst s0;
	s0 =	simm.s32 @!p2 $0x0  }
0x16: {  	s3 =	sld [smem:$0x3FDB];
	s0 =	simm.s32 @p2 $0x1  }
0x17: {  	s4 =	simm.s32 $0x1BF5;
	[smem:$0x3FA8] =	sst s0  }
0x18: {  	s0 =	sld [smem:$0x3F8B];
	_ =	swait.ge [sflag:s4], $0x0  }
0x19: {  	s7 =	sld [smem:$0x3F8C]  }
0x1a: {  	s8 =	sadd.s32 $0xFFFFE003, lr  }
0x1b: {  	s9 =	sadd.s32 $0xFFFFFEF7, lr;
	s5 =	simm.s32 $0xFFFFFFFF;
	p2 =	slt.u32 s8, $0xFFFFF086  }
0x1c: {  	p1 =	slt.u32 s9, $0xF7A;
	s5 =	simm.s32 @!p2 $0x0  }
0x1d: {  	s5 =	simm.s32 @p1 $0x1;
	p0 =	seq.s32 s7, s2  }
0x1e: {  	s7 =	smul.u32 @!p0 $0xF7A, s2;
	p2 =	seq.s32 @!p0 s5, $0x0  }
0x1f: {  	s9 =	smul.u32 $0xF7A, s1;
	s8 =	simm.s32 @!p0 $0x1BF5;
	p2 =	por !p2, p0  }
0x20: {  	[sflag:s8] =	ssyncset.s32 @!p0 $0xFFFFF086;
	s6 =	sadd.s32 @!p0 s3, s7;
	s7 =	simm.s32 @!p0 $0x108  }
0x21: {  	s3 =	sadd.s32 s3, s9;
	s6 =	sadd.s32 @!p0 $0x88, s6;
	s7 =	simm.s32 @p2 $0x1082  }
0x22: {  	[simem:s7], [sflag:s8] =	dma.local @!p0 [hbm:s6], $0xF7A  }
0x23: {  	s9 =	sor.u32 $0xD0000000, s2;
	s6 =	simm.s32 $0x108;
	_ =	swait.ge @!p0 [sflag:s8], $0x0  }
0x24: {  	s3 =	sadd.s32 $0x88, s3;
	s6 =	simm.s32 @!p1 $0x1082;
	[sflag:s4] =	ssyncset.s32 $0xFFFFF086  }
0x25: {  	[simem:s6], [sflag:s4] =	dma.local [hbm:s3], $0xF7A  }
0x26: {  	[smem:$0x3F8C] =	sst s1;
	(tag) =	ssettag s2;
	_ =	strace s9  }
0x27: {  	s1 =	sld [smem:$0x3F9C]  }
0x28: {  	s2 =	sld [smem:$0x3F9D]  }
0x29: {  	s4 =	sld [smem:$0x3F9F]  }
0x2a: {  	p0 =	seq.s32 s5, $0x0;
	s5 =	sld [smem:$0x3FA0]  }
0x2b: {  	s6 =	sld [smem:$0x3FA1]  }
0x2c: {  	s7 =	sld [smem:$0x3FA2]  }
0x2d: {  	s3 =	simm.s32 $0x108;
	s8 =	sld [smem:$0x3FA3]  }
0x2e: {  	s3 =	simm.s32 @!p0 $0x1082;
	s9 =	sld [smem:$0x3FA4]  }
0x2f: {  	lr =	sadd.s32 s0, s3;
	s0 =	sld [smem:$0x3F9B]  }
0x30: {  	s3 =	sld [smem:$0x3F9E]  }
0x31: {  	[smem:$0x3FA7] =	sst s10  }
0x32: {  	s10 =	sld [smem:$0x3FA5];
	_ =	sdelay $0x3  }
0x33: {  	p0 =	seq.s32 s10, $0x1;
	s10 =	sld [smem:$0x3FA7];
	_ =	sdelay $0x3  }
0x34: {  	[smem:$0x3FA7] =	sst s10  }
0x35: {  	s10 =	sld [smem:$0x3FA6];
	_ =	sdelay $0x3  }
0x36: {  	p1 =	seq.s32 s10, $0x1;
	s10 =	sld [smem:$0x3FA7];
	_ =	sdelay $0x3  }
0x37: {  	[smem:$0x3FA7] =	sst s10  }
0x38: {  	s10 =	sld [smem:$0x3FA8]  }
0x39: {  	_ = 	snop;
	(pc) =	sbr.ind lr, $3  }
0x3a: {  	_ = 	snop  }
0x3b: {  	_ = 	snop  }
0x3c: {  	p2 =	seq.s32 s10, $0x1;
	s10 =	sld [smem:$0x3FA7]  }
0x3d: {  	_ =	shalt  }
0x3e: {  	_ =	shalt  }
0x3f: {  	_ =	shalt  }
0x40: {  	_ =	shalt  }
0x41: {  	_ =	shalt  }
0x42: {  	_ =	shalt  }
0x43: {  	_ =	shalt  }
0x44: {  	_ =	shalt  }
0x45: {  	_ =	shalt  }
0x46: {  	_ =	shalt  }
0x47: {  	_ =	shalt  }
0x48: {  	_ =	shalt  }
0x49: {  	_ =	shalt  }
0x4a: {  	_ =	shalt  }
0x4b: {  	_ =	shalt  }
0x4c: {  	_ =	shalt  }
0x4d: {  	_ =	shalt  }
0x4e: {  	_ =	shalt  }
0x4f: {  	_ =	shalt  }
0x50: {  	_ =	shalt  }
0x51: {  	_ =	shalt  }
0x52: {  	_ =	shalt  }
0x53: {  	_ =	shalt  }
0x54: {  	_ =	shalt  }
0x55: {  	_ =	shalt  }
0x56: {  	_ =	shalt  }
0x57: {  	_ =	shalt  }
0x58: {  	_ =	shalt  }
0x59: {  	_ =	shalt  }
0x5a: {  	_ =	shalt  }
0x5b: {  	_ =	shalt  }
0x5c: {  	_ =	shalt  }
0x5d: {  	_ =	shalt  }
0x5e: {  	_ =	shalt  }
0x5f: {  	_ =	shalt  }
0x60: {  	_ =	shalt  }
0x61: {  	_ =	shalt  }
0x62: {  	_ =	shalt  }
0x63: {  	_ =	shalt  }
0x64: {  	_ =	shalt  }
0x65: {  	_ =	shalt  }
0x66: {  	_ =	shalt  }
0x67: {  	_ =	shalt  }
0x68: {  	_ =	shalt  }
0x69: {  	_ =	shalt  }
0x6a: {  	_ =	shalt  }
0x6b: {  	_ =	shalt  }
0x6c: {  	_ =	shalt  }
0x6d: {  	_ =	shalt  }
0x6e: {  	_ =	shalt  }
0x6f: {  	_ =	shalt  }
0x70: {  	_ =	shalt  }
0x71: {  	_ =	shalt  }
0x72: {  	_ =	shalt  }
0x73: {  	_ =	shalt  }
0x74: {  	_ =	shalt  }
0x75: {  	_ =	shalt  }
0x76: {  	_ =	shalt  }
0x77: {  	_ =	shalt  }
0x78: {  	_ =	shalt  }
0x79: {  	_ =	shalt  }
0x7a: {  	_ =	shalt  }
0x7b: {  	_ =	shalt  }
0x7c: {  	_ =	shalt  }
0x7d: {  	_ =	shalt  }
0x7e: {  	_ =	shalt  }
0x7f: {  	_ =	shalt  }
0x80: {  	_ =	shalt  }
0x81: {  	_ =	shalt  }
0x82: {  	_ =	shalt  }
0x83: {  	_ =	shalt  }
0x84: {  	_ =	shalt  }
0x85: {  	_ =	shalt  }
0x86: {  	_ =	shalt  }
0x87: {  	_ =	shalt  }
.Lfunc_end0:
.L_simem_size_0:
called_computation.2_lowered:
.L_overlay_start_0:
0x88: {  	s2 =	sld [smem:$0x3FD9]  }
0x89: {  	s3 =	sld [smem:$0x3FFE];
	_ =	sdelay $0x1  }
0x8a: {  	s1 =	srdreg.scid  }
0x8b: {  	s0 =	sand.u32 $0x1, s1  }
0x8c: {  	s16 =	sshll.u32 s0, $0xA;
	s2 =	sadd.s32 s3, s2  }
0x8d: {  	s2 =	sadd.s32 s2, s16  }
0x8e: {  	[smem:$0x3FB3] =	sst s2  }
0x8f: {  	_ = 	snop  }
0x90: {  	(tm) =	ssettm $0x1  }
0x91: {  	s17 =	sld [smem:$0x3FFB];
	_ =	sdelay $0x3  }
0x92: {  	_ =	strace s17  }
0x93: {  	s2 =	sld [smem:$0x3FFC];
	_ =	sdelay $0x3  }
0x94: {  	_ =	strace s2  }
0x95: {  	s2 =	sld [smem:$0x3FFD];
	_ =	sdelay $0x3  }
0x96: {  	_ =	strace s2  }
0x97: {  	_ =	strace $0x8FFFFFFF  }
0x98: {  	s18 =	sld [smem:$0x3FDB];
	_ =	sdelay $0x1  }
0x99: {  	s19 =	simm.s32 $_scs_section_size  }
0x9a: {  	s4 =	simm.s32 $_size__tile_overlayer_lowered;
	s5 =	simm.s32 $_tile_overlayer_lowered  }
0x9b: {  	s22 =	simm.s32 $0x1BFF;
	s21 =	sshll.u32 s5, $0x1;
	s2 =	sadd.s32 s19, s18  }
0x9c: {  	s6 =	simm.s32 $0x0;
	s20 =	sshll.u32 s4, $0x1;
	s4 =	sadd.s32 s21, s2  }
0x9d: {  	[timem:s6], [sflag:s22] =	dma.local [hbm:s4], s20  }
0x9e: {  	_ =	swait.ge [sflag:s22], s20  }
0x9f: {  	s3 =	ssub.s32 $0x0, s20;
	[sflag:s22] =	ssyncset.done $0x0  }
0xa0: {  	[sflag:s22] =	ssyncadd.s32 s3;
	_ =	sdelay $0x1  }
0xa1: {  	s23 =	simm.s32 $0x1B8B  }
0xa2: {  	_ =	swait.ge [sflag:s23], $0x1  }
0xa3: {  	[sflag:s23] =	ssyncset.done $0x0  }
0xa4: {  	s25 =	simm.s32 $0x1B8E;
	s24 =	sld [smem:$0x3FFE];
	[sflag:s23] =	ssyncadd.s32 $0xFFFFFFFF  }
0xa5: {  	s26 =	simm.s32 $execute0_lowered;
	[smem:$0x3FD2] =	sst s25  }
0xa6: {  	s4 =	sshll.u32 s26, $0x1;
	_ =	strace $0x8000004C;
	[dreg:$0x1] =	wrdreg $0xFFFFFFFF  }
0xa7: {  	s28 =	simm.s32 $_size_execute0_lowered;
	s2 =	sadd.s32 s2, s4;
	[dreg:$0x0] =	wrdreg $0x0  }
0xa8: {  	s4 =	sshll.u32 s28, $0x1;
	[dreg:$0x2] =	wrdreg s2  }
0xa9: {  	[dreg:$0x3] =	wrdreg s4  }
0xaa: {  	[dreg:$0x4] =	wrdreg $0xC0  }
0xab: {  	_ =	task [dreg:s6], $0x5FFFF  }
0xac: {  	[dreg:$0x1] =	wrdreg $0xFFFFFFFF  }
0xad: {  	[dreg:$0x0] =	wrdreg $0x60  }
0xae: {  	[dreg:$0x2] =	wrdreg s24  }
0xaf: {  	[dreg:$0x3] =	wrdreg $0x46800  }
0xb0: {  	[dreg:$0x4] =	wrdreg $0x9  }
0xb1: {  	_ =	task.clear_ibuf [dreg:s6], $0x5FFFF;
	_ =	strace $0x9000004C  }
0xb2: {  	s29 =	simm.s32 $0x9;
	_ =	strace $0x8000004E  }
0xb3: {  	_ =	swait.ge [sflag:s29], $0x1  }
0xb4: {  	[sflag:s29] =	ssyncadd.s32 $0xFFFFFFFF  }
0xb5: {  	_ =	strace $0x9000004E  }
0xb6: {  	_ =	sfence  }
0xb7: {  	s30 =	sld [smem:$0x0];
	_ =	sdelay $0x2  }
0xb8: {  	s31 =	sshll.u32 s1, $0xD;
	s1 =	sshrl.u32 s1, $0x2  }
0xb9: {  	s3 =	sand.u32 $0x4000, s31;
	s1 =	sadd.s32 s1, s30  }
0xba: {  	s0 =	sor.u32 s3, s0;
	s1 =	sshll.u32 s1, $0x11  }
0xbb: {  	s0 =	sor.u32 s1, s0  }
0xbc: {  	s0 =	sadd.s32 $0x8F2B, s0  }
0xbd: {  	[sflag:s0] =	ssyncadd.remote.s32 $0x1  }
0xbe: {  	_ =	sfence.sel $0xFFFF  }
0xbf: {  	[dreg:$0x0] =	wrdreg $0xFFFFFFFF;
	(pc) =	sbr.abs _section_cstart, $3  }
0xc0: {  	[dreg:$0x1] =	wrdreg $0xFFFFFFFF  }
0xc1: {  	_ =	task.clear_ibuf [dreg:s6], $0x2FFFF;
	_ =	strace $0x9FFFFFFF  }
0xc2: {  	(tm) =	ssettm $0x7FFFFFFF  }
0xc3: {  	_ =	shalt  }
tec
execute0_lowered:
.L_overlay_start_1:
0x0: {  	(tag) =	ssettag $0x1  }
0x1: {  	s0 =	rddreg [dreg:$0x0]  }
0x2: {  	s2 =	rddreg [dreg:$0x1];
	s3 =	simm.s32 $0x0  }
0x3: {  	s1 =	srdreg.scid;
	s15 =	stileid.u32;
	s21 =	simm.s32 $0x1680  }
0x4: {  	s22 =	simm.s32 $0x3;
	s28 =	simm.s32 $0x1;
	s29 =	simm.s32 $0x2  }
0x5: {  	s30 =	simm.s32 $0x15C0;
	s31 =	simm.s32 $0x1620;
	[smem:$0x7FF] =	sst s3  }
0x6: {  	s1 =	sand.u32 $0x1, s1;
	s10 =	smul.u32 $0x280, s15;
	s4 =	sadd.s32 $0x19600, s0  }
0x7: {  	s5 =	sadd.s32 $0x5800, s0;
	s6 =	sadd.s32 $0x23400, s0;
	s12 =	smul.u32 $0x28000, s15  }
0x8: {  	s7 =	sadd.s32 $0x37400, s0;
	s8 =	sadd.s32 $0x4B400, s0;
	s9 =	sadd.s32 $0x5F400, s0  }
0x9: {  	_ =	strace $0x8000004D;
	s11 =	smul.u32 $0x2800, s1;
	s23 =	ssub.s32 $0x2, s1  }
0xa: {  	p0 =	sne.s32 s1, $0x0;
	s12 =	sshrl.u32 s12, $0x2;
	s14 =	sshrl.u32 s23, $0x1  }
0xb: {  	s10 =	sadd.s32 s10, s11;
	s11 =	ssub.s32 s23, s14;
	s23 =	simm.s32 $0x4  }
0xc: {  	s13 =	sshll.u32 s10, $0x3;
	s10 =	sadd.s32 s12, s2;
	s24 =	smax.u32 s11, $0x1  }
0xd: {  	s0 =	sadd.s32 s13, s0;
	s12 =	sadd.s32 $0x9000, s10;
	[dreg:$0x6] =	wrdreg s24  }
0xe: {  	s25 =	sadd.s32 $0x1800, s10;
	s26 =	sadd.s32 $0x3000, s10;
	s18 =	sadd.s32 $0x4800, s10  }
.Ltmp0:
0xf: {  	s19 =	sadd.s32 $0x6000, s10;
	[dreg:$0x3] =	wrdreg s12;
	(pc) =	sbr.rel .LBB2_1-.Ltmp0, $4  }
0x10: {  	s20 =	sadd.s32 $0x7800, s10;
	s24 =	simm.s32 $0xB40;
	[dreg:$0x7] =	wrdreg s25  }
0x11: {  	s12 =	smul.u32 $0xD2, s15;
	s13 =	sadd.s32 $0xEB400, s0;
	[dreg:$0x8] =	wrdreg s26  }
0x12: {  	s0 =	sadd.s32 $0xC3400, s0;
	s25 =	simm.s32 $0x60;
	[dreg:$0x4] =	wrdreg s13  }
0x13: {  	v0 =	vimm.f32 $0.0e+00;
	s26 =	simm.s32 $0x2E80;
	[dreg:$0x5] =	wrdreg s0;
	s0 =	simm.s32 $0x0  }
.LBB2_23:
0x14: {  	[bflag:$0x0] =	sbarrier.arrive $0xFFFF  }
0x15: {  	s11 =	rddreg [dreg:$0x5]  }
0x16: {  	[hbm:s11], [sflag:s1] =	dma.local [spmem:s13], $0x1400  }
0x17: {  	_ =	swait.ge [sflag:s22], $0x1400  }
0x18: {  	s0 =	sadd.s32 $0x1, s0;
	s17 =	rddreg [dreg:$0x6]  }
0x19: {  	p1 =	sne.s32 s0, s17  }
.Ltmp1:
0x1a: {  	_ = 	snop;
	(pc) =	sbr.rel @!p1 .LBB2_24-.Ltmp1, $3  }
0x1b: {  	[sflag:s22] =	ssyncset.done $0x0  }
0x1c: {  	[sflag:s22] =	ssyncadd.s32 $0xFFFFEC00  }
0x1d: {  	[bflag:$0x0] =	sbarrier.arrive $0xFFFF;
	_ =	sdelay $0x1  }
.LBB2_1:
0x1e: {  	s11 =	simm.s32 $0x100;
	s1 =	simm.s32 $0x0  }
.LBB2_2:
0x1f: {  	p1 =	sne.s32 s11, $0x5F00;
	[tilespmem:s1+$0x16B0] =	vst v0;
	s13 =	smov.u32 s11;
	s11 =	sadd.s32 $0x100, s11  }
.Ltmp2:
0x20: {  	[tilespmem:s1+$0x16A0] =	vst v0;
	(pc) =	sbr.rel @p1 .LBB2_2-.Ltmp2, $3  }
0x21: {  	[tilespmem:s1+$0x1680] =	vst v0  }
0x22: {  	[tilespmem:s1+$0x1690] =	vst v0;
	_ =	sdelay $0x1  }
0x23: {  	s1 =	sshra.s32 s13, $0x2  }
0x24: {  	[tilespmem:s1+$0x16B0] =	vst v0  }
0x25: {  	[tilespmem:s1+$0x16A0] =	vst v0  }
0x26: {  	[tilespmem:s1+$0x1680] =	vst v0  }
0x27: {  	[tilespmem:s1+$0x1690] =	vst v0  }
0x28: {  	[spmem:s10] =	stream.linear.scatter [tilespmem:s21], [sflag:$0x3], $0x1800, $0x38;
	[tilespmem:$0xE680] =	vst v63  }
0x29: {  	_ =	swait.ge [sflag:s22], $0x1800  }
0x2a: {  	[sflag:s22] =	ssyncset.done $0x0  }
0x2b: {  	s15 =	rddreg [dreg:$0x7];
	[sflag:s22] =	ssyncadd.s32 $0xFFFFE800  }
0x2c: {  	[spmem:s15] =	stream.linear.scatter [tilespmem:s21], [sflag:$0x3], $0x1800, $0x38;
	[tilespmem:$0xE680] =	vst v63  }
0x2d: {  	_ =	swait.ge [sflag:s22], $0x1800  }
0x2e: {  	[sflag:s22] =	ssyncset.done $0x0  }
0x2f: {  	s16 =	rddreg [dreg:$0x8];
	[sflag:s22] =	ssyncadd.s32 $0xFFFFE800  }
0x30: {  	[spmem:s16] =	stream.linear.scatter [tilespmem:s21], [sflag:$0x3], $0x1800, $0x38;
	[tilespmem:$0xE680] =	vst v63  }
0x31: {  	_ =	swait.ge [sflag:s22], $0x1800  }
0x32: {  	[sflag:s22] =	ssyncset.done $0x0  }
0x33: {  	[sflag:s22] =	ssyncadd.s32 $0xFFFFE800  }
0x34: {  	[spmem:s18] =	stream.linear.scatter [tilespmem:s21], [sflag:$0x3], $0x1800, $0x38;
	[tilespmem:$0xE680] =	vst v63  }
0x35: {  	_ =	swait.ge [sflag:s22], $0x1800  }
0x36: {  	[sflag:s22] =	ssyncset.done $0x0  }
0x37: {  	[sflag:s22] =	ssyncadd.s32 $0xFFFFE800  }
0x38: {  	[spmem:s19] =	stream.linear.scatter [tilespmem:s21], [sflag:$0x3], $0x1800, $0x38;
	[tilespmem:$0xE680] =	vst v63  }
0x39: {  	_ =	swait.ge [sflag:s22], $0x1800  }
0x3a: {  	[sflag:s22] =	ssyncset.done $0x0  }
0x3b: {  	[sflag:s22] =	ssyncadd.s32 $0xFFFFE800  }
0x3c: {  	[spmem:s20] =	stream.linear.scatter [tilespmem:s21], [sflag:$0x3], $0x1800, $0x38;
	[tilespmem:$0xE680] =	vst v63  }
0x3d: {  	_ =	swait.ge [sflag:s22], $0x1800  }
0x3e: {  	[sflag:s22] =	ssyncset.done $0x0  }
0x3f: {  	s17 =	rddreg [dreg:$0x3];
	[sflag:s22] =	ssyncadd.s32 $0xFFFFE800  }
0x40: {  	[spmem:s17] =	stream.linear.scatter [tilespmem:s21], [sflag:$0x3], $0x1000, $0x38;
	[tilespmem:$0xE680] =	vst v63  }
.Ltmp3:
0x41: {  	_ =	swait.ge [sflag:s22], $0x1000;
	(pc) =	sbr.rel .LBB2_4-.Ltmp3, $4  }
0x42: {  	[sflag:s22] =	ssyncset.done $0x0  }
0x43: {  	[sflag:s22] =	ssyncadd.s32 $0xFFFFF000  }
0x44: {  	[bflag:$0x0] =	sbarrier.arrive $0xFFFF  }
0x45: {  	s1 =	simm.s32 $0x0  }
.LBB2_10:
0x46: {  	[tilespmem:s26], [sflag:$0x2] =	stream.indirect.gather [hbm4b:s8+s25], $0x40, s13, s25, $0xb8;
	[tilespmem:$0xE680] =	vst v63  }
0x47: {  	s13 =	simm.s32 $0x3  }
.LBB2_11:
0x48: {  	_ =	swait.ge [sflag:s28], $0x1800  }
0x49: {  	[sflag:s28] =	ssyncset.done $0x0  }
0x4a: {  	[sflag:s28] =	ssyncadd.s32 $0xFFFFE800  }
0x4b: {  	[spmem:s2] =	stream.indirect.scatter.add.f32 [tilespmem:s21], [sflag:$0x4], $0x40, s30, s25, $0xb8;
	[tilespmem:$0xE680] =	vst v63  }
0x4c: {  	_ =	swait.ge [sflag:s23], $0x1800  }
0x4d: {  	[sflag:s23] =	ssyncset.done $0x0  }
0x4e: {  	[sflag:s23] =	ssyncadd.s32 $0xFFFFE800  }
0x4f: {  	s1 =	sadd.s32 $0x1, s1;
	_ =	swait.ge [sflag:s29], $0x1800  }
0x50: {  	p1 =	sne.s32 s1, $0x7;
	[sflag:s29] =	ssyncset.done $0x0  }
.Ltmp4:
0x51: {  	[sflag:s29] =	ssyncadd.s32 $0xFFFFE800;
	(pc) =	sbr.rel @!p1 .LBB2_12-.Ltmp4, $4  }
0x52: {  	[spmem:s2] =	stream.indirect.scatter.add.f32 [tilespmem:s26], [sflag:s13], $0x40, s31, s25, $0xb8;
	[tilespmem:$0xE680] =	vst v63  }
0x53: {  	_ =	swait.ge [sflag:s13], $0x1800  }
0x54: {  	[sflag:s13] =	ssyncset.done $0x0  }
0x55: {  	[sflag:s13] =	ssyncadd.s32 $0xFFFFE800  }
.LBB2_4:
0x56: {  	s11 =	smul.u32 $0x1E, s1;
	_ =	sdelay $0x1  }
0x57: {  	s11 =	sadd.s32 s12, s11  }
0x58: {  	s11 =	smul.u32 $0xC, s11;
	_ =	sdelay $0x1  }
0x59: {  	s13 =	sadd.s32 s4, s11  }
0x5a: {  	[tilespmem:s3], [sflag:$0x4] =	stream.linear.gather [hbm4b:s13+s3], $0xB40, $0x38;
	[tilespmem:$0xE680] =	vst v63  }
0x5b: {  	_ =	swait.ge [sflag:s23], $0xB40  }
0x5c: {  	[sflag:s23] =	ssyncset.done $0x0  }
.Ltmp5:
0x5d: {  	s11 =	sadd.s32 s5, s11;
	[sflag:s23] =	ssyncadd.s32 $0xFFFFF4C0;
	(pc) =	sbr.rel @p0 .LBB2_8-.Ltmp5, $4  }
0x5e: {  	[tilespmem:s24], [sflag:$0x4] =	stream.linear.gather [hbm4b:s11+s3], $0xB40, $0x38;
	[tilespmem:$0xE680] =	vst v63  }
0x5f: {  	_ =	swait.ge [sflag:s23], $0xB40  }
0x60: {  	[sflag:s23] =	ssyncset.done $0x0  }
0x61: {  	s11 =	simm.s32 $0x0;
	[sflag:s23] =	ssyncadd.s32 $0xFFFFF4C0  }
0x62: {  	[tilespmem:s21], [sflag:$0x1] =	stream.indirect.gather [hbm4b:s6+s25], $0x40, s11, s25, $0xb8;
	[tilespmem:$0xE680] =	vst v63  }
0x63: {  	_ = 	snop  }
0x64: {  	[tilespmem:s26], [sflag:$0x2] =	stream.indirect.gather [hbm4b:s6+s25], $0x40, s25, s25, $0xb8;
	[tilespmem:$0xE680] =	vst v63  }
0x65: {  	_ =	swait.ge [sflag:s28], $0x1800  }
0x66: {  	[sflag:s28] =	ssyncset.done $0x0  }
0x67: {  	s15 =	simm.s32 $0xB40;
	s13 =	simm.s32 $0x4;
	[sflag:s28] =	ssyncadd.s32 $0xFFFFE800  }
0x68: {  	[spmem:s2] =	stream.indirect.scatter.add.f32 [tilespmem:s21], [sflag:$0x4], $0x40, s15, s25, $0xb8;
	[tilespmem:$0xE680] =	vst v63  }
0x69: {  	_ =	swait.ge [sflag:s13], $0x1800  }
0x6a: {  	[sflag:s13] =	ssyncset.done $0x0  }
0x6b: {  	s16 =	simm.s32 $0xC0;
	[sflag:s13] =	ssyncadd.s32 $0xFFFFE800  }
0x6c: {  	[tilespmem:s21], [sflag:$0x1] =	stream.indirect.gather [hbm4b:s6+s25], $0x40, s16, s25, $0xb8;
	[tilespmem:$0xE680] =	vst v63  }
0x6d: {  	_ =	swait.ge [sflag:s29], $0x1800  }
0x6e: {  	[sflag:s29] =	ssyncset.done $0x0  }
0x6f: {  	s17 =	simm.s32 $0xBA0;
	[sflag:s29] =	ssyncadd.s32 $0xFFFFE800  }
0x70: {  	[spmem:s2] =	stream.indirect.scatter.add.f32 [tilespmem:s26], [sflag:$0x4], $0x40, s17, s25, $0xb8;
	[tilespmem:$0xE680] =	vst v63  }
0x71: {  	_ =	swait.ge [sflag:s13], $0x1800  }
0x72: {  	[sflag:s13] =	ssyncset.done $0x0  }
0x73: {  	s14 =	simm.s32 $0x300;
	s11 =	simm.s32 $0x120;
	[sflag:s13] =	ssyncadd.s32 $0xFFFFE800  }
.LBB2_6:
0x74: {  	[tilespmem:s26], [sflag:$0x2] =	stream.indirect.gather [hbm4b:s6+s25], $0x40, s11, s25, $0xb8;
	[tilespmem:$0xE680] =	vst v63  }
0x75: {  	s11 =	smov.u32 s14  }
0x76: {  	p1 =	seq.s32 s14, $0x2700;
	s14 =	sadd.s32 $0x300, s14;
	_ =	swait.ge [sflag:s28], $0x1800  }
0x77: {  	s11 =	sshra.s32 s11, $0x2;
	[sflag:s28] =	ssyncset.done $0x0  }
0x78: {  	s15 =	sadd.s32 $0xB40, s11;
	[sflag:s28] =	ssyncadd.s32 $0xFFFFE800  }
0x79: {  	[spmem:s2] =	stream.indirect.scatter.add.f32 [tilespmem:s21], [sflag:$0x4], $0x40, s15, s25, $0xb8;
	[tilespmem:$0xE680] =	vst v63  }
0x7a: {  	_ =	swait.ge [sflag:s13], $0x1800  }
0x7b: {  	[sflag:s13] =	ssyncset.done $0x0  }
0x7c: {  	s15 =	sadd.s32 $0xC0, s11;
	[sflag:s13] =	ssyncadd.s32 $0xFFFFE800  }
0x7d: {  	[tilespmem:s21], [sflag:$0x1] =	stream.indirect.gather [hbm4b:s6+s25], $0x40, s15, s25, $0xb8;
	[tilespmem:$0xE680] =	vst v63  }
0x7e: {  	_ =	swait.ge [sflag:s29], $0x1800  }
0x7f: {  	[sflag:s29] =	ssyncset.done $0x0  }
.Ltmp6:
0x80: {  	s15 =	sadd.s32 $0xBA0, s11;
	[sflag:s29] =	ssyncadd.s32 $0xFFFFE800;
	(pc) =	sbr.rel @!p1 .LBB2_6-.Ltmp6, $4  }
0x81: {  	[spmem:s2] =	stream.indirect.scatter.add.f32 [tilespmem:s26], [sflag:$0x4], $0x40, s15, s25, $0xb8;
	[tilespmem:$0xE680] =	vst v63  }
0x82: {  	_ =	swait.ge [sflag:s13], $0x1800  }
0x83: {  	[sflag:s13] =	ssyncset.done $0x0  }
0x84: {  	s11 =	sadd.s32 $0x120, s11;
	[sflag:s13] =	ssyncadd.s32 $0xFFFFE800  }
.Ltmp7:
0x85: {  	(pc) =	sbr.rel .LBB2_11-.Ltmp7, $2  }
0x86: {  	_ =	sdelay $0x2  }
0x87: {  	[tilespmem:s26], [sflag:$0x2] =	stream.indirect.gather [hbm4b:s6+s25], $0x40, s11, s25, $0xb8;
	[tilespmem:$0xE680] =	vst v63  }
.LBB2_8:
0x88: {  	[tilespmem:s21], [sflag:$0x1] =	stream.indirect.gather [hbm4b:s8+s25], $0x40, s11, s25, $0xb8;
	[tilespmem:$0xE680] =	vst v63  }
0x89: {  	_ = 	snop  }
0x8a: {  	[tilespmem:s26], [sflag:$0x2] =	stream.indirect.gather [hbm4b:s8+s25], $0x40, s25, s25, $0xb8;
	[tilespmem:$0xE680] =	vst v63  }
0x8b: {  	_ =	swait.ge [sflag:s28], $0x1800  }
0x8c: {  	[sflag:s28] =	ssyncset.done $0x0  }
0x8d: {  	s15 =	simm.s32 $0xB40;
	[sflag:s28] =	ssyncadd.s32 $0xFFFFE800  }
0x8e: {  	[spmem:s2] =	stream.indirect.scatter.add.f32 [tilespmem:s21], [sflag:$0x4], $0x40, s15, s25, $0xb8;
	[tilespmem:$0xE680] =	vst v63  }
0x8f: {  	_ =	swait.ge [sflag:s23], $0x1800  }
0x90: {  	[sflag:s23] =	ssyncset.done $0x0  }
0x91: {  	s16 =	simm.s32 $0xC0;
	[sflag:s23] =	ssyncadd.s32 $0xFFFFE800  }
0x92: {  	[tilespmem:s21], [sflag:$0x1] =	stream.indirect.gather [hbm4b:s8+s25], $0x40, s16, s25, $0xb8;
	[tilespmem:$0xE680] =	vst v63  }
0x93: {  	_ =	swait.ge [sflag:s29], $0x1800  }
0x94: {  	[sflag:s29] =	ssyncset.done $0x0  }
0x95: {  	s17 =	simm.s32 $0xBA0;
	[sflag:s29] =	ssyncadd.s32 $0xFFFFE800  }
0x96: {  	[spmem:s2] =	stream.indirect.scatter.add.f32 [tilespmem:s26], [sflag:$0x4], $0x40, s17, s25, $0xb8;
	[tilespmem:$0xE680] =	vst v63  }
0x97: {  	_ =	swait.ge [sflag:s23], $0x1800  }
0x98: {  	[sflag:s23] =	ssyncset.done $0x0  }
0x99: {  	s11 =	simm.s32 $0x300;
	s13 =	simm.s32 $0x120;
	[sflag:s23] =	ssyncadd.s32 $0xFFFFE800  }
.LBB2_9:
0x9a: {  	[tilespmem:s26], [sflag:$0x2] =	stream.indirect.gather [hbm4b:s8+s25], $0x40, s13, s25, $0xb8;
	[tilespmem:$0xE680] =	vst v63  }
0x9b: {  	s13 =	smov.u32 s11  }
0x9c: {  	p1 =	sne.s32 s11, $0x2700;
	s11 =	sadd.s32 $0x300, s11;
	_ =	swait.ge [sflag:s28], $0x1800  }
0x9d: {  	s13 =	sshra.s32 s13, $0x2;
	[sflag:s28] =	ssyncset.done $0x0  }
0x9e: {  	s14 =	sadd.s32 $0xB40, s13;
	[sflag:s28] =	ssyncadd.s32 $0xFFFFE800  }
0x9f: {  	[spmem:s2] =	stream.indirect.scatter.add.f32 [tilespmem:s21], [sflag:$0x4], $0x40, s14, s25, $0xb8;
	[tilespmem:$0xE680] =	vst v63  }
0xa0: {  	_ =	swait.ge [sflag:s23], $0x1800  }
0xa1: {  	[sflag:s23] =	ssyncset.done $0x0  }
0xa2: {  	s14 =	sadd.s32 $0xC0, s13;
	[sflag:s23] =	ssyncadd.s32 $0xFFFFE800  }
0xa3: {  	[tilespmem:s21], [sflag:$0x1] =	stream.indirect.gather [hbm4b:s8+s25], $0x40, s14, s25, $0xb8;
	[tilespmem:$0xE680] =	vst v63  }
0xa4: {  	_ =	swait.ge [sflag:s29], $0x1800  }
0xa5: {  	[sflag:s29] =	ssyncset.done $0x0  }
.Ltmp8:
0xa6: {  	s14 =	sadd.s32 $0xBA0, s13;
	[sflag:s29] =	ssyncadd.s32 $0xFFFFE800;
	(pc) =	sbr.rel @p1 .LBB2_9-.Ltmp8, $4  }
0xa7: {  	[spmem:s2] =	stream.indirect.scatter.add.f32 [tilespmem:s26], [sflag:$0x4], $0x40, s14, s25, $0xb8;
	[tilespmem:$0xE680] =	vst v63  }
0xa8: {  	_ =	swait.ge [sflag:s23], $0x1800  }
0xa9: {  	[sflag:s23] =	ssyncset.done $0x0  }
0xaa: {  	s13 =	sadd.s32 $0x120, s13;
	[sflag:s23] =	ssyncadd.s32 $0xFFFFE800  }
.Ltmp9:
0xab: {  	_ = 	snop;
	(pc) =	sbr.rel .LBB2_10-.Ltmp9, $1  }
0xac: {  	_ =	sdelay $0x3  }
.LBB2_12:
0xad: {  	s1 =	stileid.u32  }
0xae: {  	[bflag:$0x0] =	sbarrier.arrive $0xFFFF;
	s1 =	sshll.u32 s1, $0x6  }
0xaf: {  	s13 =	sshrl.u32 s10, $0x3;
	s11 =	rddreg [dreg:$0x4];
	s1 =	sor.u32 $0x1C03, s1  }
0xb0: {  	[hbm:s11], [sflag:s1] =	dma.local [spmem:s13], $0x1400  }
0xb1: {  	_ =	swait.ge [sflag:s22], $0x1400  }
0xb2: {  	[sflag:s22] =	ssyncset.done $0x0  }
0xb3: {  	[sflag:s22] =	ssyncadd.s32 $0xFFFFEC00  }
0xb4: {  	s14 =	simm.s32 $0x100;
	s11 =	simm.s32 $0x0;
	[bflag:$0x0] =	sbarrier.arrive $0xFFFF  }
.LBB2_13:
0xb5: {  	p1 =	sne.s32 s14, $0x5F00;
	[tilespmem:s11+$0x16B0] =	vst v0;
	s15 =	smov.u32 s14;
	s14 =	sadd.s32 $0x100, s14  }
.Ltmp10:
0xb6: {  	[tilespmem:s11+$0x16A0] =	vst v0;
	(pc) =	sbr.rel @p1 .LBB2_13-.Ltmp10, $3  }
0xb7: {  	[tilespmem:s11+$0x1680] =	vst v0  }
0xb8: {  	[tilespmem:s11+$0x1690] =	vst v0;
	_ =	sdelay $0x1  }
0xb9: {  	s11 =	sshra.s32 s15, $0x2  }
0xba: {  	[tilespmem:s11+$0x16B0] =	vst v0  }
0xbb: {  	[tilespmem:s11+$0x16A0] =	vst v0  }
0xbc: {  	[tilespmem:s11+$0x1680] =	vst v0  }
0xbd: {  	[tilespmem:s11+$0x1690] =	vst v0  }
0xbe: {  	[spmem:s10] =	stream.linear.scatter [tilespmem:s21], [sflag:$0x3], $0x1800, $0x38;
	[tilespmem:$0xE680] =	vst v63  }
0xbf: {  	_ =	swait.ge [sflag:s22], $0x1800  }
0xc0: {  	[sflag:s22] =	ssyncset.done $0x0  }
0xc1: {  	s15 =	rddreg [dreg:$0x7];
	[sflag:s22] =	ssyncadd.s32 $0xFFFFE800  }
0xc2: {  	[spmem:s15] =	stream.linear.scatter [tilespmem:s21], [sflag:$0x3], $0x1800, $0x38;
	[tilespmem:$0xE680] =	vst v63  }
0xc3: {  	_ =	swait.ge [sflag:s22], $0x1800  }
0xc4: {  	[sflag:s22] =	ssyncset.done $0x0  }
0xc5: {  	s16 =	rddreg [dreg:$0x8];
	[sflag:s22] =	ssyncadd.s32 $0xFFFFE800  }
0xc6: {  	[spmem:s16] =	stream.linear.scatter [tilespmem:s21], [sflag:$0x3], $0x1800, $0x38;
	[tilespmem:$0xE680] =	vst v63  }
0xc7: {  	_ =	swait.ge [sflag:s22], $0x1800  }
0xc8: {  	[sflag:s22] =	ssyncset.done $0x0  }
0xc9: {  	[sflag:s22] =	ssyncadd.s32 $0xFFFFE800  }
0xca: {  	[spmem:s18] =	stream.linear.scatter [tilespmem:s21], [sflag:$0x3], $0x1800, $0x38;
	[tilespmem:$0xE680] =	vst v63  }
0xcb: {  	_ =	swait.ge [sflag:s22], $0x1800  }
0xcc: {  	[sflag:s22] =	ssyncset.done $0x0  }
0xcd: {  	[sflag:s22] =	ssyncadd.s32 $0xFFFFE800  }
0xce: {  	[spmem:s19] =	stream.linear.scatter [tilespmem:s21], [sflag:$0x3], $0x1800, $0x38;
	[tilespmem:$0xE680] =	vst v63  }
0xcf: {  	_ =	swait.ge [sflag:s22], $0x1800  }
0xd0: {  	[sflag:s22] =	ssyncset.done $0x0  }
0xd1: {  	[sflag:s22] =	ssyncadd.s32 $0xFFFFE800  }
0xd2: {  	[spmem:s20] =	stream.linear.scatter [tilespmem:s21], [sflag:$0x3], $0x1800, $0x38;
	[tilespmem:$0xE680] =	vst v63  }
0xd3: {  	_ =	swait.ge [sflag:s22], $0x1800  }
0xd4: {  	[sflag:s22] =	ssyncset.done $0x0  }
0xd5: {  	s17 =	rddreg [dreg:$0x3];
	[sflag:s22] =	ssyncadd.s32 $0xFFFFE800  }
0xd6: {  	[spmem:s17] =	stream.linear.scatter [tilespmem:s21], [sflag:$0x3], $0x1000, $0x38;
	[tilespmem:$0xE680] =	vst v63  }
.Ltmp11:
0xd7: {  	_ =	swait.ge [sflag:s22], $0x1000;
	(pc) =	sbr.rel .LBB2_15-.Ltmp11, $4  }
0xd8: {  	[sflag:s22] =	ssyncset.done $0x0  }
0xd9: {  	[sflag:s22] =	ssyncadd.s32 $0xFFFFF000  }
0xda: {  	[bflag:$0x0] =	sbarrier.arrive $0xFFFF  }
0xdb: {  	s14 =	simm.s32 $0x0  }
.LBB2_21:
0xdc: {  	[tilespmem:s26], [sflag:$0x2] =	stream.indirect.gather [hbm4b:s9+s25], $0x40, s15, s25, $0xb8;
	[tilespmem:$0xE680] =	vst v63  }
0xdd: {  	s15 =	simm.s32 $0x3  }
.LBB2_22:
0xde: {  	_ =	swait.ge [sflag:s28], $0x1800  }
0xdf: {  	[sflag:s28] =	ssyncset.done $0x0  }
0xe0: {  	[sflag:s28] =	ssyncadd.s32 $0xFFFFE800  }
0xe1: {  	[spmem:s2] =	stream.indirect.scatter.add.f32 [tilespmem:s21], [sflag:$0x4], $0x40, s30, s25, $0xb8;
	[tilespmem:$0xE680] =	vst v63  }
0xe2: {  	_ =	swait.ge [sflag:s23], $0x1800  }
0xe3: {  	[sflag:s23] =	ssyncset.done $0x0  }
0xe4: {  	[sflag:s23] =	ssyncadd.s32 $0xFFFFE800  }
0xe5: {  	s14 =	sadd.s32 $0x1, s14;
	_ =	swait.ge [sflag:s29], $0x1800  }
0xe6: {  	p1 =	sne.s32 s14, $0x7;
	[sflag:s29] =	ssyncset.done $0x0  }
.Ltmp12:
0xe7: {  	[sflag:s29] =	ssyncadd.s32 $0xFFFFE800;
	(pc) =	sbr.rel @!p1 .LBB2_23-.Ltmp12, $4  }
0xe8: {  	[spmem:s2] =	stream.indirect.scatter.add.f32 [tilespmem:s26], [sflag:s15], $0x40, s31, s25, $0xb8;
	[tilespmem:$0xE680] =	vst v63  }
0xe9: {  	_ =	swait.ge [sflag:s15], $0x1800  }
0xea: {  	[sflag:s15] =	ssyncset.done $0x0  }
0xeb: {  	[sflag:s15] =	ssyncadd.s32 $0xFFFFE800  }
.LBB2_15:
0xec: {  	s11 =	smul.u32 $0x1E, s14;
	_ =	sdelay $0x1  }
0xed: {  	s11 =	sadd.s32 s12, s11  }
0xee: {  	s11 =	smul.u32 $0xC, s11;
	_ =	sdelay $0x1  }
0xef: {  	s15 =	sadd.s32 s4, s11  }
0xf0: {  	[tilespmem:s3], [sflag:$0x4] =	stream.linear.gather [hbm4b:s15+s3], $0xB40, $0x38;
	[tilespmem:$0xE680] =	vst v63  }
0xf1: {  	_ =	swait.ge [sflag:s23], $0xB40  }
0xf2: {  	[sflag:s23] =	ssyncset.done $0x0  }
.Ltmp13:
0xf3: {  	s11 =	sadd.s32 s5, s11;
	[sflag:s23] =	ssyncadd.s32 $0xFFFFF4C0;
	(pc) =	sbr.rel @p0 .LBB2_19-.Ltmp13, $4  }
0xf4: {  	[tilespmem:s24], [sflag:$0x4] =	stream.linear.gather [hbm4b:s11+s3], $0xB40, $0x38;
	[tilespmem:$0xE680] =	vst v63  }
0xf5: {  	_ =	swait.ge [sflag:s23], $0xB40  }
0xf6: {  	[sflag:s23] =	ssyncset.done $0x0  }
0xf7: {  	s11 =	simm.s32 $0x0;
	[sflag:s23] =	ssyncadd.s32 $0xFFFFF4C0  }
0xf8: {  	[tilespmem:s21], [sflag:$0x1] =	stream.indirect.gather [hbm4b:s7+s25], $0x40, s11, s25, $0xb8;
	[tilespmem:$0xE680] =	vst v63  }
0xf9: {  	_ = 	snop  }
0xfa: {  	[tilespmem:s26], [sflag:$0x2] =	stream.indirect.gather [hbm4b:s7+s25], $0x40, s25, s25, $0xb8;
	[tilespmem:$0xE680] =	vst v63  }
0xfb: {  	_ =	swait.ge [sflag:s28], $0x1800  }
0xfc: {  	[sflag:s28] =	ssyncset.done $0x0  }
0xfd: {  	s17 =	simm.s32 $0xB40;
	s15 =	simm.s32 $0x4;
	[sflag:s28] =	ssyncadd.s32 $0xFFFFE800  }
0xfe: {  	[spmem:s2] =	stream.indirect.scatter.add.f32 [tilespmem:s21], [sflag:$0x4], $0x40, s17, s25, $0xb8;
	[tilespmem:$0xE680] =	vst v63  }
0xff: {  	_ =	swait.ge [sflag:s15], $0x1800  }
0x100: {  	[sflag:s15] =	ssyncset.done $0x0  }
0x101: {  	s16 =	simm.s32 $0xC0;
	[sflag:s15] =	ssyncadd.s32 $0xFFFFE800  }
0x102: {  	[tilespmem:s21], [sflag:$0x1] =	stream.indirect.gather [hbm4b:s7+s25], $0x40, s16, s25, $0xb8;
	[tilespmem:$0xE680] =	vst v63  }
0x103: {  	_ =	swait.ge [sflag:s29], $0x1800  }
0x104: {  	[sflag:s29] =	ssyncset.done $0x0  }
0x105: {  	s17 =	simm.s32 $0xBA0;
	[sflag:s29] =	ssyncadd.s32 $0xFFFFE800  }
0x106: {  	[spmem:s2] =	stream.indirect.scatter.add.f32 [tilespmem:s26], [sflag:$0x4], $0x40, s17, s25, $0xb8;
	[tilespmem:$0xE680] =	vst v63  }
0x107: {  	_ =	swait.ge [sflag:s15], $0x1800  }
0x108: {  	[sflag:s15] =	ssyncset.done $0x0  }
0x109: {  	s11 =	simm.s32 $0x300;
	s16 =	simm.s32 $0x120;
	[sflag:s15] =	ssyncadd.s32 $0xFFFFE800  }
.LBB2_17:
0x10a: {  	[tilespmem:s26], [sflag:$0x2] =	stream.indirect.gather [hbm4b:s7+s25], $0x40, s16, s25, $0xb8;
	[tilespmem:$0xE680] =	vst v63  }
0x10b: {  	s16 =	smov.u32 s11  }
0x10c: {  	p1 =	seq.s32 s11, $0x2700;
	s11 =	sadd.s32 $0x300, s11;
	_ =	swait.ge [sflag:s28], $0x1800  }
0x10d: {  	s16 =	sshra.s32 s16, $0x2;
	[sflag:s28] =	ssyncset.done $0x0  }
0x10e: {  	s17 =	sadd.s32 $0xB40, s16;
	[sflag:s28] =	ssyncadd.s32 $0xFFFFE800  }
0x10f: {  	[spmem:s2] =	stream.indirect.scatter.add.f32 [tilespmem:s21], [sflag:$0x4], $0x40, s17, s25, $0xb8;
	[tilespmem:$0xE680] =	vst v63  }
0x110: {  	_ =	swait.ge [sflag:s15], $0x1800  }
0x111: {  	[sflag:s15] =	ssyncset.done $0x0  }
0x112: {  	s17 =	sadd.s32 $0xC0, s16;
	[sflag:s15] =	ssyncadd.s32 $0xFFFFE800  }
0x113: {  	[tilespmem:s21], [sflag:$0x1] =	stream.indirect.gather [hbm4b:s7+s25], $0x40, s17, s25, $0xb8;
	[tilespmem:$0xE680] =	vst v63  }
0x114: {  	_ =	swait.ge [sflag:s29], $0x1800  }
0x115: {  	[sflag:s29] =	ssyncset.done $0x0  }
.Ltmp14:
0x116: {  	s17 =	sadd.s32 $0xBA0, s16;
	[sflag:s29] =	ssyncadd.s32 $0xFFFFE800;
	(pc) =	sbr.rel @!p1 .LBB2_17-.Ltmp14, $4  }
0x117: {  	[spmem:s2] =	stream.indirect.scatter.add.f32 [tilespmem:s26], [sflag:$0x4], $0x40, s17, s25, $0xb8;
	[tilespmem:$0xE680] =	vst v63  }
0x118: {  	_ =	swait.ge [sflag:s15], $0x1800  }
0x119: {  	[sflag:s15] =	ssyncset.done $0x0  }
0x11a: {  	s16 =	sadd.s32 $0x120, s16;
	[sflag:s15] =	ssyncadd.s32 $0xFFFFE800  }
.Ltmp15:
0x11b: {  	(pc) =	sbr.rel .LBB2_22-.Ltmp15, $2  }
0x11c: {  	_ =	sdelay $0x2  }
0x11d: {  	[tilespmem:s26], [sflag:$0x2] =	stream.indirect.gather [hbm4b:s7+s25], $0x40, s16, s25, $0xb8;
	[tilespmem:$0xE680] =	vst v63  }
.LBB2_19:
0x11e: {  	[tilespmem:s21], [sflag:$0x1] =	stream.indirect.gather [hbm4b:s9+s25], $0x40, s11, s25, $0xb8;
	[tilespmem:$0xE680] =	vst v63  }
0x11f: {  	_ = 	snop  }
0x120: {  	[tilespmem:s26], [sflag:$0x2] =	stream.indirect.gather [hbm4b:s9+s25], $0x40, s25, s25, $0xb8;
	[tilespmem:$0xE680] =	vst v63  }
0x121: {  	_ =	swait.ge [sflag:s28], $0x1800  }
0x122: {  	[sflag:s28] =	ssyncset.done $0x0  }
0x123: {  	s15 =	simm.s32 $0xB40;
	[sflag:s28] =	ssyncadd.s32 $0xFFFFE800  }
0x124: {  	[spmem:s2] =	stream.indirect.scatter.add.f32 [tilespmem:s21], [sflag:$0x4], $0x40, s15, s25, $0xb8;
	[tilespmem:$0xE680] =	vst v63  }
0x125: {  	_ =	swait.ge [sflag:s23], $0x1800  }
0x126: {  	[sflag:s23] =	ssyncset.done $0x0  }
0x127: {  	s16 =	simm.s32 $0xC0;
	[sflag:s23] =	ssyncadd.s32 $0xFFFFE800  }
0x128: {  	[tilespmem:s21], [sflag:$0x1] =	stream.indirect.gather [hbm4b:s9+s25], $0x40, s16, s25, $0xb8;
	[tilespmem:$0xE680] =	vst v63  }
0x129: {  	_ =	swait.ge [sflag:s29], $0x1800  }
0x12a: {  	[sflag:s29] =	ssyncset.done $0x0  }
0x12b: {  	s17 =	simm.s32 $0xBA0;
	[sflag:s29] =	ssyncadd.s32 $0xFFFFE800  }
0x12c: {  	[spmem:s2] =	stream.indirect.scatter.add.f32 [tilespmem:s26], [sflag:$0x4], $0x40, s17, s25, $0xb8;
	[tilespmem:$0xE680] =	vst v63  }
0x12d: {  	_ =	swait.ge [sflag:s23], $0x1800  }
0x12e: {  	[sflag:s23] =	ssyncset.done $0x0  }
0x12f: {  	s11 =	simm.s32 $0x300;
	s15 =	simm.s32 $0x120;
	[sflag:s23] =	ssyncadd.s32 $0xFFFFE800  }
.LBB2_20:
0x130: {  	[tilespmem:s26], [sflag:$0x2] =	stream.indirect.gather [hbm4b:s9+s25], $0x40, s15, s25, $0xb8;
	[tilespmem:$0xE680] =	vst v63  }
0x131: {  	s15 =	smov.u32 s11  }
0x132: {  	p1 =	sne.s32 s11, $0x2700;
	s11 =	sadd.s32 $0x300, s11;
	_ =	swait.ge [sflag:s28], $0x1800  }
0x133: {  	s15 =	sshra.s32 s15, $0x2;
	[sflag:s28] =	ssyncset.done $0x0  }
0x134: {  	s16 =	sadd.s32 $0xB40, s15;
	[sflag:s28] =	ssyncadd.s32 $0xFFFFE800  }
0x135: {  	[spmem:s2] =	stream.indirect.scatter.add.f32 [tilespmem:s21], [sflag:$0x4], $0x40, s16, s25, $0xb8;
	[tilespmem:$0xE680] =	vst v63  }
0x136: {  	_ =	swait.ge [sflag:s23], $0x1800  }
0x137: {  	[sflag:s23] =	ssyncset.done $0x0  }
0x138: {  	s16 =	sadd.s32 $0xC0, s15;
	[sflag:s23] =	ssyncadd.s32 $0xFFFFE800  }
0x139: {  	[tilespmem:s21], [sflag:$0x1] =	stream.indirect.gather [hbm4b:s9+s25], $0x40, s16, s25, $0xb8;
	[tilespmem:$0xE680] =	vst v63  }
0x13a: {  	_ =	swait.ge [sflag:s29], $0x1800  }
0x13b: {  	[sflag:s29] =	ssyncset.done $0x0  }
.Ltmp16:
0x13c: {  	s16 =	sadd.s32 $0xBA0, s15;
	[sflag:s29] =	ssyncadd.s32 $0xFFFFE800;
	(pc) =	sbr.rel @p1 .LBB2_20-.Ltmp16, $4  }
0x13d: {  	[spmem:s2] =	stream.indirect.scatter.add.f32 [tilespmem:s26], [sflag:$0x4], $0x40, s16, s25, $0xb8;
	[tilespmem:$0xE680] =	vst v63  }
0x13e: {  	_ =	swait.ge [sflag:s23], $0x1800  }
0x13f: {  	[sflag:s23] =	ssyncset.done $0x0  }
0x140: {  	s15 =	sadd.s32 $0x120, s15;
	[sflag:s23] =	ssyncadd.s32 $0xFFFFE800  }
.Ltmp17:
0x141: {  	_ = 	snop;
	(pc) =	sbr.rel .LBB2_21-.Ltmp17, $1  }
0x142: {  	_ =	sdelay $0x3  }
.LBB2_24:
0x143: {  	_ =	sfence.sel $0x180000  }
0x144: {  	[bflag:$0x0] =	sbarrier.arrive $0xFFFF  }
0x145: {  	_ =	strace $0x9000004D  }
0x146: {  	s0 =	stileid.u32;
	[bflag:$0x2] =	sbarrier.arrive $0xFFFF  }
0x147: {  	p0 =	sne.s32 s0, $0x0;
	s0 =	rddreg [dreg:$0x2]  }
0x148: {  	s0 =	sadd.s32 @!p0 $0x100000, s0  }
0x149: {  	[sflag:s0] =	ssyncadd.tile.s32 @!p0 $0x1;
	_ =	shalt  }
.Lfunc_end2:
_tile_overlayer_lowered:
.L_overlay_start_2:
0x14a: {  	(tag) =	ssettag $0x2  }
0x14b: {  	s0 =	rddreg [dreg:$0x0];
	s2 =	stileid.u32  }
0x14c: {  	s1 =	rddreg [dreg:$0x1];
	p0 =	sne.s32 s2, $0x0  }
0x14d: {  	s3 =	rddreg [dreg:$0x2];
	[bflag:$0x3] =	sbarrier.arrive $0xFFFF;
	s2 =	simm.s32 @!p0 $0x1C03  }
0x14e: {  	[timem:s3], [sflag:s2] =	dma.local @!p0 [hbm:s0], s1  }
0x14f: {  	s0 =	simm.s32 @!p0 $0x3  }
0x150: {  	_ =	swait.ge @!p0 [sflag:s0], s1  }
0x151: {  	s1 =	ssub.s32 @!p0 $0x0, s1;
	[sflag:s0] =	ssyncset.done @!p0 $0x0  }
0x152: {  	[sflag:s0] =	ssyncadd.s32 @!p0 s1  }
0x153: {  	[bflag:$0x3] =	sbarrier.arrive $0xFFFF  }
0x154: {  	_ =	shalt  }

// kernel: kernel.8.cloned.1.call-start
scs
__scs_entry_jumppad:
0x0: {  	(pc) =	sbr.rel $0x88, $3  }
0x1: {  	(tag) =	ssettag $0x0;
	lr =	simm.s32 $0x1  }
0x2: {  	[smem:$0x3F8C] =	sst lr;
	_ =	strace $0xD0000000  }
0x3: {  	_ = 	snop  }
0x4: {  	_ = 	snop  }
0x5: {  	_ = 	snop  }
0x6: {  	_ = 	snop  }
0x7: {  	_ = 	snop  }
__scs_overlays_trampoline_lowered:
0x8: {  	[smem:$0x3F9B] =	sst s0  }
0x9: {  	[smem:$0x3F9C] =	sst s1  }
0xa: {  	[smem:$0x3F9D] =	sst s2  }
0xb: {  	[smem:$0x3F9E] =	sst s3  }
0xc: {  	[smem:$0x3F9F] =	sst s4  }
0xd: {  	[smem:$0x3FA0] =	sst s5  }
0xe: {  	[smem:$0x3FA1] =	sst s6  }
0xf: {  	[smem:$0x3FA2] =	sst s7  }
0x10: {  	[smem:$0x3FA3] =	sst s8  }
0x11: {  	[smem:$0x3FA4] =	sst s9;
	s0 =	simm.s32 @!p0 $0x0  }
0x12: {  	s1 =	sld [smem:$0x3F8A];
	s0 =	simm.s32 @p0 $0x1  }
0x13: {  	[smem:$0x3FA5] =	sst s0;
	s0 =	simm.s32 @!p1 $0x0  }
0x14: {  	s2 =	sld [smem:$0x3F89];
	s0 =	simm.s32 @p1 $0x1  }
0x15: {  	[smem:$0x3FA6] =	sst s0;
	s0 =	simm.s32 @!p2 $0x0  }
0x16: {  	s3 =	sld [smem:$0x3FDB];
	s0 =	simm.s32 @p2 $0x1  }
0x17: {  	s4 =	simm.s32 $0x1BF5;
	[smem:$0x3FA8] =	sst s0  }
0x18: {  	s0 =	sld [smem:$0x3F8B];
	_ =	swait.ge [sflag:s4], $0x0  }
0x19: {  	s7 =	sld [smem:$0x3F8C]  }
0x1a: {  	s8 =	sadd.s32 $0xFFFFE003, lr  }
0x1b: {  	s9 =	sadd.s32 $0xFFFFFEF7, lr;
	s5 =	simm.s32 $0xFFFFFFFF;
	p2 =	slt.u32 s8, $0xFFFFF086  }
0x1c: {  	p1 =	slt.u32 s9, $0xF7A;
	s5 =	simm.s32 @!p2 $0x0  }
0x1d: {  	s5 =	simm.s32 @p1 $0x1;
	p0 =	seq.s32 s7, s2  }
0x1e: {  	s7 =	smul.u32 @!p0 $0xF7A, s2;
	p2 =	seq.s32 @!p0 s5, $0x0  }
0x1f: {  	s9 =	smul.u32 $0xF7A, s1;
	s8 =	simm.s32 @!p0 $0x1BF5;
	p2 =	por !p2, p0  }
0x20: {  	[sflag:s8] =	ssyncset.s32 @!p0 $0xFFFFF086;
	s6 =	sadd.s32 @!p0 s3, s7;
	s7 =	simm.s32 @!p0 $0x108  }
0x21: {  	s3 =	sadd.s32 s3, s9;
	s6 =	sadd.s32 @!p0 $0x88, s6;
	s7 =	simm.s32 @p2 $0x1082  }
0x22: {  	[simem:s7], [sflag:s8] =	dma.local @!p0 [hbm:s6], $0xF7A  }
0x23: {  	s9 =	sor.u32 $0xD0000000, s2;
	s6 =	simm.s32 $0x108;
	_ =	swait.ge @!p0 [sflag:s8], $0x0  }
0x24: {  	s3 =	sadd.s32 $0x88, s3;
	s6 =	simm.s32 @!p1 $0x1082;
	[sflag:s4] =	ssyncset.s32 $0xFFFFF086  }
0x25: {  	[simem:s6], [sflag:s4] =	dma.local [hbm:s3], $0xF7A  }
0x26: {  	[smem:$0x3F8C] =	sst s1;
	(tag) =	ssettag s2;
	_ =	strace s9  }
0x27: {  	s1 =	sld [smem:$0x3F9C]  }
0x28: {  	s2 =	sld [smem:$0x3F9D]  }
0x29: {  	s4 =	sld [smem:$0x3F9F]  }
0x2a: {  	p0 =	seq.s32 s5, $0x0;
	s5 =	sld [smem:$0x3FA0]  }
0x2b: {  	s6 =	sld [smem:$0x3FA1]  }
0x2c: {  	s7 =	sld [smem:$0x3FA2]  }
0x2d: {  	s3 =	simm.s32 $0x108;
	s8 =	sld [smem:$0x3FA3]  }
0x2e: {  	s3 =	simm.s32 @!p0 $0x1082;
	s9 =	sld [smem:$0x3FA4]  }
0x2f: {  	lr =	sadd.s32 s0, s3;
	s0 =	sld [smem:$0x3F9B]  }
0x30: {  	s3 =	sld [smem:$0x3F9E]  }
0x31: {  	[smem:$0x3FA7] =	sst s10  }
0x32: {  	s10 =	sld [smem:$0x3FA5];
	_ =	sdelay $0x3  }
0x33: {  	p0 =	seq.s32 s10, $0x1;
	s10 =	sld [smem:$0x3FA7];
	_ =	sdelay $0x3  }
0x34: {  	[smem:$0x3FA7] =	sst s10  }
0x35: {  	s10 =	sld [smem:$0x3FA6];
	_ =	sdelay $0x3  }
0x36: {  	p1 =	seq.s32 s10, $0x1;
	s10 =	sld [smem:$0x3FA7];
	_ =	sdelay $0x3  }
0x37: {  	[smem:$0x3FA7] =	sst s10  }
0x38: {  	s10 =	sld [smem:$0x3FA8]  }
0x39: {  	_ = 	snop;
	(pc) =	sbr.ind lr, $3  }
0x3a: {  	_ = 	snop  }
0x3b: {  	_ = 	snop  }
0x3c: {  	p2 =	seq.s32 s10, $0x1;
	s10 =	sld [smem:$0x3FA7]  }
0x3d: {  	_ =	shalt  }
0x3e: {  	_ =	shalt  }
0x3f: {  	_ =	shalt  }
0x40: {  	_ =	shalt  }
0x41: {  	_ =	shalt  }
0x42: {  	_ =	shalt  }
0x43: {  	_ =	shalt  }
0x44: {  	_ =	shalt  }
0x45: {  	_ =	shalt  }
0x46: {  	_ =	shalt  }
0x47: {  	_ =	shalt  }
0x48: {  	_ =	shalt  }
0x49: {  	_ =	shalt  }
0x4a: {  	_ =	shalt  }
0x4b: {  	_ =	shalt  }
0x4c: {  	_ =	shalt  }
0x4d: {  	_ =	shalt  }
0x4e: {  	_ =	shalt  }
0x4f: {  	_ =	shalt  }
0x50: {  	_ =	shalt  }
0x51: {  	_ =	shalt  }
0x52: {  	_ =	shalt  }
0x53: {  	_ =	shalt  }
0x54: {  	_ =	shalt  }
0x55: {  	_ =	shalt  }
0x56: {  	_ =	shalt  }
0x57: {  	_ =	shalt  }
0x58: {  	_ =	shalt  }
0x59: {  	_ =	shalt  }
0x5a: {  	_ =	shalt  }
0x5b: {  	_ =	shalt  }
0x5c: {  	_ =	shalt  }
0x5d: {  	_ =	shalt  }
0x5e: {  	_ =	shalt  }
0x5f: {  	_ =	shalt  }
0x60: {  	_ =	shalt  }
0x61: {  	_ =	shalt  }
0x62: {  	_ =	shalt  }
0x63: {  	_ =	shalt  }
0x64: {  	_ =	shalt  }
0x65: {  	_ =	shalt  }
0x66: {  	_ =	shalt  }
0x67: {  	_ =	shalt  }
0x68: {  	_ =	shalt  }
0x69: {  	_ =	shalt  }
0x6a: {  	_ =	shalt  }
0x6b: {  	_ =	shalt  }
0x6c: {  	_ =	shalt  }
0x6d: {  	_ =	shalt  }
0x6e: {  	_ =	shalt  }
0x6f: {  	_ =	shalt  }
0x70: {  	_ =	shalt  }
0x71: {  	_ =	shalt  }
0x72: {  	_ =	shalt  }
0x73: {  	_ =	shalt  }
0x74: {  	_ =	shalt  }
0x75: {  	_ =	shalt  }
0x76: {  	_ =	shalt  }
0x77: {  	_ =	shalt  }
0x78: {  	_ =	shalt  }
0x79: {  	_ =	shalt  }
0x7a: {  	_ =	shalt  }
0x7b: {  	_ =	shalt  }
0x7c: {  	_ =	shalt  }
0x7d: {  	_ =	shalt  }
0x7e: {  	_ =	shalt  }
0x7f: {  	_ =	shalt  }
0x80: {  	_ =	shalt  }
0x81: {  	_ =	shalt  }
0x82: {  	_ =	shalt  }
0x83: {  	_ =	shalt  }
0x84: {  	_ =	shalt  }
0x85: {  	_ =	shalt  }
0x86: {  	_ =	shalt  }
0x87: {  	_ =	shalt  }
.Lfunc_end0:
.L_simem_size_0:
called_computation_lowered:
.L_overlay_start_0:
0x88: {  	s2 =	sld [smem:$0x3FD9]  }
0x89: {  	s3 =	sld [smem:$0x3FFE];
	_ =	sdelay $0x1  }
0x8a: {  	s1 =	srdreg.scid  }
0x8b: {  	s0 =	sand.u32 $0x1, s1  }
0x8c: {  	s16 =	sshll.u32 s0, $0xA;
	s2 =	sadd.s32 s3, s2  }
0x8d: {  	s2 =	sadd.s32 s2, s16  }
0x8e: {  	[smem:$0x3FB3] =	sst s2  }
0x8f: {  	_ = 	snop  }
0x90: {  	(tm) =	ssettm $0x1  }
0x91: {  	s17 =	sld [smem:$0x3FFB];
	_ =	sdelay $0x3  }
0x92: {  	_ =	strace s17  }
0x93: {  	s2 =	sld [smem:$0x3FFC];
	_ =	sdelay $0x3  }
0x94: {  	_ =	strace s2  }
0x95: {  	s2 =	sld [smem:$0x3FFD];
	_ =	sdelay $0x3  }
0x96: {  	_ =	strace s2  }
0x97: {  	_ =	strace $0x8FFFFFFF  }
0x98: {  	s18 =	sld [smem:$0x3FDB];
	_ =	sdelay $0x1  }
0x99: {  	s19 =	simm.s32 $_scs_section_size  }
0x9a: {  	s4 =	simm.s32 $_size__tile_overlayer_lowered;
	s5 =	simm.s32 $_tile_overlayer_lowered  }
0x9b: {  	s22 =	simm.s32 $0x1BFF;
	s21 =	sshll.u32 s5, $0x1;
	s2 =	sadd.s32 s19, s18  }
0x9c: {  	s6 =	simm.s32 $0x0;
	s20 =	sshll.u32 s4, $0x1;
	s4 =	sadd.s32 s21, s2  }
0x9d: {  	[timem:s6], [sflag:s22] =	dma.local [hbm:s4], s20  }
0x9e: {  	_ =	swait.ge [sflag:s22], s20  }
0x9f: {  	s3 =	ssub.s32 $0x0, s20;
	[sflag:s22] =	ssyncset.done $0x0  }
0xa0: {  	[sflag:s22] =	ssyncadd.s32 s3;
	_ =	sdelay $0x1  }
0xa1: {  	s23 =	simm.s32 $0x1B8B  }
0xa2: {  	_ =	swait.ge [sflag:s23], $0x1  }
0xa3: {  	[sflag:s23] =	ssyncset.done $0x0  }
0xa4: {  	s25 =	simm.s32 $0x1B8E;
	s24 =	sld [smem:$0x3FFE];
	[sflag:s23] =	ssyncadd.s32 $0xFFFFFFFF  }
0xa5: {  	s26 =	simm.s32 $execute0_lowered;
	[smem:$0x3FD2] =	sst s25  }
0xa6: {  	s4 =	sshll.u32 s26, $0x1;
	_ =	strace $0x80000046;
	[dreg:$0x1] =	wrdreg $0xFFFFFFFF  }
0xa7: {  	s28 =	simm.s32 $_size_execute0_lowered;
	s2 =	sadd.s32 s2, s4;
	[dreg:$0x0] =	wrdreg $0x0  }
0xa8: {  	s4 =	sshll.u32 s28, $0x1;
	[dreg:$0x2] =	wrdreg s2  }
0xa9: {  	[dreg:$0x3] =	wrdreg s4  }
0xaa: {  	[dreg:$0x4] =	wrdreg $0xC0  }
0xab: {  	_ =	task [dreg:s6], $0x5FFFF  }
0xac: {  	[dreg:$0x1] =	wrdreg $0xFFFFFFFF  }
0xad: {  	[dreg:$0x0] =	wrdreg $0x60  }
0xae: {  	[dreg:$0x2] =	wrdreg s24  }
0xaf: {  	[dreg:$0x3] =	wrdreg $0xDA00  }
0xb0: {  	[dreg:$0x4] =	wrdreg $0x9  }
0xb1: {  	_ =	task.clear_ibuf [dreg:s6], $0x5FFFF;
	_ =	strace $0x90000046  }
0xb2: {  	s29 =	simm.s32 $0x9;
	_ =	strace $0x80000048  }
0xb3: {  	_ =	swait.ge [sflag:s29], $0x1  }
0xb4: {  	[sflag:s29] =	ssyncadd.s32 $0xFFFFFFFF  }
0xb5: {  	_ =	strace $0x90000048  }
0xb6: {  	_ =	sfence  }
0xb7: {  	s30 =	sld [smem:$0x0];
	_ =	sdelay $0x2  }
0xb8: {  	s31 =	sshll.u32 s1, $0xD;
	s1 =	sshrl.u32 s1, $0x2  }
0xb9: {  	s3 =	sand.u32 $0x4000, s31;
	s1 =	sadd.s32 s1, s30  }
0xba: {  	s0 =	sor.u32 s3, s0;
	s1 =	sshll.u32 s1, $0x11  }
0xbb: {  	s0 =	sor.u32 s1, s0  }
0xbc: {  	s0 =	sadd.s32 $0x8F2B, s0  }
0xbd: {  	[sflag:s0] =	ssyncadd.remote.s32 $0x1  }
0xbe: {  	_ =	sfence.sel $0xFFFF  }
0xbf: {  	[dreg:$0x0] =	wrdreg $0xFFFFFFFF;
	(pc) =	sbr.abs _section_cstart, $3  }
0xc0: {  	[dreg:$0x1] =	wrdreg $0xFFFFFFFF  }
0xc1: {  	_ =	task.clear_ibuf [dreg:s6], $0x2FFFF;
	_ =	strace $0x9FFFFFFF  }
0xc2: {  	(tm) =	ssettm $0x7FFFFFFF  }
0xc3: {  	_ =	shalt  }
tec
execute0_lowered:
.L_overlay_start_1:
0x0: {  	(tag) =	ssettag $0x1  }
0x1: {  	s0 =	srdreg.scid;
	s9 =	stileid.u32  }
0x2: {  	s0 =	sand.u32 $0x1, s0;
	s7 =	smul.u32 $0xA000, s9  }
0x3: {  	s1 =	rddreg [dreg:$0x0];
	s4 =	smul.u32 $0x4EC0, s0  }
0x4: {  	s2 =	rddreg [dreg:$0x1];
	s5 =	smul.u32 $0x5000, s0;
	s0 =	ssub.s32 $0x2, s0  }
0x5: {  	s3 =	simm.s32 $0x0;
	s28 =	simm.s32 $0xBA0;
	s10 =	sshrl.u32 s0, $0x1  }
0x6: {  	[smem:$0x7FF] =	sst s3;
	s11 =	sshrl.u32 s7, $0x2;
	s0 =	ssub.s32 s0, s10  }
0x7: {  	s8 =	sadd.s32 s4, s1;
	s4 =	sadd.s32 s11, s2;
	s0 =	smax.u32 s0, $0x1  }
0x8: {  	_ =	strace $0x80000047;
	s12 =	sadd.s32 $0x200, s4;
	[dreg:$0x4] =	wrdreg s0  }
0x9: {  	s29 =	simm.s32 $0x1;
	s13 =	sadd.s32 $0x400, s4;
	[dreg:$0x5] =	wrdreg s12  }
0xa: {  	s30 =	simm.s32 $0x60;
	s14 =	sadd.s32 $0x600, s4;
	[dreg:$0x6] =	wrdreg s13  }
0xb: {  	s31 =	simm.s32 $0x5A0;
	s15 =	sadd.s32 $0x800, s4;
	[dreg:$0x7] =	wrdreg s14  }
0xc: {  	s6 =	smul.u32 $0x500, s9;
	s16 =	sadd.s32 $0xA00, s4;
	[dreg:$0x8] =	wrdreg s15  }
0xd: {  	s24 =	smul.u32 $0x4EC, s9;
	s17 =	sadd.s32 $0xC00, s4;
	[dreg:$0x9] =	wrdreg s16  }
0xe: {  	s9 =	simm.s32 $0x300;
	s18 =	sadd.s32 $0xE00, s4;
	[dreg:$0xa] =	wrdreg s17  }
0xf: {  	s7 =	simm.s32 $0x240;
	s19 =	sadd.s32 $0x1000, s4;
	[dreg:$0xb] =	wrdreg s18  }
0x10: {  	s6 =	sadd.s32 s6, s5;
	s20 =	sadd.s32 $0x1200, s4;
	[dreg:$0xc] =	wrdreg s19  }
0x11: {  	s5 =	simm.s32 $0x180;
	s21 =	sadd.s32 $0x1400, s4;
	[dreg:$0xd] =	wrdreg s20  }
0x12: {  	s10 =	simm.s32 $0x360;
	s22 =	sadd.s32 $0x1600, s4;
	[dreg:$0xe] =	wrdreg s21  }
0x13: {  	s11 =	simm.s32 $0x3C0;
	s23 =	sadd.s32 $0x1800, s4;
	[dreg:$0xf] =	wrdreg s22  }
0x14: {  	s1 =	sadd.s32 s6, s1;
	s25 =	sadd.s32 $0x1A00, s4;
	[dreg:$0x10] =	wrdreg s23  }
0x15: {  	s26 =	sadd.s32 $0x1C00, s4;
	s6 =	simm.s32 $0x1E0;
	[dreg:$0x11] =	wrdreg s25  }
0x16: {  	s1 =	sadd.s32 $0xF600, s1;
	[dreg:$0x12] =	wrdreg s26;
	s21 =	sadd.s32 $0x1E00, s4  }
0x17: {  	s22 =	sadd.s32 $0x2000, s4;
	s23 =	sadd.s32 $0x2200, s4;
	s0 =	sadd.s32 s24, s8  }
0x18: {  	s24 =	sadd.s32 $0x2400, s4;
	s26 =	sadd.s32 $0x2600, s4;
	s8 =	simm.s32 $0x2A0  }
0x19: {  	s12 =	simm.s32 $0x420;
	s13 =	simm.s32 $0x480;
	s14 =	simm.s32 $0x4E0  }
0x1a: {  	s15 =	simm.s32 $0x540;
	s16 =	simm.s32 $0x0;
	[dreg:$0x3] =	wrdreg s1  }
0x1b: {  	v0 =	vimm.f32 $1.000000000e+00;
	v1 =	vimm.f32 $0.0e+00;
	s25 =	sadd.s32 $0x5800, s0;
	s0 =	simm.s32 $0xC0;
	s1 =	simm.s32 $0x120  }
.LBB2_1:
0x1c: {  	s17 =	simm.s32 $0x40;
	s18 =	simm.s32 $0x0  }
.LBB2_2:
0x1d: {  	p0 =	sne.s32 s17, $0x17C0;
	[tilespmem:s18+$0x5A0] =	vst v0;
	s18 =	smov.u32 s17;
	s17 =	sadd.s32 $0x40, s17  }
.Ltmp0:
0x1e: {  	(pc) =	sbr.rel @p0 .LBB2_2-.Ltmp0, $2  }
0x1f: {  	_ =	sdelay $0x2  }
0x20: {  	s18 =	sshra.s32 s18, $0x2  }
0x21: {  	[tilespmem:s18+$0x5A0] =	vst v0  }
0x22: {  	[tilespmem:$0xBA0] =	vst v1  }
0x23: {  	[tilespmem:$0xBB0] =	vst v1  }
0x24: {  	[tilespmem:$0xBC0] =	vst v1  }
0x25: {  	[tilespmem:$0xBD0] =	vst v1  }
0x26: {  	[tilespmem:$0xBE0] =	vst v1  }
0x27: {  	[tilespmem:$0xBF0] =	vst v1  }
0x28: {  	[tilespmem:$0xC00] =	vst v1  }
0x29: {  	[tilespmem:$0xC10] =	vst v1  }
0x2a: {  	[tilespmem:$0xC20] =	vst v1  }
0x2b: {  	[tilespmem:$0xC30] =	vst v1  }
0x2c: {  	[tilespmem:$0xC40] =	vst v1  }
0x2d: {  	[tilespmem:$0xC50] =	vst v1  }
0x2e: {  	[tilespmem:$0xC60] =	vst v1  }
0x2f: {  	[tilespmem:$0xC70] =	vst v1  }
0x30: {  	[tilespmem:$0xC80] =	vst v1  }
0x31: {  	[tilespmem:$0xC90] =	vst v1  }
0x32: {  	[tilespmem:$0xCA0] =	vst v1  }
0x33: {  	[tilespmem:$0xCB0] =	vst v1  }
0x34: {  	[tilespmem:$0xCC0] =	vst v1  }
0x35: {  	[tilespmem:$0xCD0] =	vst v1  }
0x36: {  	[tilespmem:$0xCE0] =	vst v1  }
0x37: {  	[tilespmem:$0xCF0] =	vst v1  }
0x38: {  	[tilespmem:$0xD00] =	vst v1  }
0x39: {  	[tilespmem:$0xD10] =	vst v1  }
0x3a: {  	[tilespmem:$0xD20] =	vst v1  }
0x3b: {  	[tilespmem:$0xD30] =	vst v1  }
0x3c: {  	[tilespmem:$0xD40] =	vst v1  }
0x3d: {  	[tilespmem:$0xD50] =	vst v1  }
0x3e: {  	[tilespmem:$0xD60] =	vst v1  }
0x3f: {  	[tilespmem:$0xD70] =	vst v1  }
0x40: {  	[tilespmem:$0xD80] =	vst v1  }
0x41: {  	[tilespmem:$0xD90] =	vst v1  }
0x42: {  	[spmem:s4] =	stream.linear.scatter [tilespmem:s28], [sflag:$0x1], $0x200, $0x38;
	[tilespmem:$0x35A0] =	vst v63  }
0x43: {  	_ =	swait.ge [sflag:s29], $0x200  }
0x44: {  	[sflag:s29] =	ssyncset.done $0x0  }
0x45: {  	s17 =	rddreg [dreg:$0x5];
	[sflag:s29] =	ssyncadd.s32 $0xFFFFFE00  }
0x46: {  	[spmem:s17] =	stream.linear.scatter [tilespmem:s28], [sflag:$0x1], $0x200, $0x38;
	[tilespmem:$0x35A0] =	vst v63  }
0x47: {  	_ =	swait.ge [sflag:s29], $0x200  }
0x48: {  	[sflag:s29] =	ssyncset.done $0x0  }
0x49: {  	s19 =	rddreg [dreg:$0x6];
	[sflag:s29] =	ssyncadd.s32 $0xFFFFFE00  }
0x4a: {  	[spmem:s19] =	stream.linear.scatter [tilespmem:s28], [sflag:$0x1], $0x200, $0x38;
	[tilespmem:$0x35A0] =	vst v63  }
0x4b: {  	_ =	swait.ge [sflag:s29], $0x200  }
0x4c: {  	[sflag:s29] =	ssyncset.done $0x0  }
0x4d: {  	s20 =	rddreg [dreg:$0x7];
	[sflag:s29] =	ssyncadd.s32 $0xFFFFFE00  }
0x4e: {  	[spmem:s20] =	stream.linear.scatter [tilespmem:s28], [sflag:$0x1], $0x200, $0x38;
	[tilespmem:$0x35A0] =	vst v63  }
0x4f: {  	_ =	swait.ge [sflag:s29], $0x200  }
0x50: {  	[sflag:s29] =	ssyncset.done $0x0  }
0x51: {  	s18 =	rddreg [dreg:$0x8];
	[sflag:s29] =	ssyncadd.s32 $0xFFFFFE00  }
0x52: {  	[spmem:s18] =	stream.linear.scatter [tilespmem:s28], [sflag:$0x1], $0x200, $0x38;
	[tilespmem:$0x35A0] =	vst v63  }
0x53: {  	_ =	swait.ge [sflag:s29], $0x200  }
0x54: {  	[sflag:s29] =	ssyncset.done $0x0  }
0x55: {  	s19 =	rddreg [dreg:$0x9];
	[sflag:s29] =	ssyncadd.s32 $0xFFFFFE00  }
0x56: {  	[spmem:s19] =	stream.linear.scatter [tilespmem:s28], [sflag:$0x1], $0x200, $0x38;
	[tilespmem:$0x35A0] =	vst v63  }
0x57: {  	_ =	swait.ge [sflag:s29], $0x200  }
0x58: {  	[sflag:s29] =	ssyncset.done $0x0  }
0x59: {  	s20 =	rddreg [dreg:$0xa];
	[sflag:s29] =	ssyncadd.s32 $0xFFFFFE00  }
0x5a: {  	[spmem:s20] =	stream.linear.scatter [tilespmem:s28], [sflag:$0x1], $0x200, $0x38;
	[tilespmem:$0x35A0] =	vst v63  }
0x5b: {  	_ =	swait.ge [sflag:s29], $0x200  }
0x5c: {  	[sflag:s29] =	ssyncset.done $0x0  }
0x5d: {  	s18 =	rddreg [dreg:$0xb];
	[sflag:s29] =	ssyncadd.s32 $0xFFFFFE00  }
0x5e: {  	[spmem:s18] =	stream.linear.scatter [tilespmem:s28], [sflag:$0x1], $0x200, $0x38;
	[tilespmem:$0x35A0] =	vst v63  }
0x5f: {  	_ =	swait.ge [sflag:s29], $0x200  }
0x60: {  	[sflag:s29] =	ssyncset.done $0x0  }
0x61: {  	s19 =	rddreg [dreg:$0xc];
	[sflag:s29] =	ssyncadd.s32 $0xFFFFFE00  }
0x62: {  	[spmem:s19] =	stream.linear.scatter [tilespmem:s28], [sflag:$0x1], $0x200, $0x38;
	[tilespmem:$0x35A0] =	vst v63  }
0x63: {  	_ =	swait.ge [sflag:s29], $0x200  }
0x64: {  	[sflag:s29] =	ssyncset.done $0x0  }
0x65: {  	s20 =	rddreg [dreg:$0xd];
	[sflag:s29] =	ssyncadd.s32 $0xFFFFFE00  }
0x66: {  	[spmem:s20] =	stream.linear.scatter [tilespmem:s28], [sflag:$0x1], $0x200, $0x38;
	[tilespmem:$0x35A0] =	vst v63  }
0x67: {  	_ =	swait.ge [sflag:s29], $0x200  }
0x68: {  	[sflag:s29] =	ssyncset.done $0x0  }
0x69: {  	s18 =	rddreg [dreg:$0xe];
	[sflag:s29] =	ssyncadd.s32 $0xFFFFFE00  }
0x6a: {  	[spmem:s18] =	stream.linear.scatter [tilespmem:s28], [sflag:$0x1], $0x200, $0x38;
	[tilespmem:$0x35A0] =	vst v63  }
0x6b: {  	_ =	swait.ge [sflag:s29], $0x200  }
0x6c: {  	[sflag:s29] =	ssyncset.done $0x0  }
0x6d: {  	s19 =	rddreg [dreg:$0xf];
	[sflag:s29] =	ssyncadd.s32 $0xFFFFFE00  }
0x6e: {  	[spmem:s19] =	stream.linear.scatter [tilespmem:s28], [sflag:$0x1], $0x200, $0x38;
	[tilespmem:$0x35A0] =	vst v63  }
0x6f: {  	_ =	swait.ge [sflag:s29], $0x200  }
0x70: {  	[sflag:s29] =	ssyncset.done $0x0  }
0x71: {  	s20 =	rddreg [dreg:$0x10];
	[sflag:s29] =	ssyncadd.s32 $0xFFFFFE00  }
0x72: {  	[spmem:s20] =	stream.linear.scatter [tilespmem:s28], [sflag:$0x1], $0x200, $0x38;
	[tilespmem:$0x35A0] =	vst v63  }
0x73: {  	_ =	swait.ge [sflag:s29], $0x200  }
0x74: {  	[sflag:s29] =	ssyncset.done $0x0  }
0x75: {  	s18 =	rddreg [dreg:$0x11];
	[sflag:s29] =	ssyncadd.s32 $0xFFFFFE00  }
0x76: {  	[spmem:s18] =	stream.linear.scatter [tilespmem:s28], [sflag:$0x1], $0x200, $0x38;
	[tilespmem:$0x35A0] =	vst v63  }
0x77: {  	_ =	swait.ge [sflag:s29], $0x200  }
0x78: {  	[sflag:s29] =	ssyncset.done $0x0  }
0x79: {  	s19 =	rddreg [dreg:$0x12];
	[sflag:s29] =	ssyncadd.s32 $0xFFFFFE00  }
0x7a: {  	[spmem:s19] =	stream.linear.scatter [tilespmem:s28], [sflag:$0x1], $0x200, $0x38;
	[tilespmem:$0x35A0] =	vst v63  }
0x7b: {  	_ =	swait.ge [sflag:s29], $0x200  }
0x7c: {  	[sflag:s29] =	ssyncset.done $0x0  }
0x7d: {  	[sflag:s29] =	ssyncadd.s32 $0xFFFFFE00  }
0x7e: {  	[spmem:s21] =	stream.linear.scatter [tilespmem:s28], [sflag:$0x1], $0x200, $0x38;
	[tilespmem:$0x35A0] =	vst v63  }
0x7f: {  	_ =	swait.ge [sflag:s29], $0x200  }
0x80: {  	[sflag:s29] =	ssyncset.done $0x0  }
0x81: {  	[sflag:s29] =	ssyncadd.s32 $0xFFFFFE00  }
0x82: {  	[spmem:s22] =	stream.linear.scatter [tilespmem:s28], [sflag:$0x1], $0x200, $0x38;
	[tilespmem:$0x35A0] =	vst v63  }
0x83: {  	_ =	swait.ge [sflag:s29], $0x200  }
0x84: {  	[sflag:s29] =	ssyncset.done $0x0  }
0x85: {  	[sflag:s29] =	ssyncadd.s32 $0xFFFFFE00  }
0x86: {  	[spmem:s23] =	stream.linear.scatter [tilespmem:s28], [sflag:$0x1], $0x200, $0x38;
	[tilespmem:$0x35A0] =	vst v63  }
0x87: {  	_ =	swait.ge [sflag:s29], $0x200  }
0x88: {  	[sflag:s29] =	ssyncset.done $0x0  }
0x89: {  	[sflag:s29] =	ssyncadd.s32 $0xFFFFFE00  }
0x8a: {  	[spmem:s24] =	stream.linear.scatter [tilespmem:s28], [sflag:$0x1], $0x200, $0x38;
	[tilespmem:$0x35A0] =	vst v63  }
0x8b: {  	_ =	swait.ge [sflag:s29], $0x200  }
0x8c: {  	[sflag:s29] =	ssyncset.done $0x0  }
0x8d: {  	[sflag:s29] =	ssyncadd.s32 $0xFFFFFE00  }
0x8e: {  	[spmem:s26] =	stream.linear.scatter [tilespmem:s28], [sflag:$0x1], $0x200, $0x38;
	[tilespmem:$0x35A0] =	vst v63  }
0x8f: {  	_ =	swait.ge [sflag:s29], $0x200  }
0x90: {  	[sflag:s29] =	ssyncset.done $0x0  }
0x91: {  	[sflag:s29] =	ssyncadd.s32 $0xFFFFFE00  }
0x92: {  	s20 =	sadd.s32 $0x0, s25;
	[bflag:$0x0] =	sbarrier.arrive $0xFFFF  }
0x93: {  	[tilespmem:s3], [sflag:$0x1] =	stream.linear.gather [hbm4b:s20+s3], $0x5A0, $0x38;
	[tilespmem:$0x35A0] =	vst v63  }
0x94: {  	_ =	swait.ge [sflag:s29], $0x5A0  }
0x95: {  	[sflag:s29] =	ssyncset.done $0x0  }
0x96: {  	[sflag:s29] =	ssyncadd.s32 $0xFFFFFA60  }
0x97: {  	[spmem:s2] =	stream.indirect.scatter.add.f32 [tilespmem:s31], [sflag:$0x1], $0x10, s3, s30, $0xb8;
	[tilespmem:$0x35A0] =	vst v63  }
0x98: {  	_ =	swait.ge [sflag:s29], $0x600  }
0x99: {  	[sflag:s29] =	ssyncset.done $0x0  }
0x9a: {  	[sflag:s29] =	ssyncadd.s32 $0xFFFFFA00  }
0x9b: {  	[spmem:s2] =	stream.indirect.scatter.add.f32 [tilespmem:s31], [sflag:$0x1], $0x10, s30, s30, $0xb8;
	[tilespmem:$0x35A0] =	vst v63  }
0x9c: {  	_ =	swait.ge [sflag:s29], $0x600  }
0x9d: {  	[sflag:s29] =	ssyncset.done $0x0  }
0x9e: {  	[sflag:s29] =	ssyncadd.s32 $0xFFFFFA00  }
0x9f: {  	[spmem:s2] =	stream.indirect.scatter.add.f32 [tilespmem:s31], [sflag:$0x1], $0x10, s0, s30, $0xb8;
	[tilespmem:$0x35A0] =	vst v63  }
0xa0: {  	_ =	swait.ge [sflag:s29], $0x600  }
0xa1: {  	[sflag:s29] =	ssyncset.done $0x0  }
0xa2: {  	[sflag:s29] =	ssyncadd.s32 $0xFFFFFA00  }
0xa3: {  	[spmem:s2] =	stream.indirect.scatter.add.f32 [tilespmem:s31], [sflag:$0x1], $0x10, s1, s30, $0xb8;
	[tilespmem:$0x35A0] =	vst v63  }
0xa4: {  	_ =	swait.ge [sflag:s29], $0x600  }
0xa5: {  	[sflag:s29] =	ssyncset.done $0x0  }
0xa6: {  	[sflag:s29] =	ssyncadd.s32 $0xFFFFFA00  }
0xa7: {  	[spmem:s2] =	stream.indirect.scatter.add.f32 [tilespmem:s31], [sflag:$0x1], $0x10, s5, s30, $0xb8;
	[tilespmem:$0x35A0] =	vst v63  }
0xa8: {  	_ =	swait.ge [sflag:s29], $0x600  }
0xa9: {  	[sflag:s29] =	ssyncset.done $0x0  }
0xaa: {  	[sflag:s29] =	ssyncadd.s32 $0xFFFFFA00  }
0xab: {  	[spmem:s2] =	stream.indirect.scatter.add.f32 [tilespmem:s31], [sflag:$0x1], $0x10, s6, s30, $0xb8;
	[tilespmem:$0x35A0] =	vst v63  }
0xac: {  	_ =	swait.ge [sflag:s29], $0x600  }
0xad: {  	[sflag:s29] =	ssyncset.done $0x0  }
0xae: {  	[sflag:s29] =	ssyncadd.s32 $0xFFFFFA00  }
0xaf: {  	[spmem:s2] =	stream.indirect.scatter.add.f32 [tilespmem:s31], [sflag:$0x1], $0x10, s7, s30, $0xb8;
	[tilespmem:$0x35A0] =	vst v63  }
0xb0: {  	_ =	swait.ge [sflag:s29], $0x600  }
0xb1: {  	[sflag:s29] =	ssyncset.done $0x0  }
0xb2: {  	[sflag:s29] =	ssyncadd.s32 $0xFFFFFA00  }
0xb3: {  	[spmem:s2] =	stream.indirect.scatter.add.f32 [tilespmem:s31], [sflag:$0x1], $0x10, s8, s30, $0xb8;
	[tilespmem:$0x35A0] =	vst v63  }
0xb4: {  	_ =	swait.ge [sflag:s29], $0x600  }
0xb5: {  	[sflag:s29] =	ssyncset.done $0x0  }
0xb6: {  	[sflag:s29] =	ssyncadd.s32 $0xFFFFFA00  }
0xb7: {  	[spmem:s2] =	stream.indirect.scatter.add.f32 [tilespmem:s31], [sflag:$0x1], $0x10, s9, s30, $0xb8;
	[tilespmem:$0x35A0] =	vst v63  }
0xb8: {  	_ =	swait.ge [sflag:s29], $0x600  }
0xb9: {  	[sflag:s29] =	ssyncset.done $0x0  }
0xba: {  	[sflag:s29] =	ssyncadd.s32 $0xFFFFFA00  }
0xbb: {  	[spmem:s2] =	stream.indirect.scatter.add.f32 [tilespmem:s31], [sflag:$0x1], $0x10, s10, s30, $0xb8;
	[tilespmem:$0x35A0] =	vst v63  }
0xbc: {  	_ =	swait.ge [sflag:s29], $0x600  }
0xbd: {  	[sflag:s29] =	ssyncset.done $0x0  }
0xbe: {  	[sflag:s29] =	ssyncadd.s32 $0xFFFFFA00  }
0xbf: {  	[spmem:s2] =	stream.indirect.scatter.add.f32 [tilespmem:s31], [sflag:$0x1], $0x10, s11, s30, $0xb8;
	[tilespmem:$0x35A0] =	vst v63  }
0xc0: {  	_ =	swait.ge [sflag:s29], $0x600  }
0xc1: {  	[sflag:s29] =	ssyncset.done $0x0  }
0xc2: {  	[sflag:s29] =	ssyncadd.s32 $0xFFFFFA00  }
0xc3: {  	[spmem:s2] =	stream.indirect.scatter.add.f32 [tilespmem:s31], [sflag:$0x1], $0x10, s12, s30, $0xb8;
	[tilespmem:$0x35A0] =	vst v63  }
0xc4: {  	_ =	swait.ge [sflag:s29], $0x600  }
0xc5: {  	[sflag:s29] =	ssyncset.done $0x0  }
0xc6: {  	[sflag:s29] =	ssyncadd.s32 $0xFFFFFA00  }
0xc7: {  	[spmem:s2] =	stream.indirect.scatter.add.f32 [tilespmem:s31], [sflag:$0x1], $0x10, s13, s30, $0xb8;
	[tilespmem:$0x35A0] =	vst v63  }
0xc8: {  	_ =	swait.ge [sflag:s29], $0x600  }
0xc9: {  	[sflag:s29] =	ssyncset.done $0x0  }
0xca: {  	[sflag:s29] =	ssyncadd.s32 $0xFFFFFA00  }
0xcb: {  	[spmem:s2] =	stream.indirect.scatter.add.f32 [tilespmem:s31], [sflag:$0x1], $0x10, s14, s30, $0xb8;
	[tilespmem:$0x35A0] =	vst v63  }
0xcc: {  	_ =	swait.ge [sflag:s29], $0x600  }
0xcd: {  	[sflag:s29] =	ssyncset.done $0x0  }
0xce: {  	[sflag:s29] =	ssyncadd.s32 $0xFFFFFA00  }
0xcf: {  	[spmem:s2] =	stream.indirect.scatter.add.f32 [tilespmem:s31], [sflag:$0x1], $0x10, s15, s30, $0xb8;
	[tilespmem:$0x35A0] =	vst v63  }
0xd0: {  	_ =	swait.ge [sflag:s29], $0x600  }
0xd1: {  	s17 =	simm.s32 $0xB4;
	s18 =	simm.s32 $0x168;
	[sflag:s29] =	ssyncset.done $0x0  }
.LBB2_4:
0xd2: {  	s20 =	sadd.s32 s17, s25  }
0xd3: {  	[sflag:s29] =	ssyncadd.s32 $0xFFFFFA00;
	s17 =	smov.u32 s18;
	s19 =	sadd.s32 $0xB4, s18  }
0xd4: {  	[tilespmem:s3], [sflag:$0x1] =	stream.linear.gather [hbm4b:s20+s3], $0x5A0, $0x38;
	[tilespmem:$0x35A0] =	vst v63  }
0xd5: {  	p0 =	sne.s32 s18, $0x438;
	_ =	swait.ge [sflag:s29], $0x5A0  }
0xd6: {  	[sflag:s29] =	ssyncset.done $0x0  }
0xd7: {  	[sflag:s29] =	ssyncadd.s32 $0xFFFFFA60  }
0xd8: {  	[spmem:s2] =	stream.indirect.scatter.add.f32 [tilespmem:s31], [sflag:$0x1], $0x10, s3, s30, $0xb8;
	[tilespmem:$0x35A0] =	vst v63  }
0xd9: {  	_ =	swait.ge [sflag:s29], $0x600  }
0xda: {  	[sflag:s29] =	ssyncset.done $0x0  }
0xdb: {  	[sflag:s29] =	ssyncadd.s32 $0xFFFFFA00  }
0xdc: {  	[spmem:s2] =	stream.indirect.scatter.add.f32 [tilespmem:s31], [sflag:$0x1], $0x10, s30, s30, $0xb8;
	[tilespmem:$0x35A0] =	vst v63  }
0xdd: {  	_ =	swait.ge [sflag:s29], $0x600  }
0xde: {  	[sflag:s29] =	ssyncset.done $0x0  }
0xdf: {  	[sflag:s29] =	ssyncadd.s32 $0xFFFFFA00  }
0xe0: {  	[spmem:s2] =	stream.indirect.scatter.add.f32 [tilespmem:s31], [sflag:$0x1], $0x10, s0, s30, $0xb8;
	[tilespmem:$0x35A0] =	vst v63  }
0xe1: {  	_ =	swait.ge [sflag:s29], $0x600  }
0xe2: {  	[sflag:s29] =	ssyncset.done $0x0  }
0xe3: {  	[sflag:s29] =	ssyncadd.s32 $0xFFFFFA00  }
0xe4: {  	[spmem:s2] =	stream.indirect.scatter.add.f32 [tilespmem:s31], [sflag:$0x1], $0x10, s1, s30, $0xb8;
	[tilespmem:$0x35A0] =	vst v63  }
0xe5: {  	_ =	swait.ge [sflag:s29], $0x600  }
0xe6: {  	[sflag:s29] =	ssyncset.done $0x0  }
0xe7: {  	[sflag:s29] =	ssyncadd.s32 $0xFFFFFA00  }
0xe8: {  	[spmem:s2] =	stream.indirect.scatter.add.f32 [tilespmem:s31], [sflag:$0x1], $0x10, s5, s30, $0xb8;
	[tilespmem:$0x35A0] =	vst v63  }
0xe9: {  	_ =	swait.ge [sflag:s29], $0x600  }
0xea: {  	[sflag:s29] =	ssyncset.done $0x0  }
0xeb: {  	[sflag:s29] =	ssyncadd.s32 $0xFFFFFA00  }
0xec: {  	[spmem:s2] =	stream.indirect.scatter.add.f32 [tilespmem:s31], [sflag:$0x1], $0x10, s6, s30, $0xb8;
	[tilespmem:$0x35A0] =	vst v63  }
0xed: {  	_ =	swait.ge [sflag:s29], $0x600  }
0xee: {  	[sflag:s29] =	ssyncset.done $0x0  }
0xef: {  	[sflag:s29] =	ssyncadd.s32 $0xFFFFFA00  }
0xf0: {  	[spmem:s2] =	stream.indirect.scatter.add.f32 [tilespmem:s31], [sflag:$0x1], $0x10, s7, s30, $0xb8;
	[tilespmem:$0x35A0] =	vst v63  }
0xf1: {  	_ =	swait.ge [sflag:s29], $0x600  }
0xf2: {  	[sflag:s29] =	ssyncset.done $0x0  }
0xf3: {  	[sflag:s29] =	ssyncadd.s32 $0xFFFFFA00  }
0xf4: {  	[spmem:s2] =	stream.indirect.scatter.add.f32 [tilespmem:s31], [sflag:$0x1], $0x10, s8, s30, $0xb8;
	[tilespmem:$0x35A0] =	vst v63  }
0xf5: {  	_ =	swait.ge [sflag:s29], $0x600  }
0xf6: {  	[sflag:s29] =	ssyncset.done $0x0  }
0xf7: {  	[sflag:s29] =	ssyncadd.s32 $0xFFFFFA00  }
0xf8: {  	[spmem:s2] =	stream.indirect.scatter.add.f32 [tilespmem:s31], [sflag:$0x1], $0x10, s9, s30, $0xb8;
	[tilespmem:$0x35A0] =	vst v63  }
0xf9: {  	_ =	swait.ge [sflag:s29], $0x600  }
0xfa: {  	[sflag:s29] =	ssyncset.done $0x0  }
0xfb: {  	[sflag:s29] =	ssyncadd.s32 $0xFFFFFA00  }
0xfc: {  	[spmem:s2] =	stream.indirect.scatter.add.f32 [tilespmem:s31], [sflag:$0x1], $0x10, s10, s30, $0xb8;
	[tilespmem:$0x35A0] =	vst v63  }
0xfd: {  	_ =	swait.ge [sflag:s29], $0x600  }
0xfe: {  	[sflag:s29] =	ssyncset.done $0x0  }
0xff: {  	[sflag:s29] =	ssyncadd.s32 $0xFFFFFA00  }
0x100: {  	[spmem:s2] =	stream.indirect.scatter.add.f32 [tilespmem:s31], [sflag:$0x1], $0x10, s11, s30, $0xb8;
	[tilespmem:$0x35A0] =	vst v63  }
0x101: {  	_ =	swait.ge [sflag:s29], $0x600  }
0x102: {  	[sflag:s29] =	ssyncset.done $0x0  }
0x103: {  	[sflag:s29] =	ssyncadd.s32 $0xFFFFFA00  }
0x104: {  	[spmem:s2] =	stream.indirect.scatter.add.f32 [tilespmem:s31], [sflag:$0x1], $0x10, s12, s30, $0xb8;
	[tilespmem:$0x35A0] =	vst v63  }
0x105: {  	_ =	swait.ge [sflag:s29], $0x600  }
0x106: {  	[sflag:s29] =	ssyncset.done $0x0  }
0x107: {  	[sflag:s29] =	ssyncadd.s32 $0xFFFFFA00  }
0x108: {  	[spmem:s2] =	stream.indirect.scatter.add.f32 [tilespmem:s31], [sflag:$0x1], $0x10, s13, s30, $0xb8;
	[tilespmem:$0x35A0] =	vst v63  }
0x109: {  	_ =	swait.ge [sflag:s29], $0x600  }
0x10a: {  	[sflag:s29] =	ssyncset.done $0x0  }
0x10b: {  	[sflag:s29] =	ssyncadd.s32 $0xFFFFFA00  }
0x10c: {  	[spmem:s2] =	stream.indirect.scatter.add.f32 [tilespmem:s31], [sflag:$0x1], $0x10, s14, s30, $0xb8;
	[tilespmem:$0x35A0] =	vst v63  }
0x10d: {  	_ =	swait.ge [sflag:s29], $0x600  }
.Ltmp1:
0x10e: {  	[sflag:s29] =	ssyncset.done $0x0;
	(pc) =	sbr.rel @p0 .LBB2_4-.Ltmp1, $4  }
0x10f: {  	[sflag:s29] =	ssyncadd.s32 $0xFFFFFA00  }
0x110: {  	[spmem:s2] =	stream.indirect.scatter.add.f32 [tilespmem:s31], [sflag:$0x1], $0x10, s15, s30, $0xb8;
	[tilespmem:$0x35A0] =	vst v63  }
0x111: {  	_ =	swait.ge [sflag:s29], $0x600  }
0x112: {  	s18 =	smov.u32 s19;
	[sflag:s29] =	ssyncset.done $0x0  }
0x113: {  	s17 =	sadd.s32 s17, s25;
	[sflag:s29] =	ssyncadd.s32 $0xFFFFFA00  }
0x114: {  	[tilespmem:s3], [sflag:$0x1] =	stream.linear.gather [hbm4b:s17+s3], $0x5A0, $0x38;
	[tilespmem:$0x35A0] =	vst v63  }
0x115: {  	_ =	swait.ge [sflag:s29], $0x5A0  }
0x116: {  	[sflag:s29] =	ssyncset.done $0x0  }
0x117: {  	[sflag:s29] =	ssyncadd.s32 $0xFFFFFA60  }
0x118: {  	[spmem:s2] =	stream.indirect.scatter.add.f32 [tilespmem:s31], [sflag:$0x1], $0x10, s3, s30, $0xb8;
	[tilespmem:$0x35A0] =	vst v63  }
0x119: {  	_ =	swait.ge [sflag:s29], $0x600  }
0x11a: {  	[sflag:s29] =	ssyncset.done $0x0  }
0x11b: {  	[sflag:s29] =	ssyncadd.s32 $0xFFFFFA00  }
0x11c: {  	[spmem:s2] =	stream.indirect.scatter.add.f32 [tilespmem:s31], [sflag:$0x1], $0x10, s30, s30, $0xb8;
	[tilespmem:$0x35A0] =	vst v63  }
0x11d: {  	_ =	swait.ge [sflag:s29], $0x600  }
0x11e: {  	[sflag:s29] =	ssyncset.done $0x0  }
0x11f: {  	[sflag:s29] =	ssyncadd.s32 $0xFFFFFA00  }
0x120: {  	[spmem:s2] =	stream.indirect.scatter.add.f32 [tilespmem:s31], [sflag:$0x1], $0x10, s0, s30, $0xb8;
	[tilespmem:$0x35A0] =	vst v63  }
0x121: {  	_ =	swait.ge [sflag:s29], $0x600  }
0x122: {  	[sflag:s29] =	ssyncset.done $0x0  }
0x123: {  	[sflag:s29] =	ssyncadd.s32 $0xFFFFFA00  }
0x124: {  	[spmem:s2] =	stream.indirect.scatter.add.f32 [tilespmem:s31], [sflag:$0x1], $0x10, s1, s30, $0xb8;
	[tilespmem:$0x35A0] =	vst v63  }
0x125: {  	_ =	swait.ge [sflag:s29], $0x600  }
0x126: {  	[sflag:s29] =	ssyncset.done $0x0  }
0x127: {  	[sflag:s29] =	ssyncadd.s32 $0xFFFFFA00  }
0x128: {  	[spmem:s2] =	stream.indirect.scatter.add.f32 [tilespmem:s31], [sflag:$0x1], $0x10, s5, s30, $0xb8;
	[tilespmem:$0x35A0] =	vst v63  }
0x129: {  	_ =	swait.ge [sflag:s29], $0x600  }
0x12a: {  	[sflag:s29] =	ssyncset.done $0x0  }
0x12b: {  	[sflag:s29] =	ssyncadd.s32 $0xFFFFFA00  }
0x12c: {  	[spmem:s2] =	stream.indirect.scatter.add.f32 [tilespmem:s31], [sflag:$0x1], $0x10, s6, s30, $0xb8;
	[tilespmem:$0x35A0] =	vst v63  }
0x12d: {  	_ =	swait.ge [sflag:s29], $0x600  }
0x12e: {  	[sflag:s29] =	ssyncset.done $0x0  }
0x12f: {  	[sflag:s29] =	ssyncadd.s32 $0xFFFFFA00  }
0x130: {  	[spmem:s2] =	stream.indirect.scatter.add.f32 [tilespmem:s31], [sflag:$0x1], $0x10, s7, s30, $0xb8;
	[tilespmem:$0x35A0] =	vst v63  }
0x131: {  	_ =	swait.ge [sflag:s29], $0x600  }
0x132: {  	[sflag:s29] =	ssyncset.done $0x0  }
0x133: {  	[sflag:s29] =	ssyncadd.s32 $0xFFFFFA00  }
0x134: {  	[spmem:s2] =	stream.indirect.scatter.add.f32 [tilespmem:s31], [sflag:$0x1], $0x10, s8, s30, $0xb8;
	[tilespmem:$0x35A0] =	vst v63  }
0x135: {  	_ =	swait.ge [sflag:s29], $0x600  }
0x136: {  	[sflag:s29] =	ssyncset.done $0x0  }
0x137: {  	[sflag:s29] =	ssyncadd.s32 $0xFFFFFA00  }
0x138: {  	[spmem:s2] =	stream.indirect.scatter.add.f32 [tilespmem:s31], [sflag:$0x1], $0x10, s9, s30, $0xb8;
	[tilespmem:$0x35A0] =	vst v63  }
0x139: {  	_ =	swait.ge [sflag:s29], $0x600  }
0x13a: {  	[sflag:s29] =	ssyncset.done $0x0  }
0x13b: {  	[sflag:s29] =	ssyncadd.s32 $0xFFFFFA00  }
0x13c: {  	[spmem:s2] =	stream.indirect.scatter.add.f32 [tilespmem:s31], [sflag:$0x1], $0x10, s10, s30, $0xb8;
	[tilespmem:$0x35A0] =	vst v63  }
0x13d: {  	_ =	swait.ge [sflag:s29], $0x600  }
0x13e: {  	[sflag:s29] =	ssyncset.done $0x0  }
0x13f: {  	[sflag:s29] =	ssyncadd.s32 $0xFFFFFA00  }
0x140: {  	[spmem:s2] =	stream.indirect.scatter.add.f32 [tilespmem:s31], [sflag:$0x1], $0x10, s11, s30, $0xb8;
	[tilespmem:$0x35A0] =	vst v63  }
0x141: {  	_ =	swait.ge [sflag:s29], $0x600  }
0x142: {  	[sflag:s29] =	ssyncset.done $0x0  }
0x143: {  	[sflag:s29] =	ssyncadd.s32 $0xFFFFFA00  }
0x144: {  	[spmem:s2] =	stream.indirect.scatter.add.f32 [tilespmem:s31], [sflag:$0x1], $0x10, s12, s30, $0xb8;
	[tilespmem:$0x35A0] =	vst v63  }
0x145: {  	_ =	swait.ge [sflag:s29], $0x600  }
0x146: {  	[sflag:s29] =	ssyncset.done $0x0  }
0x147: {  	[sflag:s29] =	ssyncadd.s32 $0xFFFFFA00  }
0x148: {  	[spmem:s2] =	stream.indirect.scatter.add.f32 [tilespmem:s31], [sflag:$0x1], $0x10, s13, s30, $0xb8;
	[tilespmem:$0x35A0] =	vst v63  }
0x149: {  	_ =	swait.ge [sflag:s29], $0x600  }
0x14a: {  	[sflag:s29] =	ssyncset.done $0x0  }
0x14b: {  	[sflag:s29] =	ssyncadd.s32 $0xFFFFFA00  }
0x14c: {  	[spmem:s2] =	stream.indirect.scatter.add.f32 [tilespmem:s31], [sflag:$0x1], $0x10, s14, s30, $0xb8;
	[tilespmem:$0x35A0] =	vst v63  }
0x14d: {  	_ =	swait.ge [sflag:s29], $0x600  }
0x14e: {  	[sflag:s29] =	ssyncset.done $0x0  }
0x14f: {  	[sflag:s29] =	ssyncadd.s32 $0xFFFFFA00  }
0x150: {  	[spmem:s2] =	stream.indirect.scatter.add.f32 [tilespmem:s31], [sflag:$0x1], $0x10, s15, s30, $0xb8;
	[tilespmem:$0x35A0] =	vst v63  }
0x151: {  	_ =	swait.ge [sflag:s29], $0x600  }
0x152: {  	[sflag:s29] =	ssyncset.done $0x0  }
0x153: {  	s19 =	stileid.u32;
	[sflag:s29] =	ssyncadd.s32 $0xFFFFFA00  }
0x154: {  	s17 =	sshll.u32 s19, $0x6;
	[bflag:$0x0] =	sbarrier.arrive $0xFFFF  }
0x155: {  	s18 =	sshrl.u32 s4, $0x3;
	s17 =	sor.u32 $0x1C01, s17;
	s19 =	rddreg [dreg:$0x3]  }
0x156: {  	[hbm:s19], [sflag:s17] =	dma.local [spmem:s18], $0x500  }
0x157: {  	_ =	swait.ge [sflag:s29], $0x500  }
0x158: {  	s16 =	sadd.s32 $0x1, s16;
	s20 =	rddreg [dreg:$0x4]  }
0x159: {  	p0 =	sne.s32 s16, s20  }
.Ltmp2:
0x15a: {  	_ = 	snop;
	(pc) =	sbr.rel @p0 .LBB2_1-.Ltmp2, $3  }
0x15b: {  	_ =	sdelay $0x1  }
0x15c: {  	[sflag:s29] =	ssyncset.done $0x0  }
0x15d: {  	[sflag:s29] =	ssyncadd.s32 $0xFFFFFB00  }
0x15e: {  	_ =	sfence.sel $0x180000  }
0x15f: {  	[bflag:$0x0] =	sbarrier.arrive $0xFFFF  }
0x160: {  	_ =	strace $0x90000047  }
0x161: {  	s0 =	stileid.u32;
	[bflag:$0x2] =	sbarrier.arrive $0xFFFF  }
0x162: {  	p0 =	sne.s32 s0, $0x0;
	s0 =	rddreg [dreg:$0x2]  }
0x163: {  	s0 =	sadd.s32 @!p0 $0x100000, s0  }
0x164: {  	[sflag:s0] =	ssyncadd.tile.s32 @!p0 $0x1;
	_ =	shalt  }
.Lfunc_end2:
_tile_overlayer_lowered:
.L_overlay_start_2:
0x165: {  	(tag) =	ssettag $0x2  }
0x166: {  	s0 =	rddreg [dreg:$0x0];
	s2 =	stileid.u32  }
0x167: {  	s1 =	rddreg [dreg:$0x1];
	p0 =	sne.s32 s2, $0x0  }
0x168: {  	s3 =	rddreg [dreg:$0x2];
	[bflag:$0x3] =	sbarrier.arrive $0xFFFF;
	s2 =	simm.s32 @!p0 $0x1C01  }
0x169: {  	[timem:s3], [sflag:s2] =	dma.local @!p0 [hbm:s0], s1  }
0x16a: {  	s0 =	simm.s32 @!p0 $0x1  }
0x16b: {  	_ =	swait.ge @!p0 [sflag:s0], s1  }
0x16c: {  	s1 =	ssub.s32 @!p0 $0x0, s1;
	[sflag:s0] =	ssyncset.done @!p0 $0x0  }
0x16d: {  	[sflag:s0] =	ssyncadd.s32 @!p0 s1  }
0x16e: {  	[bflag:$0x3] =	sbarrier.arrive $0xFFFF  }
0x16f: {  	_ =	shalt  }

</sc_bundles>
